<compile_context>
chip_gen: v7x
topology: tpu7x:2x2x1
jax: 0.10.2.dev20260603
libtpu: 0.0.44.dev20260713+nightly
codegen_flags: <defaults>
</compile_context>

<pallas_src>
import functools

import jax
import jax.numpy as jnp
from jax import lax
from jax.experimental import pallas as pl
from jax.experimental.pallas import tpu as pltpu
from jax.experimental.pallas import tpu_sc as plsc

N = 10000
E = 320000
F_IN = 128
H = 256

NC = 2
NS = 16
LANES = 16
CH = 80
EPT = E // (NC * NS)
EPS = E // NS

NPAD = 10240
RPW = NPAD // NS
ZR = 128

BR = 1024
G = NPAD // BR


@functools.cache
def _mesh():
    return plsc.VectorSubcoreMesh(
        core_axis_name="c", subcore_axis_name="s",
        num_cores=NC, num_subcores=NS)



@functools.cache
def _sc_deg_call():
    def body(dst_hbm, out_hbm, acc, dbuf, ones, obuf):
        c = lax.axis_index("c")
        s = lax.axis_index("s")
        t = c * NS + s

        def zero(i, carry):
            obuf[pl.ds(i * LANES, LANES)] = jnp.zeros((LANES,), jnp.float32)
            return carry
        lax.fori_loop(0, RPW // LANES, zero, 0)
        for k in range(CH // LANES):
            ones[pl.ds(k * LANES, LANES)] = jnp.full(
                (LANES,), 1.0, jnp.float32)
        pltpu.sync_copy(obuf, acc.at[pl.ds(s * RPW, RPW)])
        plsc.subcore_barrier()

        def step(j, carry):
            off = t * EPT + j * CH
            pltpu.sync_copy(dst_hbm.at[pl.ds(off, CH)], dbuf)
            pltpu.sync_copy(ones, acc.at[dbuf], add=True)
            return carry
        lax.fori_loop(0, EPT // CH, step, 0)

        plsc.subcore_barrier()
        pltpu.sync_copy(acc.at[pl.ds(s * RPW, RPW)], obuf)
        pltpu.sync_copy(obuf, out_hbm.at[pl.ds(c * NPAD + s * RPW, RPW)])

    return pl.kernel(
        body,
        out_type=jax.ShapeDtypeStruct((NC * NPAD,), jnp.float32),
        mesh=_mesh(),
        scratch_types=[
            pltpu.VMEM_SHARED((NPAD,), jnp.float32),
            pltpu.VMEM((CH,), jnp.int32),
            pltpu.VMEM((CH,), jnp.float32),
            pltpu.VMEM((RPW,), jnp.float32),
        ],
    )


def _sc_deg(dst):
    parts = _sc_deg_call()(dst)
    return parts[:NPAD], parts[NPAD:]


@functools.cache
def _sc_agg_call(edge_split):
    Fc = 128
    ept = EPT if edge_split else EPS

    def body(hw_hbm, src_hbm, dst_hbm, out_hbm, acc, sbuf, s2buf, dbuf, rows,
             zbuf, sem):
        c = lax.axis_index("c")
        s = lax.axis_index("s")

        def zrow(i, carry):
            for k in range(Fc // LANES):
                zbuf[i, pl.ds(k * LANES, LANES)] = jnp.zeros(
                    (LANES,), jnp.float32)
            return carry
        lax.fori_loop(0, ZR, zrow, 0)
        for k in range(RPW // ZR):
            pltpu.sync_copy(zbuf, acc.at[pl.ds(s * RPW + k * ZR, ZR)])
        plsc.subcore_barrier()

        if edge_split:
            base = (c * NS + s) * ept
            rowoff = 0
        else:
            base = s * ept
            rowoff = c * NPAD

        def step(j, carry):
            e0 = base + j * CH
            pltpu.sync_copy(src_hbm.at[pl.ds(e0, CH)], sbuf)
            for k in range(CH // LANES):
                s2buf[pl.ds(k * LANES, LANES)] = (
                    sbuf[pl.ds(k * LANES, LANES)] + rowoff)
            gather = pltpu.async_copy(hw_hbm.at[s2buf], rows, sem)
            pltpu.sync_copy(dst_hbm.at[pl.ds(e0, CH)], dbuf)
            gather.wait()
            pltpu.sync_copy(rows, acc.at[dbuf], add=True)
            return carry
        lax.fori_loop(0, ept // CH, step, 0)

        plsc.subcore_barrier()
        for k in range(RPW // ZR):
            r0 = s * RPW + k * ZR
            pltpu.sync_copy(acc.at[pl.ds(r0, ZR)], zbuf)
            pltpu.sync_copy(zbuf, out_hbm.at[c, pl.ds(r0, ZR)])

    return pl.kernel(
        body,
        out_type=jax.ShapeDtypeStruct((NC, NPAD, Fc), jnp.float32),
        mesh=_mesh(),
        scratch_types=[
            pltpu.VMEM_SHARED((NPAD, Fc), jnp.float32),
            pltpu.VMEM((CH,), jnp.int32),
            pltpu.VMEM((CH,), jnp.int32),
            pltpu.VMEM((CH,), jnp.int32),
            pltpu.VMEM((CH, Fc), jnp.float32),
            pltpu.VMEM((ZR, Fc), jnp.float32),
            pltpu.SemaphoreType.DMA,
        ],
    )


def _sc_agg_fsplit(hw2n, src, dst):
    return _sc_agg_call(False)(hw2n, src, dst)


def _sc_agg_esplit(hw, src, dst):
    return _sc_agg_call(True)(hw, src, dst)



def _full(shape):
    return pl.BlockSpec(shape, lambda i: tuple(0 for _ in shape))


def _row_mask(i):
    rows = i * BR + lax.broadcasted_iota(jnp.int32, (BR, 1), 0)
    return jnp.where(rows < N, 1.0, 0.0)


def _pre(p0, p1, x, W1):
    def body(p0_ref, p1_ref, x_ref, W1_ref, hw_ref, dinv_ref):
        deg = p0_ref[...] + p1_ref[...] + 1.0
        dinv = lax.rsqrt(deg)
        y = jnp.dot(x_ref[...], W1_ref[...],
                    preferred_element_type=jnp.float32)
        y = y * dinv[:, None]
        hw_ref[0] = y[:, :H // 2]
        hw_ref[1] = y[:, H // 2:]
        dinv_ref[...] = dinv[:, None]

    return pl.pallas_call(
        body,
        grid=(G,),
        in_specs=[
            pl.BlockSpec((BR,), lambda i: (i,)),
            pl.BlockSpec((BR,), lambda i: (i,)),
            pl.BlockSpec((BR, F_IN), lambda i: (i, 0)),
            _full((F_IN, H)),
        ],
        out_specs=[
            pl.BlockSpec((NC, BR, H // 2), lambda i: (0, i, 0)),
            pl.BlockSpec((BR, 1), lambda i: (i, 0)),
        ],
        out_shape=[
            jax.ShapeDtypeStruct((NC, NPAD, H // 2), jnp.float32),
            jax.ShapeDtypeStruct((NPAD, 1), jnp.float32),
        ],
    )(p0, p1, x, W1)


def _combine(agg, hw, dinv, b):
    Fc = agg.shape[-1]
    F = 2 * Fc

    def body(agg_ref, hw_ref, dinv_ref, b_ref, z_ref, st_ref):
        i = pl.program_id(0)
        a = jnp.concatenate(
            [agg_ref[0] + hw_ref[0], agg_ref[1] + hw_ref[1]], axis=1)
        z = dinv_ref[...] * a + b_ref[...][None, :]
        z_ref[...] = z
        zm = z * _row_mask(i)
        st = jnp.stack([jnp.sum(zm, axis=0), jnp.sum(zm * z, axis=0)])

        @pl.when(i == 0)
        def _():
            st_ref[...] = st

        @pl.when(i > 0)
        def _():
            st_ref[...] += st

    return pl.pallas_call(
        body,
        grid=(G,),
        in_specs=[
            pl.BlockSpec((NC, BR, Fc), lambda i: (0, i, 0)),
            pl.BlockSpec((NC, BR, Fc), lambda i: (0, i, 0)),
            pl.BlockSpec((BR, 1), lambda i: (i, 0)),
            _full((F,)),
        ],
        out_specs=[
            pl.BlockSpec((BR, F), lambda i: (i, 0)),
            pl.BlockSpec((2, F), lambda i: (0, 0)),
        ],
        out_shape=[
            jax.ShapeDtypeStruct((NPAD, F), jnp.float32),
            jax.ShapeDtypeStruct((2, F), jnp.float32),
        ],
    )(agg, hw, dinv, b)


def _combine4(agg, hw, dinv, b):
    F = agg.shape[-1]

    def body(agg_ref, hw_ref, dinv_ref, b_ref, z_ref, st_ref):
        i = pl.program_id(0)
        a = agg_ref[0] + agg_ref[1] + hw_ref[...]
        z = dinv_ref[...] * a + b_ref[...][None, :]
        z_ref[...] = z
        zm = z * _row_mask(i)
        st = jnp.stack([jnp.sum(zm, axis=0), jnp.sum(zm * z, axis=0)])

        @pl.when(i == 0)
        def _():
            st_ref[...] = st

        @pl.when(i > 0)
        def _():
            st_ref[...] += st

    return pl.pallas_call(
        body,
        grid=(G,),
        in_specs=[
            pl.BlockSpec((NC, BR, F), lambda i: (0, i, 0)),
            pl.BlockSpec((BR, F), lambda i: (i, 0)),
            pl.BlockSpec((BR, 1), lambda i: (i, 0)),
            _full((F,)),
        ],
        out_specs=[
            pl.BlockSpec((BR, F), lambda i: (i, 0)),
            pl.BlockSpec((2, F), lambda i: (0, 0)),
        ],
        out_shape=[
            jax.ShapeDtypeStruct((NPAD, F), jnp.float32),
            jax.ShapeDtypeStruct((2, F), jnp.float32),
        ],
    )(agg, hw, dinv, b)


def _bn_relu(z_ref, st_ref, g_ref, be_ref):
    mu = st_ref[0] / N
    var = st_ref[1] / N - mu * mu
    scale = lax.rsqrt(var + 1e-5) * g_ref[...]
    return jnp.maximum((z_ref[...] - mu[None, :]) * scale[None, :]
                       + be_ref[...][None, :], 0.0)


def _bnmm(z, st, g, be, dinv, W, want_h):
    F = z.shape[-1]
    Fn = W.shape[-1]

    def body(z_ref, st_ref, g_ref, be_ref, dinv_ref, W_ref, hw_ref, *maybe_h):
        h = _bn_relu(z_ref, st_ref, g_ref, be_ref)
        y = jnp.dot(h, W_ref[...], preferred_element_type=jnp.float32)
        y = y * dinv_ref[...]
        hw_ref[0] = y[:, :Fn // 2]
        hw_ref[1] = y[:, Fn // 2:]
        if maybe_h:
            maybe_h[0][...] = h

    out_specs = [pl.BlockSpec((NC, BR, Fn // 2), lambda i: (0, i, 0))]
    out_shape = [jax.ShapeDtypeStruct((NC, NPAD, Fn // 2), jnp.float32)]
    if want_h:
        out_specs.append(pl.BlockSpec((BR, F), lambda i: (i, 0)))
        out_shape.append(jax.ShapeDtypeStruct((NPAD, F), jnp.float32))

    return pl.pallas_call(
        body,
        grid=(G,),
        in_specs=[
            pl.BlockSpec((BR, F), lambda i: (i, 0)),
            _full((2, F)),
            _full((F,)),
            _full((F,)),
            pl.BlockSpec((BR, 1), lambda i: (i, 0)),
            _full((F, Fn)),
        ],
        out_specs=out_specs,
        out_shape=out_shape,
    )(z, st, g, be, dinv, W)


def _layer3(agg, hw3, dinv, b3, h2, W4):
    Fc = agg.shape[-1]
    Fn = W4.shape[-1]

    def body(agg_ref, hw_ref, dinv_ref, b_ref, h2_ref, W_ref, hw4_ref):
        a = jnp.concatenate(
            [agg_ref[0] + hw_ref[0], agg_ref[1] + hw_ref[1]], axis=1)
        z3 = dinv_ref[...] * a + b_ref[...][None, :]
        h3 = jnp.maximum(z3, 0.0) + h2_ref[...]
        y = jnp.dot(h3, W_ref[...], preferred_element_type=jnp.float32)
        hw4_ref[...] = y * dinv_ref[...]

    return pl.pallas_call(
        body,
        grid=(G,),
        in_specs=[
            pl.BlockSpec((NC, BR, Fc), lambda i: (0, i, 0)),
            pl.BlockSpec((NC, BR, Fc), lambda i: (0, i, 0)),
            pl.BlockSpec((BR, 1), lambda i: (i, 0)),
            _full((2 * Fc,)),
            pl.BlockSpec((BR, 2 * Fc), lambda i: (i, 0)),
            _full((2 * Fc, Fn)),
        ],
        out_specs=[pl.BlockSpec((BR, Fn), lambda i: (i, 0))],
        out_shape=[jax.ShapeDtypeStruct((NPAD, Fn), jnp.float32)],
    )(agg, hw3, dinv, b3, h2, W4)[0]


def _head(z4, st4, g3, be3, Wf, bf, Wr, br):
    F = z4.shape[-1]

    def body(z_ref, st_ref, g_ref, be_ref, Wf_ref, bf_ref, Wr_ref, br_ref,
             out_ref):
        h4 = _bn_relu(z_ref, st_ref, g_ref, be_ref)
        v = jnp.dot(Wf_ref[...], Wr_ref[...],
                    preferred_element_type=jnp.float32)
        c0 = jnp.dot(bf_ref[...][None, :], Wr_ref[...],
                     preferred_element_type=jnp.float32)[0, 0] + br_ref[0]
        logit = jnp.dot(h4, v, preferred_element_type=jnp.float32) + c0
        out_ref[...] = jax.nn.sigmoid(logit)

    return pl.pallas_call(
        body,
        grid=(G,),
        in_specs=[
            pl.BlockSpec((BR, F), lambda i: (i, 0)),
            _full((2, F)),
            _full((F,)),
            _full((F,)),
            _full((F, F)),
            _full((F,)),
            _full((F, 1)),
            _full((1,)),
        ],
        out_specs=[pl.BlockSpec((BR, 1), lambda i: (i, 0))],
        out_shape=[jax.ShapeDtypeStruct((NPAD, 1), jnp.float32)],
    )(z4, st4, g3, be3, Wf, bf, Wr, br)[0]



def kernel(x, edge_index, W1, b1, g1, be1, W2, b2, g2, be2, W3, b3, W4, b4,
           g3, be3, Wf, bf, Wr, br):
    src = edge_index[0]
    dst = edge_index[1]
    xp = jnp.pad(x, ((0, NPAD - N), (0, 0)))

    p0, p1 = _sc_deg(dst)
    hw1, dinv = _pre(p0, p1, xp, W1)

    agg1 = _sc_agg_fsplit(hw1.reshape(NC * NPAD, H // 2), src, dst)
    z1, st1 = _combine(agg1, hw1, dinv, b1)
    hw2 = _bnmm(z1, st1, g1, be1, dinv, W2, want_h=False)[0]

    agg2 = _sc_agg_fsplit(hw2.reshape(NC * NPAD, H // 2), src, dst)
    z2, st2 = _combine(agg2, hw2, dinv, b2)
    hw3, h2 = _bnmm(z2, st2, g2, be2, dinv, W3, want_h=True)

    agg3 = _sc_agg_fsplit(hw3.reshape(NC * NPAD, H // 2), src, dst)
    hw4 = _layer3(agg3, hw3, dinv, b3, h2, W4)

    agg4 = _sc_agg_esplit(hw4, src, dst)
    z4, st4 = _combine4(agg4, hw4, dinv, b4)
    out = _head(z4, st4, g3, be3, Wf, bf, Wr, br)
    return out[:N, 0]

# --- scband reference (transcript-rebuilt; emitter-appended) ---
"""Pipeline reference for scband-phase2-behavioral-risk-gcn-57878979281091 (READ-ONLY COPY).

The authoritative reference and input builder live on the scoring server;
editing this copy changes nothing except your own understanding.
"""

import jax, jax.numpy as jnp
import numpy as np

N = 10000
E = 320000
F_IN = 128
H = 256


def setup_inputs(seed: int = 0) -> dict:
    key = jax.random.key(seed)
    ks = jax.random.split(key, 24)

    def w(k, shape, fan_in):
        return (jax.random.normal(k, shape, jnp.float32) * (1.0 / np.sqrt(fan_in))).astype(jnp.float32)

    inp = {}
    inp["x"] = jax.random.normal(ks[0], (N, F_IN), jnp.float32)
    inp["edge_index"] = jax.random.randint(ks[1], (2, E), 0, N, jnp.int32)
    # GCNConv 1: F_IN -> H
    inp["W1"] = w(ks[2], (F_IN, H), F_IN)
    inp["b1"] = jnp.zeros((H,), jnp.float32)
    inp["g1"] = jnp.ones((H,), jnp.float32)
    inp["be1"] = jnp.zeros((H,), jnp.float32)
    # GCNConv 2: H -> H
    inp["W2"] = w(ks[3], (H, H), H)
    inp["b2"] = jnp.zeros((H,), jnp.float32)
    inp["g2"] = jnp.ones((H,), jnp.float32)
    inp["be2"] = jnp.zeros((H,), jnp.float32)
    # GCNConv 3: H -> H (no batch norm)
    inp["W3"] = w(ks[4], (H, H), H)
    inp["b3"] = jnp.zeros((H,), jnp.float32)
    # GCNConv 4: H -> H//2
    inp["W4"] = w(ks[5], (H, H // 2), H)
    inp["b4"] = jnp.zeros((H // 2,), jnp.float32)
    inp["g3"] = jnp.ones((H // 2,), jnp.float32)
    inp["be3"] = jnp.zeros((H // 2,), jnp.float32)
    # feature fusion: H//2 -> H//2
    inp["Wf"] = w(ks[6], (H // 2, H // 2), H // 2)
    inp["bf"] = jnp.zeros((H // 2,), jnp.float32)
    # behavioral risk regressor: H//2 -> 1
    inp["Wr"] = w(ks[7], (H // 2, 1), H // 2)
    inp["br"] = jnp.zeros((1,), jnp.float32)
    return inp


def reference(x, edge_index, W1, b1, g1, be1, W2, b2, g2, be2, W3, b3, W4, b4, g3, be3, Wf, bf, Wr, br):
    n = x.shape[0]
    loops = jnp.arange(n, dtype=edge_index.dtype)
    src = jnp.concatenate([edge_index[0], loops])
    dst = jnp.concatenate([edge_index[1], loops])
    deg = jnp.zeros((n,), jnp.float32).at[dst].add(1.0)
    dinv = jax.lax.rsqrt(deg)
    norm = dinv[src] * dinv[dst]

    def conv(h, W, b):
        hw = h @ W
        agg = jnp.zeros((n, W.shape[1]), jnp.float32).at[dst].add(hw[src] * norm[:, None])
        return agg + b

    def bn(h, g, be):
        mu = h.mean(axis=0)
        var = h.var(axis=0)
        return (h - mu) * jax.lax.rsqrt(var + 1e-5) * g + be

    h1 = jax.nn.relu(bn(conv(x, W1, b1), g1, be1))
    h2 = jax.nn.relu(bn(conv(h1, W2, b2), g2, be2))
    h3 = jax.nn.relu(conv(h2, W3, b3)) + h2
    h4 = jax.nn.relu(bn(conv(h3, W4, b4), g3, be3))
    fused = h4 @ Wf + bf
    out = jax.nn.sigmoid(fused @ Wr + br)
    return out.squeeze(-1)

if __name__ == "__main__":
    import jax
    _d = setup_inputs()
    print(jax.jit(kernel)(*tuple(_d.values())))

</pallas_src>

<mosaic_0001>
#map = affine_map<(d0, d1) -> (0)>
module attributes {stable_mosaic.version = 14 : i64} {
  func.func @body(%arg0: i32, %arg1: i32, %arg2: memref<320000xi32, #tpu.memory_space<hbm>>, %arg3: memref<20480xf32, #tpu.memory_space<hbm>>, %arg4: memref<10240xf32, #tpu.memory_space<vmem_shared>>, %arg5: memref<80xi32, #tpu.memory_space<vmem>>, %arg6: memref<80xf32, #tpu.memory_space<vmem>>, %arg7: memref<640xf32, #tpu.memory_space<vmem>>) attributes {dimension_semantics = [#tpu.dimension_semantics<core_parallel>, #tpu.dimension_semantics<subcore_parallel>], iteration_bounds = array<i64: 2, 16>, scalar_prefetch = 0 : i64, scratch_operands = 4 : i64, tpu.core_type = #tpu.core_type<sc_vector_subcore>, window_params = [{transform_indices = #map}, {transform_indices = #map}]} {
    %mul3A = arith.constant 16 : i32
    %mul3A_0 = arith.muli %arg0, %mul3A : i32
    %add3A = arith.addi %mul3A_0, %arg1 : i32
    %scan3A = arith.constant 0 : i32
    %scan3A_1 = arith.constant 0 : i32
    %scan3A_2 = arith.constant 40 : i32
    %scan3A_3 = arith.addi %scan3A_1, %scan3A_2 : i32
    %scan3A_4 = arith.constant 1 : i32
    scf.for %scan3A_50 = %scan3A_1 to %scan3A_3 step %scan3A_4  : i32 {
      %broadcast_in_dim3A_51 = arith.constant 0.000000e+00 : f32
      %broadcast_in_dim3A_52 = vector.broadcast %broadcast_in_dim3A_51 : f32 to vector<16xf32>
      %mul3A_53 = arith.constant 16 : i32
      %mul3A_54 = arith.muli %scan3A_50, %mul3A_53 : i32
      %swap3A_55 = arith.index_cast %mul3A_54 : i32 to index
      %swap3A_56 = tpu.vector_load %arg7[%swap3A_55] {strides = array<i32>} : memref<640xf32, #tpu.memory_space<vmem>>, vector<16xf32>,
      %swap3A_57 = vector.shape_cast %swap3A_56 : vector<16xf32> to vector<16xf32>
      %swap3A_58 = vector.shape_cast %broadcast_in_dim3A_52 : vector<16xf32> to vector<16xf32>
      tpu.vector_store %arg7[%swap3A_55], %swap3A_58 {strides = array<i32>} : memref<640xf32, #tpu.memory_space<vmem>>, vector<16xf32>,
    }
    %scan3A_5 = arith.constant 40 : i32
    %broadcast_in_dim3A = arith.constant 1.000000e+00 : f32
    %broadcast_in_dim3A_6 = vector.broadcast %broadcast_in_dim3A : f32 to vector<16xf32>
    %swap3A = arith.constant 0 : index
    %swap3A_7 = tpu.vector_load %arg6[%swap3A] {strides = array<i32>} : memref<80xf32, #tpu.memory_space<vmem>>, vector<16xf32>,
    %swap3A_8 = vector.shape_cast %swap3A_7 : vector<16xf32> to vector<16xf32>
    %swap3A_9 = vector.shape_cast %broadcast_in_dim3A_6 : vector<16xf32> to vector<16xf32>
    tpu.vector_store %arg6[%swap3A], %swap3A_9 {strides = array<i32>} : memref<80xf32, #tpu.memory_space<vmem>>, vector<16xf32>,
    %broadcast_in_dim3A_10 = arith.constant 1.000000e+00 : f32
    %broadcast_in_dim3A_11 = vector.broadcast %broadcast_in_dim3A_10 : f32 to vector<16xf32>
    %swap3A_12 = arith.constant 16 : index
    %swap3A_13 = tpu.vector_load %arg6[%swap3A_12] {strides = array<i32>} : memref<80xf32, #tpu.memory_space<vmem>>, vector<16xf32>,
    %swap3A_14 = vector.shape_cast %swap3A_13 : vector<16xf32> to vector<16xf32>
    %swap3A_15 = vector.shape_cast %broadcast_in_dim3A_11 : vector<16xf32> to vector<16xf32>
    tpu.vector_store %arg6[%swap3A_12], %swap3A_15 {strides = array<i32>} : memref<80xf32, #tpu.memory_space<vmem>>, vector<16xf32>,
    %broadcast_in_dim3A_16 = arith.constant 1.000000e+00 : f32
    %broadcast_in_dim3A_17 = vector.broadcast %broadcast_in_dim3A_16 : f32 to vector<16xf32>
    %swap3A_18 = arith.constant 32 : index
    %swap3A_19 = tpu.vector_load %arg6[%swap3A_18] {strides = array<i32>} : memref<80xf32, #tpu.memory_space<vmem>>, vector<16xf32>,
    %swap3A_20 = vector.shape_cast %swap3A_19 : vector<16xf32> to vector<16xf32>
    %swap3A_21 = vector.shape_cast %broadcast_in_dim3A_17 : vector<16xf32> to vector<16xf32>
    tpu.vector_store %arg6[%swap3A_18], %swap3A_21 {strides = array<i32>} : memref<80xf32, #tpu.memory_space<vmem>>, vector<16xf32>,
    %broadcast_in_dim3A_22 = arith.constant 1.000000e+00 : f32
    %broadcast_in_dim3A_23 = vector.broadcast %broadcast_in_dim3A_22 : f32 to vector<16xf32>
    %swap3A_24 = arith.constant 48 : index
    %swap3A_25 = tpu.vector_load %arg6[%swap3A_24] {strides = array<i32>} : memref<80xf32, #tpu.memory_space<vmem>>, vector<16xf32>,
    %swap3A_26 = vector.shape_cast %swap3A_25 : vector<16xf32> to vector<16xf32>
    %swap3A_27 = vector.shape_cast %broadcast_in_dim3A_23 : vector<16xf32> to vector<16xf32>
    tpu.vector_store %arg6[%swap3A_24], %swap3A_27 {strides = array<i32>} : memref<80xf32, #tpu.memory_space<vmem>>, vector<16xf32>,
    %broadcast_in_dim3A_28 = arith.constant 1.000000e+00 : f32
    %broadcast_in_dim3A_29 = vector.broadcast %broadcast_in_dim3A_28 : f32 to vector<16xf32>
    %swap3A_30 = arith.constant 64 : index
    %swap3A_31 = tpu.vector_load %arg6[%swap3A_30] {strides = array<i32>} : memref<80xf32, #tpu.memory_space<vmem>>, vector<16xf32>,
    %swap3A_32 = vector.shape_cast %swap3A_31 : vector<16xf32> to vector<16xf32>
    %swap3A_33 = vector.shape_cast %broadcast_in_dim3A_29 : vector<16xf32> to vector<16xf32>
    tpu.vector_store %arg6[%swap3A_30], %swap3A_33 {strides = array<i32>} : memref<80xf32, #tpu.memory_space<vmem>>, vector<16xf32>,
    %mul3A_34 = arith.constant 640 : i32
    %mul3A_35 = arith.muli %arg1, %mul3A_34 : i32
    "tpu.region"() ({
      %run_scoped3A = tpu.sem_alloc : memref<!tpu.dma_semaphore, #tpu.memory_space<semaphore_mem>>
      %dma_start3A = tpu.memref_slice %arg4[%mul3A_35] : memref<10240xf32, #tpu.memory_space<vmem_shared>> -> memref<640xf32, #tpu.memory_space<vmem_shared>>
      %dma_start3A_50 = tpu.memref_slice %arg4[%mul3A_35] : memref<10240xf32, #tpu.memory_space<vmem_shared>> -> memref<640xf32, #tpu.memory_space<vmem_shared>>
      tpu.enqueue_dma source(%arg7 : memref<640xf32, #tpu.memory_space<vmem>>) target(%dma_start3A_50 : memref<640xf32, #tpu.memory_space<vmem_shared>>) target_semaphore(%run_scoped3A : memref<!tpu.dma_semaphore, #tpu.memory_space<semaphore_mem>>)
      %dma_wait3A = tpu.memref_slice %arg4[%mul3A_35] : memref<10240xf32, #tpu.memory_space<vmem_shared>> -> memref<640xf32, #tpu.memory_space<vmem_shared>>
      %dma_wait3A_51 = tpu.memref_slice %arg4[%mul3A_35] : memref<10240xf32, #tpu.memory_space<vmem_shared>> -> memref<640xf32, #tpu.memory_space<vmem_shared>>
      tpu.wait_dma2 semaphore(%run_scoped3A : memref<!tpu.dma_semaphore, #tpu.memory_space<semaphore_mem>>) src(%arg7 : memref<640xf32, #tpu.memory_space<vmem>>) dst(%dma_wait3A_51 : memref<640xf32, #tpu.memory_space<vmem_shared>>)
      tpu.yield
    }) : () -> ()
    %barrier3A = arith.constant 0 : index
    tpu.barrier barrier_id(%barrier3A)
    %scan3A_36 = arith.constant 0 : i32
    %scan3A_37 = arith.constant 0 : i32
    %scan3A_38 = arith.constant 125 : i32
    %scan3A_39 = arith.addi %scan3A_37, %scan3A_38 : i32
    %scan3A_40 = arith.constant 1 : i32
    scf.for %scan3A_50 = %scan3A_37 to %scan3A_39 step %scan3A_40  : i32 {
      %mul3A_51 = arith.constant 10000 : i32
      %mul3A_52 = arith.muli %add3A, %mul3A_51 : i32
      %mul3A_53 = arith.constant 80 : i32
      %mul3A_54 = arith.muli %scan3A_50, %mul3A_53 : i32
      %add3A_55 = arith.addi %mul3A_52, %mul3A_54 : i32
      "tpu.region"() ({
        %run_scoped3A = tpu.sem_alloc : memref<!tpu.dma_semaphore, #tpu.memory_space<semaphore_mem>>
        %dma_start3A = tpu.memref_slice %arg2[%add3A_55] : memref<320000xi32, #tpu.memory_space<hbm>> -> memref<80xi32, #tpu.memory_space<hbm>>
        %dma_start3A_56 = tpu.memref_slice %arg2[%add3A_55] : memref<320000xi32, #tpu.memory_space<hbm>> -> memref<80xi32, #tpu.memory_space<hbm>>
        tpu.enqueue_dma source(%dma_start3A_56 : memref<80xi32, #tpu.memory_space<hbm>>) target(%arg5 : memref<80xi32, #tpu.memory_space<vmem>>) target_semaphore(%run_scoped3A : memref<!tpu.dma_semaphore, #tpu.memory_space<semaphore_mem>>)
        %dma_wait3A = tpu.memref_slice %arg2[%add3A_55] : memref<320000xi32, #tpu.memory_space<hbm>> -> memref<80xi32, #tpu.memory_space<hbm>>
        %dma_wait3A_57 = tpu.memref_slice %arg2[%add3A_55] : memref<320000xi32, #tpu.memory_space<hbm>> -> memref<80xi32, #tpu.memory_space<hbm>>
        tpu.wait_dma2 semaphore(%run_scoped3A : memref<!tpu.dma_semaphore, #tpu.memory_space<semaphore_mem>>) src(%dma_wait3A_57 : memref<80xi32, #tpu.memory_space<hbm>>) dst(%arg5 : memref<80xi32, #tpu.memory_space<vmem>>)
        tpu.yield
      }) : () -> ()
      "tpu.region"() ({
        %run_scoped3A = tpu.sem_alloc : memref<!tpu.dma_semaphore, #tpu.memory_space<semaphore_mem>>
        %dma_start3A = arith.constant 0 : i32
        %dma_start3A_56 = tpu.memref_slice %arg4[%dma_start3A] : memref<10240xf32, #tpu.memory_space<vmem_shared>> -> memref<10240xf32, #tpu.memory_space<vmem_shared>>
        tpu.enqueue_indirect_dma source(%arg6 : memref<80xf32, #tpu.memory_space<vmem>>) target(%dma_start3A_56 : memref<10240xf32, #tpu.memory_space<vmem_shared>>) offsets(%arg5 : memref<80xi32, #tpu.memory_space<vmem>>) semaphore(%run_scoped3A : memref<!tpu.dma_semaphore, #tpu.memory_space<semaphore_mem>>) {add = true}
        %dma_wait3A = arith.constant 0 : i32
        %dma_wait3A_57 = tpu.memref_slice %arg4[%dma_wait3A] : memref<10240xf32, #tpu.memory_space<vmem_shared>> -> memref<10240xf32, #tpu.memory_space<vmem_shared>>
        tpu.wait_indirect_dma semaphore(%run_scoped3A : memref<!tpu.dma_semaphore, #tpu.memory_space<semaphore_mem>>) src(%arg6 : memref<80xf32, #tpu.memory_space<vmem>>) dst(%dma_wait3A_57 : memref<10240xf32, #tpu.memory_space<vmem_shared>>)
        tpu.yield
      }) : () -> ()
    }
    %scan3A_41 = arith.constant 125 : i32
    %barrier3A_42 = arith.constant 0 : index
    tpu.barrier barrier_id(%barrier3A_42)
    %mul3A_43 = arith.constant 640 : i32
    %mul3A_44 = arith.muli %arg1, %mul3A_43 : i32
    "tpu.region"() ({
      %run_scoped3A = tpu.sem_alloc : memref<!tpu.dma_semaphore, #tpu.memory_space<semaphore_mem>>
      %dma_start3A = tpu.memref_slice %arg4[%mul3A_44] : memref<10240xf32, #tpu.memory_space<vmem_shared>> -> memref<640xf32, #tpu.memory_space<vmem_shared>>
      %dma_start3A_50 = tpu.memref_slice %arg4[%mul3A_44] : memref<10240xf32, #tpu.memory_space<vmem_shared>> -> memref<640xf32, #tpu.memory_space<vmem_shared>>
      tpu.enqueue_dma source(%dma_start3A_50 : memref<640xf32, #tpu.memory_space<vmem_shared>>) target(%arg7 : memref<640xf32, #tpu.memory_space<vmem>>) target_semaphore(%run_scoped3A : memref<!tpu.dma_semaphore, #tpu.memory_space<semaphore_mem>>)
      %dma_wait3A = tpu.memref_slice %arg4[%mul3A_44] : memref<10240xf32, #tpu.memory_space<vmem_shared>> -> memref<640xf32, #tpu.memory_space<vmem_shared>>
      %dma_wait3A_51 = tpu.memref_slice %arg4[%mul3A_44] : memref<10240xf32, #tpu.memory_space<vmem_shared>> -> memref<640xf32, #tpu.memory_space<vmem_shared>>
      tpu.wait_dma2 semaphore(%run_scoped3A : memref<!tpu.dma_semaphore, #tpu.memory_space<semaphore_mem>>) src(%dma_wait3A_51 : memref<640xf32, #tpu.memory_space<vmem_shared>>) dst(%arg7 : memref<640xf32, #tpu.memory_space<vmem>>)
      tpu.yield
    }) : () -> ()
    %mul3A_45 = arith.constant 10240 : i32
    %mul3A_46 = arith.muli %arg0, %mul3A_45 : i32
    %mul3A_47 = arith.constant 640 : i32
    %mul3A_48 = arith.muli %arg1, %mul3A_47 : i32
    %add3A_49 = arith.addi %mul3A_46, %mul3A_48 : i32
    "tpu.region"() ({
      %run_scoped3A = tpu.sem_alloc : memref<!tpu.dma_semaphore, #tpu.memory_space<semaphore_mem>>
      %dma_start3A = tpu.memref_slice %arg3[%add3A_49] : memref<20480xf32, #tpu.memory_space<hbm>> -> memref<640xf32, #tpu.memory_space<hbm>>
      %dma_start3A_50 = tpu.memref_slice %arg3[%add3A_49] : memref<20480xf32, #tpu.memory_space<hbm>> -> memref<640xf32, #tpu.memory_space<hbm>>
      tpu.enqueue_dma source(%arg7 : memref<640xf32, #tpu.memory_space<vmem>>) target(%dma_start3A_50 : memref<640xf32, #tpu.memory_space<hbm>>) target_semaphore(%run_scoped3A : memref<!tpu.dma_semaphore, #tpu.memory_space<semaphore_mem>>)
      %dma_wait3A = tpu.memref_slice %arg3[%add3A_49] : memref<20480xf32, #tpu.memory_space<hbm>> -> memref<640xf32, #tpu.memory_space<hbm>>
      %dma_wait3A_51 = tpu.memref_slice %arg3[%add3A_49] : memref<20480xf32, #tpu.memory_space<hbm>> -> memref<640xf32, #tpu.memory_space<hbm>>
      tpu.wait_dma2 semaphore(%run_scoped3A : memref<!tpu.dma_semaphore, #tpu.memory_space<semaphore_mem>>) src(%arg7 : memref<640xf32, #tpu.memory_space<vmem>>) dst(%dma_wait3A_51 : memref<640xf32, #tpu.memory_space<hbm>>)
      tpu.yield
    }) : () -> ()
    return
  }
}

#map = affine_map<(d0, d1) -> (0, 0)>
#map1 = affine_map<(d0, d1) -> (0)>
#map2 = affine_map<(d0, d1) -> (0, 0, 0)>
module attributes {stable_mosaic.version = 14 : i64} {
  func.func @body(%arg0: i32, %arg1: i32, %arg2: memref<20480x128xf32, #tpu.memory_space<hbm>>, %arg3: memref<320000xi32, #tpu.memory_space<hbm>>, %arg4: memref<320000xi32, #tpu.memory_space<hbm>>, %arg5: memref<2x10240x128xf32, #tpu.memory_space<hbm>>, %arg6: memref<10240x128xf32, #tpu.memory_space<vmem_shared>>, %arg7: memref<80xi32, #tpu.memory_space<vmem>>, %arg8: memref<80xi32, #tpu.memory_space<vmem>>, %arg9: memref<80xi32, #tpu.memory_space<vmem>>, %arg10: memref<80x128xf32, #tpu.memory_space<vmem>>, %arg11: memref<128x128xf32, #tpu.memory_space<vmem>>, %arg12: memref<!tpu.dma_semaphore, #tpu.memory_space<semaphore_mem>>) attributes {dimension_semantics = [#tpu.dimension_semantics<core_parallel>, #tpu.dimension_semantics<subcore_parallel>], iteration_bounds = array<i64: 2, 16>, scalar_prefetch = 0 : i64, scratch_operands = 7 : i64, tpu.core_type = #tpu.core_type<sc_vector_subcore>, window_params = [{transform_indices = #map}, {transform_indices = #map1}, {transform_indices = #map1}, {transform_indices = #map2}]} {
    %scan3A = arith.constant 0 : i32
    %scan3A_0 = arith.constant 0 : i32
    %scan3A_1 = arith.constant 128 : i32
    %scan3A_2 = arith.addi %scan3A_0, %scan3A_1 : i32
    %scan3A_3 = arith.constant 1 : i32
    scf.for %scan3A_54 = %scan3A_0 to %scan3A_2 step %scan3A_3  : i32 {
      %broadcast_in_dim3A = arith.constant 0.000000e+00 : f32
      %broadcast_in_dim3A_55 = vector.broadcast %broadcast_in_dim3A : f32 to vector<16xf32>
      %swap3A = arith.index_cast %scan3A_54 : i32 to index
      %swap3A_56 = arith.constant 0 : index
      %swap3A_57 = tpu.vector_load %arg11[%swap3A, %swap3A_56] {strides = array<i32>} : memref<128x128xf32, #tpu.memory_space<vmem>>, vector<1x16xf32>,
      %swap3A_58 = vector.shape_cast %swap3A_57 : vector<1x16xf32> to vector<16xf32>
      %swap3A_59 = vector.shape_cast %broadcast_in_dim3A_55 : vector<16xf32> to vector<1x16xf32>
      tpu.vector_store %arg11[%swap3A, %swap3A_56], %swap3A_59 {strides = array<i32>} : memref<128x128xf32, #tpu.memory_space<vmem>>, vector<1x16xf32>,
      %broadcast_in_dim3A_60 = arith.constant 0.000000e+00 : f32
      %broadcast_in_dim3A_61 = vector.broadcast %broadcast_in_dim3A_60 : f32 to vector<16xf32>
      %swap3A_62 = arith.index_cast %scan3A_54 : i32 to index
      %swap3A_63 = arith.constant 16 : index
      %swap3A_64 = tpu.vector_load %arg11[%swap3A_62, %swap3A_63] {strides = array<i32>} : memref<128x128xf32, #tpu.memory_space<vmem>>, vector<1x16xf32>,
      %swap3A_65 = vector.shape_cast %swap3A_64 : vector<1x16xf32> to vector<16xf32>
      %swap3A_66 = vector.shape_cast %broadcast_in_dim3A_61 : vector<16xf32> to vector<1x16xf32>
      tpu.vector_store %arg11[%swap3A_62, %swap3A_63], %swap3A_66 {strides = array<i32>} : memref<128x128xf32, #tpu.memory_space<vmem>>, vector<1x16xf32>,
      %broadcast_in_dim3A_67 = arith.constant 0.000000e+00 : f32
      %broadcast_in_dim3A_68 = vector.broadcast %broadcast_in_dim3A_67 : f32 to vector<16xf32>
      %swap3A_69 = arith.index_cast %scan3A_54 : i32 to index
      %swap3A_70 = arith.constant 32 : index
      %swap3A_71 = tpu.vector_load %arg11[%swap3A_69, %swap3A_70] {strides = array<i32>} : memref<128x128xf32, #tpu.memory_space<vmem>>, vector<1x16xf32>,
      %swap3A_72 = vector.shape_cast %swap3A_71 : vector<1x16xf32> to vector<16xf32>
      %swap3A_73 = vector.shape_cast %broadcast_in_dim3A_68 : vector<16xf32> to vector<1x16xf32>
      tpu.vector_store %arg11[%swap3A_69, %swap3A_70], %swap3A_73 {strides = array<i32>} : memref<128x128xf32, #tpu.memory_space<vmem>>, vector<1x16xf32>,
      %broadcast_in_dim3A_74 = arith.constant 0.000000e+00 : f32
      %broadcast_in_dim3A_75 = vector.broadcast %broadcast_in_dim3A_74 : f32 to vector<16xf32>
      %swap3A_76 = arith.index_cast %scan3A_54 : i32 to index
      %swap3A_77 = arith.constant 48 : index
      %swap3A_78 = tpu.vector_load %arg11[%swap3A_76, %swap3A_77] {strides = array<i32>} : memref<128x128xf32, #tpu.memory_space<vmem>>, vector<1x16xf32>,
      %swap3A_79 = vector.shape_cast %swap3A_78 : vector<1x16xf32> to vector<16xf32>
      %swap3A_80 = vector.shape_cast %broadcast_in_dim3A_75 : vector<16xf32> to vector<1x16xf32>
      tpu.vector_store %arg11[%swap3A_76, %swap3A_77], %swap3A_80 {strides = array<i32>} : memref<128x128xf32, #tpu.memory_space<vmem>>, vector<1x16xf32>,
      %broadcast_in_dim3A_81 = arith.constant 0.000000e+00 : f32
      %broadcast_in_dim3A_82 = vector.broadcast %broadcast_in_dim3A_81 : f32 to vector<16xf32>
      %swap3A_83 = arith.index_cast %scan3A_54 : i32 to index
      %swap3A_84 = arith.constant 64 : index
      %swap3A_85 = tpu.vector_load %arg11[%swap3A_83, %swap3A_84] {strides = array<i32>} : memref<128x128xf32, #tpu.memory_space<vmem>>, vector<1x16xf32>,
      %swap3A_86 = vector.shape_cast %swap3A_85 : vector<1x16xf32> to vector<16xf32>
      %swap3A_87 = vector.shape_cast %broadcast_in_dim3A_82 : vector<16xf32> to vector<1x16xf32>
      tpu.vector_store %arg11[%swap3A_83, %swap3A_84], %swap3A_87 {strides = array<i32>} : memref<128x128xf32, #tpu.memory_space<vmem>>, vector<1x16xf32>,
      %broadcast_in_dim3A_88 = arith.constant 0.000000e+00 : f32
      %broadcast_in_dim3A_89 = vector.broadcast %broadcast_in_dim3A_88 : f32 to vector<16xf32>
      %swap3A_90 = arith.index_cast %scan3A_54 : i32 to index
      %swap3A_91 = arith.constant 80 : index
      %swap3A_92 = tpu.vector_load %arg11[%swap3A_90, %swap3A_91] {strides = array<i32>} : memref<128x128xf32, #tpu.memory_space<vmem>>, vector<1x16xf32>,
      %swap3A_93 = vector.shape_cast %swap3A_92 : vector<1x16xf32> to vector<16xf32>
      %swap3A_94 = vector.shape_cast %broadcast_in_dim3A_89 : vector<16xf32> to vector<1x16xf32>
      tpu.vector_store %arg11[%swap3A_90, %swap3A_91], %swap3A_94 {strides = array<i32>} : memref<128x128xf32, #tpu.memory_space<vmem>>, vector<1x16xf32>,
      %broadcast_in_dim3A_95 = arith.constant 0.000000e+00 : f32
      %broadcast_in_dim3A_96 = vector.broadcast %broadcast_in_dim3A_95 : f32 to vector<16xf32>
      %swap3A_97 = arith.index_cast %scan3A_54 : i32 to index
      %swap3A_98 = arith.constant 96 : index
      %swap3A_99 = tpu.vector_load %arg11[%swap3A_97, %swap3A_98] {strides = array<i32>} : memref<128x128xf32, #tpu.memory_space<vmem>>, vector<1x16xf32>,
      %swap3A_100 = vector.shape_cast %swap3A_99 : vector<1x16xf32> to vector<16xf32>
      %swap3A_101 = vector.shape_cast %broadcast_in_dim3A_96 : vector<16xf32> to vector<1x16xf32>
      tpu.vector_store %arg11[%swap3A_97, %swap3A_98], %swap3A_101 {strides = array<i32>} : memref<128x128xf32, #tpu.memory_space<vmem>>, vector<1x16xf32>,
      %broadcast_in_dim3A_102 = arith.constant 0.000000e+00 : f32
      %broadcast_in_dim3A_103 = vector.broadcast %broadcast_in_dim3A_102 : f32 to vector<16xf32>
      %swap3A_104 = arith.index_cast %scan3A_54 : i32 to index
      %swap3A_105 = arith.constant 112 : index
      %swap3A_106 = tpu.vector_load %arg11[%swap3A_104, %swap3A_105] {strides = array<i32>} : memref<128x128xf32, #tpu.memory_space<vmem>>, vector<1x16xf32>,
      %swap3A_107 = vector.shape_cast %swap3A_106 : vector<1x16xf32> to vector<16xf32>
      %swap3A_108 = vector.shape_cast %broadcast_in_dim3A_103 : vector<16xf32> to vector<1x16xf32>
      tpu.vector_store %arg11[%swap3A_104, %swap3A_105], %swap3A_108 {strides = array<i32>} : memref<128x128xf32, #tpu.memory_space<vmem>>, vector<1x16xf32>,
    }
    %scan3A_4 = arith.constant 128 : i32
    %mul3A = arith.constant 640 : i32
    %mul3A_5 = arith.muli %arg1, %mul3A : i32
    %add3A = arith.constant 0 : i32
    %add3A_6 = arith.addi %mul3A_5, %add3A : i32
    "tpu.region"() ({
      %run_scoped3A = tpu.sem_alloc : memref<!tpu.dma_semaphore, #tpu.memory_space<semaphore_mem>>
      %dma_start3A = arith.constant 0 : i32
      %dma_start3A_54 = tpu.memref_slice %arg6[%add3A_6, %dma_start3A] : memref<10240x128xf32, #tpu.memory_space<vmem_shared>> -> memref<128x128xf32, #tpu.memory_space<vmem_shared>>
      %dma_start3A_55 = arith.constant 0 : i32
      %dma_start3A_56 = tpu.memref_slice %arg6[%add3A_6, %dma_start3A_55] : memref<10240x128xf32, #tpu.memory_space<vmem_shared>> -> memref<128x128xf32, #tpu.memory_space<vmem_shared>>
      tpu.enqueue_dma source(%arg11 : memref<128x128xf32, #tpu.memory_space<vmem>>) target(%dma_start3A_56 : memref<128x128xf32, #tpu.memory_space<vmem_shared>>) target_semaphore(%run_scoped3A : memref<!tpu.dma_semaphore, #tpu.memory_space<semaphore_mem>>)
      %dma_wait3A = arith.constant 0 : i32
      %dma_wait3A_57 = tpu.memref_slice %arg6[%add3A_6, %dma_wait3A] : memref<10240x128xf32, #tpu.memory_space<vmem_shared>> -> memref<128x128xf32, #tpu.memory_space<vmem_shared>>
      %dma_wait3A_58 = arith.constant 0 : i32
      %dma_wait3A_59 = tpu.memref_slice %arg6[%add3A_6, %dma_wait3A_58] : memref<10240x128xf32, #tpu.memory_space<vmem_shared>> -> memref<128x128xf32, #tpu.memory_space<vmem_shared>>
      tpu.wait_dma2 semaphore(%run_scoped3A : memref<!tpu.dma_semaphore, #tpu.memory_space<semaphore_mem>>) src(%arg11 : memref<128x128xf32, #tpu.memory_space<vmem>>) dst(%dma_wait3A_59 : memref<128x128xf32, #tpu.memory_space<vmem_shared>>)
      tpu.yield
    }) : () -> ()
    %mul3A_7 = arith.constant 640 : i32
    %mul3A_8 = arith.muli %arg1, %mul3A_7 : i32
    %add3A_9 = arith.constant 128 : i32
    %add3A_10 = arith.addi %mul3A_8, %add3A_9 : i32
    "tpu.region"() ({
      %run_scoped3A = tpu.sem_alloc : memref<!tpu.dma_semaphore, #tpu.memory_space<semaphore_mem>>
      %dma_start3A = arith.constant 0 : i32
      %dma_start3A_54 = tpu.memref_slice %arg6[%add3A_10, %dma_start3A] : memref<10240x128xf32, #tpu.memory_space<vmem_shared>> -> memref<128x128xf32, #tpu.memory_space<vmem_shared>>
      %dma_start3A_55 = arith.constant 0 : i32
      %dma_start3A_56 = tpu.memref_slice %arg6[%add3A_10, %dma_start3A_55] : memref<10240x128xf32, #tpu.memory_space<vmem_shared>> -> memref<128x128xf32, #tpu.memory_space<vmem_shared>>
      tpu.enqueue_dma source(%arg11 : memref<128x128xf32, #tpu.memory_space<vmem>>) target(%dma_start3A_56 : memref<128x128xf32, #tpu.memory_space<vmem_shared>>) target_semaphore(%run_scoped3A : memref<!tpu.dma_semaphore, #tpu.memory_space<semaphore_mem>>)
      %dma_wait3A = arith.constant 0 : i32
      %dma_wait3A_57 = tpu.memref_slice %arg6[%add3A_10, %dma_wait3A] : memref<10240x128xf32, #tpu.memory_space<vmem_shared>> -> memref<128x128xf32, #tpu.memory_space<vmem_shared>>
      %dma_wait3A_58 = arith.constant 0 : i32
      %dma_wait3A_59 = tpu.memref_slice %arg6[%add3A_10, %dma_wait3A_58] : memref<10240x128xf32, #tpu.memory_space<vmem_shared>> -> memref<128x128xf32, #tpu.memory_space<vmem_shared>>
      tpu.wait_dma2 semaphore(%run_scoped3A : memref<!tpu.dma_semaphore, #tpu.memory_space<semaphore_mem>>) src(%arg11 : memref<128x128xf32, #tpu.memory_space<vmem>>) dst(%dma_wait3A_59 : memref<128x128xf32, #tpu.memory_space<vmem_shared>>)
      tpu.yield
    }) : () -> ()
    %mul3A_11 = arith.constant 640 : i32
    %mul3A_12 = arith.muli %arg1, %mul3A_11 : i32
    %add3A_13 = arith.constant 256 : i32
    %add3A_14 = arith.addi %mul3A_12, %add3A_13 : i32
    "tpu.region"() ({
      %run_scoped3A = tpu.sem_alloc : memref<!tpu.dma_semaphore, #tpu.memory_space<semaphore_mem>>
      %dma_start3A = arith.constant 0 : i32
      %dma_start3A_54 = tpu.memref_slice %arg6[%add3A_14, %dma_start3A] : memref<10240x128xf32, #tpu.memory_space<vmem_shared>> -> memref<128x128xf32, #tpu.memory_space<vmem_shared>>
      %dma_start3A_55 = arith.constant 0 : i32
      %dma_start3A_56 = tpu.memref_slice %arg6[%add3A_14, %dma_start3A_55] : memref<10240x128xf32, #tpu.memory_space<vmem_shared>> -> memref<128x128xf32, #tpu.memory_space<vmem_shared>>
      tpu.enqueue_dma source(%arg11 : memref<128x128xf32, #tpu.memory_space<vmem>>) target(%dma_start3A_56 : memref<128x128xf32, #tpu.memory_space<vmem_shared>>) target_semaphore(%run_scoped3A : memref<!tpu.dma_semaphore, #tpu.memory_space<semaphore_mem>>)
      %dma_wait3A = arith.constant 0 : i32
      %dma_wait3A_57 = tpu.memref_slice %arg6[%add3A_14, %dma_wait3A] : memref<10240x128xf32, #tpu.memory_space<vmem_shared>> -> memref<128x128xf32, #tpu.memory_space<vmem_shared>>
      %dma_wait3A_58 = arith.constant 0 : i32
      %dma_wait3A_59 = tpu.memref_slice %arg6[%add3A_14, %dma_wait3A_58] : memref<10240x128xf32, #tpu.memory_space<vmem_shared>> -> memref<128x128xf32, #tpu.memory_space<vmem_shared>>
      tpu.wait_dma2 semaphore(%run_scoped3A : memref<!tpu.dma_semaphore, #tpu.memory_space<semaphore_mem>>) src(%arg11 : memref<128x128xf32, #tpu.memory_space<vmem>>) dst(%dma_wait3A_59 : memref<128x128xf32, #tpu.memory_space<vmem_shared>>)
      tpu.yield
    }) : () -> ()
    %mul3A_15 = arith.constant 640 : i32
    %mul3A_16 = arith.muli %arg1, %mul3A_15 : i32
    %add3A_17 = arith.constant 384 : i32
    %add3A_18 = arith.addi %mul3A_16, %add3A_17 : i32
    "tpu.region"() ({
      %run_scoped3A = tpu.sem_alloc : memref<!tpu.dma_semaphore, #tpu.memory_space<semaphore_mem>>
      %dma_start3A = arith.constant 0 : i32
      %dma_start3A_54 = tpu.memref_slice %arg6[%add3A_18, %dma_start3A] : memref<10240x128xf32, #tpu.memory_space<vmem_shared>> -> memref<128x128xf32, #tpu.memory_space<vmem_shared>>
      %dma_start3A_55 = arith.constant 0 : i32
      %dma_start3A_56 = tpu.memref_slice %arg6[%add3A_18, %dma_start3A_55] : memref<10240x128xf32, #tpu.memory_space<vmem_shared>> -> memref<128x128xf32, #tpu.memory_space<vmem_shared>>
      tpu.enqueue_dma source(%arg11 : memref<128x128xf32, #tpu.memory_space<vmem>>) target(%dma_start3A_56 : memref<128x128xf32, #tpu.memory_space<vmem_shared>>) target_semaphore(%run_scoped3A : memref<!tpu.dma_semaphore, #tpu.memory_space<semaphore_mem>>)
      %dma_wait3A = arith.constant 0 : i32
      %dma_wait3A_57 = tpu.memref_slice %arg6[%add3A_18, %dma_wait3A] : memref<10240x128xf32, #tpu.memory_space<vmem_shared>> -> memref<128x128xf32, #tpu.memory_space<vmem_shared>>
      %dma_wait3A_58 = arith.constant 0 : i32
      %dma_wait3A_59 = tpu.memref_slice %arg6[%add3A_18, %dma_wait3A_58] : memref<10240x128xf32, #tpu.memory_space<vmem_shared>> -> memref<128x128xf32, #tpu.memory_space<vmem_shared>>
      tpu.wait_dma2 semaphore(%run_scoped3A : memref<!tpu.dma_semaphore, #tpu.memory_space<semaphore_mem>>) src(%arg11 : memref<128x128xf32, #tpu.memory_space<vmem>>) dst(%dma_wait3A_59 : memref<128x128xf32, #tpu.memory_space<vmem_shared>>)
      tpu.yield
    }) : () -> ()
    %mul3A_19 = arith.constant 640 : i32
    %mul3A_20 = arith.muli %arg1, %mul3A_19 : i32
    %add3A_21 = arith.constant 512 : i32
    %add3A_22 = arith.addi %mul3A_20, %add3A_21 : i32
    "tpu.region"() ({
      %run_scoped3A = tpu.sem_alloc : memref<!tpu.dma_semaphore, #tpu.memory_space<semaphore_mem>>
      %dma_start3A = arith.constant 0 : i32
      %dma_start3A_54 = tpu.memref_slice %arg6[%add3A_22, %dma_start3A] : memref<10240x128xf32, #tpu.memory_space<vmem_shared>> -> memref<128x128xf32, #tpu.memory_space<vmem_shared>>
      %dma_start3A_55 = arith.constant 0 : i32
      %dma_start3A_56 = tpu.memref_slice %arg6[%add3A_22, %dma_start3A_55] : memref<10240x128xf32, #tpu.memory_space<vmem_shared>> -> memref<128x128xf32, #tpu.memory_space<vmem_shared>>
      tpu.enqueue_dma source(%arg11 : memref<128x128xf32, #tpu.memory_space<vmem>>) target(%dma_start3A_56 : memref<128x128xf32, #tpu.memory_space<vmem_shared>>) target_semaphore(%run_scoped3A : memref<!tpu.dma_semaphore, #tpu.memory_space<semaphore_mem>>)
      %dma_wait3A = arith.constant 0 : i32
      %dma_wait3A_57 = tpu.memref_slice %arg6[%add3A_22, %dma_wait3A] : memref<10240x128xf32, #tpu.memory_space<vmem_shared>> -> memref<128x128xf32, #tpu.memory_space<vmem_shared>>
      %dma_wait3A_58 = arith.constant 0 : i32
      %dma_wait3A_59 = tpu.memref_slice %arg6[%add3A_22, %dma_wait3A_58] : memref<10240x128xf32, #tpu.memory_space<vmem_shared>> -> memref<128x128xf32, #tpu.memory_space<vmem_shared>>
      tpu.wait_dma2 semaphore(%run_scoped3A : memref<!tpu.dma_semaphore, #tpu.memory_space<semaphore_mem>>) src(%arg11 : memref<128x128xf32, #tpu.memory_space<vmem>>) dst(%dma_wait3A_59 : memref<128x128xf32, #tpu.memory_space<vmem_shared>>)
      tpu.yield
    }) : () -> ()
    %barrier3A = arith.constant 0 : index
    tpu.barrier barrier_id(%barrier3A)
    %mul3A_23 = arith.constant 20000 : i32
    %mul3A_24 = arith.muli %arg1, %mul3A_23 : i32
    %mul3A_25 = arith.constant 10240 : i32
    %mul3A_26 = arith.muli %arg0, %mul3A_25 : i32
    %scan3A_27 = arith.constant 0 : i32
    %scan3A_28 = arith.constant 0 : i32
    %scan3A_29 = arith.constant 250 : i32
    %scan3A_30 = arith.addi %scan3A_28, %scan3A_29 : i32
    %scan3A_31 = arith.constant 1 : i32
    scf.for %scan3A_54 = %scan3A_28 to %scan3A_30 step %scan3A_31  : i32 {
      %mul3A_55 = arith.constant 80 : i32
      %mul3A_56 = arith.muli %scan3A_54, %mul3A_55 : i32
      %add3A_57 = arith.addi %mul3A_24, %mul3A_56 : i32
      "tpu.region"() ({
        %run_scoped3A = tpu.sem_alloc : memref<!tpu.dma_semaphore, #tpu.memory_space<semaphore_mem>>
        %dma_start3A_105 = tpu.memref_slice %arg3[%add3A_57] : memref<320000xi32, #tpu.memory_space<hbm>> -> memref<80xi32, #tpu.memory_space<hbm>>
        %dma_start3A_106 = tpu.memref_slice %arg3[%add3A_57] : memref<320000xi32, #tpu.memory_space<hbm>> -> memref<80xi32, #tpu.memory_space<hbm>>
        tpu.enqueue_dma source(%dma_start3A_106 : memref<80xi32, #tpu.memory_space<hbm>>) target(%arg7 : memref<80xi32, #tpu.memory_space<vmem>>) target_semaphore(%run_scoped3A : memref<!tpu.dma_semaphore, #tpu.memory_space<semaphore_mem>>)
        %dma_wait3A_107 = tpu.memref_slice %arg3[%add3A_57] : memref<320000xi32, #tpu.memory_space<hbm>> -> memref<80xi32, #tpu.memory_space<hbm>>
        %dma_wait3A_108 = tpu.memref_slice %arg3[%add3A_57] : memref<320000xi32, #tpu.memory_space<hbm>> -> memref<80xi32, #tpu.memory_space<hbm>>
        tpu.wait_dma2 semaphore(%run_scoped3A : memref<!tpu.dma_semaphore, #tpu.memory_space<semaphore_mem>>) src(%dma_wait3A_108 : memref<80xi32, #tpu.memory_space<hbm>>) dst(%arg7 : memref<80xi32, #tpu.memory_space<vmem>>)
        tpu.yield
      }) : () -> ()
      %get3A = arith.constant 0 : index
      %get3A_58 = tpu.vector_load %arg7[%get3A] {strides = array<i32>} : memref<80xi32, #tpu.memory_space<vmem>>, vector<16xi32>,
      %get3A_59 = vector.shape_cast %get3A_58 : vector<16xi32> to vector<16xi32>
      %add3A_60 = vector.broadcast %mul3A_26 : i32 to vector<16xi32>
      %add3A_61 = arith.addi %get3A_59, %add3A_60 : vector<16xi32>
      %swap3A = arith.constant 0 : index
      %swap3A_62 = tpu.vector_load %arg8[%swap3A] {strides = array<i32>} : memref<80xi32, #tpu.memory_space<vmem>>, vector<16xi32>,
      %swap3A_63 = vector.shape_cast %swap3A_62 : vector<16xi32> to vector<16xi32>
      %swap3A_64 = vector.shape_cast %add3A_61 : vector<16xi32> to vector<16xi32>
      tpu.vector_store %arg8[%swap3A], %swap3A_64 {strides = array<i32>} : memref<80xi32, #tpu.memory_space<vmem>>, vector<16xi32>,
      %get3A_65 = arith.constant 16 : index
      %get3A_66 = tpu.vector_load %arg7[%get3A_65] {strides = array<i32>} : memref<80xi32, #tpu.memory_space<vmem>>, vector<16xi32>,
      %get3A_67 = vector.shape_cast %get3A_66 : vector<16xi32> to vector<16xi32>
      %add3A_68 = vector.broadcast %mul3A_26 : i32 to vector<16xi32>
      %add3A_69 = arith.addi %get3A_67, %add3A_68 : vector<16xi32>
      %swap3A_70 = arith.constant 16 : index
      %swap3A_71 = tpu.vector_load %arg8[%swap3A_70] {strides = array<i32>} : memref<80xi32, #tpu.memory_space<vmem>>, vector<16xi32>,
      %swap3A_72 = vector.shape_cast %swap3A_71 : vector<16xi32> to vector<16xi32>
      %swap3A_73 = vector.shape_cast %add3A_69 : vector<16xi32> to vector<16xi32>
      tpu.vector_store %arg8[%swap3A_70], %swap3A_73 {strides = array<i32>} : memref<80xi32, #tpu.memory_space<vmem>>, vector<16xi32>,
      %get3A_74 = arith.constant 32 : index
      %get3A_75 = tpu.vector_load %arg7[%get3A_74] {strides = array<i32>} : memref<80xi32, #tpu.memory_space<vmem>>, vector<16xi32>,
      %get3A_76 = vector.shape_cast %get3A_75 : vector<16xi32> to vector<16xi32>
      %add3A_77 = vector.broadcast %mul3A_26 : i32 to vector<16xi32>
      %add3A_78 = arith.addi %get3A_76, %add3A_77 : vector<16xi32>
      %swap3A_79 = arith.constant 32 : index
      %swap3A_80 = tpu.vector_load %arg8[%swap3A_79] {strides = array<i32>} : memref<80xi32, #tpu.memory_space<vmem>>, vector<16xi32>,
      %swap3A_81 = vector.shape_cast %swap3A_80 : vector<16xi32> to vector<16xi32>
      %swap3A_82 = vector.shape_cast %add3A_78 : vector<16xi32> to vector<16xi32>
      tpu.vector_store %arg8[%swap3A_79], %swap3A_82 {strides = array<i32>} : memref<80xi32, #tpu.memory_space<vmem>>, vector<16xi32>,
      %get3A_83 = arith.constant 48 : index
      %get3A_84 = tpu.vector_load %arg7[%get3A_83] {strides = array<i32>} : memref<80xi32, #tpu.memory_space<vmem>>, vector<16xi32>,
      %get3A_85 = vector.shape_cast %get3A_84 : vector<16xi32> to vector<16xi32>
      %add3A_86 = vector.broadcast %mul3A_26 : i32 to vector<16xi32>
      %add3A_87 = arith.addi %get3A_85, %add3A_86 : vector<16xi32>
      %swap3A_88 = arith.constant 48 : index
      %swap3A_89 = tpu.vector_load %arg8[%swap3A_88] {strides = array<i32>} : memref<80xi32, #tpu.memory_space<vmem>>, vector<16xi32>,
      %swap3A_90 = vector.shape_cast %swap3A_89 : vector<16xi32> to vector<16xi32>
      %swap3A_91 = vector.shape_cast %add3A_87 : vector<16xi32> to vector<16xi32>
      tpu.vector_store %arg8[%swap3A_88], %swap3A_91 {strides = array<i32>} : memref<80xi32, #tpu.memory_space<vmem>>, vector<16xi32>,
      %get3A_92 = arith.constant 64 : index
      %get3A_93 = tpu.vector_load %arg7[%get3A_92] {strides = array<i32>} : memref<80xi32, #tpu.memory_space<vmem>>, vector<16xi32>,
      %get3A_94 = vector.shape_cast %get3A_93 : vector<16xi32> to vector<16xi32>
      %add3A_95 = vector.broadcast %mul3A_26 : i32 to vector<16xi32>
      %add3A_96 = arith.addi %get3A_94, %add3A_95 : vector<16xi32>
      %swap3A_97 = arith.constant 64 : index
      %swap3A_98 = tpu.vector_load %arg8[%swap3A_97] {strides = array<i32>} : memref<80xi32, #tpu.memory_space<vmem>>, vector<16xi32>,
      %swap3A_99 = vector.shape_cast %swap3A_98 : vector<16xi32> to vector<16xi32>
      %swap3A_100 = vector.shape_cast %add3A_96 : vector<16xi32> to vector<16xi32>
      tpu.vector_store %arg8[%swap3A_97], %swap3A_100 {strides = array<i32>} : memref<80xi32, #tpu.memory_space<vmem>>, vector<16xi32>,
      %dma_start3A = arith.constant 0 : i32
      %dma_start3A_101 = arith.constant 0 : i32
      %dma_start3A_102 = tpu.memref_slice %arg2[%dma_start3A, %dma_start3A_101] : memref<20480x128xf32, #tpu.memory_space<hbm>> -> memref<20480x128xf32, #tpu.memory_space<hbm>>
      tpu.enqueue_indirect_dma source(%dma_start3A_102 : memref<20480x128xf32, #tpu.memory_space<hbm>>) target(%arg10 : memref<80x128xf32, #tpu.memory_space<vmem>>) offsets(%arg8 : memref<80xi32, #tpu.memory_space<vmem>>) semaphore(%arg12 : memref<!tpu.dma_semaphore, #tpu.memory_space<semaphore_mem>>)
      "tpu.region"() ({
        %run_scoped3A = tpu.sem_alloc : memref<!tpu.dma_semaphore, #tpu.memory_space<semaphore_mem>>
        %dma_start3A_105 = tpu.memref_slice %arg4[%add3A_57] : memref<320000xi32, #tpu.memory_space<hbm>> -> memref<80xi32, #tpu.memory_space<hbm>>
        %dma_start3A_106 = tpu.memref_slice %arg4[%add3A_57] : memref<320000xi32, #tpu.memory_space<hbm>> -> memref<80xi32, #tpu.memory_space<hbm>>
        tpu.enqueue_dma source(%dma_start3A_106 : memref<80xi32, #tpu.memory_space<hbm>>) target(%arg9 : memref<80xi32, #tpu.memory_space<vmem>>) target_semaphore(%run_scoped3A : memref<!tpu.dma_semaphore, #tpu.memory_space<semaphore_mem>>)
        %dma_wait3A_107 = tpu.memref_slice %arg4[%add3A_57] : memref<320000xi32, #tpu.memory_space<hbm>> -> memref<80xi32, #tpu.memory_space<hbm>>
        %dma_wait3A_108 = tpu.memref_slice %arg4[%add3A_57] : memref<320000xi32, #tpu.memory_space<hbm>> -> memref<80xi32, #tpu.memory_space<hbm>>
        tpu.wait_dma2 semaphore(%run_scoped3A : memref<!tpu.dma_semaphore, #tpu.memory_space<semaphore_mem>>) src(%dma_wait3A_108 : memref<80xi32, #tpu.memory_space<hbm>>) dst(%arg9 : memref<80xi32, #tpu.memory_space<vmem>>)
        tpu.yield
      }) : () -> ()
      %dma_wait3A = arith.constant 0 : i32
      %dma_wait3A_103 = arith.constant 0 : i32
      %dma_wait3A_104 = tpu.memref_slice %arg2[%dma_wait3A, %dma_wait3A_103] : memref<20480x128xf32, #tpu.memory_space<hbm>> -> memref<20480x128xf32, #tpu.memory_space<hbm>>
      tpu.wait_indirect_dma semaphore(%arg12 : memref<!tpu.dma_semaphore, #tpu.memory_space<semaphore_mem>>) src(%dma_wait3A_104 : memref<20480x128xf32, #tpu.memory_space<hbm>>) dst(%arg10 : memref<80x128xf32, #tpu.memory_space<vmem>>)
      "tpu.region"() ({
        %run_scoped3A = tpu.sem_alloc : memref<!tpu.dma_semaphore, #tpu.memory_space<semaphore_mem>>
        %dma_start3A_105 = arith.constant 0 : i32
        %dma_start3A_106 = arith.constant 0 : i32
        %dma_start3A_107 = tpu.memref_slice %arg6[%dma_start3A_105, %dma_start3A_106] : memref<10240x128xf32, #tpu.memory_space<vmem_shared>> -> memref<10240x128xf32, #tpu.memory_space<vmem_shared>>
        tpu.enqueue_indirect_dma source(%arg10 : memref<80x128xf32, #tpu.memory_space<vmem>>) target(%dma_start3A_107 : memref<10240x128xf32, #tpu.memory_space<vmem_shared>>) offsets(%arg9 : memref<80xi32, #tpu.memory_space<vmem>>) semaphore(%run_scoped3A : memref<!tpu.dma_semaphore, #tpu.memory_space<semaphore_mem>>) {add = true}
        %dma_wait3A_108 = arith.constant 0 : i32
        %dma_wait3A_109 = arith.constant 0 : i32
        %dma_wait3A_110 = tpu.memref_slice %arg6[%dma_wait3A_108, %dma_wait3A_109] : memref<10240x128xf32, #tpu.memory_space<vmem_shared>> -> memref<10240x128xf32, #tpu.memory_space<vmem_shared>>
        tpu.wait_indirect_dma semaphore(%run_scoped3A : memref<!tpu.dma_semaphore, #tpu.memory_space<semaphore_mem>>) src(%arg10 : memref<80x128xf32, #tpu.memory_space<vmem>>) dst(%dma_wait3A_110 : memref<10240x128xf32, #tpu.memory_space<vmem_shared>>)
        tpu.yield
      }) : () -> ()
    }
    %scan3A_32 = arith.constant 250 : i32
    %barrier3A_33 = arith.constant 0 : index
    tpu.barrier barrier_id(%barrier3A_33)
    %mul3A_34 = arith.constant 640 : i32
    %mul3A_35 = arith.muli %arg1, %mul3A_34 : i32
    %add3A_36 = arith.constant 0 : i32
    %add3A_37 = arith.addi %mul3A_35, %add3A_36 : i32
    "tpu.region"() ({
      %run_scoped3A = tpu.sem_alloc : memref<!tpu.dma_semaphore, #tpu.memory_space<semaphore_mem>>
      %dma_start3A = arith.constant 0 : i32
      %dma_start3A_54 = tpu.memref_slice %arg6[%add3A_37, %dma_start3A] : memref<10240x128xf32, #tpu.memory_space<vmem_shared>> -> memref<128x128xf32, #tpu.memory_space<vmem_shared>>
      %dma_start3A_55 = arith.constant 0 : i32
      %dma_start3A_56 = tpu.memref_slice %arg6[%add3A_37, %dma_start3A_55] : memref<10240x128xf32, #tpu.memory_space<vmem_shared>> -> memref<128x128xf32, #tpu.memory_space<vmem_shared>>
      tpu.enqueue_dma source(%dma_start3A_56 : memref<128x128xf32, #tpu.memory_space<vmem_shared>>) target(%arg11 : memref<128x128xf32, #tpu.memory_space<vmem>>) target_semaphore(%run_scoped3A : memref<!tpu.dma_semaphore, #tpu.memory_space<semaphore_mem>>)
      %dma_wait3A = arith.constant 0 : i32
      %dma_wait3A_57 = tpu.memref_slice %arg6[%add3A_37, %dma_wait3A] : memref<10240x128xf32, #tpu.memory_space<vmem_shared>> -> memref<128x128xf32, #tpu.memory_space<vmem_shared>>
      %dma_wait3A_58 = arith.constant 0 : i32
      %dma_wait3A_59 = tpu.memref_slice %arg6[%add3A_37, %dma_wait3A_58] : memref<10240x128xf32, #tpu.memory_space<vmem_shared>> -> memref<128x128xf32, #tpu.memory_space<vmem_shared>>
      tpu.wait_dma2 semaphore(%run_scoped3A : memref<!tpu.dma_semaphore, #tpu.memory_space<semaphore_mem>>) src(%dma_wait3A_59 : memref<128x128xf32, #tpu.memory_space<vmem_shared>>) dst(%arg11 : memref<128x128xf32, #tpu.memory_space<vmem>>)
      tpu.yield
    }) : () -> ()
    "tpu.region"() ({
      %run_scoped3A = tpu.sem_alloc : memref<!tpu.dma_semaphore, #tpu.memory_space<semaphore_mem>>
      %dma_start3A = arith.constant 0 : i32
      %dma_start3A_54 = tpu.memref_slice %arg5[%arg0, %add3A_37, %dma_start3A] : memref<2x10240x128xf32, #tpu.memory_space<hbm>> -> memref<1x128x128xf32, #tpu.memory_space<hbm>>
      %dma_start3A_55 = tpu.memref_squeeze %dma_start3A_54 : memref<1x128x128xf32, #tpu.memory_space<hbm>> -> memref<128x128xf32, #tpu.memory_space<hbm>>
      %dma_start3A_56 = arith.constant 0 : i32
      %dma_start3A_57 = tpu.memref_slice %arg5[%arg0, %add3A_37, %dma_start3A_56] : memref<2x10240x128xf32, #tpu.memory_space<hbm>> -> memref<1x128x128xf32, #tpu.memory_space<hbm>>
      %dma_start3A_58 = tpu.memref_squeeze %dma_start3A_57 : memref<1x128x128xf32, #tpu.memory_space<hbm>> -> memref<128x128xf32, #tpu.memory_space<hbm>>
      tpu.enqueue_dma source(%arg11 : memref<128x128xf32, #tpu.memory_space<vmem>>) target(%dma_start3A_58 : memref<128x128xf32, #tpu.memory_space<hbm>>) target_semaphore(%run_scoped3A : memref<!tpu.dma_semaphore, #tpu.memory_space<semaphore_mem>>)
      %dma_wait3A = arith.constant 0 : i32
      %dma_wait3A_59 = tpu.memref_slice %arg5[%arg0, %add3A_37, %dma_wait3A] : memref<2x10240x128xf32, #tpu.memory_space<hbm>> -> memref<1x128x128xf32, #tpu.memory_space<hbm>>
      %dma_wait3A_60 = tpu.memref_squeeze %dma_wait3A_59 : memref<1x128x128xf32, #tpu.memory_space<hbm>> -> memref<128x128xf32, #tpu.memory_space<hbm>>
      %dma_wait3A_61 = arith.constant 0 : i32
      %dma_wait3A_62 = tpu.memref_slice %arg5[%arg0, %add3A_37, %dma_wait3A_61] : memref<2x10240x128xf32, #tpu.memory_space<hbm>> -> memref<1x128x128xf32, #tpu.memory_space<hbm>>
      %dma_wait3A_63 = tpu.memref_squeeze %dma_wait3A_62 : memref<1x128x128xf32, #tpu.memory_space<hbm>> -> memref<128x128xf32, #tpu.memory_space<hbm>>
      tpu.wait_dma2 semaphore(%run_scoped3A : memref<!tpu.dma_semaphore, #tpu.memory_space<semaphore_mem>>) src(%arg11 : memref<128x128xf32, #tpu.memory_space<vmem>>) dst(%dma_wait3A_63 : memref<128x128xf32, #tpu.memory_space<hbm>>)
      tpu.yield
    }) : () -> ()
    %mul3A_38 = arith.constant 640 : i32
    %mul3A_39 = arith.muli %arg1, %mul3A_38 : i32
    %add3A_40 = arith.constant 128 : i32
    %add3A_41 = arith.addi %mul3A_39, %add3A_40 : i32
    "tpu.region"() ({
      %run_scoped3A = tpu.sem_alloc : memref<!tpu.dma_semaphore, #tpu.memory_space<semaphore_mem>>
      %dma_start3A = arith.constant 0 : i32
      %dma_start3A_54 = tpu.memref_slice %arg6[%add3A_41, %dma_start3A] : memref<10240x128xf32, #tpu.memory_space<vmem_shared>> -> memref<128x128xf32, #tpu.memory_space<vmem_shared>>
      %dma_start3A_55 = arith.constant 0 : i32
      %dma_start3A_56 = tpu.memref_slice %arg6[%add3A_41, %dma_start3A_55] : memref<10240x128xf32, #tpu.memory_space<vmem_shared>> -> memref<128x128xf32, #tpu.memory_space<vmem_shared>>
      tpu.enqueue_dma source(%dma_start3A_56 : memref<128x128xf32, #tpu.memory_space<vmem_shared>>) target(%arg11 : memref<128x128xf32, #tpu.memory_space<vmem>>) target_semaphore(%run_scoped3A : memref<!tpu.dma_semaphore, #tpu.memory_space<semaphore_mem>>)
      %dma_wait3A = arith.constant 0 : i32
      %dma_wait3A_57 = tpu.memref_slice %arg6[%add3A_41, %dma_wait3A] : memref<10240x128xf32, #tpu.memory_space<vmem_shared>> -> memref<128x128xf32, #tpu.memory_space<vmem_shared>>
      %dma_wait3A_58 = arith.constant 0 : i32
      %dma_wait3A_59 = tpu.memref_slice %arg6[%add3A_41, %dma_wait3A_58] : memref<10240x128xf32, #tpu.memory_space<vmem_shared>> -> memref<128x128xf32, #tpu.memory_space<vmem_shared>>
      tpu.wait_dma2 semaphore(%run_scoped3A : memref<!tpu.dma_semaphore, #tpu.memory_space<semaphore_mem>>) src(%dma_wait3A_59 : memref<128x128xf32, #tpu.memory_space<vmem_shared>>) dst(%arg11 : memref<128x128xf32, #tpu.memory_space<vmem>>)
      tpu.yield
    }) : () -> ()
    "tpu.region"() ({
      %run_scoped3A = tpu.sem_alloc : memref<!tpu.dma_semaphore, #tpu.memory_space<semaphore_mem>>
      %dma_start3A = arith.constant 0 : i32
      %dma_start3A_54 = tpu.memref_slice %arg5[%arg0, %add3A_41, %dma_start3A] : memref<2x10240x128xf32, #tpu.memory_space<hbm>> -> memref<1x128x128xf32, #tpu.memory_space<hbm>>
      %dma_start3A_55 = tpu.memref_squeeze %dma_start3A_54 : memref<1x128x128xf32, #tpu.memory_space<hbm>> -> memref<128x128xf32, #tpu.memory_space<hbm>>
      %dma_start3A_56 = arith.constant 0 : i32
      %dma_start3A_57 = tpu.memref_slice %arg5[%arg0, %add3A_41, %dma_start3A_56] : memref<2x10240x128xf32, #tpu.memory_space<hbm>> -> memref<1x128x128xf32, #tpu.memory_space<hbm>>
      %dma_start3A_58 = tpu.memref_squeeze %dma_start3A_57 : memref<1x128x128xf32, #tpu.memory_space<hbm>> -> memref<128x128xf32, #tpu.memory_space<hbm>>
      tpu.enqueue_dma source(%arg11 : memref<128x128xf32, #tpu.memory_space<vmem>>) target(%dma_start3A_58 : memref<128x128xf32, #tpu.memory_space<hbm>>) target_semaphore(%run_scoped3A : memref<!tpu.dma_semaphore, #tpu.memory_space<semaphore_mem>>)
      %dma_wait3A = arith.constant 0 : i32
      %dma_wait3A_59 = tpu.memref_slice %arg5[%arg0, %add3A_41, %dma_wait3A] : memref<2x10240x128xf32, #tpu.memory_space<hbm>> -> memref<1x128x128xf32, #tpu.memory_space<hbm>>
      %dma_wait3A_60 = tpu.memref_squeeze %dma_wait3A_59 : memref<1x128x128xf32, #tpu.memory_space<hbm>> -> memref<128x128xf32, #tpu.memory_space<hbm>>
      %dma_wait3A_61 = arith.constant 0 : i32
      %dma_wait3A_62 = tpu.memref_slice %arg5[%arg0, %add3A_41, %dma_wait3A_61] : memref<2x10240x128xf32, #tpu.memory_space<hbm>> -> memref<1x128x128xf32, #tpu.memory_space<hbm>>
      %dma_wait3A_63 = tpu.memref_squeeze %dma_wait3A_62 : memref<1x128x128xf32, #tpu.memory_space<hbm>> -> memref<128x128xf32, #tpu.memory_space<hbm>>
      tpu.wait_dma2 semaphore(%run_scoped3A : memref<!tpu.dma_semaphore, #tpu.memory_space<semaphore_mem>>) src(%arg11 : memref<128x128xf32, #tpu.memory_space<vmem>>) dst(%dma_wait3A_63 : memref<128x128xf32, #tpu.memory_space<hbm>>)
      tpu.yield
    }) : () -> ()
    %mul3A_42 = arith.constant 640 : i32
    %mul3A_43 = arith.muli %arg1, %mul3A_42 : i32
    %add3A_44 = arith.constant 256 : i32
    %add3A_45 = arith.addi %mul3A_43, %add3A_44 : i32
    "tpu.region"() ({
      %run_scoped3A = tpu.sem_alloc : memref<!tpu.dma_semaphore, #tpu.memory_space<semaphore_mem>>
      %dma_start3A = arith.constant 0 : i32
      %dma_start3A_54 = tpu.memref_slice %arg6[%add3A_45, %dma_start3A] : memref<10240x128xf32, #tpu.memory_space<vmem_shared>> -> memref<128x128xf32, #tpu.memory_space<vmem_shared>>
      %dma_start3A_55 = arith.constant 0 : i32
      %dma_start3A_56 = tpu.memref_slice %arg6[%add3A_45, %dma_start3A_55] : memref<10240x128xf32, #tpu.memory_space<vmem_shared>> -> memref<128x128xf32, #tpu.memory_space<vmem_shared>>
      tpu.enqueue_dma source(%dma_start3A_56 : memref<128x128xf32, #tpu.memory_space<vmem_shared>>) target(%arg11 : memref<128x128xf32, #tpu.memory_space<vmem>>) target_semaphore(%run_scoped3A : memref<!tpu.dma_semaphore, #tpu.memory_space<semaphore_mem>>)
      %dma_wait3A = arith.constant 0 : i32
      %dma_wait3A_57 = tpu.memref_slice %arg6[%add3A_45, %dma_wait3A] : memref<10240x128xf32, #tpu.memory_space<vmem_shared>> -> memref<128x128xf32, #tpu.memory_space<vmem_shared>>
      %dma_wait3A_58 = arith.constant 0 : i32
      %dma_wait3A_59 = tpu.memref_slice %arg6[%add3A_45, %dma_wait3A_58] : memref<10240x128xf32, #tpu.memory_space<vmem_shared>> -> memref<128x128xf32, #tpu.memory_space<vmem_shared>>
      tpu.wait_dma2 semaphore(%run_scoped3A : memref<!tpu.dma_semaphore, #tpu.memory_space<semaphore_mem>>) src(%dma_wait3A_59 : memref<128x128xf32, #tpu.memory_space<vmem_shared>>) dst(%arg11 : memref<128x128xf32, #tpu.memory_space<vmem>>)
      tpu.yield
    }) : () -> ()
    "tpu.region"() ({
      %run_scoped3A = tpu.sem_alloc : memref<!tpu.dma_semaphore, #tpu.memory_space<semaphore_mem>>
      %dma_start3A = arith.constant 0 : i32
      %dma_start3A_54 = tpu.memref_slice %arg5[%arg0, %add3A_45, %dma_start3A] : memref<2x10240x128xf32, #tpu.memory_space<hbm>> -> memref<1x128x128xf32, #tpu.memory_space<hbm>>
      %dma_start3A_55 = tpu.memref_squeeze %dma_start3A_54 : memref<1x128x128xf32, #tpu.memory_space<hbm>> -> memref<128x128xf32, #tpu.memory_space<hbm>>
      %dma_start3A_56 = arith.constant 0 : i32
      %dma_start3A_57 = tpu.memref_slice %arg5[%arg0, %add3A_45, %dma_start3A_56] : memref<2x10240x128xf32, #tpu.memory_space<hbm>> -> memref<1x128x128xf32, #tpu.memory_space<hbm>>
      %dma_start3A_58 = tpu.memref_squeeze %dma_start3A_57 : memref<1x128x128xf32, #tpu.memory_space<hbm>> -> memref<128x128xf32, #tpu.memory_space<hbm>>
      tpu.enqueue_dma source(%arg11 : memref<128x128xf32, #tpu.memory_space<vmem>>) target(%dma_start3A_58 : memref<128x128xf32, #tpu.memory_space<hbm>>) target_semaphore(%run_scoped3A : memref<!tpu.dma_semaphore, #tpu.memory_space<semaphore_mem>>)
      %dma_wait3A = arith.constant 0 : i32
      %dma_wait3A_59 = tpu.memref_slice %arg5[%arg0, %add3A_45, %dma_wait3A] : memref<2x10240x128xf32, #tpu.memory_space<hbm>> -> memref<1x128x128xf32, #tpu.memory_space<hbm>>
      %dma_wait3A_60 = tpu.memref_squeeze %dma_wait3A_59 : memref<1x128x128xf32, #tpu.memory_space<hbm>> -> memref<128x128xf32, #tpu.memory_space<hbm>>
      %dma_wait3A_61 = arith.constant 0 : i32
      %dma_wait3A_62 = tpu.memref_slice %arg5[%arg0, %add3A_45, %dma_wait3A_61] : memref<2x10240x128xf32, #tpu.memory_space<hbm>> -> memref<1x128x128xf32, #tpu.memory_space<hbm>>
      %dma_wait3A_63 = tpu.memref_squeeze %dma_wait3A_62 : memref<1x128x128xf32, #tpu.memory_space<hbm>> -> memref<128x128xf32, #tpu.memory_space<hbm>>
      tpu.wait_dma2 semaphore(%run_scoped3A : memref<!tpu.dma_semaphore, #tpu.memory_space<semaphore_mem>>) src(%arg11 : memref<128x128xf32, #tpu.memory_space<vmem>>) dst(%dma_wait3A_63 : memref<128x128xf32, #tpu.memory_space<hbm>>)
      tpu.yield
    }) : () -> ()
    %mul3A_46 = arith.constant 640 : i32
    %mul3A_47 = arith.muli %arg1, %mul3A_46 : i32
    %add3A_48 = arith.constant 384 : i32
    %add3A_49 = arith.addi %mul3A_47, %add3A_48 : i32
    "tpu.region"() ({
      %run_scoped3A = tpu.sem_alloc : memref<!tpu.dma_semaphore, #tpu.memory_space<semaphore_mem>>
      %dma_start3A = arith.constant 0 : i32
      %dma_start3A_54 = tpu.memref_slice %arg6[%add3A_49, %dma_start3A] : memref<10240x128xf32, #tpu.memory_space<vmem_shared>> -> memref<128x128xf32, #tpu.memory_space<vmem_shared>>
      %dma_start3A_55 = arith.constant 0 : i32
      %dma_start3A_56 = tpu.memref_slice %arg6[%add3A_49, %dma_start3A_55] : memref<10240x128xf32, #tpu.memory_space<vmem_shared>> -> memref<128x128xf32, #tpu.memory_space<vmem_shared>>
      tpu.enqueue_dma source(%dma_start3A_56 : memref<128x128xf32, #tpu.memory_space<vmem_shared>>) target(%arg11 : memref<128x128xf32, #tpu.memory_space<vmem>>) target_semaphore(%run_scoped3A : memref<!tpu.dma_semaphore, #tpu.memory_space<semaphore_mem>>)
      %dma_wait3A = arith.constant 0 : i32
      %dma_wait3A_57 = tpu.memref_slice %arg6[%add3A_49, %dma_wait3A] : memref<10240x128xf32, #tpu.memory_space<vmem_shared>> -> memref<128x128xf32, #tpu.memory_space<vmem_shared>>
      %dma_wait3A_58 = arith.constant 0 : i32
      %dma_wait3A_59 = tpu.memref_slice %arg6[%add3A_49, %dma_wait3A_58] : memref<10240x128xf32, #tpu.memory_space<vmem_shared>> -> memref<128x128xf32, #tpu.memory_space<vmem_shared>>
      tpu.wait_dma2 semaphore(%run_scoped3A : memref<!tpu.dma_semaphore, #tpu.memory_space<semaphore_mem>>) src(%dma_wait3A_59 : memref<128x128xf32, #tpu.memory_space<vmem_shared>>) dst(%arg11 : memref<128x128xf32, #tpu.memory_space<vmem>>)
      tpu.yield
    }) : () -> ()
    "tpu.region"() ({
      %run_scoped3A = tpu.sem_alloc : memref<!tpu.dma_semaphore, #tpu.memory_space<semaphore_mem>>
      %dma_start3A = arith.constant 0 : i32
      %dma_start3A_54 = tpu.memref_slice %arg5[%arg0, %add3A_49, %dma_start3A] : memref<2x10240x128xf32, #tpu.memory_space<hbm>> -> memref<1x128x128xf32, #tpu.memory_space<hbm>>
      %dma_start3A_55 = tpu.memref_squeeze %dma_start3A_54 : memref<1x128x128xf32, #tpu.memory_space<hbm>> -> memref<128x128xf32, #tpu.memory_space<hbm>>
      %dma_start3A_56 = arith.constant 0 : i32
      %dma_start3A_57 = tpu.memref_slice %arg5[%arg0, %add3A_49, %dma_start3A_56] : memref<2x10240x128xf32, #tpu.memory_space<hbm>> -> memref<1x128x128xf32, #tpu.memory_space<hbm>>
      %dma_start3A_58 = tpu.memref_squeeze %dma_start3A_57 : memref<1x128x128xf32, #tpu.memory_space<hbm>> -> memref<128x128xf32, #tpu.memory_space<hbm>>
      tpu.enqueue_dma source(%arg11 : memref<128x128xf32, #tpu.memory_space<vmem>>) target(%dma_start3A_58 : memref<128x128xf32, #tpu.memory_space<hbm>>) target_semaphore(%run_scoped3A : memref<!tpu.dma_semaphore, #tpu.memory_space<semaphore_mem>>)
      %dma_wait3A = arith.constant 0 : i32
      %dma_wait3A_59 = tpu.memref_slice %arg5[%arg0, %add3A_49, %dma_wait3A] : memref<2x10240x128xf32, #tpu.memory_space<hbm>> -> memref<1x128x128xf32, #tpu.memory_space<hbm>>
      %dma_wait3A_60 = tpu.memref_squeeze %dma_wait3A_59 : memref<1x128x128xf32, #tpu.memory_space<hbm>> -> memref<128x128xf32, #tpu.memory_space<hbm>>
      %dma_wait3A_61 = arith.constant 0 : i32
      %dma_wait3A_62 = tpu.memref_slice %arg5[%arg0, %add3A_49, %dma_wait3A_61] : memref<2x10240x128xf32, #tpu.memory_space<hbm>> -> memref<1x128x128xf32, #tpu.memory_space<hbm>>
      %dma_wait3A_63 = tpu.memref_squeeze %dma_wait3A_62 : memref<1x128x128xf32, #tpu.memory_space<hbm>> -> memref<128x128xf32, #tpu.memory_space<hbm>>
      tpu.wait_dma2 semaphore(%run_scoped3A : memref<!tpu.dma_semaphore, #tpu.memory_space<semaphore_mem>>) src(%arg11 : memref<128x128xf32, #tpu.memory_space<vmem>>) dst(%dma_wait3A_63 : memref<128x128xf32, #tpu.memory_space<hbm>>)
      tpu.yield
    }) : () -> ()
    %mul3A_50 = arith.constant 640 : i32
    %mul3A_51 = arith.muli %arg1, %mul3A_50 : i32
    %add3A_52 = arith.constant 512 : i32
    %add3A_53 = arith.addi %mul3A_51, %add3A_52 : i32
    "tpu.region"() ({
      %run_scoped3A = tpu.sem_alloc : memref<!tpu.dma_semaphore, #tpu.memory_space<semaphore_mem>>
      %dma_start3A = arith.constant 0 : i32
      %dma_start3A_54 = tpu.memref_slice %arg6[%add3A_53, %dma_start3A] : memref<10240x128xf32, #tpu.memory_space<vmem_shared>> -> memref<128x128xf32, #tpu.memory_space<vmem_shared>>
      %dma_start3A_55 = arith.constant 0 : i32
      %dma_start3A_56 = tpu.memref_slice %arg6[%add3A_53, %dma_start3A_55] : memref<10240x128xf32, #tpu.memory_space<vmem_shared>> -> memref<128x128xf32, #tpu.memory_space<vmem_shared>>
      tpu.enqueue_dma source(%dma_start3A_56 : memref<128x128xf32, #tpu.memory_space<vmem_shared>>) target(%arg11 : memref<128x128xf32, #tpu.memory_space<vmem>>) target_semaphore(%run_scoped3A : memref<!tpu.dma_semaphore, #tpu.memory_space<semaphore_mem>>)
      %dma_wait3A = arith.constant 0 : i32
      %dma_wait3A_57 = tpu.memref_slice %arg6[%add3A_53, %dma_wait3A] : memref<10240x128xf32, #tpu.memory_space<vmem_shared>> -> memref<128x128xf32, #tpu.memory_space<vmem_shared>>
      %dma_wait3A_58 = arith.constant 0 : i32
      %dma_wait3A_59 = tpu.memref_slice %arg6[%add3A_53, %dma_wait3A_58] : memref<10240x128xf32, #tpu.memory_space<vmem_shared>> -> memref<128x128xf32, #tpu.memory_space<vmem_shared>>
      tpu.wait_dma2 semaphore(%run_scoped3A : memref<!tpu.dma_semaphore, #tpu.memory_space<semaphore_mem>>) src(%dma_wait3A_59 : memref<128x128xf32, #tpu.memory_space<vmem_shared>>) dst(%arg11 : memref<128x128xf32, #tpu.memory_space<vmem>>)
      tpu.yield
    }) : () -> ()
    "tpu.region"() ({
      %run_scoped3A = tpu.sem_alloc : memref<!tpu.dma_semaphore, #tpu.memory_space<semaphore_mem>>
      %dma_start3A = arith.constant 0 : i32
      %dma_start3A_54 = tpu.memref_slice %arg5[%arg0, %add3A_53, %dma_start3A] : memref<2x10240x128xf32, #tpu.memory_space<hbm>> -> memref<1x128x128xf32, #tpu.memory_space<hbm>>
      %dma_start3A_55 = tpu.memref_squeeze %dma_start3A_54 : memref<1x128x128xf32, #tpu.memory_space<hbm>> -> memref<128x128xf32, #tpu.memory_space<hbm>>
      %dma_start3A_56 = arith.constant 0 : i32
      %dma_start3A_57 = tpu.memref_slice %arg5[%arg0, %add3A_53, %dma_start3A_56] : memref<2x10240x128xf32, #tpu.memory_space<hbm>> -> memref<1x128x128xf32, #tpu.memory_space<hbm>>
      %dma_start3A_58 = tpu.memref_squeeze %dma_start3A_57 : memref<1x128x128xf32, #tpu.memory_space<hbm>> -> memref<128x128xf32, #tpu.memory_space<hbm>>
      tpu.enqueue_dma source(%arg11 : memref<128x128xf32, #tpu.memory_space<vmem>>) target(%dma_start3A_58 : memref<128x128xf32, #tpu.memory_space<hbm>>) target_semaphore(%run_scoped3A : memref<!tpu.dma_semaphore, #tpu.memory_space<semaphore_mem>>)
      %dma_wait3A = arith.constant 0 : i32
      %dma_wait3A_59 = tpu.memref_slice %arg5[%arg0, %add3A_53, %dma_wait3A] : memref<2x10240x128xf32, #tpu.memory_space<hbm>> -> memref<1x128x128xf32, #tpu.memory_space<hbm>>
      %dma_wait3A_60 = tpu.memref_squeeze %dma_wait3A_59 : memref<1x128x128xf32, #tpu.memory_space<hbm>> -> memref<128x128xf32, #tpu.memory_space<hbm>>
      %dma_wait3A_61 = arith.constant 0 : i32
      %dma_wait3A_62 = tpu.memref_slice %arg5[%arg0, %add3A_53, %dma_wait3A_61] : memref<2x10240x128xf32, #tpu.memory_space<hbm>> -> memref<1x128x128xf32, #tpu.memory_space<hbm>>
      %dma_wait3A_63 = tpu.memref_squeeze %dma_wait3A_62 : memref<1x128x128xf32, #tpu.memory_space<hbm>> -> memref<128x128xf32, #tpu.memory_space<hbm>>
      tpu.wait_dma2 semaphore(%run_scoped3A : memref<!tpu.dma_semaphore, #tpu.memory_space<semaphore_mem>>) src(%arg11 : memref<128x128xf32, #tpu.memory_space<vmem>>) dst(%dma_wait3A_63 : memref<128x128xf32, #tpu.memory_space<hbm>>)
      tpu.yield
    }) : () -> ()
    return
  }
}

#map = affine_map<(d0, d1) -> (0, 0)>
#map1 = affine_map<(d0, d1) -> (0)>
#map2 = affine_map<(d0, d1) -> (0, 0, 0)>
module attributes {stable_mosaic.version = 14 : i64} {
  func.func @body(%arg0: i32, %arg1: i32, %arg2: memref<20480x128xf32, #tpu.memory_space<hbm>>, %arg3: memref<320000xi32, #tpu.memory_space<hbm>>, %arg4: memref<320000xi32, #tpu.memory_space<hbm>>, %arg5: memref<2x10240x128xf32, #tpu.memory_space<hbm>>, %arg6: memref<10240x128xf32, #tpu.memory_space<vmem_shared>>, %arg7: memref<80xi32, #tpu.memory_space<vmem>>, %arg8: memref<80xi32, #tpu.memory_space<vmem>>, %arg9: memref<80xi32, #tpu.memory_space<vmem>>, %arg10: memref<80x128xf32, #tpu.memory_space<vmem>>, %arg11: memref<128x128xf32, #tpu.memory_space<vmem>>, %arg12: memref<!tpu.dma_semaphore, #tpu.memory_space<semaphore_mem>>) attributes {dimension_semantics = [#tpu.dimension_semantics<core_parallel>, #tpu.dimension_semantics<subcore_parallel>], iteration_bounds = array<i64: 2, 16>, scalar_prefetch = 0 : i64, scratch_operands = 7 : i64, tpu.core_type = #tpu.core_type<sc_vector_subcore>, window_params = [{transform_indices = #map}, {transform_indices = #map1}, {transform_indices = #map1}, {transform_indices = #map2}]} {
    %scan3A = arith.constant 0 : i32
    %scan3A_0 = arith.constant 0 : i32
    %scan3A_1 = arith.constant 128 : i32
    %scan3A_2 = arith.addi %scan3A_0, %scan3A_1 : i32
    %scan3A_3 = arith.constant 1 : i32
    scf.for %scan3A_54 = %scan3A_0 to %scan3A_2 step %scan3A_3  : i32 {
      %broadcast_in_dim3A = arith.constant 0.000000e+00 : f32
      %broadcast_in_dim3A_55 = vector.broadcast %broadcast_in_dim3A : f32 to vector<16xf32>
      %swap3A = arith.index_cast %scan3A_54 : i32 to index
      %swap3A_56 = arith.constant 0 : index
      %swap3A_57 = tpu.vector_load %arg11[%swap3A, %swap3A_56] {strides = array<i32>} : memref<128x128xf32, #tpu.memory_space<vmem>>, vector<1x16xf32>,
      %swap3A_58 = vector.shape_cast %swap3A_57 : vector<1x16xf32> to vector<16xf32>
      %swap3A_59 = vector.shape_cast %broadcast_in_dim3A_55 : vector<16xf32> to vector<1x16xf32>
      tpu.vector_store %arg11[%swap3A, %swap3A_56], %swap3A_59 {strides = array<i32>} : memref<128x128xf32, #tpu.memory_space<vmem>>, vector<1x16xf32>,
      %broadcast_in_dim3A_60 = arith.constant 0.000000e+00 : f32
      %broadcast_in_dim3A_61 = vector.broadcast %broadcast_in_dim3A_60 : f32 to vector<16xf32>
      %swap3A_62 = arith.index_cast %scan3A_54 : i32 to index
      %swap3A_63 = arith.constant 16 : index
      %swap3A_64 = tpu.vector_load %arg11[%swap3A_62, %swap3A_63] {strides = array<i32>} : memref<128x128xf32, #tpu.memory_space<vmem>>, vector<1x16xf32>,
      %swap3A_65 = vector.shape_cast %swap3A_64 : vector<1x16xf32> to vector<16xf32>
      %swap3A_66 = vector.shape_cast %broadcast_in_dim3A_61 : vector<16xf32> to vector<1x16xf32>
      tpu.vector_store %arg11[%swap3A_62, %swap3A_63], %swap3A_66 {strides = array<i32>} : memref<128x128xf32, #tpu.memory_space<vmem>>, vector<1x16xf32>,
      %broadcast_in_dim3A_67 = arith.constant 0.000000e+00 : f32
      %broadcast_in_dim3A_68 = vector.broadcast %broadcast_in_dim3A_67 : f32 to vector<16xf32>
      %swap3A_69 = arith.index_cast %scan3A_54 : i32 to index
      %swap3A_70 = arith.constant 32 : index
      %swap3A_71 = tpu.vector_load %arg11[%swap3A_69, %swap3A_70] {strides = array<i32>} : memref<128x128xf32, #tpu.memory_space<vmem>>, vector<1x16xf32>,
      %swap3A_72 = vector.shape_cast %swap3A_71 : vector<1x16xf32> to vector<16xf32>
      %swap3A_73 = vector.shape_cast %broadcast_in_dim3A_68 : vector<16xf32> to vector<1x16xf32>
      tpu.vector_store %arg11[%swap3A_69, %swap3A_70], %swap3A_73 {strides = array<i32>} : memref<128x128xf32, #tpu.memory_space<vmem>>, vector<1x16xf32>,
      %broadcast_in_dim3A_74 = arith.constant 0.000000e+00 : f32
      %broadcast_in_dim3A_75 = vector.broadcast %broadcast_in_dim3A_74 : f32 to vector<16xf32>
      %swap3A_76 = arith.index_cast %scan3A_54 : i32 to index
      %swap3A_77 = arith.constant 48 : index
      %swap3A_78 = tpu.vector_load %arg11[%swap3A_76, %swap3A_77] {strides = array<i32>} : memref<128x128xf32, #tpu.memory_space<vmem>>, vector<1x16xf32>,
      %swap3A_79 = vector.shape_cast %swap3A_78 : vector<1x16xf32> to vector<16xf32>
      %swap3A_80 = vector.shape_cast %broadcast_in_dim3A_75 : vector<16xf32> to vector<1x16xf32>
      tpu.vector_store %arg11[%swap3A_76, %swap3A_77], %swap3A_80 {strides = array<i32>} : memref<128x128xf32, #tpu.memory_space<vmem>>, vector<1x16xf32>,
      %broadcast_in_dim3A_81 = arith.constant 0.000000e+00 : f32
      %broadcast_in_dim3A_82 = vector.broadcast %broadcast_in_dim3A_81 : f32 to vector<16xf32>
      %swap3A_83 = arith.index_cast %scan3A_54 : i32 to index
      %swap3A_84 = arith.constant 64 : index
      %swap3A_85 = tpu.vector_load %arg11[%swap3A_83, %swap3A_84] {strides = array<i32>} : memref<128x128xf32, #tpu.memory_space<vmem>>, vector<1x16xf32>,
      %swap3A_86 = vector.shape_cast %swap3A_85 : vector<1x16xf32> to vector<16xf32>
      %swap3A_87 = vector.shape_cast %broadcast_in_dim3A_82 : vector<16xf32> to vector<1x16xf32>
      tpu.vector_store %arg11[%swap3A_83, %swap3A_84], %swap3A_87 {strides = array<i32>} : memref<128x128xf32, #tpu.memory_space<vmem>>, vector<1x16xf32>,
      %broadcast_in_dim3A_88 = arith.constant 0.000000e+00 : f32
      %broadcast_in_dim3A_89 = vector.broadcast %broadcast_in_dim3A_88 : f32 to vector<16xf32>
      %swap3A_90 = arith.index_cast %scan3A_54 : i32 to index
      %swap3A_91 = arith.constant 80 : index
      %swap3A_92 = tpu.vector_load %arg11[%swap3A_90, %swap3A_91] {strides = array<i32>} : memref<128x128xf32, #tpu.memory_space<vmem>>, vector<1x16xf32>,
      %swap3A_93 = vector.shape_cast %swap3A_92 : vector<1x16xf32> to vector<16xf32>
      %swap3A_94 = vector.shape_cast %broadcast_in_dim3A_89 : vector<16xf32> to vector<1x16xf32>
      tpu.vector_store %arg11[%swap3A_90, %swap3A_91], %swap3A_94 {strides = array<i32>} : memref<128x128xf32, #tpu.memory_space<vmem>>, vector<1x16xf32>,
      %broadcast_in_dim3A_95 = arith.constant 0.000000e+00 : f32
      %broadcast_in_dim3A_96 = vector.broadcast %broadcast_in_dim3A_95 : f32 to vector<16xf32>
      %swap3A_97 = arith.index_cast %scan3A_54 : i32 to index
      %swap3A_98 = arith.constant 96 : index
      %swap3A_99 = tpu.vector_load %arg11[%swap3A_97, %swap3A_98] {strides = array<i32>} : memref<128x128xf32, #tpu.memory_space<vmem>>, vector<1x16xf32>,
      %swap3A_100 = vector.shape_cast %swap3A_99 : vector<1x16xf32> to vector<16xf32>
      %swap3A_101 = vector.shape_cast %broadcast_in_dim3A_96 : vector<16xf32> to vector<1x16xf32>
      tpu.vector_store %arg11[%swap3A_97, %swap3A_98], %swap3A_101 {strides = array<i32>} : memref<128x128xf32, #tpu.memory_space<vmem>>, vector<1x16xf32>,
      %broadcast_in_dim3A_102 = arith.constant 0.000000e+00 : f32
      %broadcast_in_dim3A_103 = vector.broadcast %broadcast_in_dim3A_102 : f32 to vector<16xf32>
      %swap3A_104 = arith.index_cast %scan3A_54 : i32 to index
      %swap3A_105 = arith.constant 112 : index
      %swap3A_106 = tpu.vector_load %arg11[%swap3A_104, %swap3A_105] {strides = array<i32>} : memref<128x128xf32, #tpu.memory_space<vmem>>, vector<1x16xf32>,
      %swap3A_107 = vector.shape_cast %swap3A_106 : vector<1x16xf32> to vector<16xf32>
      %swap3A_108 = vector.shape_cast %broadcast_in_dim3A_103 : vector<16xf32> to vector<1x16xf32>
      tpu.vector_store %arg11[%swap3A_104, %swap3A_105], %swap3A_108 {strides = array<i32>} : memref<128x128xf32, #tpu.memory_space<vmem>>, vector<1x16xf32>,
    }
    %scan3A_4 = arith.constant 128 : i32
    %mul3A = arith.constant 640 : i32
    %mul3A_5 = arith.muli %arg1, %mul3A : i32
    %add3A = arith.constant 0 : i32
    %add3A_6 = arith.addi %mul3A_5, %add3A : i32
    "tpu.region"() ({
      %run_scoped3A = tpu.sem_alloc : memref<!tpu.dma_semaphore, #tpu.memory_space<semaphore_mem>>
      %dma_start3A = arith.constant 0 : i32
      %dma_start3A_54 = tpu.memref_slice %arg6[%add3A_6, %dma_start3A] : memref<10240x128xf32, #tpu.memory_space<vmem_shared>> -> memref<128x128xf32, #tpu.memory_space<vmem_shared>>
      %dma_start3A_55 = arith.constant 0 : i32
      %dma_start3A_56 = tpu.memref_slice %arg6[%add3A_6, %dma_start3A_55] : memref<10240x128xf32, #tpu.memory_space<vmem_shared>> -> memref<128x128xf32, #tpu.memory_space<vmem_shared>>
      tpu.enqueue_dma source(%arg11 : memref<128x128xf32, #tpu.memory_space<vmem>>) target(%dma_start3A_56 : memref<128x128xf32, #tpu.memory_space<vmem_shared>>) target_semaphore(%run_scoped3A : memref<!tpu.dma_semaphore, #tpu.memory_space<semaphore_mem>>)
      %dma_wait3A = arith.constant 0 : i32
      %dma_wait3A_57 = tpu.memref_slice %arg6[%add3A_6, %dma_wait3A] : memref<10240x128xf32, #tpu.memory_space<vmem_shared>> -> memref<128x128xf32, #tpu.memory_space<vmem_shared>>
      %dma_wait3A_58 = arith.constant 0 : i32
      %dma_wait3A_59 = tpu.memref_slice %arg6[%add3A_6, %dma_wait3A_58] : memref<10240x128xf32, #tpu.memory_space<vmem_shared>> -> memref<128x128xf32, #tpu.memory_space<vmem_shared>>
      tpu.wait_dma2 semaphore(%run_scoped3A : memref<!tpu.dma_semaphore, #tpu.memory_space<semaphore_mem>>) src(%arg11 : memref<128x128xf32, #tpu.memory_space<vmem>>) dst(%dma_wait3A_59 : memref<128x128xf32, #tpu.memory_space<vmem_shared>>)
      tpu.yield
    }) : () -> ()
    %mul3A_7 = arith.constant 640 : i32
    %mul3A_8 = arith.muli %arg1, %mul3A_7 : i32
    %add3A_9 = arith.constant 128 : i32
    %add3A_10 = arith.addi %mul3A_8, %add3A_9 : i32
    "tpu.region"() ({
      %run_scoped3A = tpu.sem_alloc : memref<!tpu.dma_semaphore, #tpu.memory_space<semaphore_mem>>
      %dma_start3A = arith.constant 0 : i32
      %dma_start3A_54 = tpu.memref_slice %arg6[%add3A_10, %dma_start3A] : memref<10240x128xf32, #tpu.memory_space<vmem_shared>> -> memref<128x128xf32, #tpu.memory_space<vmem_shared>>
      %dma_start3A_55 = arith.constant 0 : i32
      %dma_start3A_56 = tpu.memref_slice %arg6[%add3A_10, %dma_start3A_55] : memref<10240x128xf32, #tpu.memory_space<vmem_shared>> -> memref<128x128xf32, #tpu.memory_space<vmem_shared>>
      tpu.enqueue_dma source(%arg11 : memref<128x128xf32, #tpu.memory_space<vmem>>) target(%dma_start3A_56 : memref<128x128xf32, #tpu.memory_space<vmem_shared>>) target_semaphore(%run_scoped3A : memref<!tpu.dma_semaphore, #tpu.memory_space<semaphore_mem>>)
      %dma_wait3A = arith.constant 0 : i32
      %dma_wait3A_57 = tpu.memref_slice %arg6[%add3A_10, %dma_wait3A] : memref<10240x128xf32, #tpu.memory_space<vmem_shared>> -> memref<128x128xf32, #tpu.memory_space<vmem_shared>>
      %dma_wait3A_58 = arith.constant 0 : i32
      %dma_wait3A_59 = tpu.memref_slice %arg6[%add3A_10, %dma_wait3A_58] : memref<10240x128xf32, #tpu.memory_space<vmem_shared>> -> memref<128x128xf32, #tpu.memory_space<vmem_shared>>
      tpu.wait_dma2 semaphore(%run_scoped3A : memref<!tpu.dma_semaphore, #tpu.memory_space<semaphore_mem>>) src(%arg11 : memref<128x128xf32, #tpu.memory_space<vmem>>) dst(%dma_wait3A_59 : memref<128x128xf32, #tpu.memory_space<vmem_shared>>)
      tpu.yield
    }) : () -> ()
    %mul3A_11 = arith.constant 640 : i32
    %mul3A_12 = arith.muli %arg1, %mul3A_11 : i32
    %add3A_13 = arith.constant 256 : i32
    %add3A_14 = arith.addi %mul3A_12, %add3A_13 : i32
    "tpu.region"() ({
      %run_scoped3A = tpu.sem_alloc : memref<!tpu.dma_semaphore, #tpu.memory_space<semaphore_mem>>
      %dma_start3A = arith.constant 0 : i32
      %dma_start3A_54 = tpu.memref_slice %arg6[%add3A_14, %dma_start3A] : memref<10240x128xf32, #tpu.memory_space<vmem_shared>> -> memref<128x128xf32, #tpu.memory_space<vmem_shared>>
      %dma_start3A_55 = arith.constant 0 : i32
      %dma_start3A_56 = tpu.memref_slice %arg6[%add3A_14, %dma_start3A_55] : memref<10240x128xf32, #tpu.memory_space<vmem_shared>> -> memref<128x128xf32, #tpu.memory_space<vmem_shared>>
      tpu.enqueue_dma source(%arg11 : memref<128x128xf32, #tpu.memory_space<vmem>>) target(%dma_start3A_56 : memref<128x128xf32, #tpu.memory_space<vmem_shared>>) target_semaphore(%run_scoped3A : memref<!tpu.dma_semaphore, #tpu.memory_space<semaphore_mem>>)
      %dma_wait3A = arith.constant 0 : i32
      %dma_wait3A_57 = tpu.memref_slice %arg6[%add3A_14, %dma_wait3A] : memref<10240x128xf32, #tpu.memory_space<vmem_shared>> -> memref<128x128xf32, #tpu.memory_space<vmem_shared>>
      %dma_wait3A_58 = arith.constant 0 : i32
      %dma_wait3A_59 = tpu.memref_slice %arg6[%add3A_14, %dma_wait3A_58] : memref<10240x128xf32, #tpu.memory_space<vmem_shared>> -> memref<128x128xf32, #tpu.memory_space<vmem_shared>>
      tpu.wait_dma2 semaphore(%run_scoped3A : memref<!tpu.dma_semaphore, #tpu.memory_space<semaphore_mem>>) src(%arg11 : memref<128x128xf32, #tpu.memory_space<vmem>>) dst(%dma_wait3A_59 : memref<128x128xf32, #tpu.memory_space<vmem_shared>>)
      tpu.yield
    }) : () -> ()
    %mul3A_15 = arith.constant 640 : i32
    %mul3A_16 = arith.muli %arg1, %mul3A_15 : i32
    %add3A_17 = arith.constant 384 : i32
    %add3A_18 = arith.addi %mul3A_16, %add3A_17 : i32
    "tpu.region"() ({
      %run_scoped3A = tpu.sem_alloc : memref<!tpu.dma_semaphore, #tpu.memory_space<semaphore_mem>>
      %dma_start3A = arith.constant 0 : i32
      %dma_start3A_54 = tpu.memref_slice %arg6[%add3A_18, %dma_start3A] : memref<10240x128xf32, #tpu.memory_space<vmem_shared>> -> memref<128x128xf32, #tpu.memory_space<vmem_shared>>
      %dma_start3A_55 = arith.constant 0 : i32
      %dma_start3A_56 = tpu.memref_slice %arg6[%add3A_18, %dma_start3A_55] : memref<10240x128xf32, #tpu.memory_space<vmem_shared>> -> memref<128x128xf32, #tpu.memory_space<vmem_shared>>
      tpu.enqueue_dma source(%arg11 : memref<128x128xf32, #tpu.memory_space<vmem>>) target(%dma_start3A_56 : memref<128x128xf32, #tpu.memory_space<vmem_shared>>) target_semaphore(%run_scoped3A : memref<!tpu.dma_semaphore, #tpu.memory_space<semaphore_mem>>)
      %dma_wait3A = arith.constant 0 : i32
      %dma_wait3A_57 = tpu.memref_slice %arg6[%add3A_18, %dma_wait3A] : memref<10240x128xf32, #tpu.memory_space<vmem_shared>> -> memref<128x128xf32, #tpu.memory_space<vmem_shared>>
      %dma_wait3A_58 = arith.constant 0 : i32
      %dma_wait3A_59 = tpu.memref_slice %arg6[%add3A_18, %dma_wait3A_58] : memref<10240x128xf32, #tpu.memory_space<vmem_shared>> -> memref<128x128xf32, #tpu.memory_space<vmem_shared>>
      tpu.wait_dma2 semaphore(%run_scoped3A : memref<!tpu.dma_semaphore, #tpu.memory_space<semaphore_mem>>) src(%arg11 : memref<128x128xf32, #tpu.memory_space<vmem>>) dst(%dma_wait3A_59 : memref<128x128xf32, #tpu.memory_space<vmem_shared>>)
      tpu.yield
    }) : () -> ()
    %mul3A_19 = arith.constant 640 : i32
    %mul3A_20 = arith.muli %arg1, %mul3A_19 : i32
    %add3A_21 = arith.constant 512 : i32
    %add3A_22 = arith.addi %mul3A_20, %add3A_21 : i32
    "tpu.region"() ({
      %run_scoped3A = tpu.sem_alloc : memref<!tpu.dma_semaphore, #tpu.memory_space<semaphore_mem>>
      %dma_start3A = arith.constant 0 : i32
      %dma_start3A_54 = tpu.memref_slice %arg6[%add3A_22, %dma_start3A] : memref<10240x128xf32, #tpu.memory_space<vmem_shared>> -> memref<128x128xf32, #tpu.memory_space<vmem_shared>>
      %dma_start3A_55 = arith.constant 0 : i32
      %dma_start3A_56 = tpu.memref_slice %arg6[%add3A_22, %dma_start3A_55] : memref<10240x128xf32, #tpu.memory_space<vmem_shared>> -> memref<128x128xf32, #tpu.memory_space<vmem_shared>>
      tpu.enqueue_dma source(%arg11 : memref<128x128xf32, #tpu.memory_space<vmem>>) target(%dma_start3A_56 : memref<128x128xf32, #tpu.memory_space<vmem_shared>>) target_semaphore(%run_scoped3A : memref<!tpu.dma_semaphore, #tpu.memory_space<semaphore_mem>>)
      %dma_wait3A = arith.constant 0 : i32
      %dma_wait3A_57 = tpu.memref_slice %arg6[%add3A_22, %dma_wait3A] : memref<10240x128xf32, #tpu.memory_space<vmem_shared>> -> memref<128x128xf32, #tpu.memory_space<vmem_shared>>
      %dma_wait3A_58 = arith.constant 0 : i32
      %dma_wait3A_59 = tpu.memref_slice %arg6[%add3A_22, %dma_wait3A_58] : memref<10240x128xf32, #tpu.memory_space<vmem_shared>> -> memref<128x128xf32, #tpu.memory_space<vmem_shared>>
      tpu.wait_dma2 semaphore(%run_scoped3A : memref<!tpu.dma_semaphore, #tpu.memory_space<semaphore_mem>>) src(%arg11 : memref<128x128xf32, #tpu.memory_space<vmem>>) dst(%dma_wait3A_59 : memref<128x128xf32, #tpu.memory_space<vmem_shared>>)
      tpu.yield
    }) : () -> ()
    %barrier3A = arith.constant 0 : index
    tpu.barrier barrier_id(%barrier3A)
    %mul3A_23 = arith.constant 20000 : i32
    %mul3A_24 = arith.muli %arg1, %mul3A_23 : i32
    %mul3A_25 = arith.constant 10240 : i32
    %mul3A_26 = arith.muli %arg0, %mul3A_25 : i32
    %scan3A_27 = arith.constant 0 : i32
    %scan3A_28 = arith.constant 0 : i32
    %scan3A_29 = arith.constant 250 : i32
    %scan3A_30 = arith.addi %scan3A_28, %scan3A_29 : i32
    %scan3A_31 = arith.constant 1 : i32
    scf.for %scan3A_54 = %scan3A_28 to %scan3A_30 step %scan3A_31  : i32 {
      %mul3A_55 = arith.constant 80 : i32
      %mul3A_56 = arith.muli %scan3A_54, %mul3A_55 : i32
      %add3A_57 = arith.addi %mul3A_24, %mul3A_56 : i32
      "tpu.region"() ({
        %run_scoped3A = tpu.sem_alloc : memref<!tpu.dma_semaphore, #tpu.memory_space<semaphore_mem>>
        %dma_start3A_105 = tpu.memref_slice %arg3[%add3A_57] : memref<320000xi32, #tpu.memory_space<hbm>> -> memref<80xi32, #tpu.memory_space<hbm>>
        %dma_start3A_106 = tpu.memref_slice %arg3[%add3A_57] : memref<320000xi32, #tpu.memory_space<hbm>> -> memref<80xi32, #tpu.memory_space<hbm>>
        tpu.enqueue_dma source(%dma_start3A_106 : memref<80xi32, #tpu.memory_space<hbm>>) target(%arg7 : memref<80xi32, #tpu.memory_space<vmem>>) target_semaphore(%run_scoped3A : memref<!tpu.dma_semaphore, #tpu.memory_space<semaphore_mem>>)
        %dma_wait3A_107 = tpu.memref_slice %arg3[%add3A_57] : memref<320000xi32, #tpu.memory_space<hbm>> -> memref<80xi32, #tpu.memory_space<hbm>>
        %dma_wait3A_108 = tpu.memref_slice %arg3[%add3A_57] : memref<320000xi32, #tpu.memory_space<hbm>> -> memref<80xi32, #tpu.memory_space<hbm>>
        tpu.wait_dma2 semaphore(%run_scoped3A : memref<!tpu.dma_semaphore, #tpu.memory_space<semaphore_mem>>) src(%dma_wait3A_108 : memref<80xi32, #tpu.memory_space<hbm>>) dst(%arg7 : memref<80xi32, #tpu.memory_space<vmem>>)
        tpu.yield
      }) : () -> ()
      %get3A = arith.constant 0 : index
      %get3A_58 = tpu.vector_load %arg7[%get3A] {strides = array<i32>} : memref<80xi32, #tpu.memory_space<vmem>>, vector<16xi32>,
      %get3A_59 = vector.shape_cast %get3A_58 : vector<16xi32> to vector<16xi32>
      %add3A_60 = vector.broadcast %mul3A_26 : i32 to vector<16xi32>
      %add3A_61 = arith.addi %get3A_59, %add3A_60 : vector<16xi32>
      %swap3A = arith.constant 0 : index
      %swap3A_62 = tpu.vector_load %arg8[%swap3A] {strides = array<i32>} : memref<80xi32, #tpu.memory_space<vmem>>, vector<16xi32>,
      %swap3A_63 = vector.shape_cast %swap3A_62 : vector<16xi32> to vector<16xi32>
      %swap3A_64 = vector.shape_cast %add3A_61 : vector<16xi32> to vector<16xi32>
      tpu.vector_store %arg8[%swap3A], %swap3A_64 {strides = array<i32>} : memref<80xi32, #tpu.memory_space<vmem>>, vector<16xi32>,
      %get3A_65 = arith.constant 16 : index
      %get3A_66 = tpu.vector_load %arg7[%get3A_65] {strides = array<i32>} : memref<80xi32, #tpu.memory_space<vmem>>, vector<16xi32>,
      %get3A_67 = vector.shape_cast %get3A_66 : vector<16xi32> to vector<16xi32>
      %add3A_68 = vector.broadcast %mul3A_26 : i32 to vector<16xi32>
      %add3A_69 = arith.addi %get3A_67, %add3A_68 : vector<16xi32>
      %swap3A_70 = arith.constant 16 : index
      %swap3A_71 = tpu.vector_load %arg8[%swap3A_70] {strides = array<i32>} : memref<80xi32, #tpu.memory_space<vmem>>, vector<16xi32>,
      %swap3A_72 = vector.shape_cast %swap3A_71 : vector<16xi32> to vector<16xi32>
      %swap3A_73 = vector.shape_cast %add3A_69 : vector<16xi32> to vector<16xi32>
      tpu.vector_store %arg8[%swap3A_70], %swap3A_73 {strides = array<i32>} : memref<80xi32, #tpu.memory_space<vmem>>, vector<16xi32>,
      %get3A_74 = arith.constant 32 : index
      %get3A_75 = tpu.vector_load %arg7[%get3A_74] {strides = array<i32>} : memref<80xi32, #tpu.memory_space<vmem>>, vector<16xi32>,
      %get3A_76 = vector.shape_cast %get3A_75 : vector<16xi32> to vector<16xi32>
      %add3A_77 = vector.broadcast %mul3A_26 : i32 to vector<16xi32>
      %add3A_78 = arith.addi %get3A_76, %add3A_77 : vector<16xi32>
      %swap3A_79 = arith.constant 32 : index
      %swap3A_80 = tpu.vector_load %arg8[%swap3A_79] {strides = array<i32>} : memref<80xi32, #tpu.memory_space<vmem>>, vector<16xi32>,
      %swap3A_81 = vector.shape_cast %swap3A_80 : vector<16xi32> to vector<16xi32>
      %swap3A_82 = vector.shape_cast %add3A_78 : vector<16xi32> to vector<16xi32>
      tpu.vector_store %arg8[%swap3A_79], %swap3A_82 {strides = array<i32>} : memref<80xi32, #tpu.memory_space<vmem>>, vector<16xi32>,
      %get3A_83 = arith.constant 48 : index
      %get3A_84 = tpu.vector_load %arg7[%get3A_83] {strides = array<i32>} : memref<80xi32, #tpu.memory_space<vmem>>, vector<16xi32>,
      %get3A_85 = vector.shape_cast %get3A_84 : vector<16xi32> to vector<16xi32>
      %add3A_86 = vector.broadcast %mul3A_26 : i32 to vector<16xi32>
      %add3A_87 = arith.addi %get3A_85, %add3A_86 : vector<16xi32>
      %swap3A_88 = arith.constant 48 : index
      %swap3A_89 = tpu.vector_load %arg8[%swap3A_88] {strides = array<i32>} : memref<80xi32, #tpu.memory_space<vmem>>, vector<16xi32>,
      %swap3A_90 = vector.shape_cast %swap3A_89 : vector<16xi32> to vector<16xi32>
      %swap3A_91 = vector.shape_cast %add3A_87 : vector<16xi32> to vector<16xi32>
      tpu.vector_store %arg8[%swap3A_88], %swap3A_91 {strides = array<i32>} : memref<80xi32, #tpu.memory_space<vmem>>, vector<16xi32>,
      %get3A_92 = arith.constant 64 : index
      %get3A_93 = tpu.vector_load %arg7[%get3A_92] {strides = array<i32>} : memref<80xi32, #tpu.memory_space<vmem>>, vector<16xi32>,
      %get3A_94 = vector.shape_cast %get3A_93 : vector<16xi32> to vector<16xi32>
      %add3A_95 = vector.broadcast %mul3A_26 : i32 to vector<16xi32>
      %add3A_96 = arith.addi %get3A_94, %add3A_95 : vector<16xi32>
      %swap3A_97 = arith.constant 64 : index
      %swap3A_98 = tpu.vector_load %arg8[%swap3A_97] {strides = array<i32>} : memref<80xi32, #tpu.memory_space<vmem>>, vector<16xi32>,
      %swap3A_99 = vector.shape_cast %swap3A_98 : vector<16xi32> to vector<16xi32>
      %swap3A_100 = vector.shape_cast %add3A_96 : vector<16xi32> to vector<16xi32>
      tpu.vector_store %arg8[%swap3A_97], %swap3A_100 {strides = array<i32>} : memref<80xi32, #tpu.memory_space<vmem>>, vector<16xi32>,
      %dma_start3A = arith.constant 0 : i32
      %dma_start3A_101 = arith.constant 0 : i32
      %dma_start3A_102 = tpu.memref_slice %arg2[%dma_start3A, %dma_start3A_101] : memref<20480x128xf32, #tpu.memory_space<hbm>> -> memref<20480x128xf32, #tpu.memory_space<hbm>>
      tpu.enqueue_indirect_dma source(%dma_start3A_102 : memref<20480x128xf32, #tpu.memory_space<hbm>>) target(%arg10 : memref<80x128xf32, #tpu.memory_space<vmem>>) offsets(%arg8 : memref<80xi32, #tpu.memory_space<vmem>>) semaphore(%arg12 : memref<!tpu.dma_semaphore, #tpu.memory_space<semaphore_mem>>)
      "tpu.region"() ({
        %run_scoped3A = tpu.sem_alloc : memref<!tpu.dma_semaphore, #tpu.memory_space<semaphore_mem>>
        %dma_start3A_105 = tpu.memref_slice %arg4[%add3A_57] : memref<320000xi32, #tpu.memory_space<hbm>> -> memref<80xi32, #tpu.memory_space<hbm>>
        %dma_start3A_106 = tpu.memref_slice %arg4[%add3A_57] : memref<320000xi32, #tpu.memory_space<hbm>> -> memref<80xi32, #tpu.memory_space<hbm>>
        tpu.enqueue_dma source(%dma_start3A_106 : memref<80xi32, #tpu.memory_space<hbm>>) target(%arg9 : memref<80xi32, #tpu.memory_space<vmem>>) target_semaphore(%run_scoped3A : memref<!tpu.dma_semaphore, #tpu.memory_space<semaphore_mem>>)
        %dma_wait3A_107 = tpu.memref_slice %arg4[%add3A_57] : memref<320000xi32, #tpu.memory_space<hbm>> -> memref<80xi32, #tpu.memory_space<hbm>>
        %dma_wait3A_108 = tpu.memref_slice %arg4[%add3A_57] : memref<320000xi32, #tpu.memory_space<hbm>> -> memref<80xi32, #tpu.memory_space<hbm>>
        tpu.wait_dma2 semaphore(%run_scoped3A : memref<!tpu.dma_semaphore, #tpu.memory_space<semaphore_mem>>) src(%dma_wait3A_108 : memref<80xi32, #tpu.memory_space<hbm>>) dst(%arg9 : memref<80xi32, #tpu.memory_space<vmem>>)
        tpu.yield
      }) : () -> ()
      %dma_wait3A = arith.constant 0 : i32
      %dma_wait3A_103 = arith.constant 0 : i32
      %dma_wait3A_104 = tpu.memref_slice %arg2[%dma_wait3A, %dma_wait3A_103] : memref<20480x128xf32, #tpu.memory_space<hbm>> -> memref<20480x128xf32, #tpu.memory_space<hbm>>
      tpu.wait_indirect_dma semaphore(%arg12 : memref<!tpu.dma_semaphore, #tpu.memory_space<semaphore_mem>>) src(%dma_wait3A_104 : memref<20480x128xf32, #tpu.memory_space<hbm>>) dst(%arg10 : memref<80x128xf32, #tpu.memory_space<vmem>>)
      "tpu.region"() ({
        %run_scoped3A = tpu.sem_alloc : memref<!tpu.dma_semaphore, #tpu.memory_space<semaphore_mem>>
        %dma_start3A_105 = arith.constant 0 : i32
        %dma_start3A_106 = arith.constant 0 : i32
        %dma_start3A_107 = tpu.memref_slice %arg6[%dma_start3A_105, %dma_start3A_106] : memref<10240x128xf32, #tpu.memory_space<vmem_shared>> -> memref<10240x128xf32, #tpu.memory_space<vmem_shared>>
        tpu.enqueue_indirect_dma source(%arg10 : memref<80x128xf32, #tpu.memory_space<vmem>>) target(%dma_start3A_107 : memref<10240x128xf32, #tpu.memory_space<vmem_shared>>) offsets(%arg9 : memref<80xi32, #tpu.memory_space<vmem>>) semaphore(%run_scoped3A : memref<!tpu.dma_semaphore, #tpu.memory_space<semaphore_mem>>) {add = true}
        %dma_wait3A_108 = arith.constant 0 : i32
        %dma_wait3A_109 = arith.constant 0 : i32
        %dma_wait3A_110 = tpu.memref_slice %arg6[%dma_wait3A_108, %dma_wait3A_109] : memref<10240x128xf32, #tpu.memory_space<vmem_shared>> -> memref<10240x128xf32, #tpu.memory_space<vmem_shared>>
        tpu.wait_indirect_dma semaphore(%run_scoped3A : memref<!tpu.dma_semaphore, #tpu.memory_space<semaphore_mem>>) src(%arg10 : memref<80x128xf32, #tpu.memory_space<vmem>>) dst(%dma_wait3A_110 : memref<10240x128xf32, #tpu.memory_space<vmem_shared>>)
        tpu.yield
      }) : () -> ()
    }
    %scan3A_32 = arith.constant 250 : i32
    %barrier3A_33 = arith.constant 0 : index
    tpu.barrier barrier_id(%barrier3A_33)
    %mul3A_34 = arith.constant 640 : i32
    %mul3A_35 = arith.muli %arg1, %mul3A_34 : i32
    %add3A_36 = arith.constant 0 : i32
    %add3A_37 = arith.addi %mul3A_35, %add3A_36 : i32
    "tpu.region"() ({
      %run_scoped3A = tpu.sem_alloc : memref<!tpu.dma_semaphore, #tpu.memory_space<semaphore_mem>>
      %dma_start3A = arith.constant 0 : i32
      %dma_start3A_54 = tpu.memref_slice %arg6[%add3A_37, %dma_start3A] : memref<10240x128xf32, #tpu.memory_space<vmem_shared>> -> memref<128x128xf32, #tpu.memory_space<vmem_shared>>
      %dma_start3A_55 = arith.constant 0 : i32
      %dma_start3A_56 = tpu.memref_slice %arg6[%add3A_37, %dma_start3A_55] : memref<10240x128xf32, #tpu.memory_space<vmem_shared>> -> memref<128x128xf32, #tpu.memory_space<vmem_shared>>
      tpu.enqueue_dma source(%dma_start3A_56 : memref<128x128xf32, #tpu.memory_space<vmem_shared>>) target(%arg11 : memref<128x128xf32, #tpu.memory_space<vmem>>) target_semaphore(%run_scoped3A : memref<!tpu.dma_semaphore, #tpu.memory_space<semaphore_mem>>)
      %dma_wait3A = arith.constant 0 : i32
      %dma_wait3A_57 = tpu.memref_slice %arg6[%add3A_37, %dma_wait3A] : memref<10240x128xf32, #tpu.memory_space<vmem_shared>> -> memref<128x128xf32, #tpu.memory_space<vmem_shared>>
      %dma_wait3A_58 = arith.constant 0 : i32
      %dma_wait3A_59 = tpu.memref_slice %arg6[%add3A_37, %dma_wait3A_58] : memref<10240x128xf32, #tpu.memory_space<vmem_shared>> -> memref<128x128xf32, #tpu.memory_space<vmem_shared>>
      tpu.wait_dma2 semaphore(%run_scoped3A : memref<!tpu.dma_semaphore, #tpu.memory_space<semaphore_mem>>) src(%dma_wait3A_59 : memref<128x128xf32, #tpu.memory_space<vmem_shared>>) dst(%arg11 : memref<128x128xf32, #tpu.memory_space<vmem>>)
      tpu.yield
    }) : () -> ()
    "tpu.region"() ({
      %run_scoped3A = tpu.sem_alloc : memref<!tpu.dma_semaphore, #tpu.memory_space<semaphore_mem>>
      %dma_start3A = arith.constant 0 : i32
      %dma_start3A_54 = tpu.memref_slice %arg5[%arg0, %add3A_37, %dma_start3A] : memref<2x10240x128xf32, #tpu.memory_space<hbm>> -> memref<1x128x128xf32, #tpu.memory_space<hbm>>
      %dma_start3A_55 = tpu.memref_squeeze %dma_start3A_54 : memref<1x128x128xf32, #tpu.memory_space<hbm>> -> memref<128x128xf32, #tpu.memory_space<hbm>>
      %dma_start3A_56 = arith.constant 0 : i32
      %dma_start3A_57 = tpu.memref_slice %arg5[%arg0, %add3A_37, %dma_start3A_56] : memref<2x10240x128xf32, #tpu.memory_space<hbm>> -> memref<1x128x128xf32, #tpu.memory_space<hbm>>
      %dma_start3A_58 = tpu.memref_squeeze %dma_start3A_57 : memref<1x128x128xf32, #tpu.memory_space<hbm>> -> memref<128x128xf32, #tpu.memory_space<hbm>>
      tpu.enqueue_dma source(%arg11 : memref<128x128xf32, #tpu.memory_space<vmem>>) target(%dma_start3A_58 : memref<128x128xf32, #tpu.memory_space<hbm>>) target_semaphore(%run_scoped3A : memref<!tpu.dma_semaphore, #tpu.memory_space<semaphore_mem>>)
      %dma_wait3A = arith.constant 0 : i32
      %dma_wait3A_59 = tpu.memref_slice %arg5[%arg0, %add3A_37, %dma_wait3A] : memref<2x10240x128xf32, #tpu.memory_space<hbm>> -> memref<1x128x128xf32, #tpu.memory_space<hbm>>
      %dma_wait3A_60 = tpu.memref_squeeze %dma_wait3A_59 : memref<1x128x128xf32, #tpu.memory_space<hbm>> -> memref<128x128xf32, #tpu.memory_space<hbm>>
      %dma_wait3A_61 = arith.constant 0 : i32
      %dma_wait3A_62 = tpu.memref_slice %arg5[%arg0, %add3A_37, %dma_wait3A_61] : memref<2x10240x128xf32, #tpu.memory_space<hbm>> -> memref<1x128x128xf32, #tpu.memory_space<hbm>>
      %dma_wait3A_63 = tpu.memref_squeeze %dma_wait3A_62 : memref<1x128x128xf32, #tpu.memory_space<hbm>> -> memref<128x128xf32, #tpu.memory_space<hbm>>
      tpu.wait_dma2 semaphore(%run_scoped3A : memref<!tpu.dma_semaphore, #tpu.memory_space<semaphore_mem>>) src(%arg11 : memref<128x128xf32, #tpu.memory_space<vmem>>) dst(%dma_wait3A_63 : memref<128x128xf32, #tpu.memory_space<hbm>>)
      tpu.yield
    }) : () -> ()
    %mul3A_38 = arith.constant 640 : i32
    %mul3A_39 = arith.muli %arg1, %mul3A_38 : i32
    %add3A_40 = arith.constant 128 : i32
    %add3A_41 = arith.addi %mul3A_39, %add3A_40 : i32
    "tpu.region"() ({
      %run_scoped3A = tpu.sem_alloc : memref<!tpu.dma_semaphore, #tpu.memory_space<semaphore_mem>>
      %dma_start3A = arith.constant 0 : i32
      %dma_start3A_54 = tpu.memref_slice %arg6[%add3A_41, %dma_start3A] : memref<10240x128xf32, #tpu.memory_space<vmem_shared>> -> memref<128x128xf32, #tpu.memory_space<vmem_shared>>
      %dma_start3A_55 = arith.constant 0 : i32
      %dma_start3A_56 = tpu.memref_slice %arg6[%add3A_41, %dma_start3A_55] : memref<10240x128xf32, #tpu.memory_space<vmem_shared>> -> memref<128x128xf32, #tpu.memory_space<vmem_shared>>
      tpu.enqueue_dma source(%dma_start3A_56 : memref<128x128xf32, #tpu.memory_space<vmem_shared>>) target(%arg11 : memref<128x128xf32, #tpu.memory_space<vmem>>) target_semaphore(%run_scoped3A : memref<!tpu.dma_semaphore, #tpu.memory_space<semaphore_mem>>)
      %dma_wait3A = arith.constant 0 : i32
      %dma_wait3A_57 = tpu.memref_slice %arg6[%add3A_41, %dma_wait3A] : memref<10240x128xf32, #tpu.memory_space<vmem_shared>> -> memref<128x128xf32, #tpu.memory_space<vmem_shared>>
      %dma_wait3A_58 = arith.constant 0 : i32
      %dma_wait3A_59 = tpu.memref_slice %arg6[%add3A_41, %dma_wait3A_58] : memref<10240x128xf32, #tpu.memory_space<vmem_shared>> -> memref<128x128xf32, #tpu.memory_space<vmem_shared>>
      tpu.wait_dma2 semaphore(%run_scoped3A : memref<!tpu.dma_semaphore, #tpu.memory_space<semaphore_mem>>) src(%dma_wait3A_59 : memref<128x128xf32, #tpu.memory_space<vmem_shared>>) dst(%arg11 : memref<128x128xf32, #tpu.memory_space<vmem>>)
      tpu.yield
    }) : () -> ()
    "tpu.region"() ({
      %run_scoped3A = tpu.sem_alloc : memref<!tpu.dma_semaphore, #tpu.memory_space<semaphore_mem>>
      %dma_start3A = arith.constant 0 : i32
      %dma_start3A_54 = tpu.memref_slice %arg5[%arg0, %add3A_41, %dma_start3A] : memref<2x10240x128xf32, #tpu.memory_space<hbm>> -> memref<1x128x128xf32, #tpu.memory_space<hbm>>
      %dma_start3A_55 = tpu.memref_squeeze %dma_start3A_54 : memref<1x128x128xf32, #tpu.memory_space<hbm>> -> memref<128x128xf32, #tpu.memory_space<hbm>>
      %dma_start3A_56 = arith.constant 0 : i32
      %dma_start3A_57 = tpu.memref_slice %arg5[%arg0, %add3A_41, %dma_start3A_56] : memref<2x10240x128xf32, #tpu.memory_space<hbm>> -> memref<1x128x128xf32, #tpu.memory_space<hbm>>
      %dma_start3A_58 = tpu.memref_squeeze %dma_start3A_57 : memref<1x128x128xf32, #tpu.memory_space<hbm>> -> memref<128x128xf32, #tpu.memory_space<hbm>>
      tpu.enqueue_dma source(%arg11 : memref<128x128xf32, #tpu.memory_space<vmem>>) target(%dma_start3A_58 : memref<128x128xf32, #tpu.memory_space<hbm>>) target_semaphore(%run_scoped3A : memref<!tpu.dma_semaphore, #tpu.memory_space<semaphore_mem>>)
      %dma_wait3A = arith.constant 0 : i32
      %dma_wait3A_59 = tpu.memref_slice %arg5[%arg0, %add3A_41, %dma_wait3A] : memref<2x10240x128xf32, #tpu.memory_space<hbm>> -> memref<1x128x128xf32, #tpu.memory_space<hbm>>
      %dma_wait3A_60 = tpu.memref_squeeze %dma_wait3A_59 : memref<1x128x128xf32, #tpu.memory_space<hbm>> -> memref<128x128xf32, #tpu.memory_space<hbm>>
      %dma_wait3A_61 = arith.constant 0 : i32
      %dma_wait3A_62 = tpu.memref_slice %arg5[%arg0, %add3A_41, %dma_wait3A_61] : memref<2x10240x128xf32, #tpu.memory_space<hbm>> -> memref<1x128x128xf32, #tpu.memory_space<hbm>>
      %dma_wait3A_63 = tpu.memref_squeeze %dma_wait3A_62 : memref<1x128x128xf32, #tpu.memory_space<hbm>> -> memref<128x128xf32, #tpu.memory_space<hbm>>
      tpu.wait_dma2 semaphore(%run_scoped3A : memref<!tpu.dma_semaphore, #tpu.memory_space<semaphore_mem>>) src(%arg11 : memref<128x128xf32, #tpu.memory_space<vmem>>) dst(%dma_wait3A_63 : memref<128x128xf32, #tpu.memory_space<hbm>>)
      tpu.yield
    }) : () -> ()
    %mul3A_42 = arith.constant 640 : i32
    %mul3A_43 = arith.muli %arg1, %mul3A_42 : i32
    %add3A_44 = arith.constant 256 : i32
    %add3A_45 = arith.addi %mul3A_43, %add3A_44 : i32
    "tpu.region"() ({
      %run_scoped3A = tpu.sem_alloc : memref<!tpu.dma_semaphore, #tpu.memory_space<semaphore_mem>>
      %dma_start3A = arith.constant 0 : i32
      %dma_start3A_54 = tpu.memref_slice %arg6[%add3A_45, %dma_start3A] : memref<10240x128xf32, #tpu.memory_space<vmem_shared>> -> memref<128x128xf32, #tpu.memory_space<vmem_shared>>
      %dma_start3A_55 = arith.constant 0 : i32
      %dma_start3A_56 = tpu.memref_slice %arg6[%add3A_45, %dma_start3A_55] : memref<10240x128xf32, #tpu.memory_space<vmem_shared>> -> memref<128x128xf32, #tpu.memory_space<vmem_shared>>
      tpu.enqueue_dma source(%dma_start3A_56 : memref<128x128xf32, #tpu.memory_space<vmem_shared>>) target(%arg11 : memref<128x128xf32, #tpu.memory_space<vmem>>) target_semaphore(%run_scoped3A : memref<!tpu.dma_semaphore, #tpu.memory_space<semaphore_mem>>)
      %dma_wait3A = arith.constant 0 : i32
      %dma_wait3A_57 = tpu.memref_slice %arg6[%add3A_45, %dma_wait3A] : memref<10240x128xf32, #tpu.memory_space<vmem_shared>> -> memref<128x128xf32, #tpu.memory_space<vmem_shared>>
      %dma_wait3A_58 = arith.constant 0 : i32
      %dma_wait3A_59 = tpu.memref_slice %arg6[%add3A_45, %dma_wait3A_58] : memref<10240x128xf32, #tpu.memory_space<vmem_shared>> -> memref<128x128xf32, #tpu.memory_space<vmem_shared>>
      tpu.wait_dma2 semaphore(%run_scoped3A : memref<!tpu.dma_semaphore, #tpu.memory_space<semaphore_mem>>) src(%dma_wait3A_59 : memref<128x128xf32, #tpu.memory_space<vmem_shared>>) dst(%arg11 : memref<128x128xf32, #tpu.memory_space<vmem>>)
      tpu.yield
    }) : () -> ()
    "tpu.region"() ({
      %run_scoped3A = tpu.sem_alloc : memref<!tpu.dma_semaphore, #tpu.memory_space<semaphore_mem>>
      %dma_start3A = arith.constant 0 : i32
      %dma_start3A_54 = tpu.memref_slice %arg5[%arg0, %add3A_45, %dma_start3A] : memref<2x10240x128xf32, #tpu.memory_space<hbm>> -> memref<1x128x128xf32, #tpu.memory_space<hbm>>
      %dma_start3A_55 = tpu.memref_squeeze %dma_start3A_54 : memref<1x128x128xf32, #tpu.memory_space<hbm>> -> memref<128x128xf32, #tpu.memory_space<hbm>>
      %dma_start3A_56 = arith.constant 0 : i32
      %dma_start3A_57 = tpu.memref_slice %arg5[%arg0, %add3A_45, %dma_start3A_56] : memref<2x10240x128xf32, #tpu.memory_space<hbm>> -> memref<1x128x128xf32, #tpu.memory_space<hbm>>
      %dma_start3A_58 = tpu.memref_squeeze %dma_start3A_57 : memref<1x128x128xf32, #tpu.memory_space<hbm>> -> memref<128x128xf32, #tpu.memory_space<hbm>>
      tpu.enqueue_dma source(%arg11 : memref<128x128xf32, #tpu.memory_space<vmem>>) target(%dma_start3A_58 : memref<128x128xf32, #tpu.memory_space<hbm>>) target_semaphore(%run_scoped3A : memref<!tpu.dma_semaphore, #tpu.memory_space<semaphore_mem>>)
      %dma_wait3A = arith.constant 0 : i32
      %dma_wait3A_59 = tpu.memref_slice %arg5[%arg0, %add3A_45, %dma_wait3A] : memref<2x10240x128xf32, #tpu.memory_space<hbm>> -> memref<1x128x128xf32, #tpu.memory_space<hbm>>
      %dma_wait3A_60 = tpu.memref_squeeze %dma_wait3A_59 : memref<1x128x128xf32, #tpu.memory_space<hbm>> -> memref<128x128xf32, #tpu.memory_space<hbm>>
      %dma_wait3A_61 = arith.constant 0 : i32
      %dma_wait3A_62 = tpu.memref_slice %arg5[%arg0, %add3A_45, %dma_wait3A_61] : memref<2x10240x128xf32, #tpu.memory_space<hbm>> -> memref<1x128x128xf32, #tpu.memory_space<hbm>>
      %dma_wait3A_63 = tpu.memref_squeeze %dma_wait3A_62 : memref<1x128x128xf32, #tpu.memory_space<hbm>> -> memref<128x128xf32, #tpu.memory_space<hbm>>
      tpu.wait_dma2 semaphore(%run_scoped3A : memref<!tpu.dma_semaphore, #tpu.memory_space<semaphore_mem>>) src(%arg11 : memref<128x128xf32, #tpu.memory_space<vmem>>) dst(%dma_wait3A_63 : memref<128x128xf32, #tpu.memory_space<hbm>>)
      tpu.yield
    }) : () -> ()
    %mul3A_46 = arith.constant 640 : i32
    %mul3A_47 = arith.muli %arg1, %mul3A_46 : i32
    %add3A_48 = arith.constant 384 : i32
    %add3A_49 = arith.addi %mul3A_47, %add3A_48 : i32
    "tpu.region"() ({
      %run_scoped3A = tpu.sem_alloc : memref<!tpu.dma_semaphore, #tpu.memory_space<semaphore_mem>>
      %dma_start3A = arith.constant 0 : i32
      %dma_start3A_54 = tpu.memref_slice %arg6[%add3A_49, %dma_start3A] : memref<10240x128xf32, #tpu.memory_space<vmem_shared>> -> memref<128x128xf32, #tpu.memory_space<vmem_shared>>
      %dma_start3A_55 = arith.constant 0 : i32
      %dma_start3A_56 = tpu.memref_slice %arg6[%add3A_49, %dma_start3A_55] : memref<10240x128xf32, #tpu.memory_space<vmem_shared>> -> memref<128x128xf32, #tpu.memory_space<vmem_shared>>
      tpu.enqueue_dma source(%dma_start3A_56 : memref<128x128xf32, #tpu.memory_space<vmem_shared>>) target(%arg11 : memref<128x128xf32, #tpu.memory_space<vmem>>) target_semaphore(%run_scoped3A : memref<!tpu.dma_semaphore, #tpu.memory_space<semaphore_mem>>)
      %dma_wait3A = arith.constant 0 : i32
      %dma_wait3A_57 = tpu.memref_slice %arg6[%add3A_49, %dma_wait3A] : memref<10240x128xf32, #tpu.memory_space<vmem_shared>> -> memref<128x128xf32, #tpu.memory_space<vmem_shared>>
      %dma_wait3A_58 = arith.constant 0 : i32
      %dma_wait3A_59 = tpu.memref_slice %arg6[%add3A_49, %dma_wait3A_58] : memref<10240x128xf32, #tpu.memory_space<vmem_shared>> -> memref<128x128xf32, #tpu.memory_space<vmem_shared>>
      tpu.wait_dma2 semaphore(%run_scoped3A : memref<!tpu.dma_semaphore, #tpu.memory_space<semaphore_mem>>) src(%dma_wait3A_59 : memref<128x128xf32, #tpu.memory_space<vmem_shared>>) dst(%arg11 : memref<128x128xf32, #tpu.memory_space<vmem>>)
      tpu.yield
    }) : () -> ()
    "tpu.region"() ({
      %run_scoped3A = tpu.sem_alloc : memref<!tpu.dma_semaphore, #tpu.memory_space<semaphore_mem>>
      %dma_start3A = arith.constant 0 : i32
      %dma_start3A_54 = tpu.memref_slice %arg5[%arg0, %add3A_49, %dma_start3A] : memref<2x10240x128xf32, #tpu.memory_space<hbm>> -> memref<1x128x128xf32, #tpu.memory_space<hbm>>
      %dma_start3A_55 = tpu.memref_squeeze %dma_start3A_54 : memref<1x128x128xf32, #tpu.memory_space<hbm>> -> memref<128x128xf32, #tpu.memory_space<hbm>>
      %dma_start3A_56 = arith.constant 0 : i32
      %dma_start3A_57 = tpu.memref_slice %arg5[%arg0, %add3A_49, %dma_start3A_56] : memref<2x10240x128xf32, #tpu.memory_space<hbm>> -> memref<1x128x128xf32, #tpu.memory_space<hbm>>
      %dma_start3A_58 = tpu.memref_squeeze %dma_start3A_57 : memref<1x128x128xf32, #tpu.memory_space<hbm>> -> memref<128x128xf32, #tpu.memory_space<hbm>>
      tpu.enqueue_dma source(%arg11 : memref<128x128xf32, #tpu.memory_space<vmem>>) target(%dma_start3A_58 : memref<128x128xf32, #tpu.memory_space<hbm>>) target_semaphore(%run_scoped3A : memref<!tpu.dma_semaphore, #tpu.memory_space<semaphore_mem>>)
      %dma_wait3A = arith.constant 0 : i32
      %dma_wait3A_59 = tpu.memref_slice %arg5[%arg0, %add3A_49, %dma_wait3A] : memref<2x10240x128xf32, #tpu.memory_space<hbm>> -> memref<1x128x128xf32, #tpu.memory_space<hbm>>
      %dma_wait3A_60 = tpu.memref_squeeze %dma_wait3A_59 : memref<1x128x128xf32, #tpu.memory_space<hbm>> -> memref<128x128xf32, #tpu.memory_space<hbm>>
      %dma_wait3A_61 = arith.constant 0 : i32
      %dma_wait3A_62 = tpu.memref_slice %arg5[%arg0, %add3A_49, %dma_wait3A_61] : memref<2x10240x128xf32, #tpu.memory_space<hbm>> -> memref<1x128x128xf32, #tpu.memory_space<hbm>>
      %dma_wait3A_63 = tpu.memref_squeeze %dma_wait3A_62 : memref<1x128x128xf32, #tpu.memory_space<hbm>> -> memref<128x128xf32, #tpu.memory_space<hbm>>
      tpu.wait_dma2 semaphore(%run_scoped3A : memref<!tpu.dma_semaphore, #tpu.memory_space<semaphore_mem>>) src(%arg11 : memref<128x128xf32, #tpu.memory_space<vmem>>) dst(%dma_wait3A_63 : memref<128x128xf32, #tpu.memory_space<hbm>>)
      tpu.yield
    }) : () -> ()
    %mul3A_50 = arith.constant 640 : i32
    %mul3A_51 = arith.muli %arg1, %mul3A_50 : i32
    %add3A_52 = arith.constant 512 : i32
    %add3A_53 = arith.addi %mul3A_51, %add3A_52 : i32
    "tpu.region"() ({
      %run_scoped3A = tpu.sem_alloc : memref<!tpu.dma_semaphore, #tpu.memory_space<semaphore_mem>>
      %dma_start3A = arith.constant 0 : i32
      %dma_start3A_54 = tpu.memref_slice %arg6[%add3A_53, %dma_start3A] : memref<10240x128xf32, #tpu.memory_space<vmem_shared>> -> memref<128x128xf32, #tpu.memory_space<vmem_shared>>
      %dma_start3A_55 = arith.constant 0 : i32
      %dma_start3A_56 = tpu.memref_slice %arg6[%add3A_53, %dma_start3A_55] : memref<10240x128xf32, #tpu.memory_space<vmem_shared>> -> memref<128x128xf32, #tpu.memory_space<vmem_shared>>
      tpu.enqueue_dma source(%dma_start3A_56 : memref<128x128xf32, #tpu.memory_space<vmem_shared>>) target(%arg11 : memref<128x128xf32, #tpu.memory_space<vmem>>) target_semaphore(%run_scoped3A : memref<!tpu.dma_semaphore, #tpu.memory_space<semaphore_mem>>)
      %dma_wait3A = arith.constant 0 : i32
      %dma_wait3A_57 = tpu.memref_slice %arg6[%add3A_53, %dma_wait3A] : memref<10240x128xf32, #tpu.memory_space<vmem_shared>> -> memref<128x128xf32, #tpu.memory_space<vmem_shared>>
      %dma_wait3A_58 = arith.constant 0 : i32
      %dma_wait3A_59 = tpu.memref_slice %arg6[%add3A_53, %dma_wait3A_58] : memref<10240x128xf32, #tpu.memory_space<vmem_shared>> -> memref<128x128xf32, #tpu.memory_space<vmem_shared>>
      tpu.wait_dma2 semaphore(%run_scoped3A : memref<!tpu.dma_semaphore, #tpu.memory_space<semaphore_mem>>) src(%dma_wait3A_59 : memref<128x128xf32, #tpu.memory_space<vmem_shared>>) dst(%arg11 : memref<128x128xf32, #tpu.memory_space<vmem>>)
      tpu.yield
    }) : () -> ()
    "tpu.region"() ({
      %run_scoped3A = tpu.sem_alloc : memref<!tpu.dma_semaphore, #tpu.memory_space<semaphore_mem>>
      %dma_start3A = arith.constant 0 : i32
      %dma_start3A_54 = tpu.memref_slice %arg5[%arg0, %add3A_53, %dma_start3A] : memref<2x10240x128xf32, #tpu.memory_space<hbm>> -> memref<1x128x128xf32, #tpu.memory_space<hbm>>
      %dma_start3A_55 = tpu.memref_squeeze %dma_start3A_54 : memref<1x128x128xf32, #tpu.memory_space<hbm>> -> memref<128x128xf32, #tpu.memory_space<hbm>>
      %dma_start3A_56 = arith.constant 0 : i32
      %dma_start3A_57 = tpu.memref_slice %arg5[%arg0, %add3A_53, %dma_start3A_56] : memref<2x10240x128xf32, #tpu.memory_space<hbm>> -> memref<1x128x128xf32, #tpu.memory_space<hbm>>
      %dma_start3A_58 = tpu.memref_squeeze %dma_start3A_57 : memref<1x128x128xf32, #tpu.memory_space<hbm>> -> memref<128x128xf32, #tpu.memory_space<hbm>>
      tpu.enqueue_dma source(%arg11 : memref<128x128xf32, #tpu.memory_space<vmem>>) target(%dma_start3A_58 : memref<128x128xf32, #tpu.memory_space<hbm>>) target_semaphore(%run_scoped3A : memref<!tpu.dma_semaphore, #tpu.memory_space<semaphore_mem>>)
      %dma_wait3A = arith.constant 0 : i32
      %dma_wait3A_59 = tpu.memref_slice %arg5[%arg0, %add3A_53, %dma_wait3A] : memref<2x10240x128xf32, #tpu.memory_space<hbm>> -> memref<1x128x128xf32, #tpu.memory_space<hbm>>
      %dma_wait3A_60 = tpu.memref_squeeze %dma_wait3A_59 : memref<1x128x128xf32, #tpu.memory_space<hbm>> -> memref<128x128xf32, #tpu.memory_space<hbm>>
      %dma_wait3A_61 = arith.constant 0 : i32
      %dma_wait3A_62 = tpu.memref_slice %arg5[%arg0, %add3A_53, %dma_wait3A_61] : memref<2x10240x128xf32, #tpu.memory_space<hbm>> -> memref<1x128x128xf32, #tpu.memory_space<hbm>>
      %dma_wait3A_63 = tpu.memref_squeeze %dma_wait3A_62 : memref<1x128x128xf32, #tpu.memory_space<hbm>> -> memref<128x128xf32, #tpu.memory_space<hbm>>
      tpu.wait_dma2 semaphore(%run_scoped3A : memref<!tpu.dma_semaphore, #tpu.memory_space<semaphore_mem>>) src(%arg11 : memref<128x128xf32, #tpu.memory_space<vmem>>) dst(%dma_wait3A_63 : memref<128x128xf32, #tpu.memory_space<hbm>>)
      tpu.yield
    }) : () -> ()
    return
  }
}

#map = affine_map<(d0, d1) -> (0, 0)>
#map1 = affine_map<(d0, d1) -> (0)>
#map2 = affine_map<(d0, d1) -> (0, 0, 0)>
module attributes {stable_mosaic.version = 14 : i64} {
  func.func @body(%arg0: i32, %arg1: i32, %arg2: memref<20480x128xf32, #tpu.memory_space<hbm>>, %arg3: memref<320000xi32, #tpu.memory_space<hbm>>, %arg4: memref<320000xi32, #tpu.memory_space<hbm>>, %arg5: memref<2x10240x128xf32, #tpu.memory_space<hbm>>, %arg6: memref<10240x128xf32, #tpu.memory_space<vmem_shared>>, %arg7: memref<80xi32, #tpu.memory_space<vmem>>, %arg8: memref<80xi32, #tpu.memory_space<vmem>>, %arg9: memref<80xi32, #tpu.memory_space<vmem>>, %arg10: memref<80x128xf32, #tpu.memory_space<vmem>>, %arg11: memref<128x128xf32, #tpu.memory_space<vmem>>, %arg12: memref<!tpu.dma_semaphore, #tpu.memory_space<semaphore_mem>>) attributes {dimension_semantics = [#tpu.dimension_semantics<core_parallel>, #tpu.dimension_semantics<subcore_parallel>], iteration_bounds = array<i64: 2, 16>, scalar_prefetch = 0 : i64, scratch_operands = 7 : i64, tpu.core_type = #tpu.core_type<sc_vector_subcore>, window_params = [{transform_indices = #map}, {transform_indices = #map1}, {transform_indices = #map1}, {transform_indices = #map2}]} {
    %scan3A = arith.constant 0 : i32
    %scan3A_0 = arith.constant 0 : i32
    %scan3A_1 = arith.constant 128 : i32
    %scan3A_2 = arith.addi %scan3A_0, %scan3A_1 : i32
    %scan3A_3 = arith.constant 1 : i32
    scf.for %scan3A_54 = %scan3A_0 to %scan3A_2 step %scan3A_3  : i32 {
      %broadcast_in_dim3A = arith.constant 0.000000e+00 : f32
      %broadcast_in_dim3A_55 = vector.broadcast %broadcast_in_dim3A : f32 to vector<16xf32>
      %swap3A = arith.index_cast %scan3A_54 : i32 to index
      %swap3A_56 = arith.constant 0 : index
      %swap3A_57 = tpu.vector_load %arg11[%swap3A, %swap3A_56] {strides = array<i32>} : memref<128x128xf32, #tpu.memory_space<vmem>>, vector<1x16xf32>,
      %swap3A_58 = vector.shape_cast %swap3A_57 : vector<1x16xf32> to vector<16xf32>
      %swap3A_59 = vector.shape_cast %broadcast_in_dim3A_55 : vector<16xf32> to vector<1x16xf32>
      tpu.vector_store %arg11[%swap3A, %swap3A_56], %swap3A_59 {strides = array<i32>} : memref<128x128xf32, #tpu.memory_space<vmem>>, vector<1x16xf32>,
      %broadcast_in_dim3A_60 = arith.constant 0.000000e+00 : f32
      %broadcast_in_dim3A_61 = vector.broadcast %broadcast_in_dim3A_60 : f32 to vector<16xf32>
      %swap3A_62 = arith.index_cast %scan3A_54 : i32 to index
      %swap3A_63 = arith.constant 16 : index
      %swap3A_64 = tpu.vector_load %arg11[%swap3A_62, %swap3A_63] {strides = array<i32>} : memref<128x128xf32, #tpu.memory_space<vmem>>, vector<1x16xf32>,
      %swap3A_65 = vector.shape_cast %swap3A_64 : vector<1x16xf32> to vector<16xf32>
      %swap3A_66 = vector.shape_cast %broadcast_in_dim3A_61 : vector<16xf32> to vector<1x16xf32>
      tpu.vector_store %arg11[%swap3A_62, %swap3A_63], %swap3A_66 {strides = array<i32>} : memref<128x128xf32, #tpu.memory_space<vmem>>, vector<1x16xf32>,
      %broadcast_in_dim3A_67 = arith.constant 0.000000e+00 : f32
      %broadcast_in_dim3A_68 = vector.broadcast %broadcast_in_dim3A_67 : f32 to vector<16xf32>
      %swap3A_69 = arith.index_cast %scan3A_54 : i32 to index
      %swap3A_70 = arith.constant 32 : index
      %swap3A_71 = tpu.vector_load %arg11[%swap3A_69, %swap3A_70] {strides = array<i32>} : memref<128x128xf32, #tpu.memory_space<vmem>>, vector<1x16xf32>,
      %swap3A_72 = vector.shape_cast %swap3A_71 : vector<1x16xf32> to vector<16xf32>
      %swap3A_73 = vector.shape_cast %broadcast_in_dim3A_68 : vector<16xf32> to vector<1x16xf32>
      tpu.vector_store %arg11[%swap3A_69, %swap3A_70], %swap3A_73 {strides = array<i32>} : memref<128x128xf32, #tpu.memory_space<vmem>>, vector<1x16xf32>,
      %broadcast_in_dim3A_74 = arith.constant 0.000000e+00 : f32
      %broadcast_in_dim3A_75 = vector.broadcast %broadcast_in_dim3A_74 : f32 to vector<16xf32>
      %swap3A_76 = arith.index_cast %scan3A_54 : i32 to index
      %swap3A_77 = arith.constant 48 : index
      %swap3A_78 = tpu.vector_load %arg11[%swap3A_76, %swap3A_77] {strides = array<i32>} : memref<128x128xf32, #tpu.memory_space<vmem>>, vector<1x16xf32>,
      %swap3A_79 = vector.shape_cast %swap3A_78 : vector<1x16xf32> to vector<16xf32>
      %swap3A_80 = vector.shape_cast %broadcast_in_dim3A_75 : vector<16xf32> to vector<1x16xf32>
      tpu.vector_store %arg11[%swap3A_76, %swap3A_77], %swap3A_80 {strides = array<i32>} : memref<128x128xf32, #tpu.memory_space<vmem>>, vector<1x16xf32>,
      %broadcast_in_dim3A_81 = arith.constant 0.000000e+00 : f32
      %broadcast_in_dim3A_82 = vector.broadcast %broadcast_in_dim3A_81 : f32 to vector<16xf32>
      %swap3A_83 = arith.index_cast %scan3A_54 : i32 to index
      %swap3A_84 = arith.constant 64 : index
      %swap3A_85 = tpu.vector_load %arg11[%swap3A_83, %swap3A_84] {strides = array<i32>} : memref<128x128xf32, #tpu.memory_space<vmem>>, vector<1x16xf32>,
      %swap3A_86 = vector.shape_cast %swap3A_85 : vector<1x16xf32> to vector<16xf32>
      %swap3A_87 = vector.shape_cast %broadcast_in_dim3A_82 : vector<16xf32> to vector<1x16xf32>
      tpu.vector_store %arg11[%swap3A_83, %swap3A_84], %swap3A_87 {strides = array<i32>} : memref<128x128xf32, #tpu.memory_space<vmem>>, vector<1x16xf32>,
      %broadcast_in_dim3A_88 = arith.constant 0.000000e+00 : f32
      %broadcast_in_dim3A_89 = vector.broadcast %broadcast_in_dim3A_88 : f32 to vector<16xf32>
      %swap3A_90 = arith.index_cast %scan3A_54 : i32 to index
      %swap3A_91 = arith.constant 80 : index
      %swap3A_92 = tpu.vector_load %arg11[%swap3A_90, %swap3A_91] {strides = array<i32>} : memref<128x128xf32, #tpu.memory_space<vmem>>, vector<1x16xf32>,
      %swap3A_93 = vector.shape_cast %swap3A_92 : vector<1x16xf32> to vector<16xf32>
      %swap3A_94 = vector.shape_cast %broadcast_in_dim3A_89 : vector<16xf32> to vector<1x16xf32>
      tpu.vector_store %arg11[%swap3A_90, %swap3A_91], %swap3A_94 {strides = array<i32>} : memref<128x128xf32, #tpu.memory_space<vmem>>, vector<1x16xf32>,
      %broadcast_in_dim3A_95 = arith.constant 0.000000e+00 : f32
      %broadcast_in_dim3A_96 = vector.broadcast %broadcast_in_dim3A_95 : f32 to vector<16xf32>
      %swap3A_97 = arith.index_cast %scan3A_54 : i32 to index
      %swap3A_98 = arith.constant 96 : index
      %swap3A_99 = tpu.vector_load %arg11[%swap3A_97, %swap3A_98] {strides = array<i32>} : memref<128x128xf32, #tpu.memory_space<vmem>>, vector<1x16xf32>,
      %swap3A_100 = vector.shape_cast %swap3A_99 : vector<1x16xf32> to vector<16xf32>
      %swap3A_101 = vector.shape_cast %broadcast_in_dim3A_96 : vector<16xf32> to vector<1x16xf32>
      tpu.vector_store %arg11[%swap3A_97, %swap3A_98], %swap3A_101 {strides = array<i32>} : memref<128x128xf32, #tpu.memory_space<vmem>>, vector<1x16xf32>,
      %broadcast_in_dim3A_102 = arith.constant 0.000000e+00 : f32
      %broadcast_in_dim3A_103 = vector.broadcast %broadcast_in_dim3A_102 : f32 to vector<16xf32>
      %swap3A_104 = arith.index_cast %scan3A_54 : i32 to index
      %swap3A_105 = arith.constant 112 : index
      %swap3A_106 = tpu.vector_load %arg11[%swap3A_104, %swap3A_105] {strides = array<i32>} : memref<128x128xf32, #tpu.memory_space<vmem>>, vector<1x16xf32>,
      %swap3A_107 = vector.shape_cast %swap3A_106 : vector<1x16xf32> to vector<16xf32>
      %swap3A_108 = vector.shape_cast %broadcast_in_dim3A_103 : vector<16xf32> to vector<1x16xf32>
      tpu.vector_store %arg11[%swap3A_104, %swap3A_105], %swap3A_108 {strides = array<i32>} : memref<128x128xf32, #tpu.memory_space<vmem>>, vector<1x16xf32>,
    }
    %scan3A_4 = arith.constant 128 : i32
    %mul3A = arith.constant 640 : i32
    %mul3A_5 = arith.muli %arg1, %mul3A : i32
    %add3A = arith.constant 0 : i32
    %add3A_6 = arith.addi %mul3A_5, %add3A : i32
    "tpu.region"() ({
      %run_scoped3A = tpu.sem_alloc : memref<!tpu.dma_semaphore, #tpu.memory_space<semaphore_mem>>
      %dma_start3A = arith.constant 0 : i32
      %dma_start3A_54 = tpu.memref_slice %arg6[%add3A_6, %dma_start3A] : memref<10240x128xf32, #tpu.memory_space<vmem_shared>> -> memref<128x128xf32, #tpu.memory_space<vmem_shared>>
      %dma_start3A_55 = arith.constant 0 : i32
      %dma_start3A_56 = tpu.memref_slice %arg6[%add3A_6, %dma_start3A_55] : memref<10240x128xf32, #tpu.memory_space<vmem_shared>> -> memref<128x128xf32, #tpu.memory_space<vmem_shared>>
      tpu.enqueue_dma source(%arg11 : memref<128x128xf32, #tpu.memory_space<vmem>>) target(%dma_start3A_56 : memref<128x128xf32, #tpu.memory_space<vmem_shared>>) target_semaphore(%run_scoped3A : memref<!tpu.dma_semaphore, #tpu.memory_space<semaphore_mem>>)
      %dma_wait3A = arith.constant 0 : i32
      %dma_wait3A_57 = tpu.memref_slice %arg6[%add3A_6, %dma_wait3A] : memref<10240x128xf32, #tpu.memory_space<vmem_shared>> -> memref<128x128xf32, #tpu.memory_space<vmem_shared>>
      %dma_wait3A_58 = arith.constant 0 : i32
      %dma_wait3A_59 = tpu.memref_slice %arg6[%add3A_6, %dma_wait3A_58] : memref<10240x128xf32, #tpu.memory_space<vmem_shared>> -> memref<128x128xf32, #tpu.memory_space<vmem_shared>>
      tpu.wait_dma2 semaphore(%run_scoped3A : memref<!tpu.dma_semaphore, #tpu.memory_space<semaphore_mem>>) src(%arg11 : memref<128x128xf32, #tpu.memory_space<vmem>>) dst(%dma_wait3A_59 : memref<128x128xf32, #tpu.memory_space<vmem_shared>>)
      tpu.yield
    }) : () -> ()
    %mul3A_7 = arith.constant 640 : i32
    %mul3A_8 = arith.muli %arg1, %mul3A_7 : i32
    %add3A_9 = arith.constant 128 : i32
    %add3A_10 = arith.addi %mul3A_8, %add3A_9 : i32
    "tpu.region"() ({
      %run_scoped3A = tpu.sem_alloc : memref<!tpu.dma_semaphore, #tpu.memory_space<semaphore_mem>>
      %dma_start3A = arith.constant 0 : i32
      %dma_start3A_54 = tpu.memref_slice %arg6[%add3A_10, %dma_start3A] : memref<10240x128xf32, #tpu.memory_space<vmem_shared>> -> memref<128x128xf32, #tpu.memory_space<vmem_shared>>
      %dma_start3A_55 = arith.constant 0 : i32
      %dma_start3A_56 = tpu.memref_slice %arg6[%add3A_10, %dma_start3A_55] : memref<10240x128xf32, #tpu.memory_space<vmem_shared>> -> memref<128x128xf32, #tpu.memory_space<vmem_shared>>
      tpu.enqueue_dma source(%arg11 : memref<128x128xf32, #tpu.memory_space<vmem>>) target(%dma_start3A_56 : memref<128x128xf32, #tpu.memory_space<vmem_shared>>) target_semaphore(%run_scoped3A : memref<!tpu.dma_semaphore, #tpu.memory_space<semaphore_mem>>)
      %dma_wait3A = arith.constant 0 : i32
      %dma_wait3A_57 = tpu.memref_slice %arg6[%add3A_10, %dma_wait3A] : memref<10240x128xf32, #tpu.memory_space<vmem_shared>> -> memref<128x128xf32, #tpu.memory_space<vmem_shared>>
      %dma_wait3A_58 = arith.constant 0 : i32
      %dma_wait3A_59 = tpu.memref_slice %arg6[%add3A_10, %dma_wait3A_58] : memref<10240x128xf32, #tpu.memory_space<vmem_shared>> -> memref<128x128xf32, #tpu.memory_space<vmem_shared>>
      tpu.wait_dma2 semaphore(%run_scoped3A : memref<!tpu.dma_semaphore, #tpu.memory_space<semaphore_mem>>) src(%arg11 : memref<128x128xf32, #tpu.memory_space<vmem>>) dst(%dma_wait3A_59 : memref<128x128xf32, #tpu.memory_space<vmem_shared>>)
      tpu.yield
    }) : () -> ()
    %mul3A_11 = arith.constant 640 : i32
    %mul3A_12 = arith.muli %arg1, %mul3A_11 : i32
    %add3A_13 = arith.constant 256 : i32
    %add3A_14 = arith.addi %mul3A_12, %add3A_13 : i32
    "tpu.region"() ({
      %run_scoped3A = tpu.sem_alloc : memref<!tpu.dma_semaphore, #tpu.memory_space<semaphore_mem>>
      %dma_start3A = arith.constant 0 : i32
      %dma_start3A_54 = tpu.memref_slice %arg6[%add3A_14, %dma_start3A] : memref<10240x128xf32, #tpu.memory_space<vmem_shared>> -> memref<128x128xf32, #tpu.memory_space<vmem_shared>>
      %dma_start3A_55 = arith.constant 0 : i32
      %dma_start3A_56 = tpu.memref_slice %arg6[%add3A_14, %dma_start3A_55] : memref<10240x128xf32, #tpu.memory_space<vmem_shared>> -> memref<128x128xf32, #tpu.memory_space<vmem_shared>>
      tpu.enqueue_dma source(%arg11 : memref<128x128xf32, #tpu.memory_space<vmem>>) target(%dma_start3A_56 : memref<128x128xf32, #tpu.memory_space<vmem_shared>>) target_semaphore(%run_scoped3A : memref<!tpu.dma_semaphore, #tpu.memory_space<semaphore_mem>>)
      %dma_wait3A = arith.constant 0 : i32
      %dma_wait3A_57 = tpu.memref_slice %arg6[%add3A_14, %dma_wait3A] : memref<10240x128xf32, #tpu.memory_space<vmem_shared>> -> memref<128x128xf32, #tpu.memory_space<vmem_shared>>
      %dma_wait3A_58 = arith.constant 0 : i32
      %dma_wait3A_59 = tpu.memref_slice %arg6[%add3A_14, %dma_wait3A_58] : memref<10240x128xf32, #tpu.memory_space<vmem_shared>> -> memref<128x128xf32, #tpu.memory_space<vmem_shared>>
      tpu.wait_dma2 semaphore(%run_scoped3A : memref<!tpu.dma_semaphore, #tpu.memory_space<semaphore_mem>>) src(%arg11 : memref<128x128xf32, #tpu.memory_space<vmem>>) dst(%dma_wait3A_59 : memref<128x128xf32, #tpu.memory_space<vmem_shared>>)
      tpu.yield
    }) : () -> ()
    %mul3A_15 = arith.constant 640 : i32
    %mul3A_16 = arith.muli %arg1, %mul3A_15 : i32
    %add3A_17 = arith.constant 384 : i32
    %add3A_18 = arith.addi %mul3A_16, %add3A_17 : i32
    "tpu.region"() ({
      %run_scoped3A = tpu.sem_alloc : memref<!tpu.dma_semaphore, #tpu.memory_space<semaphore_mem>>
      %dma_start3A = arith.constant 0 : i32
      %dma_start3A_54 = tpu.memref_slice %arg6[%add3A_18, %dma_start3A] : memref<10240x128xf32, #tpu.memory_space<vmem_shared>> -> memref<128x128xf32, #tpu.memory_space<vmem_shared>>
      %dma_start3A_55 = arith.constant 0 : i32
      %dma_start3A_56 = tpu.memref_slice %arg6[%add3A_18, %dma_start3A_55] : memref<10240x128xf32, #tpu.memory_space<vmem_shared>> -> memref<128x128xf32, #tpu.memory_space<vmem_shared>>
      tpu.enqueue_dma source(%arg11 : memref<128x128xf32, #tpu.memory_space<vmem>>) target(%dma_start3A_56 : memref<128x128xf32, #tpu.memory_space<vmem_shared>>) target_semaphore(%run_scoped3A : memref<!tpu.dma_semaphore, #tpu.memory_space<semaphore_mem>>)
      %dma_wait3A = arith.constant 0 : i32
      %dma_wait3A_57 = tpu.memref_slice %arg6[%add3A_18, %dma_wait3A] : memref<10240x128xf32, #tpu.memory_space<vmem_shared>> -> memref<128x128xf32, #tpu.memory_space<vmem_shared>>
      %dma_wait3A_58 = arith.constant 0 : i32
      %dma_wait3A_59 = tpu.memref_slice %arg6[%add3A_18, %dma_wait3A_58] : memref<10240x128xf32, #tpu.memory_space<vmem_shared>> -> memref<128x128xf32, #tpu.memory_space<vmem_shared>>
      tpu.wait_dma2 semaphore(%run_scoped3A : memref<!tpu.dma_semaphore, #tpu.memory_space<semaphore_mem>>) src(%arg11 : memref<128x128xf32, #tpu.memory_space<vmem>>) dst(%dma_wait3A_59 : memref<128x128xf32, #tpu.memory_space<vmem_shared>>)
      tpu.yield
    }) : () -> ()
    %mul3A_19 = arith.constant 640 : i32
    %mul3A_20 = arith.muli %arg1, %mul3A_19 : i32
    %add3A_21 = arith.constant 512 : i32
    %add3A_22 = arith.addi %mul3A_20, %add3A_21 : i32
    "tpu.region"() ({
      %run_scoped3A = tpu.sem_alloc : memref<!tpu.dma_semaphore, #tpu.memory_space<semaphore_mem>>
      %dma_start3A = arith.constant 0 : i32
      %dma_start3A_54 = tpu.memref_slice %arg6[%add3A_22, %dma_start3A] : memref<10240x128xf32, #tpu.memory_space<vmem_shared>> -> memref<128x128xf32, #tpu.memory_space<vmem_shared>>
      %dma_start3A_55 = arith.constant 0 : i32
      %dma_start3A_56 = tpu.memref_slice %arg6[%add3A_22, %dma_start3A_55] : memref<10240x128xf32, #tpu.memory_space<vmem_shared>> -> memref<128x128xf32, #tpu.memory_space<vmem_shared>>
      tpu.enqueue_dma source(%arg11 : memref<128x128xf32, #tpu.memory_space<vmem>>) target(%dma_start3A_56 : memref<128x128xf32, #tpu.memory_space<vmem_shared>>) target_semaphore(%run_scoped3A : memref<!tpu.dma_semaphore, #tpu.memory_space<semaphore_mem>>)
      %dma_wait3A = arith.constant 0 : i32
      %dma_wait3A_57 = tpu.memref_slice %arg6[%add3A_22, %dma_wait3A] : memref<10240x128xf32, #tpu.memory_space<vmem_shared>> -> memref<128x128xf32, #tpu.memory_space<vmem_shared>>
      %dma_wait3A_58 = arith.constant 0 : i32
      %dma_wait3A_59 = tpu.memref_slice %arg6[%add3A_22, %dma_wait3A_58] : memref<10240x128xf32, #tpu.memory_space<vmem_shared>> -> memref<128x128xf32, #tpu.memory_space<vmem_shared>>
      tpu.wait_dma2 semaphore(%run_scoped3A : memref<!tpu.dma_semaphore, #tpu.memory_space<semaphore_mem>>) src(%arg11 : memref<128x128xf32, #tpu.memory_space<vmem>>) dst(%dma_wait3A_59 : memref<128x128xf32, #tpu.memory_space<vmem_shared>>)
      tpu.yield
    }) : () -> ()
    %barrier3A = arith.constant 0 : index
    tpu.barrier barrier_id(%barrier3A)
    %mul3A_23 = arith.constant 20000 : i32
    %mul3A_24 = arith.muli %arg1, %mul3A_23 : i32
    %mul3A_25 = arith.constant 10240 : i32
    %mul3A_26 = arith.muli %arg0, %mul3A_25 : i32
    %scan3A_27 = arith.constant 0 : i32
    %scan3A_28 = arith.constant 0 : i32
    %scan3A_29 = arith.constant 250 : i32
    %scan3A_30 = arith.addi %scan3A_28, %scan3A_29 : i32
    %scan3A_31 = arith.constant 1 : i32
    scf.for %scan3A_54 = %scan3A_28 to %scan3A_30 step %scan3A_31  : i32 {
      %mul3A_55 = arith.constant 80 : i32
      %mul3A_56 = arith.muli %scan3A_54, %mul3A_55 : i32
      %add3A_57 = arith.addi %mul3A_24, %mul3A_56 : i32
      "tpu.region"() ({
        %run_scoped3A = tpu.sem_alloc : memref<!tpu.dma_semaphore, #tpu.memory_space<semaphore_mem>>
        %dma_start3A_105 = tpu.memref_slice %arg3[%add3A_57] : memref<320000xi32, #tpu.memory_space<hbm>> -> memref<80xi32, #tpu.memory_space<hbm>>
        %dma_start3A_106 = tpu.memref_slice %arg3[%add3A_57] : memref<320000xi32, #tpu.memory_space<hbm>> -> memref<80xi32, #tpu.memory_space<hbm>>
        tpu.enqueue_dma source(%dma_start3A_106 : memref<80xi32, #tpu.memory_space<hbm>>) target(%arg7 : memref<80xi32, #tpu.memory_space<vmem>>) target_semaphore(%run_scoped3A : memref<!tpu.dma_semaphore, #tpu.memory_space<semaphore_mem>>)
        %dma_wait3A_107 = tpu.memref_slice %arg3[%add3A_57] : memref<320000xi32, #tpu.memory_space<hbm>> -> memref<80xi32, #tpu.memory_space<hbm>>
        %dma_wait3A_108 = tpu.memref_slice %arg3[%add3A_57] : memref<320000xi32, #tpu.memory_space<hbm>> -> memref<80xi32, #tpu.memory_space<hbm>>
        tpu.wait_dma2 semaphore(%run_scoped3A : memref<!tpu.dma_semaphore, #tpu.memory_space<semaphore_mem>>) src(%dma_wait3A_108 : memref<80xi32, #tpu.memory_space<hbm>>) dst(%arg7 : memref<80xi32, #tpu.memory_space<vmem>>)
        tpu.yield
      }) : () -> ()
      %get3A = arith.constant 0 : index
      %get3A_58 = tpu.vector_load %arg7[%get3A] {strides = array<i32>} : memref<80xi32, #tpu.memory_space<vmem>>, vector<16xi32>,
      %get3A_59 = vector.shape_cast %get3A_58 : vector<16xi32> to vector<16xi32>
      %add3A_60 = vector.broadcast %mul3A_26 : i32 to vector<16xi32>
      %add3A_61 = arith.addi %get3A_59, %add3A_60 : vector<16xi32>
      %swap3A = arith.constant 0 : index
      %swap3A_62 = tpu.vector_load %arg8[%swap3A] {strides = array<i32>} : memref<80xi32, #tpu.memory_space<vmem>>, vector<16xi32>,
      %swap3A_63 = vector.shape_cast %swap3A_62 : vector<16xi32> to vector<16xi32>
      %swap3A_64 = vector.shape_cast %add3A_61 : vector<16xi32> to vector<16xi32>
      tpu.vector_store %arg8[%swap3A], %swap3A_64 {strides = array<i32>} : memref<80xi32, #tpu.memory_space<vmem>>, vector<16xi32>,
      %get3A_65 = arith.constant 16 : index
      %get3A_66 = tpu.vector_load %arg7[%get3A_65] {strides = array<i32>} : memref<80xi32, #tpu.memory_space<vmem>>, vector<16xi32>,
      %get3A_67 = vector.shape_cast %get3A_66 : vector<16xi32> to vector<16xi32>
      %add3A_68 = vector.broadcast %mul3A_26 : i32 to vector<16xi32>
      %add3A_69 = arith.addi %get3A_67, %add3A_68 : vector<16xi32>
      %swap3A_70 = arith.constant 16 : index
      %swap3A_71 = tpu.vector_load %arg8[%swap3A_70] {strides = array<i32>} : memref<80xi32, #tpu.memory_space<vmem>>, vector<16xi32>,
      %swap3A_72 = vector.shape_cast %swap3A_71 : vector<16xi32> to vector<16xi32>
      %swap3A_73 = vector.shape_cast %add3A_69 : vector<16xi32> to vector<16xi32>
      tpu.vector_store %arg8[%swap3A_70], %swap3A_73 {strides = array<i32>} : memref<80xi32, #tpu.memory_space<vmem>>, vector<16xi32>,
      %get3A_74 = arith.constant 32 : index
      %get3A_75 = tpu.vector_load %arg7[%get3A_74] {strides = array<i32>} : memref<80xi32, #tpu.memory_space<vmem>>, vector<16xi32>,
      %get3A_76 = vector.shape_cast %get3A_75 : vector<16xi32> to vector<16xi32>
      %add3A_77 = vector.broadcast %mul3A_26 : i32 to vector<16xi32>
      %add3A_78 = arith.addi %get3A_76, %add3A_77 : vector<16xi32>
      %swap3A_79 = arith.constant 32 : index
      %swap3A_80 = tpu.vector_load %arg8[%swap3A_79] {strides = array<i32>} : memref<80xi32, #tpu.memory_space<vmem>>, vector<16xi32>,
      %swap3A_81 = vector.shape_cast %swap3A_80 : vector<16xi32> to vector<16xi32>
      %swap3A_82 = vector.shape_cast %add3A_78 : vector<16xi32> to vector<16xi32>
      tpu.vector_store %arg8[%swap3A_79], %swap3A_82 {strides = array<i32>} : memref<80xi32, #tpu.memory_space<vmem>>, vector<16xi32>,
      %get3A_83 = arith.constant 48 : index
      %get3A_84 = tpu.vector_load %arg7[%get3A_83] {strides = array<i32>} : memref<80xi32, #tpu.memory_space<vmem>>, vector<16xi32>,
      %get3A_85 = vector.shape_cast %get3A_84 : vector<16xi32> to vector<16xi32>
      %add3A_86 = vector.broadcast %mul3A_26 : i32 to vector<16xi32>
      %add3A_87 = arith.addi %get3A_85, %add3A_86 : vector<16xi32>
      %swap3A_88 = arith.constant 48 : index
      %swap3A_89 = tpu.vector_load %arg8[%swap3A_88] {strides = array<i32>} : memref<80xi32, #tpu.memory_space<vmem>>, vector<16xi32>,
      %swap3A_90 = vector.shape_cast %swap3A_89 : vector<16xi32> to vector<16xi32>
      %swap3A_91 = vector.shape_cast %add3A_87 : vector<16xi32> to vector<16xi32>
      tpu.vector_store %arg8[%swap3A_88], %swap3A_91 {strides = array<i32>} : memref<80xi32, #tpu.memory_space<vmem>>, vector<16xi32>,
      %get3A_92 = arith.constant 64 : index
      %get3A_93 = tpu.vector_load %arg7[%get3A_92] {strides = array<i32>} : memref<80xi32, #tpu.memory_space<vmem>>, vector<16xi32>,
      %get3A_94 = vector.shape_cast %get3A_93 : vector<16xi32> to vector<16xi32>
      %add3A_95 = vector.broadcast %mul3A_26 : i32 to vector<16xi32>
      %add3A_96 = arith.addi %get3A_94, %add3A_95 : vector<16xi32>
      %swap3A_97 = arith.constant 64 : index
      %swap3A_98 = tpu.vector_load %arg8[%swap3A_97] {strides = array<i32>} : memref<80xi32, #tpu.memory_space<vmem>>, vector<16xi32>,
      %swap3A_99 = vector.shape_cast %swap3A_98 : vector<16xi32> to vector<16xi32>
      %swap3A_100 = vector.shape_cast %add3A_96 : vector<16xi32> to vector<16xi32>
      tpu.vector_store %arg8[%swap3A_97], %swap3A_100 {strides = array<i32>} : memref<80xi32, #tpu.memory_space<vmem>>, vector<16xi32>,
      %dma_start3A = arith.constant 0 : i32
      %dma_start3A_101 = arith.constant 0 : i32
      %dma_start3A_102 = tpu.memref_slice %arg2[%dma_start3A, %dma_start3A_101] : memref<20480x128xf32, #tpu.memory_space<hbm>> -> memref<20480x128xf32, #tpu.memory_space<hbm>>
      tpu.enqueue_indirect_dma source(%dma_start3A_102 : memref<20480x128xf32, #tpu.memory_space<hbm>>) target(%arg10 : memref<80x128xf32, #tpu.memory_space<vmem>>) offsets(%arg8 : memref<80xi32, #tpu.memory_space<vmem>>) semaphore(%arg12 : memref<!tpu.dma_semaphore, #tpu.memory_space<semaphore_mem>>)
      "tpu.region"() ({
        %run_scoped3A = tpu.sem_alloc : memref<!tpu.dma_semaphore, #tpu.memory_space<semaphore_mem>>
        %dma_start3A_105 = tpu.memref_slice %arg4[%add3A_57] : memref<320000xi32, #tpu.memory_space<hbm>> -> memref<80xi32, #tpu.memory_space<hbm>>
        %dma_start3A_106 = tpu.memref_slice %arg4[%add3A_57] : memref<320000xi32, #tpu.memory_space<hbm>> -> memref<80xi32, #tpu.memory_space<hbm>>
        tpu.enqueue_dma source(%dma_start3A_106 : memref<80xi32, #tpu.memory_space<hbm>>) target(%arg9 : memref<80xi32, #tpu.memory_space<vmem>>) target_semaphore(%run_scoped3A : memref<!tpu.dma_semaphore, #tpu.memory_space<semaphore_mem>>)
        %dma_wait3A_107 = tpu.memref_slice %arg4[%add3A_57] : memref<320000xi32, #tpu.memory_space<hbm>> -> memref<80xi32, #tpu.memory_space<hbm>>
        %dma_wait3A_108 = tpu.memref_slice %arg4[%add3A_57] : memref<320000xi32, #tpu.memory_space<hbm>> -> memref<80xi32, #tpu.memory_space<hbm>>
        tpu.wait_dma2 semaphore(%run_scoped3A : memref<!tpu.dma_semaphore, #tpu.memory_space<semaphore_mem>>) src(%dma_wait3A_108 : memref<80xi32, #tpu.memory_space<hbm>>) dst(%arg9 : memref<80xi32, #tpu.memory_space<vmem>>)
        tpu.yield
      }) : () -> ()
      %dma_wait3A = arith.constant 0 : i32
      %dma_wait3A_103 = arith.constant 0 : i32
      %dma_wait3A_104 = tpu.memref_slice %arg2[%dma_wait3A, %dma_wait3A_103] : memref<20480x128xf32, #tpu.memory_space<hbm>> -> memref<20480x128xf32, #tpu.memory_space<hbm>>
      tpu.wait_indirect_dma semaphore(%arg12 : memref<!tpu.dma_semaphore, #tpu.memory_space<semaphore_mem>>) src(%dma_wait3A_104 : memref<20480x128xf32, #tpu.memory_space<hbm>>) dst(%arg10 : memref<80x128xf32, #tpu.memory_space<vmem>>)
      "tpu.region"() ({
        %run_scoped3A = tpu.sem_alloc : memref<!tpu.dma_semaphore, #tpu.memory_space<semaphore_mem>>
        %dma_start3A_105 = arith.constant 0 : i32
        %dma_start3A_106 = arith.constant 0 : i32
        %dma_start3A_107 = tpu.memref_slice %arg6[%dma_start3A_105, %dma_start3A_106] : memref<10240x128xf32, #tpu.memory_space<vmem_shared>> -> memref<10240x128xf32, #tpu.memory_space<vmem_shared>>
        tpu.enqueue_indirect_dma source(%arg10 : memref<80x128xf32, #tpu.memory_space<vmem>>) target(%dma_start3A_107 : memref<10240x128xf32, #tpu.memory_space<vmem_shared>>) offsets(%arg9 : memref<80xi32, #tpu.memory_space<vmem>>) semaphore(%run_scoped3A : memref<!tpu.dma_semaphore, #tpu.memory_space<semaphore_mem>>) {add = true}
        %dma_wait3A_108 = arith.constant 0 : i32
        %dma_wait3A_109 = arith.constant 0 : i32
        %dma_wait3A_110 = tpu.memref_slice %arg6[%dma_wait3A_108, %dma_wait3A_109] : memref<10240x128xf32, #tpu.memory_space<vmem_shared>> -> memref<10240x128xf32, #tpu.memory_space<vmem_shared>>
        tpu.wait_indirect_dma semaphore(%run_scoped3A : memref<!tpu.dma_semaphore, #tpu.memory_space<semaphore_mem>>) src(%arg10 : memref<80x128xf32, #tpu.memory_space<vmem>>) dst(%dma_wait3A_110 : memref<10240x128xf32, #tpu.memory_space<vmem_shared>>)
        tpu.yield
      }) : () -> ()
    }
    %scan3A_32 = arith.constant 250 : i32
    %barrier3A_33 = arith.constant 0 : index
    tpu.barrier barrier_id(%barrier3A_33)
    %mul3A_34 = arith.constant 640 : i32
    %mul3A_35 = arith.muli %arg1, %mul3A_34 : i32
    %add3A_36 = arith.constant 0 : i32
    %add3A_37 = arith.addi %mul3A_35, %add3A_36 : i32
    "tpu.region"() ({
      %run_scoped3A = tpu.sem_alloc : memref<!tpu.dma_semaphore, #tpu.memory_space<semaphore_mem>>
      %dma_start3A = arith.constant 0 : i32
      %dma_start3A_54 = tpu.memref_slice %arg6[%add3A_37, %dma_start3A] : memref<10240x128xf32, #tpu.memory_space<vmem_shared>> -> memref<128x128xf32, #tpu.memory_space<vmem_shared>>
      %dma_start3A_55 = arith.constant 0 : i32
      %dma_start3A_56 = tpu.memref_slice %arg6[%add3A_37, %dma_start3A_55] : memref<10240x128xf32, #tpu.memory_space<vmem_shared>> -> memref<128x128xf32, #tpu.memory_space<vmem_shared>>
      tpu.enqueue_dma source(%dma_start3A_56 : memref<128x128xf32, #tpu.memory_space<vmem_shared>>) target(%arg11 : memref<128x128xf32, #tpu.memory_space<vmem>>) target_semaphore(%run_scoped3A : memref<!tpu.dma_semaphore, #tpu.memory_space<semaphore_mem>>)
      %dma_wait3A = arith.constant 0 : i32
      %dma_wait3A_57 = tpu.memref_slice %arg6[%add3A_37, %dma_wait3A] : memref<10240x128xf32, #tpu.memory_space<vmem_shared>> -> memref<128x128xf32, #tpu.memory_space<vmem_shared>>
      %dma_wait3A_58 = arith.constant 0 : i32
      %dma_wait3A_59 = tpu.memref_slice %arg6[%add3A_37, %dma_wait3A_58] : memref<10240x128xf32, #tpu.memory_space<vmem_shared>> -> memref<128x128xf32, #tpu.memory_space<vmem_shared>>
      tpu.wait_dma2 semaphore(%run_scoped3A : memref<!tpu.dma_semaphore, #tpu.memory_space<semaphore_mem>>) src(%dma_wait3A_59 : memref<128x128xf32, #tpu.memory_space<vmem_shared>>) dst(%arg11 : memref<128x128xf32, #tpu.memory_space<vmem>>)
      tpu.yield
    }) : () -> ()
    "tpu.region"() ({
      %run_scoped3A = tpu.sem_alloc : memref<!tpu.dma_semaphore, #tpu.memory_space<semaphore_mem>>
      %dma_start3A = arith.constant 0 : i32
      %dma_start3A_54 = tpu.memref_slice %arg5[%arg0, %add3A_37, %dma_start3A] : memref<2x10240x128xf32, #tpu.memory_space<hbm>> -> memref<1x128x128xf32, #tpu.memory_space<hbm>>
      %dma_start3A_55 = tpu.memref_squeeze %dma_start3A_54 : memref<1x128x128xf32, #tpu.memory_space<hbm>> -> memref<128x128xf32, #tpu.memory_space<hbm>>
      %dma_start3A_56 = arith.constant 0 : i32
      %dma_start3A_57 = tpu.memref_slice %arg5[%arg0, %add3A_37, %dma_start3A_56] : memref<2x10240x128xf32, #tpu.memory_space<hbm>> -> memref<1x128x128xf32, #tpu.memory_space<hbm>>
      %dma_start3A_58 = tpu.memref_squeeze %dma_start3A_57 : memref<1x128x128xf32, #tpu.memory_space<hbm>> -> memref<128x128xf32, #tpu.memory_space<hbm>>
      tpu.enqueue_dma source(%arg11 : memref<128x128xf32, #tpu.memory_space<vmem>>) target(%dma_start3A_58 : memref<128x128xf32, #tpu.memory_space<hbm>>) target_semaphore(%run_scoped3A : memref<!tpu.dma_semaphore, #tpu.memory_space<semaphore_mem>>)
      %dma_wait3A = arith.constant 0 : i32
      %dma_wait3A_59 = tpu.memref_slice %arg5[%arg0, %add3A_37, %dma_wait3A] : memref<2x10240x128xf32, #tpu.memory_space<hbm>> -> memref<1x128x128xf32, #tpu.memory_space<hbm>>
      %dma_wait3A_60 = tpu.memref_squeeze %dma_wait3A_59 : memref<1x128x128xf32, #tpu.memory_space<hbm>> -> memref<128x128xf32, #tpu.memory_space<hbm>>
      %dma_wait3A_61 = arith.constant 0 : i32
      %dma_wait3A_62 = tpu.memref_slice %arg5[%arg0, %add3A_37, %dma_wait3A_61] : memref<2x10240x128xf32, #tpu.memory_space<hbm>> -> memref<1x128x128xf32, #tpu.memory_space<hbm>>
      %dma_wait3A_63 = tpu.memref_squeeze %dma_wait3A_62 : memref<1x128x128xf32, #tpu.memory_space<hbm>> -> memref<128x128xf32, #tpu.memory_space<hbm>>
      tpu.wait_dma2 semaphore(%run_scoped3A : memref<!tpu.dma_semaphore, #tpu.memory_space<semaphore_mem>>) src(%arg11 : memref<128x128xf32, #tpu.memory_space<vmem>>) dst(%dma_wait3A_63 : memref<128x128xf32, #tpu.memory_space<hbm>>)
      tpu.yield
    }) : () -> ()
    %mul3A_38 = arith.constant 640 : i32
    %mul3A_39 = arith.muli %arg1, %mul3A_38 : i32
    %add3A_40 = arith.constant 128 : i32
    %add3A_41 = arith.addi %mul3A_39, %add3A_40 : i32
    "tpu.region"() ({
      %run_scoped3A = tpu.sem_alloc : memref<!tpu.dma_semaphore, #tpu.memory_space<semaphore_mem>>
      %dma_start3A = arith.constant 0 : i32
      %dma_start3A_54 = tpu.memref_slice %arg6[%add3A_41, %dma_start3A] : memref<10240x128xf32, #tpu.memory_space<vmem_shared>> -> memref<128x128xf32, #tpu.memory_space<vmem_shared>>
      %dma_start3A_55 = arith.constant 0 : i32
      %dma_start3A_56 = tpu.memref_slice %arg6[%add3A_41, %dma_start3A_55] : memref<10240x128xf32, #tpu.memory_space<vmem_shared>> -> memref<128x128xf32, #tpu.memory_space<vmem_shared>>
      tpu.enqueue_dma source(%dma_start3A_56 : memref<128x128xf32, #tpu.memory_space<vmem_shared>>) target(%arg11 : memref<128x128xf32, #tpu.memory_space<vmem>>) target_semaphore(%run_scoped3A : memref<!tpu.dma_semaphore, #tpu.memory_space<semaphore_mem>>)
      %dma_wait3A = arith.constant 0 : i32
      %dma_wait3A_57 = tpu.memref_slice %arg6[%add3A_41, %dma_wait3A] : memref<10240x128xf32, #tpu.memory_space<vmem_shared>> -> memref<128x128xf32, #tpu.memory_space<vmem_shared>>
      %dma_wait3A_58 = arith.constant 0 : i32
      %dma_wait3A_59 = tpu.memref_slice %arg6[%add3A_41, %dma_wait3A_58] : memref<10240x128xf32, #tpu.memory_space<vmem_shared>> -> memref<128x128xf32, #tpu.memory_space<vmem_shared>>
      tpu.wait_dma2 semaphore(%run_scoped3A : memref<!tpu.dma_semaphore, #tpu.memory_space<semaphore_mem>>) src(%dma_wait3A_59 : memref<128x128xf32, #tpu.memory_space<vmem_shared>>) dst(%arg11 : memref<128x128xf32, #tpu.memory_space<vmem>>)
      tpu.yield
    }) : () -> ()
    "tpu.region"() ({
      %run_scoped3A = tpu.sem_alloc : memref<!tpu.dma_semaphore, #tpu.memory_space<semaphore_mem>>
      %dma_start3A = arith.constant 0 : i32
      %dma_start3A_54 = tpu.memref_slice %arg5[%arg0, %add3A_41, %dma_start3A] : memref<2x10240x128xf32, #tpu.memory_space<hbm>> -> memref<1x128x128xf32, #tpu.memory_space<hbm>>
      %dma_start3A_55 = tpu.memref_squeeze %dma_start3A_54 : memref<1x128x128xf32, #tpu.memory_space<hbm>> -> memref<128x128xf32, #tpu.memory_space<hbm>>
      %dma_start3A_56 = arith.constant 0 : i32
      %dma_start3A_57 = tpu.memref_slice %arg5[%arg0, %add3A_41, %dma_start3A_56] : memref<2x10240x128xf32, #tpu.memory_space<hbm>> -> memref<1x128x128xf32, #tpu.memory_space<hbm>>
      %dma_start3A_58 = tpu.memref_squeeze %dma_start3A_57 : memref<1x128x128xf32, #tpu.memory_space<hbm>> -> memref<128x128xf32, #tpu.memory_space<hbm>>
      tpu.enqueue_dma source(%arg11 : memref<128x128xf32, #tpu.memory_space<vmem>>) target(%dma_start3A_58 : memref<128x128xf32, #tpu.memory_space<hbm>>) target_semaphore(%run_scoped3A : memref<!tpu.dma_semaphore, #tpu.memory_space<semaphore_mem>>)
      %dma_wait3A = arith.constant 0 : i32
      %dma_wait3A_59 = tpu.memref_slice %arg5[%arg0, %add3A_41, %dma_wait3A] : memref<2x10240x128xf32, #tpu.memory_space<hbm>> -> memref<1x128x128xf32, #tpu.memory_space<hbm>>
      %dma_wait3A_60 = tpu.memref_squeeze %dma_wait3A_59 : memref<1x128x128xf32, #tpu.memory_space<hbm>> -> memref<128x128xf32, #tpu.memory_space<hbm>>
      %dma_wait3A_61 = arith.constant 0 : i32
      %dma_wait3A_62 = tpu.memref_slice %arg5[%arg0, %add3A_41, %dma_wait3A_61] : memref<2x10240x128xf32, #tpu.memory_space<hbm>> -> memref<1x128x128xf32, #tpu.memory_space<hbm>>
      %dma_wait3A_63 = tpu.memref_squeeze %dma_wait3A_62 : memref<1x128x128xf32, #tpu.memory_space<hbm>> -> memref<128x128xf32, #tpu.memory_space<hbm>>
      tpu.wait_dma2 semaphore(%run_scoped3A : memref<!tpu.dma_semaphore, #tpu.memory_space<semaphore_mem>>) src(%arg11 : memref<128x128xf32, #tpu.memory_space<vmem>>) dst(%dma_wait3A_63 : memref<128x128xf32, #tpu.memory_space<hbm>>)
      tpu.yield
    }) : () -> ()
    %mul3A_42 = arith.constant 640 : i32
    %mul3A_43 = arith.muli %arg1, %mul3A_42 : i32
    %add3A_44 = arith.constant 256 : i32
    %add3A_45 = arith.addi %mul3A_43, %add3A_44 : i32
    "tpu.region"() ({
      %run_scoped3A = tpu.sem_alloc : memref<!tpu.dma_semaphore, #tpu.memory_space<semaphore_mem>>
      %dma_start3A = arith.constant 0 : i32
      %dma_start3A_54 = tpu.memref_slice %arg6[%add3A_45, %dma_start3A] : memref<10240x128xf32, #tpu.memory_space<vmem_shared>> -> memref<128x128xf32, #tpu.memory_space<vmem_shared>>
      %dma_start3A_55 = arith.constant 0 : i32
      %dma_start3A_56 = tpu.memref_slice %arg6[%add3A_45, %dma_start3A_55] : memref<10240x128xf32, #tpu.memory_space<vmem_shared>> -> memref<128x128xf32, #tpu.memory_space<vmem_shared>>
      tpu.enqueue_dma source(%dma_start3A_56 : memref<128x128xf32, #tpu.memory_space<vmem_shared>>) target(%arg11 : memref<128x128xf32, #tpu.memory_space<vmem>>) target_semaphore(%run_scoped3A : memref<!tpu.dma_semaphore, #tpu.memory_space<semaphore_mem>>)
      %dma_wait3A = arith.constant 0 : i32
      %dma_wait3A_57 = tpu.memref_slice %arg6[%add3A_45, %dma_wait3A] : memref<10240x128xf32, #tpu.memory_space<vmem_shared>> -> memref<128x128xf32, #tpu.memory_space<vmem_shared>>
      %dma_wait3A_58 = arith.constant 0 : i32
      %dma_wait3A_59 = tpu.memref_slice %arg6[%add3A_45, %dma_wait3A_58] : memref<10240x128xf32, #tpu.memory_space<vmem_shared>> -> memref<128x128xf32, #tpu.memory_space<vmem_shared>>
      tpu.wait_dma2 semaphore(%run_scoped3A : memref<!tpu.dma_semaphore, #tpu.memory_space<semaphore_mem>>) src(%dma_wait3A_59 : memref<128x128xf32, #tpu.memory_space<vmem_shared>>) dst(%arg11 : memref<128x128xf32, #tpu.memory_space<vmem>>)
      tpu.yield
    }) : () -> ()
    "tpu.region"() ({
      %run_scoped3A = tpu.sem_alloc : memref<!tpu.dma_semaphore, #tpu.memory_space<semaphore_mem>>
      %dma_start3A = arith.constant 0 : i32
      %dma_start3A_54 = tpu.memref_slice %arg5[%arg0, %add3A_45, %dma_start3A] : memref<2x10240x128xf32, #tpu.memory_space<hbm>> -> memref<1x128x128xf32, #tpu.memory_space<hbm>>
      %dma_start3A_55 = tpu.memref_squeeze %dma_start3A_54 : memref<1x128x128xf32, #tpu.memory_space<hbm>> -> memref<128x128xf32, #tpu.memory_space<hbm>>
      %dma_start3A_56 = arith.constant 0 : i32
      %dma_start3A_57 = tpu.memref_slice %arg5[%arg0, %add3A_45, %dma_start3A_56] : memref<2x10240x128xf32, #tpu.memory_space<hbm>> -> memref<1x128x128xf32, #tpu.memory_space<hbm>>
      %dma_start3A_58 = tpu.memref_squeeze %dma_start3A_57 : memref<1x128x128xf32, #tpu.memory_space<hbm>> -> memref<128x128xf32, #tpu.memory_space<hbm>>
      tpu.enqueue_dma source(%arg11 : memref<128x128xf32, #tpu.memory_space<vmem>>) target(%dma_start3A_58 : memref<128x128xf32, #tpu.memory_space<hbm>>) target_semaphore(%run_scoped3A : memref<!tpu.dma_semaphore, #tpu.memory_space<semaphore_mem>>)
      %dma_wait3A = arith.constant 0 : i32
      %dma_wait3A_59 = tpu.memref_slice %arg5[%arg0, %add3A_45, %dma_wait3A] : memref<2x10240x128xf32, #tpu.memory_space<hbm>> -> memref<1x128x128xf32, #tpu.memory_space<hbm>>
      %dma_wait3A_60 = tpu.memref_squeeze %dma_wait3A_59 : memref<1x128x128xf32, #tpu.memory_space<hbm>> -> memref<128x128xf32, #tpu.memory_space<hbm>>
      %dma_wait3A_61 = arith.constant 0 : i32
      %dma_wait3A_62 = tpu.memref_slice %arg5[%arg0, %add3A_45, %dma_wait3A_61] : memref<2x10240x128xf32, #tpu.memory_space<hbm>> -> memref<1x128x128xf32, #tpu.memory_space<hbm>>
      %dma_wait3A_63 = tpu.memref_squeeze %dma_wait3A_62 : memref<1x128x128xf32, #tpu.memory_space<hbm>> -> memref<128x128xf32, #tpu.memory_space<hbm>>
      tpu.wait_dma2 semaphore(%run_scoped3A : memref<!tpu.dma_semaphore, #tpu.memory_space<semaphore_mem>>) src(%arg11 : memref<128x128xf32, #tpu.memory_space<vmem>>) dst(%dma_wait3A_63 : memref<128x128xf32, #tpu.memory_space<hbm>>)
      tpu.yield
    }) : () -> ()
    %mul3A_46 = arith.constant 640 : i32
    %mul3A_47 = arith.muli %arg1, %mul3A_46 : i32
    %add3A_48 = arith.constant 384 : i32
    %add3A_49 = arith.addi %mul3A_47, %add3A_48 : i32
    "tpu.region"() ({
      %run_scoped3A = tpu.sem_alloc : memref<!tpu.dma_semaphore, #tpu.memory_space<semaphore_mem>>
      %dma_start3A = arith.constant 0 : i32
      %dma_start3A_54 = tpu.memref_slice %arg6[%add3A_49, %dma_start3A] : memref<10240x128xf32, #tpu.memory_space<vmem_shared>> -> memref<128x128xf32, #tpu.memory_space<vmem_shared>>
      %dma_start3A_55 = arith.constant 0 : i32
      %dma_start3A_56 = tpu.memref_slice %arg6[%add3A_49, %dma_start3A_55] : memref<10240x128xf32, #tpu.memory_space<vmem_shared>> -> memref<128x128xf32, #tpu.memory_space<vmem_shared>>
      tpu.enqueue_dma source(%dma_start3A_56 : memref<128x128xf32, #tpu.memory_space<vmem_shared>>) target(%arg11 : memref<128x128xf32, #tpu.memory_space<vmem>>) target_semaphore(%run_scoped3A : memref<!tpu.dma_semaphore, #tpu.memory_space<semaphore_mem>>)
      %dma_wait3A = arith.constant 0 : i32
      %dma_wait3A_57 = tpu.memref_slice %arg6[%add3A_49, %dma_wait3A] : memref<10240x128xf32, #tpu.memory_space<vmem_shared>> -> memref<128x128xf32, #tpu.memory_space<vmem_shared>>
      %dma_wait3A_58 = arith.constant 0 : i32
      %dma_wait3A_59 = tpu.memref_slice %arg6[%add3A_49, %dma_wait3A_58] : memref<10240x128xf32, #tpu.memory_space<vmem_shared>> -> memref<128x128xf32, #tpu.memory_space<vmem_shared>>
      tpu.wait_dma2 semaphore(%run_scoped3A : memref<!tpu.dma_semaphore, #tpu.memory_space<semaphore_mem>>) src(%dma_wait3A_59 : memref<128x128xf32, #tpu.memory_space<vmem_shared>>) dst(%arg11 : memref<128x128xf32, #tpu.memory_space<vmem>>)
      tpu.yield
    }) : () -> ()
    "tpu.region"() ({
      %run_scoped3A = tpu.sem_alloc : memref<!tpu.dma_semaphore, #tpu.memory_space<semaphore_mem>>
      %dma_start3A = arith.constant 0 : i32
      %dma_start3A_54 = tpu.memref_slice %arg5[%arg0, %add3A_49, %dma_start3A] : memref<2x10240x128xf32, #tpu.memory_space<hbm>> -> memref<1x128x128xf32, #tpu.memory_space<hbm>>
      %dma_start3A_55 = tpu.memref_squeeze %dma_start3A_54 : memref<1x128x128xf32, #tpu.memory_space<hbm>> -> memref<128x128xf32, #tpu.memory_space<hbm>>
      %dma_start3A_56 = arith.constant 0 : i32
      %dma_start3A_57 = tpu.memref_slice %arg5[%arg0, %add3A_49, %dma_start3A_56] : memref<2x10240x128xf32, #tpu.memory_space<hbm>> -> memref<1x128x128xf32, #tpu.memory_space<hbm>>
      %dma_start3A_58 = tpu.memref_squeeze %dma_start3A_57 : memref<1x128x128xf32, #tpu.memory_space<hbm>> -> memref<128x128xf32, #tpu.memory_space<hbm>>
      tpu.enqueue_dma source(%arg11 : memref<128x128xf32, #tpu.memory_space<vmem>>) target(%dma_start3A_58 : memref<128x128xf32, #tpu.memory_space<hbm>>) target_semaphore(%run_scoped3A : memref<!tpu.dma_semaphore, #tpu.memory_space<semaphore_mem>>)
      %dma_wait3A = arith.constant 0 : i32
      %dma_wait3A_59 = tpu.memref_slice %arg5[%arg0, %add3A_49, %dma_wait3A] : memref<2x10240x128xf32, #tpu.memory_space<hbm>> -> memref<1x128x128xf32, #tpu.memory_space<hbm>>
      %dma_wait3A_60 = tpu.memref_squeeze %dma_wait3A_59 : memref<1x128x128xf32, #tpu.memory_space<hbm>> -> memref<128x128xf32, #tpu.memory_space<hbm>>
      %dma_wait3A_61 = arith.constant 0 : i32
      %dma_wait3A_62 = tpu.memref_slice %arg5[%arg0, %add3A_49, %dma_wait3A_61] : memref<2x10240x128xf32, #tpu.memory_space<hbm>> -> memref<1x128x128xf32, #tpu.memory_space<hbm>>
      %dma_wait3A_63 = tpu.memref_squeeze %dma_wait3A_62 : memref<1x128x128xf32, #tpu.memory_space<hbm>> -> memref<128x128xf32, #tpu.memory_space<hbm>>
      tpu.wait_dma2 semaphore(%run_scoped3A : memref<!tpu.dma_semaphore, #tpu.memory_space<semaphore_mem>>) src(%arg11 : memref<128x128xf32, #tpu.memory_space<vmem>>) dst(%dma_wait3A_63 : memref<128x128xf32, #tpu.memory_space<hbm>>)
      tpu.yield
    }) : () -> ()
    %mul3A_50 = arith.constant 640 : i32
    %mul3A_51 = arith.muli %arg1, %mul3A_50 : i32
    %add3A_52 = arith.constant 512 : i32
    %add3A_53 = arith.addi %mul3A_51, %add3A_52 : i32
    "tpu.region"() ({
      %run_scoped3A = tpu.sem_alloc : memref<!tpu.dma_semaphore, #tpu.memory_space<semaphore_mem>>
      %dma_start3A = arith.constant 0 : i32
      %dma_start3A_54 = tpu.memref_slice %arg6[%add3A_53, %dma_start3A] : memref<10240x128xf32, #tpu.memory_space<vmem_shared>> -> memref<128x128xf32, #tpu.memory_space<vmem_shared>>
      %dma_start3A_55 = arith.constant 0 : i32
      %dma_start3A_56 = tpu.memref_slice %arg6[%add3A_53, %dma_start3A_55] : memref<10240x128xf32, #tpu.memory_space<vmem_shared>> -> memref<128x128xf32, #tpu.memory_space<vmem_shared>>
      tpu.enqueue_dma source(%dma_start3A_56 : memref<128x128xf32, #tpu.memory_space<vmem_shared>>) target(%arg11 : memref<128x128xf32, #tpu.memory_space<vmem>>) target_semaphore(%run_scoped3A : memref<!tpu.dma_semaphore, #tpu.memory_space<semaphore_mem>>)
      %dma_wait3A = arith.constant 0 : i32
      %dma_wait3A_57 = tpu.memref_slice %arg6[%add3A_53, %dma_wait3A] : memref<10240x128xf32, #tpu.memory_space<vmem_shared>> -> memref<128x128xf32, #tpu.memory_space<vmem_shared>>
      %dma_wait3A_58 = arith.constant 0 : i32
      %dma_wait3A_59 = tpu.memref_slice %arg6[%add3A_53, %dma_wait3A_58] : memref<10240x128xf32, #tpu.memory_space<vmem_shared>> -> memref<128x128xf32, #tpu.memory_space<vmem_shared>>
      tpu.wait_dma2 semaphore(%run_scoped3A : memref<!tpu.dma_semaphore, #tpu.memory_space<semaphore_mem>>) src(%dma_wait3A_59 : memref<128x128xf32, #tpu.memory_space<vmem_shared>>) dst(%arg11 : memref<128x128xf32, #tpu.memory_space<vmem>>)
      tpu.yield
    }) : () -> ()
    "tpu.region"() ({
      %run_scoped3A = tpu.sem_alloc : memref<!tpu.dma_semaphore, #tpu.memory_space<semaphore_mem>>
      %dma_start3A = arith.constant 0 : i32
      %dma_start3A_54 = tpu.memref_slice %arg5[%arg0, %add3A_53, %dma_start3A] : memref<2x10240x128xf32, #tpu.memory_space<hbm>> -> memref<1x128x128xf32, #tpu.memory_space<hbm>>
      %dma_start3A_55 = tpu.memref_squeeze %dma_start3A_54 : memref<1x128x128xf32, #tpu.memory_space<hbm>> -> memref<128x128xf32, #tpu.memory_space<hbm>>
      %dma_start3A_56 = arith.constant 0 : i32
      %dma_start3A_57 = tpu.memref_slice %arg5[%arg0, %add3A_53, %dma_start3A_56] : memref<2x10240x128xf32, #tpu.memory_space<hbm>> -> memref<1x128x128xf32, #tpu.memory_space<hbm>>
      %dma_start3A_58 = tpu.memref_squeeze %dma_start3A_57 : memref<1x128x128xf32, #tpu.memory_space<hbm>> -> memref<128x128xf32, #tpu.memory_space<hbm>>
      tpu.enqueue_dma source(%arg11 : memref<128x128xf32, #tpu.memory_space<vmem>>) target(%dma_start3A_58 : memref<128x128xf32, #tpu.memory_space<hbm>>) target_semaphore(%run_scoped3A : memref<!tpu.dma_semaphore, #tpu.memory_space<semaphore_mem>>)
      %dma_wait3A = arith.constant 0 : i32
      %dma_wait3A_59 = tpu.memref_slice %arg5[%arg0, %add3A_53, %dma_wait3A] : memref<2x10240x128xf32, #tpu.memory_space<hbm>> -> memref<1x128x128xf32, #tpu.memory_space<hbm>>
      %dma_wait3A_60 = tpu.memref_squeeze %dma_wait3A_59 : memref<1x128x128xf32, #tpu.memory_space<hbm>> -> memref<128x128xf32, #tpu.memory_space<hbm>>
      %dma_wait3A_61 = arith.constant 0 : i32
      %dma_wait3A_62 = tpu.memref_slice %arg5[%arg0, %add3A_53, %dma_wait3A_61] : memref<2x10240x128xf32, #tpu.memory_space<hbm>> -> memref<1x128x128xf32, #tpu.memory_space<hbm>>
      %dma_wait3A_63 = tpu.memref_squeeze %dma_wait3A_62 : memref<1x128x128xf32, #tpu.memory_space<hbm>> -> memref<128x128xf32, #tpu.memory_space<hbm>>
      tpu.wait_dma2 semaphore(%run_scoped3A : memref<!tpu.dma_semaphore, #tpu.memory_space<semaphore_mem>>) src(%arg11 : memref<128x128xf32, #tpu.memory_space<vmem>>) dst(%dma_wait3A_63 : memref<128x128xf32, #tpu.memory_space<hbm>>)
      tpu.yield
    }) : () -> ()
    return
  }
}

#map = affine_map<(d0, d1) -> (0, 0)>
#map1 = affine_map<(d0, d1) -> (0)>
#map2 = affine_map<(d0, d1) -> (0, 0, 0)>
module attributes {stable_mosaic.version = 14 : i64} {
  func.func @body(%arg0: i32, %arg1: i32, %arg2: memref<10240x128xf32, #tpu.memory_space<hbm>>, %arg3: memref<320000xi32, #tpu.memory_space<hbm>>, %arg4: memref<320000xi32, #tpu.memory_space<hbm>>, %arg5: memref<2x10240x128xf32, #tpu.memory_space<hbm>>, %arg6: memref<10240x128xf32, #tpu.memory_space<vmem_shared>>, %arg7: memref<80xi32, #tpu.memory_space<vmem>>, %arg8: memref<80xi32, #tpu.memory_space<vmem>>, %arg9: memref<80xi32, #tpu.memory_space<vmem>>, %arg10: memref<80x128xf32, #tpu.memory_space<vmem>>, %arg11: memref<128x128xf32, #tpu.memory_space<vmem>>, %arg12: memref<!tpu.dma_semaphore, #tpu.memory_space<semaphore_mem>>) attributes {dimension_semantics = [#tpu.dimension_semantics<core_parallel>, #tpu.dimension_semantics<subcore_parallel>], iteration_bounds = array<i64: 2, 16>, scalar_prefetch = 0 : i64, scratch_operands = 7 : i64, tpu.core_type = #tpu.core_type<sc_vector_subcore>, window_params = [{transform_indices = #map}, {transform_indices = #map1}, {transform_indices = #map1}, {transform_indices = #map2}]} {
    %scan3A = arith.constant 0 : i32
    %scan3A_0 = arith.constant 0 : i32
    %scan3A_1 = arith.constant 128 : i32
    %scan3A_2 = arith.addi %scan3A_0, %scan3A_1 : i32
    %scan3A_3 = arith.constant 1 : i32
    scf.for %scan3A_55 = %scan3A_0 to %scan3A_2 step %scan3A_3  : i32 {
      %broadcast_in_dim3A = arith.constant 0.000000e+00 : f32
      %broadcast_in_dim3A_56 = vector.broadcast %broadcast_in_dim3A : f32 to vector<16xf32>
      %swap3A = arith.index_cast %scan3A_55 : i32 to index
      %swap3A_57 = arith.constant 0 : index
      %swap3A_58 = tpu.vector_load %arg11[%swap3A, %swap3A_57] {strides = array<i32>} : memref<128x128xf32, #tpu.memory_space<vmem>>, vector<1x16xf32>,
      %swap3A_59 = vector.shape_cast %swap3A_58 : vector<1x16xf32> to vector<16xf32>
      %swap3A_60 = vector.shape_cast %broadcast_in_dim3A_56 : vector<16xf32> to vector<1x16xf32>
      tpu.vector_store %arg11[%swap3A, %swap3A_57], %swap3A_60 {strides = array<i32>} : memref<128x128xf32, #tpu.memory_space<vmem>>, vector<1x16xf32>,
      %broadcast_in_dim3A_61 = arith.constant 0.000000e+00 : f32
      %broadcast_in_dim3A_62 = vector.broadcast %broadcast_in_dim3A_61 : f32 to vector<16xf32>
      %swap3A_63 = arith.index_cast %scan3A_55 : i32 to index
      %swap3A_64 = arith.constant 16 : index
      %swap3A_65 = tpu.vector_load %arg11[%swap3A_63, %swap3A_64] {strides = array<i32>} : memref<128x128xf32, #tpu.memory_space<vmem>>, vector<1x16xf32>,
      %swap3A_66 = vector.shape_cast %swap3A_65 : vector<1x16xf32> to vector<16xf32>
      %swap3A_67 = vector.shape_cast %broadcast_in_dim3A_62 : vector<16xf32> to vector<1x16xf32>
      tpu.vector_store %arg11[%swap3A_63, %swap3A_64], %swap3A_67 {strides = array<i32>} : memref<128x128xf32, #tpu.memory_space<vmem>>, vector<1x16xf32>,
      %broadcast_in_dim3A_68 = arith.constant 0.000000e+00 : f32
      %broadcast_in_dim3A_69 = vector.broadcast %broadcast_in_dim3A_68 : f32 to vector<16xf32>
      %swap3A_70 = arith.index_cast %scan3A_55 : i32 to index
      %swap3A_71 = arith.constant 32 : index
      %swap3A_72 = tpu.vector_load %arg11[%swap3A_70, %swap3A_71] {strides = array<i32>} : memref<128x128xf32, #tpu.memory_space<vmem>>, vector<1x16xf32>,
      %swap3A_73 = vector.shape_cast %swap3A_72 : vector<1x16xf32> to vector<16xf32>
      %swap3A_74 = vector.shape_cast %broadcast_in_dim3A_69 : vector<16xf32> to vector<1x16xf32>
      tpu.vector_store %arg11[%swap3A_70, %swap3A_71], %swap3A_74 {strides = array<i32>} : memref<128x128xf32, #tpu.memory_space<vmem>>, vector<1x16xf32>,
      %broadcast_in_dim3A_75 = arith.constant 0.000000e+00 : f32
      %broadcast_in_dim3A_76 = vector.broadcast %broadcast_in_dim3A_75 : f32 to vector<16xf32>
      %swap3A_77 = arith.index_cast %scan3A_55 : i32 to index
      %swap3A_78 = arith.constant 48 : index
      %swap3A_79 = tpu.vector_load %arg11[%swap3A_77, %swap3A_78] {strides = array<i32>} : memref<128x128xf32, #tpu.memory_space<vmem>>, vector<1x16xf32>,
      %swap3A_80 = vector.shape_cast %swap3A_79 : vector<1x16xf32> to vector<16xf32>
      %swap3A_81 = vector.shape_cast %broadcast_in_dim3A_76 : vector<16xf32> to vector<1x16xf32>
      tpu.vector_store %arg11[%swap3A_77, %swap3A_78], %swap3A_81 {strides = array<i32>} : memref<128x128xf32, #tpu.memory_space<vmem>>, vector<1x16xf32>,
      %broadcast_in_dim3A_82 = arith.constant 0.000000e+00 : f32
      %broadcast_in_dim3A_83 = vector.broadcast %broadcast_in_dim3A_82 : f32 to vector<16xf32>
      %swap3A_84 = arith.index_cast %scan3A_55 : i32 to index
      %swap3A_85 = arith.constant 64 : index
      %swap3A_86 = tpu.vector_load %arg11[%swap3A_84, %swap3A_85] {strides = array<i32>} : memref<128x128xf32, #tpu.memory_space<vmem>>, vector<1x16xf32>,
      %swap3A_87 = vector.shape_cast %swap3A_86 : vector<1x16xf32> to vector<16xf32>
      %swap3A_88 = vector.shape_cast %broadcast_in_dim3A_83 : vector<16xf32> to vector<1x16xf32>
      tpu.vector_store %arg11[%swap3A_84, %swap3A_85], %swap3A_88 {strides = array<i32>} : memref<128x128xf32, #tpu.memory_space<vmem>>, vector<1x16xf32>,
      %broadcast_in_dim3A_89 = arith.constant 0.000000e+00 : f32
      %broadcast_in_dim3A_90 = vector.broadcast %broadcast_in_dim3A_89 : f32 to vector<16xf32>
      %swap3A_91 = arith.index_cast %scan3A_55 : i32 to index
      %swap3A_92 = arith.constant 80 : index
      %swap3A_93 = tpu.vector_load %arg11[%swap3A_91, %swap3A_92] {strides = array<i32>} : memref<128x128xf32, #tpu.memory_space<vmem>>, vector<1x16xf32>,
      %swap3A_94 = vector.shape_cast %swap3A_93 : vector<1x16xf32> to vector<16xf32>
      %swap3A_95 = vector.shape_cast %broadcast_in_dim3A_90 : vector<16xf32> to vector<1x16xf32>
      tpu.vector_store %arg11[%swap3A_91, %swap3A_92], %swap3A_95 {strides = array<i32>} : memref<128x128xf32, #tpu.memory_space<vmem>>, vector<1x16xf32>,
      %broadcast_in_dim3A_96 = arith.constant 0.000000e+00 : f32
      %broadcast_in_dim3A_97 = vector.broadcast %broadcast_in_dim3A_96 : f32 to vector<16xf32>
      %swap3A_98 = arith.index_cast %scan3A_55 : i32 to index
      %swap3A_99 = arith.constant 96 : index
      %swap3A_100 = tpu.vector_load %arg11[%swap3A_98, %swap3A_99] {strides = array<i32>} : memref<128x128xf32, #tpu.memory_space<vmem>>, vector<1x16xf32>,
      %swap3A_101 = vector.shape_cast %swap3A_100 : vector<1x16xf32> to vector<16xf32>
      %swap3A_102 = vector.shape_cast %broadcast_in_dim3A_97 : vector<16xf32> to vector<1x16xf32>
      tpu.vector_store %arg11[%swap3A_98, %swap3A_99], %swap3A_102 {strides = array<i32>} : memref<128x128xf32, #tpu.memory_space<vmem>>, vector<1x16xf32>,
      %broadcast_in_dim3A_103 = arith.constant 0.000000e+00 : f32
      %broadcast_in_dim3A_104 = vector.broadcast %broadcast_in_dim3A_103 : f32 to vector<16xf32>
      %swap3A_105 = arith.index_cast %scan3A_55 : i32 to index
      %swap3A_106 = arith.constant 112 : index
      %swap3A_107 = tpu.vector_load %arg11[%swap3A_105, %swap3A_106] {strides = array<i32>} : memref<128x128xf32, #tpu.memory_space<vmem>>, vector<1x16xf32>,
      %swap3A_108 = vector.shape_cast %swap3A_107 : vector<1x16xf32> to vector<16xf32>
      %swap3A_109 = vector.shape_cast %broadcast_in_dim3A_104 : vector<16xf32> to vector<1x16xf32>
      tpu.vector_store %arg11[%swap3A_105, %swap3A_106], %swap3A_109 {strides = array<i32>} : memref<128x128xf32, #tpu.memory_space<vmem>>, vector<1x16xf32>,
    }
    %scan3A_4 = arith.constant 128 : i32
    %mul3A = arith.constant 640 : i32
    %mul3A_5 = arith.muli %arg1, %mul3A : i32
    %add3A = arith.constant 0 : i32
    %add3A_6 = arith.addi %mul3A_5, %add3A : i32
    "tpu.region"() ({
      %run_scoped3A = tpu.sem_alloc : memref<!tpu.dma_semaphore, #tpu.memory_space<semaphore_mem>>
      %dma_start3A = arith.constant 0 : i32
      %dma_start3A_55 = tpu.memref_slice %arg6[%add3A_6, %dma_start3A] : memref<10240x128xf32, #tpu.memory_space<vmem_shared>> -> memref<128x128xf32, #tpu.memory_space<vmem_shared>>
      %dma_start3A_56 = arith.constant 0 : i32
      %dma_start3A_57 = tpu.memref_slice %arg6[%add3A_6, %dma_start3A_56] : memref<10240x128xf32, #tpu.memory_space<vmem_shared>> -> memref<128x128xf32, #tpu.memory_space<vmem_shared>>
      tpu.enqueue_dma source(%arg11 : memref<128x128xf32, #tpu.memory_space<vmem>>) target(%dma_start3A_57 : memref<128x128xf32, #tpu.memory_space<vmem_shared>>) target_semaphore(%run_scoped3A : memref<!tpu.dma_semaphore, #tpu.memory_space<semaphore_mem>>)
      %dma_wait3A = arith.constant 0 : i32
      %dma_wait3A_58 = tpu.memref_slice %arg6[%add3A_6, %dma_wait3A] : memref<10240x128xf32, #tpu.memory_space<vmem_shared>> -> memref<128x128xf32, #tpu.memory_space<vmem_shared>>
      %dma_wait3A_59 = arith.constant 0 : i32
      %dma_wait3A_60 = tpu.memref_slice %arg6[%add3A_6, %dma_wait3A_59] : memref<10240x128xf32, #tpu.memory_space<vmem_shared>> -> memref<128x128xf32, #tpu.memory_space<vmem_shared>>
      tpu.wait_dma2 semaphore(%run_scoped3A : memref<!tpu.dma_semaphore, #tpu.memory_space<semaphore_mem>>) src(%arg11 : memref<128x128xf32, #tpu.memory_space<vmem>>) dst(%dma_wait3A_60 : memref<128x128xf32, #tpu.memory_space<vmem_shared>>)
      tpu.yield
    }) : () -> ()
    %mul3A_7 = arith.constant 640 : i32
    %mul3A_8 = arith.muli %arg1, %mul3A_7 : i32
    %add3A_9 = arith.constant 128 : i32
    %add3A_10 = arith.addi %mul3A_8, %add3A_9 : i32
    "tpu.region"() ({
      %run_scoped3A = tpu.sem_alloc : memref<!tpu.dma_semaphore, #tpu.memory_space<semaphore_mem>>
      %dma_start3A = arith.constant 0 : i32
      %dma_start3A_55 = tpu.memref_slice %arg6[%add3A_10, %dma_start3A] : memref<10240x128xf32, #tpu.memory_space<vmem_shared>> -> memref<128x128xf32, #tpu.memory_space<vmem_shared>>
      %dma_start3A_56 = arith.constant 0 : i32
      %dma_start3A_57 = tpu.memref_slice %arg6[%add3A_10, %dma_start3A_56] : memref<10240x128xf32, #tpu.memory_space<vmem_shared>> -> memref<128x128xf32, #tpu.memory_space<vmem_shared>>
      tpu.enqueue_dma source(%arg11 : memref<128x128xf32, #tpu.memory_space<vmem>>) target(%dma_start3A_57 : memref<128x128xf32, #tpu.memory_space<vmem_shared>>) target_semaphore(%run_scoped3A : memref<!tpu.dma_semaphore, #tpu.memory_space<semaphore_mem>>)
      %dma_wait3A = arith.constant 0 : i32
      %dma_wait3A_58 = tpu.memref_slice %arg6[%add3A_10, %dma_wait3A] : memref<10240x128xf32, #tpu.memory_space<vmem_shared>> -> memref<128x128xf32, #tpu.memory_space<vmem_shared>>
      %dma_wait3A_59 = arith.constant 0 : i32
      %dma_wait3A_60 = tpu.memref_slice %arg6[%add3A_10, %dma_wait3A_59] : memref<10240x128xf32, #tpu.memory_space<vmem_shared>> -> memref<128x128xf32, #tpu.memory_space<vmem_shared>>
      tpu.wait_dma2 semaphore(%run_scoped3A : memref<!tpu.dma_semaphore, #tpu.memory_space<semaphore_mem>>) src(%arg11 : memref<128x128xf32, #tpu.memory_space<vmem>>) dst(%dma_wait3A_60 : memref<128x128xf32, #tpu.memory_space<vmem_shared>>)
      tpu.yield
    }) : () -> ()
    %mul3A_11 = arith.constant 640 : i32
    %mul3A_12 = arith.muli %arg1, %mul3A_11 : i32
    %add3A_13 = arith.constant 256 : i32
    %add3A_14 = arith.addi %mul3A_12, %add3A_13 : i32
    "tpu.region"() ({
      %run_scoped3A = tpu.sem_alloc : memref<!tpu.dma_semaphore, #tpu.memory_space<semaphore_mem>>
      %dma_start3A = arith.constant 0 : i32
      %dma_start3A_55 = tpu.memref_slice %arg6[%add3A_14, %dma_start3A] : memref<10240x128xf32, #tpu.memory_space<vmem_shared>> -> memref<128x128xf32, #tpu.memory_space<vmem_shared>>
      %dma_start3A_56 = arith.constant 0 : i32
      %dma_start3A_57 = tpu.memref_slice %arg6[%add3A_14, %dma_start3A_56] : memref<10240x128xf32, #tpu.memory_space<vmem_shared>> -> memref<128x128xf32, #tpu.memory_space<vmem_shared>>
      tpu.enqueue_dma source(%arg11 : memref<128x128xf32, #tpu.memory_space<vmem>>) target(%dma_start3A_57 : memref<128x128xf32, #tpu.memory_space<vmem_shared>>) target_semaphore(%run_scoped3A : memref<!tpu.dma_semaphore, #tpu.memory_space<semaphore_mem>>)
      %dma_wait3A = arith.constant 0 : i32
      %dma_wait3A_58 = tpu.memref_slice %arg6[%add3A_14, %dma_wait3A] : memref<10240x128xf32, #tpu.memory_space<vmem_shared>> -> memref<128x128xf32, #tpu.memory_space<vmem_shared>>
      %dma_wait3A_59 = arith.constant 0 : i32
      %dma_wait3A_60 = tpu.memref_slice %arg6[%add3A_14, %dma_wait3A_59] : memref<10240x128xf32, #tpu.memory_space<vmem_shared>> -> memref<128x128xf32, #tpu.memory_space<vmem_shared>>
      tpu.wait_dma2 semaphore(%run_scoped3A : memref<!tpu.dma_semaphore, #tpu.memory_space<semaphore_mem>>) src(%arg11 : memref<128x128xf32, #tpu.memory_space<vmem>>) dst(%dma_wait3A_60 : memref<128x128xf32, #tpu.memory_space<vmem_shared>>)
      tpu.yield
    }) : () -> ()
    %mul3A_15 = arith.constant 640 : i32
    %mul3A_16 = arith.muli %arg1, %mul3A_15 : i32
    %add3A_17 = arith.constant 384 : i32
    %add3A_18 = arith.addi %mul3A_16, %add3A_17 : i32
    "tpu.region"() ({
      %run_scoped3A = tpu.sem_alloc : memref<!tpu.dma_semaphore, #tpu.memory_space<semaphore_mem>>
      %dma_start3A = arith.constant 0 : i32
      %dma_start3A_55 = tpu.memref_slice %arg6[%add3A_18, %dma_start3A] : memref<10240x128xf32, #tpu.memory_space<vmem_shared>> -> memref<128x128xf32, #tpu.memory_space<vmem_shared>>
      %dma_start3A_56 = arith.constant 0 : i32
      %dma_start3A_57 = tpu.memref_slice %arg6[%add3A_18, %dma_start3A_56] : memref<10240x128xf32, #tpu.memory_space<vmem_shared>> -> memref<128x128xf32, #tpu.memory_space<vmem_shared>>
      tpu.enqueue_dma source(%arg11 : memref<128x128xf32, #tpu.memory_space<vmem>>) target(%dma_start3A_57 : memref<128x128xf32, #tpu.memory_space<vmem_shared>>) target_semaphore(%run_scoped3A : memref<!tpu.dma_semaphore, #tpu.memory_space<semaphore_mem>>)
      %dma_wait3A = arith.constant 0 : i32
      %dma_wait3A_58 = tpu.memref_slice %arg6[%add3A_18, %dma_wait3A] : memref<10240x128xf32, #tpu.memory_space<vmem_shared>> -> memref<128x128xf32, #tpu.memory_space<vmem_shared>>
      %dma_wait3A_59 = arith.constant 0 : i32
      %dma_wait3A_60 = tpu.memref_slice %arg6[%add3A_18, %dma_wait3A_59] : memref<10240x128xf32, #tpu.memory_space<vmem_shared>> -> memref<128x128xf32, #tpu.memory_space<vmem_shared>>
      tpu.wait_dma2 semaphore(%run_scoped3A : memref<!tpu.dma_semaphore, #tpu.memory_space<semaphore_mem>>) src(%arg11 : memref<128x128xf32, #tpu.memory_space<vmem>>) dst(%dma_wait3A_60 : memref<128x128xf32, #tpu.memory_space<vmem_shared>>)
      tpu.yield
    }) : () -> ()
    %mul3A_19 = arith.constant 640 : i32
    %mul3A_20 = arith.muli %arg1, %mul3A_19 : i32
    %add3A_21 = arith.constant 512 : i32
    %add3A_22 = arith.addi %mul3A_20, %add3A_21 : i32
    "tpu.region"() ({
      %run_scoped3A = tpu.sem_alloc : memref<!tpu.dma_semaphore, #tpu.memory_space<semaphore_mem>>
      %dma_start3A = arith.constant 0 : i32
      %dma_start3A_55 = tpu.memref_slice %arg6[%add3A_22, %dma_start3A] : memref<10240x128xf32, #tpu.memory_space<vmem_shared>> -> memref<128x128xf32, #tpu.memory_space<vmem_shared>>
      %dma_start3A_56 = arith.constant 0 : i32
      %dma_start3A_57 = tpu.memref_slice %arg6[%add3A_22, %dma_start3A_56] : memref<10240x128xf32, #tpu.memory_space<vmem_shared>> -> memref<128x128xf32, #tpu.memory_space<vmem_shared>>
      tpu.enqueue_dma source(%arg11 : memref<128x128xf32, #tpu.memory_space<vmem>>) target(%dma_start3A_57 : memref<128x128xf32, #tpu.memory_space<vmem_shared>>) target_semaphore(%run_scoped3A : memref<!tpu.dma_semaphore, #tpu.memory_space<semaphore_mem>>)
      %dma_wait3A = arith.constant 0 : i32
      %dma_wait3A_58 = tpu.memref_slice %arg6[%add3A_22, %dma_wait3A] : memref<10240x128xf32, #tpu.memory_space<vmem_shared>> -> memref<128x128xf32, #tpu.memory_space<vmem_shared>>
      %dma_wait3A_59 = arith.constant 0 : i32
      %dma_wait3A_60 = tpu.memref_slice %arg6[%add3A_22, %dma_wait3A_59] : memref<10240x128xf32, #tpu.memory_space<vmem_shared>> -> memref<128x128xf32, #tpu.memory_space<vmem_shared>>
      tpu.wait_dma2 semaphore(%run_scoped3A : memref<!tpu.dma_semaphore, #tpu.memory_space<semaphore_mem>>) src(%arg11 : memref<128x128xf32, #tpu.memory_space<vmem>>) dst(%dma_wait3A_60 : memref<128x128xf32, #tpu.memory_space<vmem_shared>>)
      tpu.yield
    }) : () -> ()
    %barrier3A = arith.constant 0 : index
    tpu.barrier barrier_id(%barrier3A)
    %mul3A_23 = arith.constant 16 : i32
    %mul3A_24 = arith.muli %arg0, %mul3A_23 : i32
    %add3A_25 = arith.addi %mul3A_24, %arg1 : i32
    %mul3A_26 = arith.constant 10000 : i32
    %mul3A_27 = arith.muli %add3A_25, %mul3A_26 : i32
    %scan3A_28 = arith.constant 0 : i32
    %scan3A_29 = arith.constant 0 : i32
    %scan3A_30 = arith.constant 125 : i32
    %scan3A_31 = arith.addi %scan3A_29, %scan3A_30 : i32
    %scan3A_32 = arith.constant 1 : i32
    scf.for %scan3A_55 = %scan3A_29 to %scan3A_31 step %scan3A_32  : i32 {
      %mul3A_56 = arith.constant 80 : i32
      %mul3A_57 = arith.muli %scan3A_55, %mul3A_56 : i32
      %add3A_58 = arith.addi %mul3A_27, %mul3A_57 : i32
      "tpu.region"() ({
        %run_scoped3A = tpu.sem_alloc : memref<!tpu.dma_semaphore, #tpu.memory_space<semaphore_mem>>
        %dma_start3A_111 = tpu.memref_slice %arg3[%add3A_58] : memref<320000xi32, #tpu.memory_space<hbm>> -> memref<80xi32, #tpu.memory_space<hbm>>
        %dma_start3A_112 = tpu.memref_slice %arg3[%add3A_58] : memref<320000xi32, #tpu.memory_space<hbm>> -> memref<80xi32, #tpu.memory_space<hbm>>
        tpu.enqueue_dma source(%dma_start3A_112 : memref<80xi32, #tpu.memory_space<hbm>>) target(%arg7 : memref<80xi32, #tpu.memory_space<vmem>>) target_semaphore(%run_scoped3A : memref<!tpu.dma_semaphore, #tpu.memory_space<semaphore_mem>>)
        %dma_wait3A_113 = tpu.memref_slice %arg3[%add3A_58] : memref<320000xi32, #tpu.memory_space<hbm>> -> memref<80xi32, #tpu.memory_space<hbm>>
        %dma_wait3A_114 = tpu.memref_slice %arg3[%add3A_58] : memref<320000xi32, #tpu.memory_space<hbm>> -> memref<80xi32, #tpu.memory_space<hbm>>
        tpu.wait_dma2 semaphore(%run_scoped3A : memref<!tpu.dma_semaphore, #tpu.memory_space<semaphore_mem>>) src(%dma_wait3A_114 : memref<80xi32, #tpu.memory_space<hbm>>) dst(%arg7 : memref<80xi32, #tpu.memory_space<vmem>>)
        tpu.yield
      }) : () -> ()
      %get3A = arith.constant 0 : index
      %get3A_59 = tpu.vector_load %arg7[%get3A] {strides = array<i32>} : memref<80xi32, #tpu.memory_space<vmem>>, vector<16xi32>,
      %get3A_60 = vector.shape_cast %get3A_59 : vector<16xi32> to vector<16xi32>
      %add3A_61 = arith.constant 0 : i32
      %add3A_62 = vector.broadcast %add3A_61 : i32 to vector<16xi32>
      %add3A_63 = arith.addi %get3A_60, %add3A_62 : vector<16xi32>
      %swap3A = arith.constant 0 : index
      %swap3A_64 = tpu.vector_load %arg8[%swap3A] {strides = array<i32>} : memref<80xi32, #tpu.memory_space<vmem>>, vector<16xi32>,
      %swap3A_65 = vector.shape_cast %swap3A_64 : vector<16xi32> to vector<16xi32>
      %swap3A_66 = vector.shape_cast %add3A_63 : vector<16xi32> to vector<16xi32>
      tpu.vector_store %arg8[%swap3A], %swap3A_66 {strides = array<i32>} : memref<80xi32, #tpu.memory_space<vmem>>, vector<16xi32>,
      %get3A_67 = arith.constant 16 : index
      %get3A_68 = tpu.vector_load %arg7[%get3A_67] {strides = array<i32>} : memref<80xi32, #tpu.memory_space<vmem>>, vector<16xi32>,
      %get3A_69 = vector.shape_cast %get3A_68 : vector<16xi32> to vector<16xi32>
      %add3A_70 = arith.constant 0 : i32
      %add3A_71 = vector.broadcast %add3A_70 : i32 to vector<16xi32>
      %add3A_72 = arith.addi %get3A_69, %add3A_71 : vector<16xi32>
      %swap3A_73 = arith.constant 16 : index
      %swap3A_74 = tpu.vector_load %arg8[%swap3A_73] {strides = array<i32>} : memref<80xi32, #tpu.memory_space<vmem>>, vector<16xi32>,
      %swap3A_75 = vector.shape_cast %swap3A_74 : vector<16xi32> to vector<16xi32>
      %swap3A_76 = vector.shape_cast %add3A_72 : vector<16xi32> to vector<16xi32>
      tpu.vector_store %arg8[%swap3A_73], %swap3A_76 {strides = array<i32>} : memref<80xi32, #tpu.memory_space<vmem>>, vector<16xi32>,
      %get3A_77 = arith.constant 32 : index
      %get3A_78 = tpu.vector_load %arg7[%get3A_77] {strides = array<i32>} : memref<80xi32, #tpu.memory_space<vmem>>, vector<16xi32>,
      %get3A_79 = vector.shape_cast %get3A_78 : vector<16xi32> to vector<16xi32>
      %add3A_80 = arith.constant 0 : i32
      %add3A_81 = vector.broadcast %add3A_80 : i32 to vector<16xi32>
      %add3A_82 = arith.addi %get3A_79, %add3A_81 : vector<16xi32>
      %swap3A_83 = arith.constant 32 : index
      %swap3A_84 = tpu.vector_load %arg8[%swap3A_83] {strides = array<i32>} : memref<80xi32, #tpu.memory_space<vmem>>, vector<16xi32>,
      %swap3A_85 = vector.shape_cast %swap3A_84 : vector<16xi32> to vector<16xi32>
      %swap3A_86 = vector.shape_cast %add3A_82 : vector<16xi32> to vector<16xi32>
      tpu.vector_store %arg8[%swap3A_83], %swap3A_86 {strides = array<i32>} : memref<80xi32, #tpu.memory_space<vmem>>, vector<16xi32>,
      %get3A_87 = arith.constant 48 : index
      %get3A_88 = tpu.vector_load %arg7[%get3A_87] {strides = array<i32>} : memref<80xi32, #tpu.memory_space<vmem>>, vector<16xi32>,
      %get3A_89 = vector.shape_cast %get3A_88 : vector<16xi32> to vector<16xi32>
      %add3A_90 = arith.constant 0 : i32
      %add3A_91 = vector.broadcast %add3A_90 : i32 to vector<16xi32>
      %add3A_92 = arith.addi %get3A_89, %add3A_91 : vector<16xi32>
      %swap3A_93 = arith.constant 48 : index
      %swap3A_94 = tpu.vector_load %arg8[%swap3A_93] {strides = array<i32>} : memref<80xi32, #tpu.memory_space<vmem>>, vector<16xi32>,
      %swap3A_95 = vector.shape_cast %swap3A_94 : vector<16xi32> to vector<16xi32>
      %swap3A_96 = vector.shape_cast %add3A_92 : vector<16xi32> to vector<16xi32>
      tpu.vector_store %arg8[%swap3A_93], %swap3A_96 {strides = array<i32>} : memref<80xi32, #tpu.memory_space<vmem>>, vector<16xi32>,
      %get3A_97 = arith.constant 64 : index
      %get3A_98 = tpu.vector_load %arg7[%get3A_97] {strides = array<i32>} : memref<80xi32, #tpu.memory_space<vmem>>, vector<16xi32>,
      %get3A_99 = vector.shape_cast %get3A_98 : vector<16xi32> to vector<16xi32>
      %add3A_100 = arith.constant 0 : i32
      %add3A_101 = vector.broadcast %add3A_100 : i32 to vector<16xi32>
      %add3A_102 = arith.addi %get3A_99, %add3A_101 : vector<16xi32>
      %swap3A_103 = arith.constant 64 : index
      %swap3A_104 = tpu.vector_load %arg8[%swap3A_103] {strides = array<i32>} : memref<80xi32, #tpu.memory_space<vmem>>, vector<16xi32>,
      %swap3A_105 = vector.shape_cast %swap3A_104 : vector<16xi32> to vector<16xi32>
      %swap3A_106 = vector.shape_cast %add3A_102 : vector<16xi32> to vector<16xi32>
      tpu.vector_store %arg8[%swap3A_103], %swap3A_106 {strides = array<i32>} : memref<80xi32, #tpu.memory_space<vmem>>, vector<16xi32>,
      %dma_start3A = arith.constant 0 : i32
      %dma_start3A_107 = arith.constant 0 : i32
      %dma_start3A_108 = tpu.memref_slice %arg2[%dma_start3A, %dma_start3A_107] : memref<10240x128xf32, #tpu.memory_space<hbm>> -> memref<10240x128xf32, #tpu.memory_space<hbm>>
      tpu.enqueue_indirect_dma source(%dma_start3A_108 : memref<10240x128xf32, #tpu.memory_space<hbm>>) target(%arg10 : memref<80x128xf32, #tpu.memory_space<vmem>>) offsets(%arg8 : memref<80xi32, #tpu.memory_space<vmem>>) semaphore(%arg12 : memref<!tpu.dma_semaphore, #tpu.memory_space<semaphore_mem>>)
      "tpu.region"() ({
        %run_scoped3A = tpu.sem_alloc : memref<!tpu.dma_semaphore, #tpu.memory_space<semaphore_mem>>
        %dma_start3A_111 = tpu.memref_slice %arg4[%add3A_58] : memref<320000xi32, #tpu.memory_space<hbm>> -> memref<80xi32, #tpu.memory_space<hbm>>
        %dma_start3A_112 = tpu.memref_slice %arg4[%add3A_58] : memref<320000xi32, #tpu.memory_space<hbm>> -> memref<80xi32, #tpu.memory_space<hbm>>
        tpu.enqueue_dma source(%dma_start3A_112 : memref<80xi32, #tpu.memory_space<hbm>>) target(%arg9 : memref<80xi32, #tpu.memory_space<vmem>>) target_semaphore(%run_scoped3A : memref<!tpu.dma_semaphore, #tpu.memory_space<semaphore_mem>>)
        %dma_wait3A_113 = tpu.memref_slice %arg4[%add3A_58] : memref<320000xi32, #tpu.memory_space<hbm>> -> memref<80xi32, #tpu.memory_space<hbm>>
        %dma_wait3A_114 = tpu.memref_slice %arg4[%add3A_58] : memref<320000xi32, #tpu.memory_space<hbm>> -> memref<80xi32, #tpu.memory_space<hbm>>
        tpu.wait_dma2 semaphore(%run_scoped3A : memref<!tpu.dma_semaphore, #tpu.memory_space<semaphore_mem>>) src(%dma_wait3A_114 : memref<80xi32, #tpu.memory_space<hbm>>) dst(%arg9 : memref<80xi32, #tpu.memory_space<vmem>>)
        tpu.yield
      }) : () -> ()
      %dma_wait3A = arith.constant 0 : i32
      %dma_wait3A_109 = arith.constant 0 : i32
      %dma_wait3A_110 = tpu.memref_slice %arg2[%dma_wait3A, %dma_wait3A_109] : memref<10240x128xf32, #tpu.memory_space<hbm>> -> memref<10240x128xf32, #tpu.memory_space<hbm>>
      tpu.wait_indirect_dma semaphore(%arg12 : memref<!tpu.dma_semaphore, #tpu.memory_space<semaphore_mem>>) src(%dma_wait3A_110 : memref<10240x128xf32, #tpu.memory_space<hbm>>) dst(%arg10 : memref<80x128xf32, #tpu.memory_space<vmem>>)
      "tpu.region"() ({
        %run_scoped3A = tpu.sem_alloc : memref<!tpu.dma_semaphore, #tpu.memory_space<semaphore_mem>>
        %dma_start3A_111 = arith.constant 0 : i32
        %dma_start3A_112 = arith.constant 0 : i32
        %dma_start3A_113 = tpu.memref_slice %arg6[%dma_start3A_111, %dma_start3A_112] : memref<10240x128xf32, #tpu.memory_space<vmem_shared>> -> memref<10240x128xf32, #tpu.memory_space<vmem_shared>>
        tpu.enqueue_indirect_dma source(%arg10 : memref<80x128xf32, #tpu.memory_space<vmem>>) target(%dma_start3A_113 : memref<10240x128xf32, #tpu.memory_space<vmem_shared>>) offsets(%arg9 : memref<80xi32, #tpu.memory_space<vmem>>) semaphore(%run_scoped3A : memref<!tpu.dma_semaphore, #tpu.memory_space<semaphore_mem>>) {add = true}
        %dma_wait3A_114 = arith.constant 0 : i32
        %dma_wait3A_115 = arith.constant 0 : i32
        %dma_wait3A_116 = tpu.memref_slice %arg6[%dma_wait3A_114, %dma_wait3A_115] : memref<10240x128xf32, #tpu.memory_space<vmem_shared>> -> memref<10240x128xf32, #tpu.memory_space<vmem_shared>>
        tpu.wait_indirect_dma semaphore(%run_scoped3A : memref<!tpu.dma_semaphore, #tpu.memory_space<semaphore_mem>>) src(%arg10 : memref<80x128xf32, #tpu.memory_space<vmem>>) dst(%dma_wait3A_116 : memref<10240x128xf32, #tpu.memory_space<vmem_shared>>)
        tpu.yield
      }) : () -> ()
    }
    %scan3A_33 = arith.constant 125 : i32
    %barrier3A_34 = arith.constant 0 : index
    tpu.barrier barrier_id(%barrier3A_34)
    %mul3A_35 = arith.constant 640 : i32
    %mul3A_36 = arith.muli %arg1, %mul3A_35 : i32
    %add3A_37 = arith.constant 0 : i32
    %add3A_38 = arith.addi %mul3A_36, %add3A_37 : i32
    "tpu.region"() ({
      %run_scoped3A = tpu.sem_alloc : memref<!tpu.dma_semaphore, #tpu.memory_space<semaphore_mem>>
      %dma_start3A = arith.constant 0 : i32
      %dma_start3A_55 = tpu.memref_slice %arg6[%add3A_38, %dma_start3A] : memref<10240x128xf32, #tpu.memory_space<vmem_shared>> -> memref<128x128xf32, #tpu.memory_space<vmem_shared>>
      %dma_start3A_56 = arith.constant 0 : i32
      %dma_start3A_57 = tpu.memref_slice %arg6[%add3A_38, %dma_start3A_56] : memref<10240x128xf32, #tpu.memory_space<vmem_shared>> -> memref<128x128xf32, #tpu.memory_space<vmem_shared>>
      tpu.enqueue_dma source(%dma_start3A_57 : memref<128x128xf32, #tpu.memory_space<vmem_shared>>) target(%arg11 : memref<128x128xf32, #tpu.memory_space<vmem>>) target_semaphore(%run_scoped3A : memref<!tpu.dma_semaphore, #tpu.memory_space<semaphore_mem>>)
      %dma_wait3A = arith.constant 0 : i32
      %dma_wait3A_58 = tpu.memref_slice %arg6[%add3A_38, %dma_wait3A] : memref<10240x128xf32, #tpu.memory_space<vmem_shared>> -> memref<128x128xf32, #tpu.memory_space<vmem_shared>>
      %dma_wait3A_59 = arith.constant 0 : i32
      %dma_wait3A_60 = tpu.memref_slice %arg6[%add3A_38, %dma_wait3A_59] : memref<10240x128xf32, #tpu.memory_space<vmem_shared>> -> memref<128x128xf32, #tpu.memory_space<vmem_shared>>
      tpu.wait_dma2 semaphore(%run_scoped3A : memref<!tpu.dma_semaphore, #tpu.memory_space<semaphore_mem>>) src(%dma_wait3A_60 : memref<128x128xf32, #tpu.memory_space<vmem_shared>>) dst(%arg11 : memref<128x128xf32, #tpu.memory_space<vmem>>)
      tpu.yield
    }) : () -> ()
    "tpu.region"() ({
      %run_scoped3A = tpu.sem_alloc : memref<!tpu.dma_semaphore, #tpu.memory_space<semaphore_mem>>
      %dma_start3A = arith.constant 0 : i32
      %dma_start3A_55 = tpu.memref_slice %arg5[%arg0, %add3A_38, %dma_start3A] : memref<2x10240x128xf32, #tpu.memory_space<hbm>> -> memref<1x128x128xf32, #tpu.memory_space<hbm>>
      %dma_start3A_56 = tpu.memref_squeeze %dma_start3A_55 : memref<1x128x128xf32, #tpu.memory_space<hbm>> -> memref<128x128xf32, #tpu.memory_space<hbm>>
      %dma_start3A_57 = arith.constant 0 : i32
      %dma_start3A_58 = tpu.memref_slice %arg5[%arg0, %add3A_38, %dma_start3A_57] : memref<2x10240x128xf32, #tpu.memory_space<hbm>> -> memref<1x128x128xf32, #tpu.memory_space<hbm>>
      %dma_start3A_59 = tpu.memref_squeeze %dma_start3A_58 : memref<1x128x128xf32, #tpu.memory_space<hbm>> -> memref<128x128xf32, #tpu.memory_space<hbm>>
      tpu.enqueue_dma source(%arg11 : memref<128x128xf32, #tpu.memory_space<vmem>>) target(%dma_start3A_59 : memref<128x128xf32, #tpu.memory_space<hbm>>) target_semaphore(%run_scoped3A : memref<!tpu.dma_semaphore, #tpu.memory_space<semaphore_mem>>)
      %dma_wait3A = arith.constant 0 : i32
      %dma_wait3A_60 = tpu.memref_slice %arg5[%arg0, %add3A_38, %dma_wait3A] : memref<2x10240x128xf32, #tpu.memory_space<hbm>> -> memref<1x128x128xf32, #tpu.memory_space<hbm>>
      %dma_wait3A_61 = tpu.memref_squeeze %dma_wait3A_60 : memref<1x128x128xf32, #tpu.memory_space<hbm>> -> memref<128x128xf32, #tpu.memory_space<hbm>>
      %dma_wait3A_62 = arith.constant 0 : i32
      %dma_wait3A_63 = tpu.memref_slice %arg5[%arg0, %add3A_38, %dma_wait3A_62] : memref<2x10240x128xf32, #tpu.memory_space<hbm>> -> memref<1x128x128xf32, #tpu.memory_space<hbm>>
      %dma_wait3A_64 = tpu.memref_squeeze %dma_wait3A_63 : memref<1x128x128xf32, #tpu.memory_space<hbm>> -> memref<128x128xf32, #tpu.memory_space<hbm>>
      tpu.wait_dma2 semaphore(%run_scoped3A : memref<!tpu.dma_semaphore, #tpu.memory_space<semaphore_mem>>) src(%arg11 : memref<128x128xf32, #tpu.memory_space<vmem>>) dst(%dma_wait3A_64 : memref<128x128xf32, #tpu.memory_space<hbm>>)
      tpu.yield
    }) : () -> ()
    %mul3A_39 = arith.constant 640 : i32
    %mul3A_40 = arith.muli %arg1, %mul3A_39 : i32
    %add3A_41 = arith.constant 128 : i32
    %add3A_42 = arith.addi %mul3A_40, %add3A_41 : i32
    "tpu.region"() ({
      %run_scoped3A = tpu.sem_alloc : memref<!tpu.dma_semaphore, #tpu.memory_space<semaphore_mem>>
      %dma_start3A = arith.constant 0 : i32
      %dma_start3A_55 = tpu.memref_slice %arg6[%add3A_42, %dma_start3A] : memref<10240x128xf32, #tpu.memory_space<vmem_shared>> -> memref<128x128xf32, #tpu.memory_space<vmem_shared>>
      %dma_start3A_56 = arith.constant 0 : i32
      %dma_start3A_57 = tpu.memref_slice %arg6[%add3A_42, %dma_start3A_56] : memref<10240x128xf32, #tpu.memory_space<vmem_shared>> -> memref<128x128xf32, #tpu.memory_space<vmem_shared>>
      tpu.enqueue_dma source(%dma_start3A_57 : memref<128x128xf32, #tpu.memory_space<vmem_shared>>) target(%arg11 : memref<128x128xf32, #tpu.memory_space<vmem>>) target_semaphore(%run_scoped3A : memref<!tpu.dma_semaphore, #tpu.memory_space<semaphore_mem>>)
      %dma_wait3A = arith.constant 0 : i32
      %dma_wait3A_58 = tpu.memref_slice %arg6[%add3A_42, %dma_wait3A] : memref<10240x128xf32, #tpu.memory_space<vmem_shared>> -> memref<128x128xf32, #tpu.memory_space<vmem_shared>>
      %dma_wait3A_59 = arith.constant 0 : i32
      %dma_wait3A_60 = tpu.memref_slice %arg6[%add3A_42, %dma_wait3A_59] : memref<10240x128xf32, #tpu.memory_space<vmem_shared>> -> memref<128x128xf32, #tpu.memory_space<vmem_shared>>
      tpu.wait_dma2 semaphore(%run_scoped3A : memref<!tpu.dma_semaphore, #tpu.memory_space<semaphore_mem>>) src(%dma_wait3A_60 : memref<128x128xf32, #tpu.memory_space<vmem_shared>>) dst(%arg11 : memref<128x128xf32, #tpu.memory_space<vmem>>)
      tpu.yield
    }) : () -> ()
    "tpu.region"() ({
      %run_scoped3A = tpu.sem_alloc : memref<!tpu.dma_semaphore, #tpu.memory_space<semaphore_mem>>
      %dma_start3A = arith.constant 0 : i32
      %dma_start3A_55 = tpu.memref_slice %arg5[%arg0, %add3A_42, %dma_start3A] : memref<2x10240x128xf32, #tpu.memory_space<hbm>> -> memref<1x128x128xf32, #tpu.memory_space<hbm>>
      %dma_start3A_56 = tpu.memref_squeeze %dma_start3A_55 : memref<1x128x128xf32, #tpu.memory_space<hbm>> -> memref<128x128xf32, #tpu.memory_space<hbm>>
      %dma_start3A_57 = arith.constant 0 : i32
      %dma_start3A_58 = tpu.memref_slice %arg5[%arg0, %add3A_42, %dma_start3A_57] : memref<2x10240x128xf32, #tpu.memory_space<hbm>> -> memref<1x128x128xf32, #tpu.memory_space<hbm>>
      %dma_start3A_59 = tpu.memref_squeeze %dma_start3A_58 : memref<1x128x128xf32, #tpu.memory_space<hbm>> -> memref<128x128xf32, #tpu.memory_space<hbm>>
      tpu.enqueue_dma source(%arg11 : memref<128x128xf32, #tpu.memory_space<vmem>>) target(%dma_start3A_59 : memref<128x128xf32, #tpu.memory_space<hbm>>) target_semaphore(%run_scoped3A : memref<!tpu.dma_semaphore, #tpu.memory_space<semaphore_mem>>)
      %dma_wait3A = arith.constant 0 : i32
      %dma_wait3A_60 = tpu.memref_slice %arg5[%arg0, %add3A_42, %dma_wait3A] : memref<2x10240x128xf32, #tpu.memory_space<hbm>> -> memref<1x128x128xf32, #tpu.memory_space<hbm>>
      %dma_wait3A_61 = tpu.memref_squeeze %dma_wait3A_60 : memref<1x128x128xf32, #tpu.memory_space<hbm>> -> memref<128x128xf32, #tpu.memory_space<hbm>>
      %dma_wait3A_62 = arith.constant 0 : i32
      %dma_wait3A_63 = tpu.memref_slice %arg5[%arg0, %add3A_42, %dma_wait3A_62] : memref<2x10240x128xf32, #tpu.memory_space<hbm>> -> memref<1x128x128xf32, #tpu.memory_space<hbm>>
      %dma_wait3A_64 = tpu.memref_squeeze %dma_wait3A_63 : memref<1x128x128xf32, #tpu.memory_space<hbm>> -> memref<128x128xf32, #tpu.memory_space<hbm>>
      tpu.wait_dma2 semaphore(%run_scoped3A : memref<!tpu.dma_semaphore, #tpu.memory_space<semaphore_mem>>) src(%arg11 : memref<128x128xf32, #tpu.memory_space<vmem>>) dst(%dma_wait3A_64 : memref<128x128xf32, #tpu.memory_space<hbm>>)
      tpu.yield
    }) : () -> ()
    %mul3A_43 = arith.constant 640 : i32
    %mul3A_44 = arith.muli %arg1, %mul3A_43 : i32
    %add3A_45 = arith.constant 256 : i32
    %add3A_46 = arith.addi %mul3A_44, %add3A_45 : i32
    "tpu.region"() ({
      %run_scoped3A = tpu.sem_alloc : memref<!tpu.dma_semaphore, #tpu.memory_space<semaphore_mem>>
      %dma_start3A = arith.constant 0 : i32
      %dma_start3A_55 = tpu.memref_slice %arg6[%add3A_46, %dma_start3A] : memref<10240x128xf32, #tpu.memory_space<vmem_shared>> -> memref<128x128xf32, #tpu.memory_space<vmem_shared>>
      %dma_start3A_56 = arith.constant 0 : i32
      %dma_start3A_57 = tpu.memref_slice %arg6[%add3A_46, %dma_start3A_56] : memref<10240x128xf32, #tpu.memory_space<vmem_shared>> -> memref<128x128xf32, #tpu.memory_space<vmem_shared>>
      tpu.enqueue_dma source(%dma_start3A_57 : memref<128x128xf32, #tpu.memory_space<vmem_shared>>) target(%arg11 : memref<128x128xf32, #tpu.memory_space<vmem>>) target_semaphore(%run_scoped3A : memref<!tpu.dma_semaphore, #tpu.memory_space<semaphore_mem>>)
      %dma_wait3A = arith.constant 0 : i32
      %dma_wait3A_58 = tpu.memref_slice %arg6[%add3A_46, %dma_wait3A] : memref<10240x128xf32, #tpu.memory_space<vmem_shared>> -> memref<128x128xf32, #tpu.memory_space<vmem_shared>>
      %dma_wait3A_59 = arith.constant 0 : i32
      %dma_wait3A_60 = tpu.memref_slice %arg6[%add3A_46, %dma_wait3A_59] : memref<10240x128xf32, #tpu.memory_space<vmem_shared>> -> memref<128x128xf32, #tpu.memory_space<vmem_shared>>
      tpu.wait_dma2 semaphore(%run_scoped3A : memref<!tpu.dma_semaphore, #tpu.memory_space<semaphore_mem>>) src(%dma_wait3A_60 : memref<128x128xf32, #tpu.memory_space<vmem_shared>>) dst(%arg11 : memref<128x128xf32, #tpu.memory_space<vmem>>)
      tpu.yield
    }) : () -> ()
    "tpu.region"() ({
      %run_scoped3A = tpu.sem_alloc : memref<!tpu.dma_semaphore, #tpu.memory_space<semaphore_mem>>
      %dma_start3A = arith.constant 0 : i32
      %dma_start3A_55 = tpu.memref_slice %arg5[%arg0, %add3A_46, %dma_start3A] : memref<2x10240x128xf32, #tpu.memory_space<hbm>> -> memref<1x128x128xf32, #tpu.memory_space<hbm>>
      %dma_start3A_56 = tpu.memref_squeeze %dma_start3A_55 : memref<1x128x128xf32, #tpu.memory_space<hbm>> -> memref<128x128xf32, #tpu.memory_space<hbm>>
      %dma_start3A_57 = arith.constant 0 : i32
      %dma_start3A_58 = tpu.memref_slice %arg5[%arg0, %add3A_46, %dma_start3A_57] : memref<2x10240x128xf32, #tpu.memory_space<hbm>> -> memref<1x128x128xf32, #tpu.memory_space<hbm>>
      %dma_start3A_59 = tpu.memref_squeeze %dma_start3A_58 : memref<1x128x128xf32, #tpu.memory_space<hbm>> -> memref<128x128xf32, #tpu.memory_space<hbm>>
      tpu.enqueue_dma source(%arg11 : memref<128x128xf32, #tpu.memory_space<vmem>>) target(%dma_start3A_59 : memref<128x128xf32, #tpu.memory_space<hbm>>) target_semaphore(%run_scoped3A : memref<!tpu.dma_semaphore, #tpu.memory_space<semaphore_mem>>)
      %dma_wait3A = arith.constant 0 : i32
      %dma_wait3A_60 = tpu.memref_slice %arg5[%arg0, %add3A_46, %dma_wait3A] : memref<2x10240x128xf32, #tpu.memory_space<hbm>> -> memref<1x128x128xf32, #tpu.memory_space<hbm>>
      %dma_wait3A_61 = tpu.memref_squeeze %dma_wait3A_60 : memref<1x128x128xf32, #tpu.memory_space<hbm>> -> memref<128x128xf32, #tpu.memory_space<hbm>>
      %dma_wait3A_62 = arith.constant 0 : i32
      %dma_wait3A_63 = tpu.memref_slice %arg5[%arg0, %add3A_46, %dma_wait3A_62] : memref<2x10240x128xf32, #tpu.memory_space<hbm>> -> memref<1x128x128xf32, #tpu.memory_space<hbm>>
      %dma_wait3A_64 = tpu.memref_squeeze %dma_wait3A_63 : memref<1x128x128xf32, #tpu.memory_space<hbm>> -> memref<128x128xf32, #tpu.memory_space<hbm>>
      tpu.wait_dma2 semaphore(%run_scoped3A : memref<!tpu.dma_semaphore, #tpu.memory_space<semaphore_mem>>) src(%arg11 : memref<128x128xf32, #tpu.memory_space<vmem>>) dst(%dma_wait3A_64 : memref<128x128xf32, #tpu.memory_space<hbm>>)
      tpu.yield
    }) : () -> ()
    %mul3A_47 = arith.constant 640 : i32
    %mul3A_48 = arith.muli %arg1, %mul3A_47 : i32
    %add3A_49 = arith.constant 384 : i32
    %add3A_50 = arith.addi %mul3A_48, %add3A_49 : i32
    "tpu.region"() ({
      %run_scoped3A = tpu.sem_alloc : memref<!tpu.dma_semaphore, #tpu.memory_space<semaphore_mem>>
      %dma_start3A = arith.constant 0 : i32
      %dma_start3A_55 = tpu.memref_slice %arg6[%add3A_50, %dma_start3A] : memref<10240x128xf32, #tpu.memory_space<vmem_shared>> -> memref<128x128xf32, #tpu.memory_space<vmem_shared>>
      %dma_start3A_56 = arith.constant 0 : i32
      %dma_start3A_57 = tpu.memref_slice %arg6[%add3A_50, %dma_start3A_56] : memref<10240x128xf32, #tpu.memory_space<vmem_shared>> -> memref<128x128xf32, #tpu.memory_space<vmem_shared>>
      tpu.enqueue_dma source(%dma_start3A_57 : memref<128x128xf32, #tpu.memory_space<vmem_shared>>) target(%arg11 : memref<128x128xf32, #tpu.memory_space<vmem>>) target_semaphore(%run_scoped3A : memref<!tpu.dma_semaphore, #tpu.memory_space<semaphore_mem>>)
      %dma_wait3A = arith.constant 0 : i32
      %dma_wait3A_58 = tpu.memref_slice %arg6[%add3A_50, %dma_wait3A] : memref<10240x128xf32, #tpu.memory_space<vmem_shared>> -> memref<128x128xf32, #tpu.memory_space<vmem_shared>>
      %dma_wait3A_59 = arith.constant 0 : i32
      %dma_wait3A_60 = tpu.memref_slice %arg6[%add3A_50, %dma_wait3A_59] : memref<10240x128xf32, #tpu.memory_space<vmem_shared>> -> memref<128x128xf32, #tpu.memory_space<vmem_shared>>
      tpu.wait_dma2 semaphore(%run_scoped3A : memref<!tpu.dma_semaphore, #tpu.memory_space<semaphore_mem>>) src(%dma_wait3A_60 : memref<128x128xf32, #tpu.memory_space<vmem_shared>>) dst(%arg11 : memref<128x128xf32, #tpu.memory_space<vmem>>)
      tpu.yield
    }) : () -> ()
    "tpu.region"() ({
      %run_scoped3A = tpu.sem_alloc : memref<!tpu.dma_semaphore, #tpu.memory_space<semaphore_mem>>
      %dma_start3A = arith.constant 0 : i32
      %dma_start3A_55 = tpu.memref_slice %arg5[%arg0, %add3A_50, %dma_start3A] : memref<2x10240x128xf32, #tpu.memory_space<hbm>> -> memref<1x128x128xf32, #tpu.memory_space<hbm>>
      %dma_start3A_56 = tpu.memref_squeeze %dma_start3A_55 : memref<1x128x128xf32, #tpu.memory_space<hbm>> -> memref<128x128xf32, #tpu.memory_space<hbm>>
      %dma_start3A_57 = arith.constant 0 : i32
      %dma_start3A_58 = tpu.memref_slice %arg5[%arg0, %add3A_50, %dma_start3A_57] : memref<2x10240x128xf32, #tpu.memory_space<hbm>> -> memref<1x128x128xf32, #tpu.memory_space<hbm>>
      %dma_start3A_59 = tpu.memref_squeeze %dma_start3A_58 : memref<1x128x128xf32, #tpu.memory_space<hbm>> -> memref<128x128xf32, #tpu.memory_space<hbm>>
      tpu.enqueue_dma source(%arg11 : memref<128x128xf32, #tpu.memory_space<vmem>>) target(%dma_start3A_59 : memref<128x128xf32, #tpu.memory_space<hbm>>) target_semaphore(%run_scoped3A : memref<!tpu.dma_semaphore, #tpu.memory_space<semaphore_mem>>)
      %dma_wait3A = arith.constant 0 : i32
      %dma_wait3A_60 = tpu.memref_slice %arg5[%arg0, %add3A_50, %dma_wait3A] : memref<2x10240x128xf32, #tpu.memory_space<hbm>> -> memref<1x128x128xf32, #tpu.memory_space<hbm>>
      %dma_wait3A_61 = tpu.memref_squeeze %dma_wait3A_60 : memref<1x128x128xf32, #tpu.memory_space<hbm>> -> memref<128x128xf32, #tpu.memory_space<hbm>>
      %dma_wait3A_62 = arith.constant 0 : i32
      %dma_wait3A_63 = tpu.memref_slice %arg5[%arg0, %add3A_50, %dma_wait3A_62] : memref<2x10240x128xf32, #tpu.memory_space<hbm>> -> memref<1x128x128xf32, #tpu.memory_space<hbm>>
      %dma_wait3A_64 = tpu.memref_squeeze %dma_wait3A_63 : memref<1x128x128xf32, #tpu.memory_space<hbm>> -> memref<128x128xf32, #tpu.memory_space<hbm>>
      tpu.wait_dma2 semaphore(%run_scoped3A : memref<!tpu.dma_semaphore, #tpu.memory_space<semaphore_mem>>) src(%arg11 : memref<128x128xf32, #tpu.memory_space<vmem>>) dst(%dma_wait3A_64 : memref<128x128xf32, #tpu.memory_space<hbm>>)
      tpu.yield
    }) : () -> ()
    %mul3A_51 = arith.constant 640 : i32
    %mul3A_52 = arith.muli %arg1, %mul3A_51 : i32
    %add3A_53 = arith.constant 512 : i32
    %add3A_54 = arith.addi %mul3A_52, %add3A_53 : i32
    "tpu.region"() ({
      %run_scoped3A = tpu.sem_alloc : memref<!tpu.dma_semaphore, #tpu.memory_space<semaphore_mem>>
      %dma_start3A = arith.constant 0 : i32
      %dma_start3A_55 = tpu.memref_slice %arg6[%add3A_54, %dma_start3A] : memref<10240x128xf32, #tpu.memory_space<vmem_shared>> -> memref<128x128xf32, #tpu.memory_space<vmem_shared>>
      %dma_start3A_56 = arith.constant 0 : i32
      %dma_start3A_57 = tpu.memref_slice %arg6[%add3A_54, %dma_start3A_56] : memref<10240x128xf32, #tpu.memory_space<vmem_shared>> -> memref<128x128xf32, #tpu.memory_space<vmem_shared>>
      tpu.enqueue_dma source(%dma_start3A_57 : memref<128x128xf32, #tpu.memory_space<vmem_shared>>) target(%arg11 : memref<128x128xf32, #tpu.memory_space<vmem>>) target_semaphore(%run_scoped3A : memref<!tpu.dma_semaphore, #tpu.memory_space<semaphore_mem>>)
      %dma_wait3A = arith.constant 0 : i32
      %dma_wait3A_58 = tpu.memref_slice %arg6[%add3A_54, %dma_wait3A] : memref<10240x128xf32, #tpu.memory_space<vmem_shared>> -> memref<128x128xf32, #tpu.memory_space<vmem_shared>>
      %dma_wait3A_59 = arith.constant 0 : i32
      %dma_wait3A_60 = tpu.memref_slice %arg6[%add3A_54, %dma_wait3A_59] : memref<10240x128xf32, #tpu.memory_space<vmem_shared>> -> memref<128x128xf32, #tpu.memory_space<vmem_shared>>
      tpu.wait_dma2 semaphore(%run_scoped3A : memref<!tpu.dma_semaphore, #tpu.memory_space<semaphore_mem>>) src(%dma_wait3A_60 : memref<128x128xf32, #tpu.memory_space<vmem_shared>>) dst(%arg11 : memref<128x128xf32, #tpu.memory_space<vmem>>)
      tpu.yield
    }) : () -> ()
    "tpu.region"() ({
      %run_scoped3A = tpu.sem_alloc : memref<!tpu.dma_semaphore, #tpu.memory_space<semaphore_mem>>
      %dma_start3A = arith.constant 0 : i32
      %dma_start3A_55 = tpu.memref_slice %arg5[%arg0, %add3A_54, %dma_start3A] : memref<2x10240x128xf32, #tpu.memory_space<hbm>> -> memref<1x128x128xf32, #tpu.memory_space<hbm>>
      %dma_start3A_56 = tpu.memref_squeeze %dma_start3A_55 : memref<1x128x128xf32, #tpu.memory_space<hbm>> -> memref<128x128xf32, #tpu.memory_space<hbm>>
      %dma_start3A_57 = arith.constant 0 : i32
      %dma_start3A_58 = tpu.memref_slice %arg5[%arg0, %add3A_54, %dma_start3A_57] : memref<2x10240x128xf32, #tpu.memory_space<hbm>> -> memref<1x128x128xf32, #tpu.memory_space<hbm>>
      %dma_start3A_59 = tpu.memref_squeeze %dma_start3A_58 : memref<1x128x128xf32, #tpu.memory_space<hbm>> -> memref<128x128xf32, #tpu.memory_space<hbm>>
      tpu.enqueue_dma source(%arg11 : memref<128x128xf32, #tpu.memory_space<vmem>>) target(%dma_start3A_59 : memref<128x128xf32, #tpu.memory_space<hbm>>) target_semaphore(%run_scoped3A : memref<!tpu.dma_semaphore, #tpu.memory_space<semaphore_mem>>)
      %dma_wait3A = arith.constant 0 : i32
      %dma_wait3A_60 = tpu.memref_slice %arg5[%arg0, %add3A_54, %dma_wait3A] : memref<2x10240x128xf32, #tpu.memory_space<hbm>> -> memref<1x128x128xf32, #tpu.memory_space<hbm>>
      %dma_wait3A_61 = tpu.memref_squeeze %dma_wait3A_60 : memref<1x128x128xf32, #tpu.memory_space<hbm>> -> memref<128x128xf32, #tpu.memory_space<hbm>>
      %dma_wait3A_62 = arith.constant 0 : i32
      %dma_wait3A_63 = tpu.memref_slice %arg5[%arg0, %add3A_54, %dma_wait3A_62] : memref<2x10240x128xf32, #tpu.memory_space<hbm>> -> memref<1x128x128xf32, #tpu.memory_space<hbm>>
      %dma_wait3A_64 = tpu.memref_squeeze %dma_wait3A_63 : memref<1x128x128xf32, #tpu.memory_space<hbm>> -> memref<128x128xf32, #tpu.memory_space<hbm>>
      tpu.wait_dma2 semaphore(%run_scoped3A : memref<!tpu.dma_semaphore, #tpu.memory_space<semaphore_mem>>) src(%arg11 : memref<128x128xf32, #tpu.memory_space<vmem>>) dst(%dma_wait3A_64 : memref<128x128xf32, #tpu.memory_space<hbm>>)
      tpu.yield
    }) : () -> ()
    return
  }
}

module attributes {stable_mosaic.version = 14 : i64} {
  func.func @body(%arg0: i32, %arg1: memref<1024xf32, #tpu.memory_space<vmem>>, %arg2: memref<1024xf32, #tpu.memory_space<vmem>>, %arg3: memref<1024x128xf32, #tpu.memory_space<vmem>>, %arg4: memref<128x256xf32, #tpu.memory_space<vmem>>, %arg5: memref<2x1024x128xf32, #tpu.memory_space<vmem>>, %arg6: memref<1024x1xf32, #tpu.memory_space<vmem>>) attributes {dimension_semantics = [#tpu.dimension_semantics<arbitrary>], iteration_bounds = array<i64: 10>, scalar_prefetch = 0 : i64, scratch_operands = 0 : i64, tpu.core_type = #tpu.core_type<tc>, window_params = [{transform_indices = @transform_0, window_bounds = array<i64: 1024>}, {transform_indices = @transform_1, window_bounds = array<i64: 1024>}, {transform_indices = @transform_2, window_bounds = array<i64: 1024, 128>}, {pipeline_mode = #tpu.pipeline_mode<synchronous>, transform_indices = @transform_3, window_bounds = array<i64: 128, 256>}, {transform_indices = @transform_4, window_bounds = array<i64: 2, 1024, 128>}, {transform_indices = @transform_5, window_bounds = array<i64: 1024, 1>}]} {
    %get3A = arith.constant 0 : index
    %get3A_0 = vector.load %arg1[%get3A] : memref<1024xf32, #tpu.memory_space<vmem>>, vector<1024xf32>
    %get3A_1 = arith.constant 0 : index
    %get3A_2 = vector.load %arg2[%get3A_1] : memref<1024xf32, #tpu.memory_space<vmem>>, vector<1024xf32>
    %add3A = arith.addf %get3A_0, %get3A_2 : vector<1024xf32>
    %add3A_3 = arith.constant 1.000000e+00 : f32
    %add3A_4 = vector.broadcast %add3A_3 : f32 to vector<1024xf32>
    %add3A_5 = arith.addf %add3A, %add3A_4 : vector<1024xf32>
    %rsqrt3A = math.rsqrt %add3A_5 : vector<1024xf32>
    %get3A_6 = arith.constant 0 : index
    %get3A_7 = arith.constant 0 : index
    %get3A_8 = vector.load %arg3[%get3A_6, %get3A_7] : memref<1024x128xf32, #tpu.memory_space<vmem>>, vector<1024x128xf32>
    %get3A_9 = arith.constant 0 : index
    %get3A_10 = arith.constant 0 : index
    %get3A_11 = vector.load %arg4[%get3A_9, %get3A_10] : memref<128x256xf32, #tpu.memory_space<vmem>>, vector<128x256xf32>
    %dot_general3A = arith.constant dense<0.000000e+00> : vector<1024x256xf32>
    %dot_general3A_12 = tpu.matmul %get3A_8, %get3A_11, %dot_general3A {dimension_numbers = #tpu.dot_dimension_numbers<[1], [0], [0], [1], [0, 0, 1, 1], [], []>, transpose_lhs_hint = false} : vector<1024x128xf32>, vector<128x256xf32>, vector<1024x256xf32> -> vector<1024x256xf32>
    %broadcast_in_dim3A = vector.shape_cast %rsqrt3A : vector<1024xf32> to vector<1024x1xf32>
    %mul3A = vector.broadcast %broadcast_in_dim3A : vector<1024x1xf32> to vector<1024x256xf32>
    %mul3A_13 = arith.mulf %dot_general3A_12, %mul3A : vector<1024x256xf32>
    %slice3A = vector.extract_strided_slice %mul3A_13 {offsets = [0, 0], sizes = [1024, 128], strides = [1, 1]} : vector<1024x256xf32> to vector<1024x128xf32>
    %swap3A = arith.constant 0 : index
    %swap3A_14 = arith.constant 0 : index
    %swap3A_15 = arith.constant 0 : index
    %swap3A_16 = vector.load %arg5[%swap3A, %swap3A_14, %swap3A_15] : memref<2x1024x128xf32, #tpu.memory_space<vmem>>, vector<1x1024x128xf32>
    %swap3A_17 = vector.shape_cast %swap3A_16 : vector<1x1024x128xf32> to vector<1024x128xf32>
    %swap3A_18 = vector.shape_cast %slice3A : vector<1024x128xf32> to vector<1x1024x128xf32>
    tpu.vector_store %arg5[%swap3A, %swap3A_14, %swap3A_15], %swap3A_18 {strides = array<i32>} : memref<2x1024x128xf32, #tpu.memory_space<vmem>>, vector<1x1024x128xf32>,
    %slice3A_19 = vector.extract_strided_slice %mul3A_13 {offsets = [0, 128], sizes = [1024, 128], strides = [1, 1]} : vector<1024x256xf32> to vector<1024x128xf32>
    %swap3A_20 = arith.constant 1 : index
    %swap3A_21 = arith.constant 0 : index
    %swap3A_22 = arith.constant 0 : index
    %swap3A_23 = vector.load %arg5[%swap3A_20, %swap3A_21, %swap3A_22] : memref<2x1024x128xf32, #tpu.memory_space<vmem>>, vector<1x1024x128xf32>
    %swap3A_24 = vector.shape_cast %swap3A_23 : vector<1x1024x128xf32> to vector<1024x128xf32>
    %swap3A_25 = vector.shape_cast %slice3A_19 : vector<1024x128xf32> to vector<1x1024x128xf32>
    tpu.vector_store %arg5[%swap3A_20, %swap3A_21, %swap3A_22], %swap3A_25 {strides = array<i32>} : memref<2x1024x128xf32, #tpu.memory_space<vmem>>, vector<1x1024x128xf32>,
    %broadcast_in_dim3A_26 = vector.shape_cast %rsqrt3A : vector<1024xf32> to vector<1024x1xf32>
    %swap3A_27 = arith.constant 0 : index
    %swap3A_28 = arith.constant 0 : index
    %swap3A_29 = vector.load %arg6[%swap3A_27, %swap3A_28] : memref<1024x1xf32, #tpu.memory_space<vmem>>, vector<1024x1xf32>
    tpu.vector_store %arg6[%swap3A_27, %swap3A_28], %broadcast_in_dim3A_26 {strides = array<i32>} : memref<1024x1xf32, #tpu.memory_space<vmem>>, vector<1024x1xf32>,
    return
  }
  func.func @transform_0(%arg0: i32) -> i32 {
    %c0_i32 = arith.constant 0 : i32
    return %arg0 : i32
  }
  func.func @transform_1(%arg0: i32) -> i32 {
    %c0_i32 = arith.constant 0 : i32
    return %arg0 : i32
  }
  func.func @transform_2(%arg0: i32) -> (i32, i32) {
    %c0_i32 = arith.constant 0 : i32
    %c0_i32_0 = arith.constant 0 : i32
    return %arg0, %c0_i32 : i32, i32
  }
  func.func @transform_3(%arg0: i32) -> (i32, i32) {
    %c0_i32 = arith.constant 0 : i32
    %c0_i32_0 = arith.constant 0 : i32
    %c0_i32_1 = arith.constant 0 : i32
    return %c0_i32, %c0_i32_0 : i32, i32
  }
  func.func @transform_4(%arg0: i32) -> (i32, i32, i32) {
    %c0_i32 = arith.constant 0 : i32
    %c0_i32_0 = arith.constant 0 : i32
    %c0_i32_1 = arith.constant 0 : i32
    return %c0_i32, %arg0, %c0_i32_0 : i32, i32, i32
  }
  func.func @transform_5(%arg0: i32) -> (i32, i32) {
    %c0_i32 = arith.constant 0 : i32
    %c0_i32_0 = arith.constant 0 : i32
    return %arg0, %c0_i32 : i32, i32
  }
}

module attributes {stable_mosaic.version = 14 : i64} {
  func.func @body(%arg0: i32, %arg1: memref<2x1024x128xf32, #tpu.memory_space<vmem>>, %arg2: memref<2x1024x128xf32, #tpu.memory_space<vmem>>, %arg3: memref<1024x1xf32, #tpu.memory_space<vmem>>, %arg4: memref<256xf32, #tpu.memory_space<vmem>>, %arg5: memref<1024x256xf32, #tpu.memory_space<vmem>>, %arg6: memref<2x256xf32, #tpu.memory_space<vmem>>) attributes {dimension_semantics = [#tpu.dimension_semantics<arbitrary>], iteration_bounds = array<i64: 10>, scalar_prefetch = 0 : i64, scratch_operands = 0 : i64, tpu.core_type = #tpu.core_type<tc>, window_params = [{transform_indices = @transform_0, window_bounds = array<i64: 2, 1024, 128>}, {transform_indices = @transform_1, window_bounds = array<i64: 2, 1024, 128>}, {transform_indices = @transform_2, window_bounds = array<i64: 1024, 1>}, {pipeline_mode = #tpu.pipeline_mode<synchronous>, transform_indices = @transform_3, window_bounds = array<i64: 256>}, {transform_indices = @transform_4, window_bounds = array<i64: 1024, 256>}, {pipeline_mode = #tpu.pipeline_mode<synchronous>, transform_indices = @transform_5, window_bounds = array<i64: 2, 256>}]} {
    %get3A = arith.constant 0 : index
    %get3A_0 = arith.constant 0 : index
    %get3A_1 = arith.constant 0 : index
    %get3A_2 = vector.load %arg1[%get3A, %get3A_0, %get3A_1] : memref<2x1024x128xf32, #tpu.memory_space<vmem>>, vector<1x1024x128xf32>
    %get3A_3 = vector.shape_cast %get3A_2 : vector<1x1024x128xf32> to vector<1024x128xf32>
    %get3A_4 = arith.constant 0 : index
    %get3A_5 = arith.constant 0 : index
    %get3A_6 = arith.constant 0 : index
    %get3A_7 = vector.load %arg2[%get3A_4, %get3A_5, %get3A_6] : memref<2x1024x128xf32, #tpu.memory_space<vmem>>, vector<1x1024x128xf32>
    %get3A_8 = vector.shape_cast %get3A_7 : vector<1x1024x128xf32> to vector<1024x128xf32>
    %add3A = arith.addf %get3A_3, %get3A_8 : vector<1024x128xf32>
    %get3A_9 = arith.constant 1 : index
    %get3A_10 = arith.constant 0 : index
    %get3A_11 = arith.constant 0 : index
    %get3A_12 = vector.load %arg1[%get3A_9, %get3A_10, %get3A_11] : memref<2x1024x128xf32, #tpu.memory_space<vmem>>, vector<1x1024x128xf32>
    %get3A_13 = vector.shape_cast %get3A_12 : vector<1x1024x128xf32> to vector<1024x128xf32>
    %get3A_14 = arith.constant 1 : index
    %get3A_15 = arith.constant 0 : index
    %get3A_16 = arith.constant 0 : index
    %get3A_17 = vector.load %arg2[%get3A_14, %get3A_15, %get3A_16] : memref<2x1024x128xf32, #tpu.memory_space<vmem>>, vector<1x1024x128xf32>
    %get3A_18 = vector.shape_cast %get3A_17 : vector<1x1024x128xf32> to vector<1024x128xf32>
    %add3A_19 = arith.addf %get3A_13, %get3A_18 : vector<1024x128xf32>
    %concatenate3A = tpu.concatenate %add3A, %add3A_19 in 1 : vector<1024x128xf32>, vector<1024x128xf32> -> vector<1024x256xf32>
    %get3A_20 = arith.constant 0 : index
    %get3A_21 = arith.constant 0 : index
    %get3A_22 = vector.load %arg3[%get3A_20, %get3A_21] : memref<1024x1xf32, #tpu.memory_space<vmem>>, vector<1024x1xf32>
    %mul3A = vector.broadcast %get3A_22 : vector<1024x1xf32> to vector<1024x256xf32>
    %mul3A_23 = arith.mulf %mul3A, %concatenate3A : vector<1024x256xf32>
    %get3A_24 = arith.constant 0 : index
    %get3A_25 = vector.load %arg4[%get3A_24] : memref<256xf32, #tpu.memory_space<vmem>>, vector<256xf32>
    %broadcast_in_dim3A = vector.shape_cast %get3A_25 : vector<256xf32> to vector<1x256xf32>
    %add3A_26 = vector.broadcast %broadcast_in_dim3A : vector<1x256xf32> to vector<1024x256xf32>
    %add3A_27 = arith.addf %mul3A_23, %add3A_26 : vector<1024x256xf32>
    %swap3A = arith.constant 0 : index
    %swap3A_28 = arith.constant 0 : index
    %swap3A_29 = vector.load %arg5[%swap3A, %swap3A_28] : memref<1024x256xf32, #tpu.memory_space<vmem>>, vector<1024x256xf32>
    tpu.vector_store %arg5[%swap3A, %swap3A_28], %add3A_27 {strides = array<i32>} : memref<1024x256xf32, #tpu.memory_space<vmem>>, vector<1024x256xf32>,
    %mul3A_30 = arith.constant 1024 : i32
    %mul3A_31 = arith.muli %arg0, %mul3A_30 : i32
    %iota3A = tpu.iota {dimensions = array<i32: 0>} : vector<1024x1xi32>
    %add3A_32 = vector.broadcast %mul3A_31 : i32 to vector<1024x1xi32>
    %add3A_33 = arith.addi %add3A_32, %iota3A : vector<1024x1xi32>
    %lt3A = arith.constant 10000 : i32
    %lt3A_34 = vector.broadcast %lt3A : i32 to vector<1024x1xi32>
    %lt3A_35 = arith.cmpi slt, %add3A_33, %lt3A_34 : vector<1024x1xi32>
    %jit3A = arith.constant 1.000000e+00 : f32
    %jit3A_36 = arith.constant 0.000000e+00 : f32
    %broadcast_in_dim3A_37 = vector.broadcast %jit3A : f32 to vector<1024x1xf32>
    %broadcast_in_dim3A_38 = vector.broadcast %jit3A_36 : f32 to vector<1024x1xf32>
    %select_n3A = arith.select %lt3A_35, %broadcast_in_dim3A_37, %broadcast_in_dim3A_38 : vector<1024x1xi1>, vector<1024x1xf32>
    %mul3A_39 = vector.broadcast %select_n3A : vector<1024x1xf32> to vector<1024x256xf32>
    %mul3A_40 = arith.mulf %add3A_27, %mul3A_39 : vector<1024x256xf32>
    %reduce_sum3A = arith.constant dense<0.000000e+00> : vector<256xf32>
    %reduce_sum3A_41 = vector.multi_reduction <add>, %mul3A_40, %reduce_sum3A [0] : vector<1024x256xf32> to vector<256xf32>
    %mul3A_42 = arith.mulf %mul3A_40, %add3A_27 : vector<1024x256xf32>
    %reduce_sum3A_43 = arith.constant dense<0.000000e+00> : vector<256xf32>
    %reduce_sum3A_44 = vector.multi_reduction <add>, %mul3A_42, %reduce_sum3A_43 [0] : vector<1024x256xf32> to vector<256xf32>
    %stack3A = vector.shape_cast %reduce_sum3A_41 : vector<256xf32> to vector<1x256xf32>
    %stack3A_45 = vector.shape_cast %reduce_sum3A_44 : vector<256xf32> to vector<1x256xf32>
    %stack3A_46 = tpu.concatenate %stack3A, %stack3A_45 in 0 : vector<1x256xf32>, vector<1x256xf32> -> vector<2x256xf32>
    %eq3A = arith.constant 0 : i32
    %eq3A_47 = arith.cmpi eq, %arg0, %eq3A : i32
    %convert_element_type3A = arith.extui %eq3A_47 : i1 to i32
    %cond3A = arith.constant 0 : i32
    %cond3A_48 = arith.cmpi ne, %convert_element_type3A, %cond3A : i32
    scf.if %cond3A_48 {
      %swap3A_53 = arith.constant 0 : index
      %swap3A_54 = arith.constant 0 : index
      %swap3A_55 = vector.load %arg6[%swap3A_53, %swap3A_54] : memref<2x256xf32, #tpu.memory_space<vmem>>, vector<2x256xf32>
      tpu.vector_store %arg6[%swap3A_53, %swap3A_54], %stack3A_46 {strides = array<i32>} : memref<2x256xf32, #tpu.memory_space<vmem>>, vector<2x256xf32>,
    } else {
    }
    %gt3A = arith.constant 0 : i32
    %gt3A_49 = arith.cmpi sgt, %arg0, %gt3A : i32
    %convert_element_type3A_50 = arith.extui %gt3A_49 : i1 to i32
    %cond3A_51 = arith.constant 0 : i32
    %cond3A_52 = arith.cmpi ne, %convert_element_type3A_50, %cond3A_51 : i32
    scf.if %cond3A_52 {
      %get3A_53 = arith.constant 0 : index
      %get3A_54 = arith.constant 0 : index
      %get3A_55 = vector.load %arg6[%get3A_53, %get3A_54] : memref<2x256xf32, #tpu.memory_space<vmem>>, vector<2x256xf32>
      %add3A_56 = arith.addf %get3A_55, %stack3A_46 : vector<2x256xf32>
      %swap3A_57 = arith.constant 0 : index
      %swap3A_58 = arith.constant 0 : index
      %swap3A_59 = vector.load %arg6[%swap3A_57, %swap3A_58] : memref<2x256xf32, #tpu.memory_space<vmem>>, vector<2x256xf32>
      tpu.vector_store %arg6[%swap3A_57, %swap3A_58], %add3A_56 {strides = array<i32>} : memref<2x256xf32, #tpu.memory_space<vmem>>, vector<2x256xf32>,
    } else {
    }
    return
  }
  func.func @transform_0(%arg0: i32) -> (i32, i32, i32) {
    %c0_i32 = arith.constant 0 : i32
    %c0_i32_0 = arith.constant 0 : i32
    %c0_i32_1 = arith.constant 0 : i32
    return %c0_i32, %arg0, %c0_i32_0 : i32, i32, i32
  }
  func.func @transform_1(%arg0: i32) -> (i32, i32, i32) {
    %c0_i32 = arith.constant 0 : i32
    %c0_i32_0 = arith.constant 0 : i32
    %c0_i32_1 = arith.constant 0 : i32
    return %c0_i32, %arg0, %c0_i32_0 : i32, i32, i32
  }
  func.func @transform_2(%arg0: i32) -> (i32, i32) {
    %c0_i32 = arith.constant 0 : i32
    %c0_i32_0 = arith.constant 0 : i32
    return %arg0, %c0_i32 : i32, i32
  }
  func.func @transform_3(%arg0: i32) -> i32 {
    %c0_i32 = arith.constant 0 : i32
    %c0_i32_0 = arith.constant 0 : i32
    return %c0_i32 : i32
  }
  func.func @transform_4(%arg0: i32) -> (i32, i32) {
    %c0_i32 = arith.constant 0 : i32
    %c0_i32_0 = arith.constant 0 : i32
    return %arg0, %c0_i32 : i32, i32
  }
  func.func @transform_5(%arg0: i32) -> (i32, i32) {
    %c0_i32 = arith.constant 0 : i32
    %c0_i32_0 = arith.constant 0 : i32
    %c0_i32_1 = arith.constant 0 : i32
    return %c0_i32, %c0_i32_0 : i32, i32
  }
}

module attributes {stable_mosaic.version = 14 : i64} {
  func.func @body(%arg0: i32, %arg1: memref<1024x256xf32, #tpu.memory_space<vmem>>, %arg2: memref<2x256xf32, #tpu.memory_space<vmem>>, %arg3: memref<256xf32, #tpu.memory_space<vmem>>, %arg4: memref<256xf32, #tpu.memory_space<vmem>>, %arg5: memref<1024x1xf32, #tpu.memory_space<vmem>>, %arg6: memref<256x256xf32, #tpu.memory_space<vmem>>, %arg7: memref<2x1024x128xf32, #tpu.memory_space<vmem>>) attributes {dimension_semantics = [#tpu.dimension_semantics<arbitrary>], iteration_bounds = array<i64: 10>, scalar_prefetch = 0 : i64, scratch_operands = 0 : i64, tpu.core_type = #tpu.core_type<tc>, window_params = [{transform_indices = @transform_0, window_bounds = array<i64: 1024, 256>}, {pipeline_mode = #tpu.pipeline_mode<synchronous>, transform_indices = @transform_1, window_bounds = array<i64: 2, 256>}, {pipeline_mode = #tpu.pipeline_mode<synchronous>, transform_indices = @transform_2, window_bounds = array<i64: 256>}, {pipeline_mode = #tpu.pipeline_mode<synchronous>, transform_indices = @transform_3, window_bounds = array<i64: 256>}, {transform_indices = @transform_4, window_bounds = array<i64: 1024, 1>}, {pipeline_mode = #tpu.pipeline_mode<synchronous>, transform_indices = @transform_5, window_bounds = array<i64: 256, 256>}, {transform_indices = @transform_6, window_bounds = array<i64: 2, 1024, 128>}]} {
    %get3A = arith.constant 0 : index
    %get3A_0 = arith.constant 0 : index
    %get3A_1 = vector.load %arg2[%get3A, %get3A_0] : memref<2x256xf32, #tpu.memory_space<vmem>>, vector<1x256xf32>
    %get3A_2 = vector.shape_cast %get3A_1 : vector<1x256xf32> to vector<256xf32>
    %div3A = arith.constant 1.000000e+04 : f32
    %div3A_3 = vector.broadcast %div3A : f32 to vector<256xf32>
    %div3A_4 = arith.divf %get3A_2, %div3A_3 : vector<256xf32>
    %get3A_5 = arith.constant 1 : index
    %get3A_6 = arith.constant 0 : index
    %get3A_7 = vector.load %arg2[%get3A_5, %get3A_6] : memref<2x256xf32, #tpu.memory_space<vmem>>, vector<1x256xf32>
    %get3A_8 = vector.shape_cast %get3A_7 : vector<1x256xf32> to vector<256xf32>
    %div3A_9 = arith.constant 1.000000e+04 : f32
    %div3A_10 = vector.broadcast %div3A_9 : f32 to vector<256xf32>
    %div3A_11 = arith.divf %get3A_8, %div3A_10 : vector<256xf32>
    %mul3A = arith.mulf %div3A_4, %div3A_4 : vector<256xf32>
    %sub3A = arith.subf %div3A_11, %mul3A : vector<256xf32>
    %add3A = arith.constant 9.99999974E-6 : f32
    %add3A_12 = vector.broadcast %add3A : f32 to vector<256xf32>
    %add3A_13 = arith.addf %sub3A, %add3A_12 : vector<256xf32>
    %rsqrt3A = math.rsqrt %add3A_13 : vector<256xf32>
    %get3A_14 = arith.constant 0 : index
    %get3A_15 = vector.load %arg3[%get3A_14] : memref<256xf32, #tpu.memory_space<vmem>>, vector<256xf32>
    %mul3A_16 = arith.mulf %rsqrt3A, %get3A_15 : vector<256xf32>
    %get3A_17 = arith.constant 0 : index
    %get3A_18 = arith.constant 0 : index
    %get3A_19 = vector.load %arg1[%get3A_17, %get3A_18] : memref<1024x256xf32, #tpu.memory_space<vmem>>, vector<1024x256xf32>
    %broadcast_in_dim3A = vector.shape_cast %div3A_4 : vector<256xf32> to vector<1x256xf32>
    %sub3A_20 = vector.broadcast %broadcast_in_dim3A : vector<1x256xf32> to vector<1024x256xf32>
    %sub3A_21 = arith.subf %get3A_19, %sub3A_20 : vector<1024x256xf32>
    %broadcast_in_dim3A_22 = vector.shape_cast %mul3A_16 : vector<256xf32> to vector<1x256xf32>
    %mul3A_23 = vector.broadcast %broadcast_in_dim3A_22 : vector<1x256xf32> to vector<1024x256xf32>
    %mul3A_24 = arith.mulf %sub3A_21, %mul3A_23 : vector<1024x256xf32>
    %get3A_25 = arith.constant 0 : index
    %get3A_26 = vector.load %arg4[%get3A_25] : memref<256xf32, #tpu.memory_space<vmem>>, vector<256xf32>
    %broadcast_in_dim3A_27 = vector.shape_cast %get3A_26 : vector<256xf32> to vector<1x256xf32>
    %add3A_28 = vector.broadcast %broadcast_in_dim3A_27 : vector<1x256xf32> to vector<1024x256xf32>
    %add3A_29 = arith.addf %mul3A_24, %add3A_28 : vector<1024x256xf32>
    %max3A = arith.constant 0.000000e+00 : f32
    %max3A_30 = vector.broadcast %max3A : f32 to vector<1024x256xf32>
    %max3A_31 = arith.maximumf %add3A_29, %max3A_30 : vector<1024x256xf32>
    %get3A_32 = arith.constant 0 : index
    %get3A_33 = arith.constant 0 : index
    %get3A_34 = vector.load %arg6[%get3A_32, %get3A_33] : memref<256x256xf32, #tpu.memory_space<vmem>>, vector<256x256xf32>
    %dot_general3A = arith.constant dense<0.000000e+00> : vector<1024x256xf32>
    %dot_general3A_35 = tpu.matmul %max3A_31, %get3A_34, %dot_general3A {dimension_numbers = #tpu.dot_dimension_numbers<[1], [0], [0], [1], [0, 0, 1, 1], [], []>, transpose_lhs_hint = false} : vector<1024x256xf32>, vector<256x256xf32>, vector<1024x256xf32> -> vector<1024x256xf32>
    %get3A_36 = arith.constant 0 : index
    %get3A_37 = arith.constant 0 : index
    %get3A_38 = vector.load %arg5[%get3A_36, %get3A_37] : memref<1024x1xf32, #tpu.memory_space<vmem>>, vector<1024x1xf32>
    %mul3A_39 = vector.broadcast %get3A_38 : vector<1024x1xf32> to vector<1024x256xf32>
    %mul3A_40 = arith.mulf %dot_general3A_35, %mul3A_39 : vector<1024x256xf32>
    %slice3A = vector.extract_strided_slice %mul3A_40 {offsets = [0, 0], sizes = [1024, 128], strides = [1, 1]} : vector<1024x256xf32> to vector<1024x128xf32>
    %swap3A = arith.constant 0 : index
    %swap3A_41 = arith.constant 0 : index
    %swap3A_42 = arith.constant 0 : index
    %swap3A_43 = vector.load %arg7[%swap3A, %swap3A_41, %swap3A_42] : memref<2x1024x128xf32, #tpu.memory_space<vmem>>, vector<1x1024x128xf32>
    %swap3A_44 = vector.shape_cast %swap3A_43 : vector<1x1024x128xf32> to vector<1024x128xf32>
    %swap3A_45 = vector.shape_cast %slice3A : vector<1024x128xf32> to vector<1x1024x128xf32>
    tpu.vector_store %arg7[%swap3A, %swap3A_41, %swap3A_42], %swap3A_45 {strides = array<i32>} : memref<2x1024x128xf32, #tpu.memory_space<vmem>>, vector<1x1024x128xf32>,
    %slice3A_46 = vector.extract_strided_slice %mul3A_40 {offsets = [0, 128], sizes = [1024, 128], strides = [1, 1]} : vector<1024x256xf32> to vector<1024x128xf32>
    %swap3A_47 = arith.constant 1 : index
    %swap3A_48 = arith.constant 0 : index
    %swap3A_49 = arith.constant 0 : index
    %swap3A_50 = vector.load %arg7[%swap3A_47, %swap3A_48, %swap3A_49] : memref<2x1024x128xf32, #tpu.memory_space<vmem>>, vector<1x1024x128xf32>
    %swap3A_51 = vector.shape_cast %swap3A_50 : vector<1x1024x128xf32> to vector<1024x128xf32>
    %swap3A_52 = vector.shape_cast %slice3A_46 : vector<1024x128xf32> to vector<1x1024x128xf32>
    tpu.vector_store %arg7[%swap3A_47, %swap3A_48, %swap3A_49], %swap3A_52 {strides = array<i32>} : memref<2x1024x128xf32, #tpu.memory_space<vmem>>, vector<1x1024x128xf32>,
    return
  }
  func.func @transform_0(%arg0: i32) -> (i32, i32) {
    %c0_i32 = arith.constant 0 : i32
    %c0_i32_0 = arith.constant 0 : i32
    return %arg0, %c0_i32 : i32, i32
  }
  func.func @transform_1(%arg0: i32) -> (i32, i32) {
    %c0_i32 = arith.constant 0 : i32
    %c0_i32_0 = arith.constant 0 : i32
    %c0_i32_1 = arith.constant 0 : i32
    return %c0_i32, %c0_i32_0 : i32, i32
  }
  func.func @transform_2(%arg0: i32) -> i32 {
    %c0_i32 = arith.constant 0 : i32
    %c0_i32_0 = arith.constant 0 : i32
    return %c0_i32 : i32
  }
  func.func @transform_3(%arg0: i32) -> i32 {
    %c0_i32 = arith.constant 0 : i32
    %c0_i32_0 = arith.constant 0 : i32
    return %c0_i32 : i32
  }
  func.func @transform_4(%arg0: i32) -> (i32, i32) {
    %c0_i32 = arith.constant 0 : i32
    %c0_i32_0 = arith.constant 0 : i32
    return %arg0, %c0_i32 : i32, i32
  }
  func.func @transform_5(%arg0: i32) -> (i32, i32) {
    %c0_i32 = arith.constant 0 : i32
    %c0_i32_0 = arith.constant 0 : i32
    %c0_i32_1 = arith.constant 0 : i32
    return %c0_i32, %c0_i32_0 : i32, i32
  }
  func.func @transform_6(%arg0: i32) -> (i32, i32, i32) {
    %c0_i32 = arith.constant 0 : i32
    %c0_i32_0 = arith.constant 0 : i32
    %c0_i32_1 = arith.constant 0 : i32
    return %c0_i32, %arg0, %c0_i32_0 : i32, i32, i32
  }
}

module attributes {stable_mosaic.version = 14 : i64} {
  func.func @body(%arg0: i32, %arg1: memref<1024x256xf32, #tpu.memory_space<vmem>>, %arg2: memref<2x256xf32, #tpu.memory_space<vmem>>, %arg3: memref<256xf32, #tpu.memory_space<vmem>>, %arg4: memref<256xf32, #tpu.memory_space<vmem>>, %arg5: memref<1024x1xf32, #tpu.memory_space<vmem>>, %arg6: memref<256x256xf32, #tpu.memory_space<vmem>>, %arg7: memref<2x1024x128xf32, #tpu.memory_space<vmem>>, %arg8: memref<1024x256xf32, #tpu.memory_space<vmem>>) attributes {dimension_semantics = [#tpu.dimension_semantics<arbitrary>], iteration_bounds = array<i64: 10>, scalar_prefetch = 0 : i64, scratch_operands = 0 : i64, tpu.core_type = #tpu.core_type<tc>, window_params = [{transform_indices = @transform_0, window_bounds = array<i64: 1024, 256>}, {pipeline_mode = #tpu.pipeline_mode<synchronous>, transform_indices = @transform_1, window_bounds = array<i64: 2, 256>}, {pipeline_mode = #tpu.pipeline_mode<synchronous>, transform_indices = @transform_2, window_bounds = array<i64: 256>}, {pipeline_mode = #tpu.pipeline_mode<synchronous>, transform_indices = @transform_3, window_bounds = array<i64: 256>}, {transform_indices = @transform_4, window_bounds = array<i64: 1024, 1>}, {pipeline_mode = #tpu.pipeline_mode<synchronous>, transform_indices = @transform_5, window_bounds = array<i64: 256, 256>}, {transform_indices = @transform_6, window_bounds = array<i64: 2, 1024, 128>}, {transform_indices = @transform_7, window_bounds = array<i64: 1024, 256>}]} {
    %get3A = arith.constant 0 : index
    %get3A_0 = arith.constant 0 : index
    %get3A_1 = vector.load %arg2[%get3A, %get3A_0] : memref<2x256xf32, #tpu.memory_space<vmem>>, vector<1x256xf32>
    %get3A_2 = vector.shape_cast %get3A_1 : vector<1x256xf32> to vector<256xf32>
    %div3A = arith.constant 1.000000e+04 : f32
    %div3A_3 = vector.broadcast %div3A : f32 to vector<256xf32>
    %div3A_4 = arith.divf %get3A_2, %div3A_3 : vector<256xf32>
    %get3A_5 = arith.constant 1 : index
    %get3A_6 = arith.constant 0 : index
    %get3A_7 = vector.load %arg2[%get3A_5, %get3A_6] : memref<2x256xf32, #tpu.memory_space<vmem>>, vector<1x256xf32>
    %get3A_8 = vector.shape_cast %get3A_7 : vector<1x256xf32> to vector<256xf32>
    %div3A_9 = arith.constant 1.000000e+04 : f32
    %div3A_10 = vector.broadcast %div3A_9 : f32 to vector<256xf32>
    %div3A_11 = arith.divf %get3A_8, %div3A_10 : vector<256xf32>
    %mul3A = arith.mulf %div3A_4, %div3A_4 : vector<256xf32>
    %sub3A = arith.subf %div3A_11, %mul3A : vector<256xf32>
    %add3A = arith.constant 9.99999974E-6 : f32
    %add3A_12 = vector.broadcast %add3A : f32 to vector<256xf32>
    %add3A_13 = arith.addf %sub3A, %add3A_12 : vector<256xf32>
    %rsqrt3A = math.rsqrt %add3A_13 : vector<256xf32>
    %get3A_14 = arith.constant 0 : index
    %get3A_15 = vector.load %arg3[%get3A_14] : memref<256xf32, #tpu.memory_space<vmem>>, vector<256xf32>
    %mul3A_16 = arith.mulf %rsqrt3A, %get3A_15 : vector<256xf32>
    %get3A_17 = arith.constant 0 : index
    %get3A_18 = arith.constant 0 : index
    %get3A_19 = vector.load %arg1[%get3A_17, %get3A_18] : memref<1024x256xf32, #tpu.memory_space<vmem>>, vector<1024x256xf32>
    %broadcast_in_dim3A = vector.shape_cast %div3A_4 : vector<256xf32> to vector<1x256xf32>
    %sub3A_20 = vector.broadcast %broadcast_in_dim3A : vector<1x256xf32> to vector<1024x256xf32>
    %sub3A_21 = arith.subf %get3A_19, %sub3A_20 : vector<1024x256xf32>
    %broadcast_in_dim3A_22 = vector.shape_cast %mul3A_16 : vector<256xf32> to vector<1x256xf32>
    %mul3A_23 = vector.broadcast %broadcast_in_dim3A_22 : vector<1x256xf32> to vector<1024x256xf32>
    %mul3A_24 = arith.mulf %sub3A_21, %mul3A_23 : vector<1024x256xf32>
    %get3A_25 = arith.constant 0 : index
    %get3A_26 = vector.load %arg4[%get3A_25] : memref<256xf32, #tpu.memory_space<vmem>>, vector<256xf32>
    %broadcast_in_dim3A_27 = vector.shape_cast %get3A_26 : vector<256xf32> to vector<1x256xf32>
    %add3A_28 = vector.broadcast %broadcast_in_dim3A_27 : vector<1x256xf32> to vector<1024x256xf32>
    %add3A_29 = arith.addf %mul3A_24, %add3A_28 : vector<1024x256xf32>
    %max3A = arith.constant 0.000000e+00 : f32
    %max3A_30 = vector.broadcast %max3A : f32 to vector<1024x256xf32>
    %max3A_31 = arith.maximumf %add3A_29, %max3A_30 : vector<1024x256xf32>
    %get3A_32 = arith.constant 0 : index
    %get3A_33 = arith.constant 0 : index
    %get3A_34 = vector.load %arg6[%get3A_32, %get3A_33] : memref<256x256xf32, #tpu.memory_space<vmem>>, vector<256x256xf32>
    %dot_general3A = arith.constant dense<0.000000e+00> : vector<1024x256xf32>
    %dot_general3A_35 = tpu.matmul %max3A_31, %get3A_34, %dot_general3A {dimension_numbers = #tpu.dot_dimension_numbers<[1], [0], [0], [1], [0, 0, 1, 1], [], []>, transpose_lhs_hint = false} : vector<1024x256xf32>, vector<256x256xf32>, vector<1024x256xf32> -> vector<1024x256xf32>
    %get3A_36 = arith.constant 0 : index
    %get3A_37 = arith.constant 0 : index
    %get3A_38 = vector.load %arg5[%get3A_36, %get3A_37] : memref<1024x1xf32, #tpu.memory_space<vmem>>, vector<1024x1xf32>
    %mul3A_39 = vector.broadcast %get3A_38 : vector<1024x1xf32> to vector<1024x256xf32>
    %mul3A_40 = arith.mulf %dot_general3A_35, %mul3A_39 : vector<1024x256xf32>
    %slice3A = vector.extract_strided_slice %mul3A_40 {offsets = [0, 0], sizes = [1024, 128], strides = [1, 1]} : vector<1024x256xf32> to vector<1024x128xf32>
    %swap3A = arith.constant 0 : index
    %swap3A_41 = arith.constant 0 : index
    %swap3A_42 = arith.constant 0 : index
    %swap3A_43 = vector.load %arg7[%swap3A, %swap3A_41, %swap3A_42] : memref<2x1024x128xf32, #tpu.memory_space<vmem>>, vector<1x1024x128xf32>
    %swap3A_44 = vector.shape_cast %swap3A_43 : vector<1x1024x128xf32> to vector<1024x128xf32>
    %swap3A_45 = vector.shape_cast %slice3A : vector<1024x128xf32> to vector<1x1024x128xf32>
    tpu.vector_store %arg7[%swap3A, %swap3A_41, %swap3A_42], %swap3A_45 {strides = array<i32>} : memref<2x1024x128xf32, #tpu.memory_space<vmem>>, vector<1x1024x128xf32>,
    %slice3A_46 = vector.extract_strided_slice %mul3A_40 {offsets = [0, 128], sizes = [1024, 128], strides = [1, 1]} : vector<1024x256xf32> to vector<1024x128xf32>
    %swap3A_47 = arith.constant 1 : index
    %swap3A_48 = arith.constant 0 : index
    %swap3A_49 = arith.constant 0 : index
    %swap3A_50 = vector.load %arg7[%swap3A_47, %swap3A_48, %swap3A_49] : memref<2x1024x128xf32, #tpu.memory_space<vmem>>, vector<1x1024x128xf32>
    %swap3A_51 = vector.shape_cast %swap3A_50 : vector<1x1024x128xf32> to vector<1024x128xf32>
    %swap3A_52 = vector.shape_cast %slice3A_46 : vector<1024x128xf32> to vector<1x1024x128xf32>
    tpu.vector_store %arg7[%swap3A_47, %swap3A_48, %swap3A_49], %swap3A_52 {strides = array<i32>} : memref<2x1024x128xf32, #tpu.memory_space<vmem>>, vector<1x1024x128xf32>,
    %swap3A_53 = arith.constant 0 : index
    %swap3A_54 = arith.constant 0 : index
    %swap3A_55 = vector.load %arg8[%swap3A_53, %swap3A_54] : memref<1024x256xf32, #tpu.memory_space<vmem>>, vector<1024x256xf32>
    tpu.vector_store %arg8[%swap3A_53, %swap3A_54], %max3A_31 {strides = array<i32>} : memref<1024x256xf32, #tpu.memory_space<vmem>>, vector<1024x256xf32>,
    return
  }
  func.func @transform_0(%arg0: i32) -> (i32, i32) {
    %c0_i32 = arith.constant 0 : i32
    %c0_i32_0 = arith.constant 0 : i32
    return %arg0, %c0_i32 : i32, i32
  }
  func.func @transform_1(%arg0: i32) -> (i32, i32) {
    %c0_i32 = arith.constant 0 : i32
    %c0_i32_0 = arith.constant 0 : i32
    %c0_i32_1 = arith.constant 0 : i32
    return %c0_i32, %c0_i32_0 : i32, i32
  }
  func.func @transform_2(%arg0: i32) -> i32 {
    %c0_i32 = arith.constant 0 : i32
    %c0_i32_0 = arith.constant 0 : i32
    return %c0_i32 : i32
  }
  func.func @transform_3(%arg0: i32) -> i32 {
    %c0_i32 = arith.constant 0 : i32
    %c0_i32_0 = arith.constant 0 : i32
    return %c0_i32 : i32
  }
  func.func @transform_4(%arg0: i32) -> (i32, i32) {
    %c0_i32 = arith.constant 0 : i32
    %c0_i32_0 = arith.constant 0 : i32
    return %arg0, %c0_i32 : i32, i32
  }
  func.func @transform_5(%arg0: i32) -> (i32, i32) {
    %c0_i32 = arith.constant 0 : i32
    %c0_i32_0 = arith.constant 0 : i32
    %c0_i32_1 = arith.constant 0 : i32
    return %c0_i32, %c0_i32_0 : i32, i32
  }
  func.func @transform_6(%arg0: i32) -> (i32, i32, i32) {
    %c0_i32 = arith.constant 0 : i32
    %c0_i32_0 = arith.constant 0 : i32
    %c0_i32_1 = arith.constant 0 : i32
    return %c0_i32, %arg0, %c0_i32_0 : i32, i32, i32
  }
  func.func @transform_7(%arg0: i32) -> (i32, i32) {
    %c0_i32 = arith.constant 0 : i32
    %c0_i32_0 = arith.constant 0 : i32
    return %arg0, %c0_i32 : i32, i32
  }
}

module attributes {stable_mosaic.version = 14 : i64} {
  func.func @body(%arg0: i32, %arg1: memref<2x1024x128xf32, #tpu.memory_space<vmem>>, %arg2: memref<2x1024x128xf32, #tpu.memory_space<vmem>>, %arg3: memref<1024x1xf32, #tpu.memory_space<vmem>>, %arg4: memref<256xf32, #tpu.memory_space<vmem>>, %arg5: memref<1024x256xf32, #tpu.memory_space<vmem>>, %arg6: memref<256x128xf32, #tpu.memory_space<vmem>>, %arg7: memref<1024x128xf32, #tpu.memory_space<vmem>>) attributes {dimension_semantics = [#tpu.dimension_semantics<arbitrary>], iteration_bounds = array<i64: 10>, scalar_prefetch = 0 : i64, scratch_operands = 0 : i64, tpu.core_type = #tpu.core_type<tc>, window_params = [{transform_indices = @transform_0, window_bounds = array<i64: 2, 1024, 128>}, {transform_indices = @transform_1, window_bounds = array<i64: 2, 1024, 128>}, {transform_indices = @transform_2, window_bounds = array<i64: 1024, 1>}, {pipeline_mode = #tpu.pipeline_mode<synchronous>, transform_indices = @transform_3, window_bounds = array<i64: 256>}, {transform_indices = @transform_4, window_bounds = array<i64: 1024, 256>}, {pipeline_mode = #tpu.pipeline_mode<synchronous>, transform_indices = @transform_5, window_bounds = array<i64: 256, 128>}, {transform_indices = @transform_6, window_bounds = array<i64: 1024, 128>}]} {
    %get3A = arith.constant 0 : index
    %get3A_0 = arith.constant 0 : index
    %get3A_1 = arith.constant 0 : index
    %get3A_2 = vector.load %arg1[%get3A, %get3A_0, %get3A_1] : memref<2x1024x128xf32, #tpu.memory_space<vmem>>, vector<1x1024x128xf32>
    %get3A_3 = vector.shape_cast %get3A_2 : vector<1x1024x128xf32> to vector<1024x128xf32>
    %get3A_4 = arith.constant 0 : index
    %get3A_5 = arith.constant 0 : index
    %get3A_6 = arith.constant 0 : index
    %get3A_7 = vector.load %arg2[%get3A_4, %get3A_5, %get3A_6] : memref<2x1024x128xf32, #tpu.memory_space<vmem>>, vector<1x1024x128xf32>
    %get3A_8 = vector.shape_cast %get3A_7 : vector<1x1024x128xf32> to vector<1024x128xf32>
    %add3A = arith.addf %get3A_3, %get3A_8 : vector<1024x128xf32>
    %get3A_9 = arith.constant 1 : index
    %get3A_10 = arith.constant 0 : index
    %get3A_11 = arith.constant 0 : index
    %get3A_12 = vector.load %arg1[%get3A_9, %get3A_10, %get3A_11] : memref<2x1024x128xf32, #tpu.memory_space<vmem>>, vector<1x1024x128xf32>
    %get3A_13 = vector.shape_cast %get3A_12 : vector<1x1024x128xf32> to vector<1024x128xf32>
    %get3A_14 = arith.constant 1 : index
    %get3A_15 = arith.constant 0 : index
    %get3A_16 = arith.constant 0 : index
    %get3A_17 = vector.load %arg2[%get3A_14, %get3A_15, %get3A_16] : memref<2x1024x128xf32, #tpu.memory_space<vmem>>, vector<1x1024x128xf32>
    %get3A_18 = vector.shape_cast %get3A_17 : vector<1x1024x128xf32> to vector<1024x128xf32>
    %add3A_19 = arith.addf %get3A_13, %get3A_18 : vector<1024x128xf32>
    %concatenate3A = tpu.concatenate %add3A, %add3A_19 in 1 : vector<1024x128xf32>, vector<1024x128xf32> -> vector<1024x256xf32>
    %get3A_20 = arith.constant 0 : index
    %get3A_21 = arith.constant 0 : index
    %get3A_22 = vector.load %arg3[%get3A_20, %get3A_21] : memref<1024x1xf32, #tpu.memory_space<vmem>>, vector<1024x1xf32>
    %mul3A = vector.broadcast %get3A_22 : vector<1024x1xf32> to vector<1024x256xf32>
    %mul3A_23 = arith.mulf %mul3A, %concatenate3A : vector<1024x256xf32>
    %get3A_24 = arith.constant 0 : index
    %get3A_25 = vector.load %arg4[%get3A_24] : memref<256xf32, #tpu.memory_space<vmem>>, vector<256xf32>
    %broadcast_in_dim3A = vector.shape_cast %get3A_25 : vector<256xf32> to vector<1x256xf32>
    %add3A_26 = vector.broadcast %broadcast_in_dim3A : vector<1x256xf32> to vector<1024x256xf32>
    %add3A_27 = arith.addf %mul3A_23, %add3A_26 : vector<1024x256xf32>
    %max3A = arith.constant 0.000000e+00 : f32
    %max3A_28 = vector.broadcast %max3A : f32 to vector<1024x256xf32>
    %max3A_29 = arith.maximumf %add3A_27, %max3A_28 : vector<1024x256xf32>
    %get3A_30 = arith.constant 0 : index
    %get3A_31 = arith.constant 0 : index
    %get3A_32 = vector.load %arg5[%get3A_30, %get3A_31] : memref<1024x256xf32, #tpu.memory_space<vmem>>, vector<1024x256xf32>
    %add3A_33 = arith.addf %max3A_29, %get3A_32 : vector<1024x256xf32>
    %get3A_34 = arith.constant 0 : index
    %get3A_35 = arith.constant 0 : index
    %get3A_36 = vector.load %arg6[%get3A_34, %get3A_35] : memref<256x128xf32, #tpu.memory_space<vmem>>, vector<256x128xf32>
    %dot_general3A = arith.constant dense<0.000000e+00> : vector<1024x128xf32>
    %dot_general3A_37 = tpu.matmul %add3A_33, %get3A_36, %dot_general3A {dimension_numbers = #tpu.dot_dimension_numbers<[1], [0], [0], [1], [0, 0, 1, 1], [], []>, transpose_lhs_hint = false} : vector<1024x256xf32>, vector<256x128xf32>, vector<1024x128xf32> -> vector<1024x128xf32>
    %get3A_38 = arith.constant 0 : index
    %get3A_39 = arith.constant 0 : index
    %get3A_40 = vector.load %arg3[%get3A_38, %get3A_39] : memref<1024x1xf32, #tpu.memory_space<vmem>>, vector<1024x1xf32>
    %mul3A_41 = vector.broadcast %get3A_40 : vector<1024x1xf32> to vector<1024x128xf32>
    %mul3A_42 = arith.mulf %dot_general3A_37, %mul3A_41 : vector<1024x128xf32>
    %swap3A = arith.constant 0 : index
    %swap3A_43 = arith.constant 0 : index
    %swap3A_44 = vector.load %arg7[%swap3A, %swap3A_43] : memref<1024x128xf32, #tpu.memory_space<vmem>>, vector<1024x128xf32>
    tpu.vector_store %arg7[%swap3A, %swap3A_43], %mul3A_42 {strides = array<i32>} : memref<1024x128xf32, #tpu.memory_space<vmem>>, vector<1024x128xf32>,
    return
  }
  func.func @transform_0(%arg0: i32) -> (i32, i32, i32) {
    %c0_i32 = arith.constant 0 : i32
    %c0_i32_0 = arith.constant 0 : i32
    %c0_i32_1 = arith.constant 0 : i32
    return %c0_i32, %arg0, %c0_i32_0 : i32, i32, i32
  }
  func.func @transform_1(%arg0: i32) -> (i32, i32, i32) {
    %c0_i32 = arith.constant 0 : i32
    %c0_i32_0 = arith.constant 0 : i32
    %c0_i32_1 = arith.constant 0 : i32
    return %c0_i32, %arg0, %c0_i32_0 : i32, i32, i32
  }
  func.func @transform_2(%arg0: i32) -> (i32, i32) {
    %c0_i32 = arith.constant 0 : i32
    %c0_i32_0 = arith.constant 0 : i32
    return %arg0, %c0_i32 : i32, i32
  }
  func.func @transform_3(%arg0: i32) -> i32 {
    %c0_i32 = arith.constant 0 : i32
    %c0_i32_0 = arith.constant 0 : i32
    return %c0_i32 : i32
  }
  func.func @transform_4(%arg0: i32) -> (i32, i32) {
    %c0_i32 = arith.constant 0 : i32
    %c0_i32_0 = arith.constant 0 : i32
    return %arg0, %c0_i32 : i32, i32
  }
  func.func @transform_5(%arg0: i32) -> (i32, i32) {
    %c0_i32 = arith.constant 0 : i32
    %c0_i32_0 = arith.constant 0 : i32
    %c0_i32_1 = arith.constant 0 : i32
    return %c0_i32, %c0_i32_0 : i32, i32
  }
  func.func @transform_6(%arg0: i32) -> (i32, i32) {
    %c0_i32 = arith.constant 0 : i32
    %c0_i32_0 = arith.constant 0 : i32
    return %arg0, %c0_i32 : i32, i32
  }
}

module attributes {stable_mosaic.version = 14 : i64} {
  func.func @body(%arg0: i32, %arg1: memref<2x1024x128xf32, #tpu.memory_space<vmem>>, %arg2: memref<1024x128xf32, #tpu.memory_space<vmem>>, %arg3: memref<1024x1xf32, #tpu.memory_space<vmem>>, %arg4: memref<128xf32, #tpu.memory_space<vmem>>, %arg5: memref<1024x128xf32, #tpu.memory_space<vmem>>, %arg6: memref<2x128xf32, #tpu.memory_space<vmem>>) attributes {dimension_semantics = [#tpu.dimension_semantics<arbitrary>], iteration_bounds = array<i64: 10>, scalar_prefetch = 0 : i64, scratch_operands = 0 : i64, tpu.core_type = #tpu.core_type<tc>, window_params = [{transform_indices = @transform_0, window_bounds = array<i64: 2, 1024, 128>}, {transform_indices = @transform_1, window_bounds = array<i64: 1024, 128>}, {transform_indices = @transform_2, window_bounds = array<i64: 1024, 1>}, {pipeline_mode = #tpu.pipeline_mode<synchronous>, transform_indices = @transform_3, window_bounds = array<i64: 128>}, {transform_indices = @transform_4, window_bounds = array<i64: 1024, 128>}, {pipeline_mode = #tpu.pipeline_mode<synchronous>, transform_indices = @transform_5, window_bounds = array<i64: 2, 128>}]} {
    %get3A = arith.constant 0 : index
    %get3A_0 = arith.constant 0 : index
    %get3A_1 = arith.constant 0 : index
    %get3A_2 = vector.load %arg1[%get3A, %get3A_0, %get3A_1] : memref<2x1024x128xf32, #tpu.memory_space<vmem>>, vector<1x1024x128xf32>
    %get3A_3 = vector.shape_cast %get3A_2 : vector<1x1024x128xf32> to vector<1024x128xf32>
    %get3A_4 = arith.constant 1 : index
    %get3A_5 = arith.constant 0 : index
    %get3A_6 = arith.constant 0 : index
    %get3A_7 = vector.load %arg1[%get3A_4, %get3A_5, %get3A_6] : memref<2x1024x128xf32, #tpu.memory_space<vmem>>, vector<1x1024x128xf32>
    %get3A_8 = vector.shape_cast %get3A_7 : vector<1x1024x128xf32> to vector<1024x128xf32>
    %add3A = arith.addf %get3A_3, %get3A_8 : vector<1024x128xf32>
    %get3A_9 = arith.constant 0 : index
    %get3A_10 = arith.constant 0 : index
    %get3A_11 = vector.load %arg2[%get3A_9, %get3A_10] : memref<1024x128xf32, #tpu.memory_space<vmem>>, vector<1024x128xf32>
    %add3A_12 = arith.addf %add3A, %get3A_11 : vector<1024x128xf32>
    %get3A_13 = arith.constant 0 : index
    %get3A_14 = arith.constant 0 : index
    %get3A_15 = vector.load %arg3[%get3A_13, %get3A_14] : memref<1024x1xf32, #tpu.memory_space<vmem>>, vector<1024x1xf32>
    %mul3A = vector.broadcast %get3A_15 : vector<1024x1xf32> to vector<1024x128xf32>
    %mul3A_16 = arith.mulf %mul3A, %add3A_12 : vector<1024x128xf32>
    %get3A_17 = arith.constant 0 : index
    %get3A_18 = vector.load %arg4[%get3A_17] : memref<128xf32, #tpu.memory_space<vmem>>, vector<128xf32>
    %broadcast_in_dim3A = vector.shape_cast %get3A_18 : vector<128xf32> to vector<1x128xf32>
    %add3A_19 = vector.broadcast %broadcast_in_dim3A : vector<1x128xf32> to vector<1024x128xf32>
    %add3A_20 = arith.addf %mul3A_16, %add3A_19 : vector<1024x128xf32>
    %swap3A = arith.constant 0 : index
    %swap3A_21 = arith.constant 0 : index
    %swap3A_22 = vector.load %arg5[%swap3A, %swap3A_21] : memref<1024x128xf32, #tpu.memory_space<vmem>>, vector<1024x128xf32>
    tpu.vector_store %arg5[%swap3A, %swap3A_21], %add3A_20 {strides = array<i32>} : memref<1024x128xf32, #tpu.memory_space<vmem>>, vector<1024x128xf32>,
    %mul3A_23 = arith.constant 1024 : i32
    %mul3A_24 = arith.muli %arg0, %mul3A_23 : i32
    %iota3A = tpu.iota {dimensions = array<i32: 0>} : vector<1024x1xi32>
    %add3A_25 = vector.broadcast %mul3A_24 : i32 to vector<1024x1xi32>
    %add3A_26 = arith.addi %add3A_25, %iota3A : vector<1024x1xi32>
    %lt3A = arith.constant 10000 : i32
    %lt3A_27 = vector.broadcast %lt3A : i32 to vector<1024x1xi32>
    %lt3A_28 = arith.cmpi slt, %add3A_26, %lt3A_27 : vector<1024x1xi32>
    %jit3A = arith.constant 1.000000e+00 : f32
    %jit3A_29 = arith.constant 0.000000e+00 : f32
    %broadcast_in_dim3A_30 = vector.broadcast %jit3A : f32 to vector<1024x1xf32>
    %broadcast_in_dim3A_31 = vector.broadcast %jit3A_29 : f32 to vector<1024x1xf32>
    %select_n3A = arith.select %lt3A_28, %broadcast_in_dim3A_30, %broadcast_in_dim3A_31 : vector<1024x1xi1>, vector<1024x1xf32>
    %mul3A_32 = vector.broadcast %select_n3A : vector<1024x1xf32> to vector<1024x128xf32>
    %mul3A_33 = arith.mulf %add3A_20, %mul3A_32 : vector<1024x128xf32>
    %reduce_sum3A = arith.constant dense<0.000000e+00> : vector<128xf32>
    %reduce_sum3A_34 = vector.multi_reduction <add>, %mul3A_33, %reduce_sum3A [0] : vector<1024x128xf32> to vector<128xf32>
    %mul3A_35 = arith.mulf %mul3A_33, %add3A_20 : vector<1024x128xf32>
    %reduce_sum3A_36 = arith.constant dense<0.000000e+00> : vector<128xf32>
    %reduce_sum3A_37 = vector.multi_reduction <add>, %mul3A_35, %reduce_sum3A_36 [0] : vector<1024x128xf32> to vector<128xf32>
    %stack3A = vector.shape_cast %reduce_sum3A_34 : vector<128xf32> to vector<1x128xf32>
    %stack3A_38 = vector.shape_cast %reduce_sum3A_37 : vector<128xf32> to vector<1x128xf32>
    %stack3A_39 = tpu.concatenate %stack3A, %stack3A_38 in 0 : vector<1x128xf32>, vector<1x128xf32> -> vector<2x128xf32>
    %eq3A = arith.constant 0 : i32
    %eq3A_40 = arith.cmpi eq, %arg0, %eq3A : i32
    %convert_element_type3A = arith.extui %eq3A_40 : i1 to i32
    %cond3A = arith.constant 0 : i32
    %cond3A_41 = arith.cmpi ne, %convert_element_type3A, %cond3A : i32
    scf.if %cond3A_41 {
      %swap3A_46 = arith.constant 0 : index
      %swap3A_47 = arith.constant 0 : index
      %swap3A_48 = vector.load %arg6[%swap3A_46, %swap3A_47] : memref<2x128xf32, #tpu.memory_space<vmem>>, vector<2x128xf32>
      tpu.vector_store %arg6[%swap3A_46, %swap3A_47], %stack3A_39 {strides = array<i32>} : memref<2x128xf32, #tpu.memory_space<vmem>>, vector<2x128xf32>,
    } else {
    }
    %gt3A = arith.constant 0 : i32
    %gt3A_42 = arith.cmpi sgt, %arg0, %gt3A : i32
    %convert_element_type3A_43 = arith.extui %gt3A_42 : i1 to i32
    %cond3A_44 = arith.constant 0 : i32
    %cond3A_45 = arith.cmpi ne, %convert_element_type3A_43, %cond3A_44 : i32
    scf.if %cond3A_45 {
      %get3A_46 = arith.constant 0 : index
      %get3A_47 = arith.constant 0 : index
      %get3A_48 = vector.load %arg6[%get3A_46, %get3A_47] : memref<2x128xf32, #tpu.memory_space<vmem>>, vector<2x128xf32>
      %add3A_49 = arith.addf %get3A_48, %stack3A_39 : vector<2x128xf32>
      %swap3A_50 = arith.constant 0 : index
      %swap3A_51 = arith.constant 0 : index
      %swap3A_52 = vector.load %arg6[%swap3A_50, %swap3A_51] : memref<2x128xf32, #tpu.memory_space<vmem>>, vector<2x128xf32>
      tpu.vector_store %arg6[%swap3A_50, %swap3A_51], %add3A_49 {strides = array<i32>} : memref<2x128xf32, #tpu.memory_space<vmem>>, vector<2x128xf32>,
    } else {
    }
    return
  }
  func.func @transform_0(%arg0: i32) -> (i32, i32, i32) {
    %c0_i32 = arith.constant 0 : i32
    %c0_i32_0 = arith.constant 0 : i32
    %c0_i32_1 = arith.constant 0 : i32
    return %c0_i32, %arg0, %c0_i32_0 : i32, i32, i32
  }
  func.func @transform_1(%arg0: i32) -> (i32, i32) {
    %c0_i32 = arith.constant 0 : i32
    %c0_i32_0 = arith.constant 0 : i32
    return %arg0, %c0_i32 : i32, i32
  }
  func.func @transform_2(%arg0: i32) -> (i32, i32) {
    %c0_i32 = arith.constant 0 : i32
    %c0_i32_0 = arith.constant 0 : i32
    return %arg0, %c0_i32 : i32, i32
  }
  func.func @transform_3(%arg0: i32) -> i32 {
    %c0_i32 = arith.constant 0 : i32
    %c0_i32_0 = arith.constant 0 : i32
    return %c0_i32 : i32
  }
  func.func @transform_4(%arg0: i32) -> (i32, i32) {
    %c0_i32 = arith.constant 0 : i32
    %c0_i32_0 = arith.constant 0 : i32
    return %arg0, %c0_i32 : i32, i32
  }
  func.func @transform_5(%arg0: i32) -> (i32, i32) {
    %c0_i32 = arith.constant 0 : i32
    %c0_i32_0 = arith.constant 0 : i32
    %c0_i32_1 = arith.constant 0 : i32
    return %c0_i32, %c0_i32_0 : i32, i32
  }
}

module attributes {stable_mosaic.version = 14 : i64} {
  func.func @body(%arg0: i32, %arg1: memref<1024x128xf32, #tpu.memory_space<vmem>>, %arg2: memref<2x128xf32, #tpu.memory_space<vmem>>, %arg3: memref<128xf32, #tpu.memory_space<vmem>>, %arg4: memref<128xf32, #tpu.memory_space<vmem>>, %arg5: memref<128x128xf32, #tpu.memory_space<vmem>>, %arg6: memref<128xf32, #tpu.memory_space<vmem>>, %arg7: memref<128x1xf32, #tpu.memory_space<vmem>>, %arg8: memref<1xf32, #tpu.memory_space<vmem>>, %arg9: memref<1024x1xf32, #tpu.memory_space<vmem>>) attributes {dimension_semantics = [#tpu.dimension_semantics<arbitrary>], iteration_bounds = array<i64: 10>, scalar_prefetch = 0 : i64, scratch_operands = 0 : i64, tpu.core_type = #tpu.core_type<tc>, window_params = [{transform_indices = @transform_0, window_bounds = array<i64: 1024, 128>}, {pipeline_mode = #tpu.pipeline_mode<synchronous>, transform_indices = @transform_1, window_bounds = array<i64: 2, 128>}, {pipeline_mode = #tpu.pipeline_mode<synchronous>, transform_indices = @transform_2, window_bounds = array<i64: 128>}, {pipeline_mode = #tpu.pipeline_mode<synchronous>, transform_indices = @transform_3, window_bounds = array<i64: 128>}, {pipeline_mode = #tpu.pipeline_mode<synchronous>, transform_indices = @transform_4, window_bounds = array<i64: 128, 128>}, {pipeline_mode = #tpu.pipeline_mode<synchronous>, transform_indices = @transform_5, window_bounds = array<i64: 128>}, {pipeline_mode = #tpu.pipeline_mode<synchronous>, transform_indices = @transform_6, window_bounds = array<i64: 128, 1>}, {pipeline_mode = #tpu.pipeline_mode<synchronous>, transform_indices = @transform_7, window_bounds = array<i64: 1>}, {transform_indices = @transform_8, window_bounds = array<i64: 1024, 1>}]} {
    %get3A = arith.constant 0 : index
    %get3A_0 = arith.constant 0 : index
    %get3A_1 = vector.load %arg2[%get3A, %get3A_0] : memref<2x128xf32, #tpu.memory_space<vmem>>, vector<1x128xf32>
    %get3A_2 = vector.shape_cast %get3A_1 : vector<1x128xf32> to vector<128xf32>
    %div3A = arith.constant 1.000000e+04 : f32
    %div3A_3 = vector.broadcast %div3A : f32 to vector<128xf32>
    %div3A_4 = arith.divf %get3A_2, %div3A_3 : vector<128xf32>
    %get3A_5 = arith.constant 1 : index
    %get3A_6 = arith.constant 0 : index
    %get3A_7 = vector.load %arg2[%get3A_5, %get3A_6] : memref<2x128xf32, #tpu.memory_space<vmem>>, vector<1x128xf32>
    %get3A_8 = vector.shape_cast %get3A_7 : vector<1x128xf32> to vector<128xf32>
    %div3A_9 = arith.constant 1.000000e+04 : f32
    %div3A_10 = vector.broadcast %div3A_9 : f32 to vector<128xf32>
    %div3A_11 = arith.divf %get3A_8, %div3A_10 : vector<128xf32>
    %mul3A = arith.mulf %div3A_4, %div3A_4 : vector<128xf32>
    %sub3A = arith.subf %div3A_11, %mul3A : vector<128xf32>
    %add3A = arith.constant 9.99999974E-6 : f32
    %add3A_12 = vector.broadcast %add3A : f32 to vector<128xf32>
    %add3A_13 = arith.addf %sub3A, %add3A_12 : vector<128xf32>
    %rsqrt3A = math.rsqrt %add3A_13 : vector<128xf32>
    %get3A_14 = arith.constant 0 : index
    %get3A_15 = vector.load %arg3[%get3A_14] : memref<128xf32, #tpu.memory_space<vmem>>, vector<128xf32>
    %mul3A_16 = arith.mulf %rsqrt3A, %get3A_15 : vector<128xf32>
    %get3A_17 = arith.constant 0 : index
    %get3A_18 = arith.constant 0 : index
    %get3A_19 = vector.load %arg1[%get3A_17, %get3A_18] : memref<1024x128xf32, #tpu.memory_space<vmem>>, vector<1024x128xf32>
    %broadcast_in_dim3A = vector.shape_cast %div3A_4 : vector<128xf32> to vector<1x128xf32>
    %sub3A_20 = vector.broadcast %broadcast_in_dim3A : vector<1x128xf32> to vector<1024x128xf32>
    %sub3A_21 = arith.subf %get3A_19, %sub3A_20 : vector<1024x128xf32>
    %broadcast_in_dim3A_22 = vector.shape_cast %mul3A_16 : vector<128xf32> to vector<1x128xf32>
    %mul3A_23 = vector.broadcast %broadcast_in_dim3A_22 : vector<1x128xf32> to vector<1024x128xf32>
    %mul3A_24 = arith.mulf %sub3A_21, %mul3A_23 : vector<1024x128xf32>
    %get3A_25 = arith.constant 0 : index
    %get3A_26 = vector.load %arg4[%get3A_25] : memref<128xf32, #tpu.memory_space<vmem>>, vector<128xf32>
    %broadcast_in_dim3A_27 = vector.shape_cast %get3A_26 : vector<128xf32> to vector<1x128xf32>
    %add3A_28 = vector.broadcast %broadcast_in_dim3A_27 : vector<1x128xf32> to vector<1024x128xf32>
    %add3A_29 = arith.addf %mul3A_24, %add3A_28 : vector<1024x128xf32>
    %max3A = arith.constant 0.000000e+00 : f32
    %max3A_30 = vector.broadcast %max3A : f32 to vector<1024x128xf32>
    %max3A_31 = arith.maximumf %add3A_29, %max3A_30 : vector<1024x128xf32>
    %get3A_32 = arith.constant 0 : index
    %get3A_33 = arith.constant 0 : index
    %get3A_34 = vector.load %arg5[%get3A_32, %get3A_33] : memref<128x128xf32, #tpu.memory_space<vmem>>, vector<128x128xf32>
    %get3A_35 = arith.constant 0 : index
    %get3A_36 = arith.constant 0 : index
    %get3A_37 = vector.load %arg7[%get3A_35, %get3A_36] : memref<128x1xf32, #tpu.memory_space<vmem>>, vector<128x1xf32>
    %dot_general3A = arith.constant dense<0.000000e+00> : vector<128x1xf32>
    %dot_general3A_38 = tpu.matmul %get3A_34, %get3A_37, %dot_general3A {dimension_numbers = #tpu.dot_dimension_numbers<[1], [0], [0], [1], [0, 0, 1, 1], [], []>, transpose_lhs_hint = false} : vector<128x128xf32>, vector<128x1xf32>, vector<128x1xf32> -> vector<128x1xf32>
    %get3A_39 = arith.constant 0 : index
    %get3A_40 = vector.load %arg6[%get3A_39] : memref<128xf32, #tpu.memory_space<vmem>>, vector<128xf32>
    %broadcast_in_dim3A_41 = vector.shape_cast %get3A_40 : vector<128xf32> to vector<1x128xf32>
    %get3A_42 = arith.constant 0 : index
    %get3A_43 = arith.constant 0 : index
    %get3A_44 = vector.load %arg7[%get3A_42, %get3A_43] : memref<128x1xf32, #tpu.memory_space<vmem>>, vector<128x1xf32>
    %dot_general3A_45 = arith.constant dense<0.000000e+00> : vector<1x1xf32>
    %dot_general3A_46 = tpu.matmul %broadcast_in_dim3A_41, %get3A_44, %dot_general3A_45 {dimension_numbers = #tpu.dot_dimension_numbers<[1], [0], [0], [1], [0, 0, 1, 1], [], []>, transpose_lhs_hint = false} : vector<1x128xf32>, vector<128x1xf32>, vector<1x1xf32> -> vector<1x1xf32>
    %squeeze3A = vector.extract %dot_general3A_46[0, 0] : f32 from vector<1x1xf32>
    %get3A_47 = arith.constant 0 : index
    %get3A_48 = vector.load %arg8[%get3A_47] : memref<1xf32, #tpu.memory_space<vmem>>, vector<1xf32>
    %get3A_49 = vector.extract %get3A_48[0] : f32 from vector<1xf32>
    %add3A_50 = arith.addf %squeeze3A, %get3A_49 : f32
    %dot_general3A_51 = arith.constant dense<0.000000e+00> : vector<1024x1xf32>
    %dot_general3A_52 = tpu.matmul %max3A_31, %dot_general3A_38, %dot_general3A_51 {dimension_numbers = #tpu.dot_dimension_numbers<[1], [0], [0], [1], [0, 0, 1, 1], [], []>, transpose_lhs_hint = false} : vector<1024x128xf32>, vector<128x1xf32>, vector<1024x1xf32> -> vector<1024x1xf32>
    %add3A_53 = vector.broadcast %add3A_50 : f32 to vector<1024x1xf32>
    %add3A_54 = arith.addf %dot_general3A_52, %add3A_53 : vector<1024x1xf32>
    %logistic3A = arith.negf %add3A_54 : vector<1024x1xf32>
    %logistic3A_55 = math.exp %logistic3A : vector<1024x1xf32>
    %logistic3A_56 = arith.constant 1.000000e+00 : f32
    %logistic3A_57 = vector.broadcast %logistic3A_56 : f32 to vector<1024x1xf32>
    %logistic3A_58 = arith.addf %logistic3A_57, %logistic3A_55 : vector<1024x1xf32>
    %logistic3A_59 = arith.divf %logistic3A_57, %logistic3A_58 : vector<1024x1xf32>
    %swap3A = arith.constant 0 : index
    %swap3A_60 = arith.constant 0 : index
    %swap3A_61 = vector.load %arg9[%swap3A, %swap3A_60] : memref<1024x1xf32, #tpu.memory_space<vmem>>, vector<1024x1xf32>
    tpu.vector_store %arg9[%swap3A, %swap3A_60], %logistic3A_59 {strides = array<i32>} : memref<1024x1xf32, #tpu.memory_space<vmem>>, vector<1024x1xf32>,
    return
  }
  func.func @transform_0(%arg0: i32) -> (i32, i32) {
    %c0_i32 = arith.constant 0 : i32
    %c0_i32_0 = arith.constant 0 : i32
    return %arg0, %c0_i32 : i32, i32
  }
  func.func @transform_1(%arg0: i32) -> (i32, i32) {
    %c0_i32 = arith.constant 0 : i32
    %c0_i32_0 = arith.constant 0 : i32
    %c0_i32_1 = arith.constant 0 : i32
    return %c0_i32, %c0_i32_0 : i32, i32
  }
  func.func @transform_2(%arg0: i32) -> i32 {
    %c0_i32 = arith.constant 0 : i32
    %c0_i32_0 = arith.constant 0 : i32
    return %c0_i32 : i32
  }
  func.func @transform_3(%arg0: i32) -> i32 {
    %c0_i32 = arith.constant 0 : i32
    %c0_i32_0 = arith.constant 0 : i32
    return %c0_i32 : i32
  }
  func.func @transform_4(%arg0: i32) -> (i32, i32) {
    %c0_i32 = arith.constant 0 : i32
    %c0_i32_0 = arith.constant 0 : i32
    %c0_i32_1 = arith.constant 0 : i32
    return %c0_i32, %c0_i32_0 : i32, i32
  }
  func.func @transform_5(%arg0: i32) -> i32 {
    %c0_i32 = arith.constant 0 : i32
    %c0_i32_0 = arith.constant 0 : i32
    return %c0_i32 : i32
  }
  func.func @transform_6(%arg0: i32) -> (i32, i32) {
    %c0_i32 = arith.constant 0 : i32
    %c0_i32_0 = arith.constant 0 : i32
    %c0_i32_1 = arith.constant 0 : i32
    return %c0_i32, %c0_i32_0 : i32, i32
  }
  func.func @transform_7(%arg0: i32) -> i32 {
    %c0_i32 = arith.constant 0 : i32
    %c0_i32_0 = arith.constant 0 : i32
    return %c0_i32 : i32
  }
  func.func @transform_8(%arg0: i32) -> (i32, i32) {
    %c0_i32 = arith.constant 0 : i32
    %c0_i32_0 = arith.constant 0 : i32
    return %arg0, %c0_i32 : i32, i32
  }
}

</mosaic_0001>

<sc_bundles>
// kernel: kernel.15.cloned.1.call-start
scs
__scs_entry_jumppad:
0x0: {  	(pc) =	sbr.rel $0x88, $3  }
0x1: {  	(tag) =	ssettag $0x0;
	lr =	simm.s32 $0x1  }
0x2: {  	[smem:$0x3F8D] =	sst lr;
	_ =	strace $0xD0000000  }
0x3: {  	_ = 	snop  }
0x4: {  	_ = 	snop  }
0x5: {  	_ = 	snop  }
0x6: {  	_ = 	snop  }
0x7: {  	_ = 	snop  }
__scs_overlays_trampoline_lowered:
0x8: {  	[smem:$0x3F9C] =	sst s0  }
0x9: {  	[smem:$0x3F9D] =	sst s1  }
0xa: {  	[smem:$0x3F9E] =	sst s2  }
0xb: {  	[smem:$0x3F9F] =	sst s3  }
0xc: {  	[smem:$0x3FA0] =	sst s4  }
0xd: {  	[smem:$0x3FA1] =	sst s5  }
0xe: {  	[smem:$0x3FA2] =	sst s6  }
0xf: {  	[smem:$0x3FA3] =	sst s7  }
0x10: {  	[smem:$0x3FA4] =	sst s8  }
0x11: {  	[smem:$0x3FA5] =	sst s9;
	s0 =	simm.s32 @!p0 $0x0  }
0x12: {  	s1 =	sld [smem:$0x3F8B];
	s0 =	simm.s32 @p0 $0x1  }
0x13: {  	[smem:$0x3FA6] =	sst s0;
	s0 =	simm.s32 @!p1 $0x0  }
0x14: {  	s2 =	sld [smem:$0x3F8A];
	s0 =	simm.s32 @p1 $0x1  }
0x15: {  	[smem:$0x3FA7] =	sst s0;
	s0 =	simm.s32 @!p2 $0x0  }
0x16: {  	s3 =	sld [smem:$0x3FDB];
	s0 =	simm.s32 @p2 $0x1  }
0x17: {  	s4 =	simm.s32 $0x1BF5;
	[smem:$0x3FA9] =	sst s0  }
0x18: {  	s0 =	sld [smem:$0x3F8C];
	_ =	swait.ge [sflag:s4], $0x0  }
0x19: {  	s7 =	sld [smem:$0x3F8D]  }
0x1a: {  	s8 =	sadd.s32 $0xFFFFE003, lr  }
0x1b: {  	s9 =	sadd.s32 $0xFFFFFEF7, lr;
	s5 =	simm.s32 $0xFFFFFFFF;
	p2 =	slt.u32 s8, $0xFFFFF086  }
0x1c: {  	p1 =	slt.u32 s9, $0xF7A;
	s5 =	simm.s32 @!p2 $0x0  }
0x1d: {  	s5 =	simm.s32 @p1 $0x1;
	p0 =	seq.s32 s7, s2  }
0x1e: {  	s7 =	smul.u32 @!p0 $0xF7A, s2;
	p2 =	seq.s32 @!p0 s5, $0x0  }
0x1f: {  	s9 =	smul.u32 $0xF7A, s1;
	s8 =	simm.s32 @!p0 $0x1BF5;
	p2 =	por !p2, p0  }
0x20: {  	[sflag:s8] =	ssyncset.s32 @!p0 $0xFFFFF086;
	s6 =	sadd.s32 @!p0 s3, s7;
	s7 =	simm.s32 @!p0 $0x108  }
0x21: {  	s3 =	sadd.s32 s3, s9;
	s6 =	sadd.s32 @!p0 $0x88, s6;
	s7 =	simm.s32 @p2 $0x1082  }
0x22: {  	[simem:s7], [sflag:s8] =	dma.local @!p0 [hbm:s6], $0xF7A  }
0x23: {  	s9 =	sor.u32 $0xD0000000, s2;
	s6 =	simm.s32 $0x108;
	_ =	swait.ge @!p0 [sflag:s8], $0x0  }
0x24: {  	s3 =	sadd.s32 $0x88, s3;
	s6 =	simm.s32 @!p1 $0x1082;
	[sflag:s4] =	ssyncset.s32 $0xFFFFF086  }
0x25: {  	[simem:s6], [sflag:s4] =	dma.local [hbm:s3], $0xF7A  }
0x26: {  	[smem:$0x3F8D] =	sst s1;
	(tag) =	ssettag s2;
	_ =	strace s9  }
0x27: {  	s1 =	sld [smem:$0x3F9D]  }
0x28: {  	s2 =	sld [smem:$0x3F9E]  }
0x29: {  	s4 =	sld [smem:$0x3FA0]  }
0x2a: {  	p0 =	seq.s32 s5, $0x0;
	s5 =	sld [smem:$0x3FA1]  }
0x2b: {  	s6 =	sld [smem:$0x3FA2]  }
0x2c: {  	s7 =	sld [smem:$0x3FA3]  }
0x2d: {  	s3 =	simm.s32 $0x108;
	s8 =	sld [smem:$0x3FA4]  }
0x2e: {  	s3 =	simm.s32 @!p0 $0x1082;
	s9 =	sld [smem:$0x3FA5]  }
0x2f: {  	lr =	sadd.s32 s0, s3;
	s0 =	sld [smem:$0x3F9C]  }
0x30: {  	s3 =	sld [smem:$0x3F9F]  }
0x31: {  	[smem:$0x3FA8] =	sst s10  }
0x32: {  	s10 =	sld [smem:$0x3FA6];
	_ =	sdelay $0x3  }
0x33: {  	p0 =	seq.s32 s10, $0x1;
	s10 =	sld [smem:$0x3FA8];
	_ =	sdelay $0x3  }
0x34: {  	[smem:$0x3FA8] =	sst s10  }
0x35: {  	s10 =	sld [smem:$0x3FA7];
	_ =	sdelay $0x3  }
0x36: {  	p1 =	seq.s32 s10, $0x1;
	s10 =	sld [smem:$0x3FA8];
	_ =	sdelay $0x3  }
0x37: {  	[smem:$0x3FA8] =	sst s10  }
0x38: {  	s10 =	sld [smem:$0x3FA9]  }
0x39: {  	_ = 	snop;
	(pc) =	sbr.ind lr, $3  }
0x3a: {  	_ = 	snop  }
0x3b: {  	_ = 	snop  }
0x3c: {  	p2 =	seq.s32 s10, $0x1;
	s10 =	sld [smem:$0x3FA8]  }
0x3d: {  	_ =	shalt  }
0x3e: {  	_ =	shalt  }
0x3f: {  	_ =	shalt  }
0x40: {  	_ =	shalt  }
0x41: {  	_ =	shalt  }
0x42: {  	_ =	shalt  }
0x43: {  	_ =	shalt  }
0x44: {  	_ =	shalt  }
0x45: {  	_ =	shalt  }
0x46: {  	_ =	shalt  }
0x47: {  	_ =	shalt  }
0x48: {  	_ =	shalt  }
0x49: {  	_ =	shalt  }
0x4a: {  	_ =	shalt  }
0x4b: {  	_ =	shalt  }
0x4c: {  	_ =	shalt  }
0x4d: {  	_ =	shalt  }
0x4e: {  	_ =	shalt  }
0x4f: {  	_ =	shalt  }
0x50: {  	_ =	shalt  }
0x51: {  	_ =	shalt  }
0x52: {  	_ =	shalt  }
0x53: {  	_ =	shalt  }
0x54: {  	_ =	shalt  }
0x55: {  	_ =	shalt  }
0x56: {  	_ =	shalt  }
0x57: {  	_ =	shalt  }
0x58: {  	_ =	shalt  }
0x59: {  	_ =	shalt  }
0x5a: {  	_ =	shalt  }
0x5b: {  	_ =	shalt  }
0x5c: {  	_ =	shalt  }
0x5d: {  	_ =	shalt  }
0x5e: {  	_ =	shalt  }
0x5f: {  	_ =	shalt  }
0x60: {  	_ =	shalt  }
0x61: {  	_ =	shalt  }
0x62: {  	_ =	shalt  }
0x63: {  	_ =	shalt  }
0x64: {  	_ =	shalt  }
0x65: {  	_ =	shalt  }
0x66: {  	_ =	shalt  }
0x67: {  	_ =	shalt  }
0x68: {  	_ =	shalt  }
0x69: {  	_ =	shalt  }
0x6a: {  	_ =	shalt  }
0x6b: {  	_ =	shalt  }
0x6c: {  	_ =	shalt  }
0x6d: {  	_ =	shalt  }
0x6e: {  	_ =	shalt  }
0x6f: {  	_ =	shalt  }
0x70: {  	_ =	shalt  }
0x71: {  	_ =	shalt  }
0x72: {  	_ =	shalt  }
0x73: {  	_ =	shalt  }
0x74: {  	_ =	shalt  }
0x75: {  	_ =	shalt  }
0x76: {  	_ =	shalt  }
0x77: {  	_ =	shalt  }
0x78: {  	_ =	shalt  }
0x79: {  	_ =	shalt  }
0x7a: {  	_ =	shalt  }
0x7b: {  	_ =	shalt  }
0x7c: {  	_ =	shalt  }
0x7d: {  	_ =	shalt  }
0x7e: {  	_ =	shalt  }
0x7f: {  	_ =	shalt  }
0x80: {  	_ =	shalt  }
0x81: {  	_ =	shalt  }
0x82: {  	_ =	shalt  }
0x83: {  	_ =	shalt  }
0x84: {  	_ =	shalt  }
0x85: {  	_ =	shalt  }
0x86: {  	_ =	shalt  }
0x87: {  	_ =	shalt  }
.Lfunc_end0:
.L_simem_size_0:
called_computation_lowered:
.L_overlay_start_0:
0x88: {  	s2 =	sld [smem:$0x3FD9]  }
0x89: {  	s3 =	sld [smem:$0x3FFE];
	_ =	sdelay $0x1  }
0x8a: {  	s1 =	srdreg.scid  }
0x8b: {  	s0 =	sand.u32 $0x1, s1  }
0x8c: {  	s16 =	sshll.u32 s0, $0xA;
	s2 =	sadd.s32 s3, s2  }
0x8d: {  	s2 =	sadd.s32 s2, s16  }
0x8e: {  	[smem:$0x3FB4] =	sst s2  }
0x8f: {  	_ = 	snop  }
0x90: {  	(tm) =	ssettm $0x1  }
0x91: {  	s17 =	sld [smem:$0x3FFB];
	_ =	sdelay $0x3  }
0x92: {  	_ =	strace s17  }
0x93: {  	s2 =	sld [smem:$0x3FFC];
	_ =	sdelay $0x3  }
0x94: {  	_ =	strace s2  }
0x95: {  	s2 =	sld [smem:$0x3FFD];
	_ =	sdelay $0x3  }
0x96: {  	_ =	strace s2  }
0x97: {  	_ =	strace $0x8FFFFFFF  }
0x98: {  	s18 =	sld [smem:$0x3FDB];
	_ =	sdelay $0x1  }
0x99: {  	s19 =	simm.s32 $_scs_section_size  }
0x9a: {  	s4 =	simm.s32 $_size__tile_overlayer_lowered;
	s5 =	simm.s32 $_tile_overlayer_lowered  }
0x9b: {  	s22 =	simm.s32 $0x1BFF;
	s21 =	sshll.u32 s5, $0x1;
	s2 =	sadd.s32 s19, s18  }
0x9c: {  	s6 =	simm.s32 $0x0;
	s20 =	sshll.u32 s4, $0x1;
	s4 =	sadd.s32 s21, s2  }
0x9d: {  	[timem:s6], [sflag:s22] =	dma.local [hbm:s4], s20  }
0x9e: {  	_ =	swait.ge [sflag:s22], s20  }
0x9f: {  	s3 =	ssub.s32 $0x0, s20;
	[sflag:s22] =	ssyncset.done $0x0  }
0xa0: {  	[sflag:s22] =	ssyncadd.s32 s3;
	_ =	sdelay $0x1  }
0xa1: {  	s23 =	simm.s32 $0x1B8B  }
0xa2: {  	_ =	swait.ge [sflag:s23], $0x1  }
0xa3: {  	[sflag:s23] =	ssyncset.done $0x0  }
0xa4: {  	s25 =	simm.s32 $0x1B8E;
	s24 =	sld [smem:$0x3FFE];
	[sflag:s23] =	ssyncadd.s32 $0xFFFFFFFF  }
0xa5: {  	s26 =	simm.s32 $execute0_lowered;
	[smem:$0x3FD2] =	sst s25  }
0xa6: {  	s4 =	sshll.u32 s26, $0x1;
	_ =	strace $0x80000046;
	[dreg:$0x1] =	wrdreg $0xFFFFFFFF  }
0xa7: {  	s28 =	simm.s32 $_size_execute0_lowered;
	s2 =	sadd.s32 s2, s4;
	[dreg:$0x0] =	wrdreg $0x0  }
0xa8: {  	s4 =	sshll.u32 s28, $0x1;
	[dreg:$0x2] =	wrdreg s2  }
0xa9: {  	[dreg:$0x3] =	wrdreg s4  }
0xaa: {  	[dreg:$0x4] =	wrdreg $0xC0  }
0xab: {  	_ =	task [dreg:s6], $0x5FFFF  }
0xac: {  	[dreg:$0x1] =	wrdreg $0xFFFFFFFF  }
0xad: {  	[dreg:$0x0] =	wrdreg $0x60  }
0xae: {  	[dreg:$0x2] =	wrdreg s24  }
0xaf: {  	[dreg:$0x3] =	wrdreg $0x0  }
0xb0: {  	[dreg:$0x4] =	wrdreg $0x9  }
0xb1: {  	_ =	task.clear_ibuf [dreg:s6], $0x5FFFF;
	_ =	strace $0x90000046  }
0xb2: {  	s29 =	simm.s32 $0x9;
	_ =	strace $0x80000048  }
0xb3: {  	_ =	swait.ge [sflag:s29], $0x1  }
0xb4: {  	[sflag:s29] =	ssyncadd.s32 $0xFFFFFFFF  }
0xb5: {  	_ =	strace $0x90000048  }
0xb6: {  	_ =	sfence  }
0xb7: {  	s30 =	sld [smem:$0x0];
	_ =	sdelay $0x2  }
0xb8: {  	s31 =	sshll.u32 s1, $0xD;
	s1 =	sshrl.u32 s1, $0x2  }
0xb9: {  	s3 =	sand.u32 $0x4000, s31;
	s1 =	sadd.s32 s1, s30  }
0xba: {  	s0 =	sor.u32 s3, s0;
	s1 =	sshll.u32 s1, $0x11  }
0xbb: {  	s0 =	sor.u32 s1, s0  }
0xbc: {  	s0 =	sadd.s32 $0x8F2B, s0  }
0xbd: {  	[sflag:s0] =	ssyncadd.remote.s32 $0x1  }
0xbe: {  	_ =	sfence.sel $0xFFFF  }
0xbf: {  	[dreg:$0x0] =	wrdreg $0xFFFFFFFF;
	(pc) =	sbr.abs _section_cstart, $3  }
0xc0: {  	[dreg:$0x1] =	wrdreg $0xFFFFFFFF  }
0xc1: {  	_ =	task.clear_ibuf [dreg:s6], $0x2FFFF;
	_ =	strace $0x9FFFFFFF  }
0xc2: {  	(tm) =	ssettm $0x7FFFFFFF  }
0xc3: {  	_ =	shalt  }
tec
execute0_lowered:
.L_overlay_start_1:
0x0: {  	(tag) =	ssettag $0x1  }
0x1: {  	s4 =	rddreg [dreg:$0x0]  }
0x2: {  	s0 =	srdreg.scid;
	s2 =	rddreg [dreg:$0x1]  }
0x3: {  	s1 =	rddreg [dreg:$0x2];
	s5 =	sand.u32 $0x1, s0  }
0x4: {  	s3 =	simm.s32 $0x0;
	s0 =	stileid.u32;
	s6 =	smul.u32 $0x27100, s5  }
0x5: {  	s10 =	simm.s32 $0x280;
	s11 =	simm.s32 $0x50;
	s7 =	smul.u32 $0x2710, s0  }
0x6: {  	s12 =	simm.s32 $0x300;
	s13 =	simm.s32 $0x0;
	s8 =	smul.u32 $0x280, s0  }
0x7: {  	[smem:$0x7FF] =	sst s3;
	s9 =	smul.u32 $0x2800, s5;
	s5 =	ssub.s32 $0x2, s5  }
0x8: {  	_ =	strace $0x80000047;
	s31 =	sshrl.u32 s5, $0x1;
	s6 =	sadd.s32 s7, s6  }
0x9: {  	s28 =	sadd.s32 s8, s9;
	s7 =	ssub.s32 s5, s31;
	s6 =	sshrl.u32 s6, $0x3  }
0xa: {  	s9 =	simm.s32 $0x1;
	s30 =	sshrl.u32 s28, $0x3;
	s29 =	sadd.s32 s6, s4  }
0xb: {  	s6 =	sadd.s32 s30, s4;
	s4 =	sadd.s32 s8, s2;
	s8 =	simm.s32 $0x380  }
0xc: {  	v0 =	vimm.f32 $0.0e+00;
	v1 =	vimm.f32 $1.000000000e+00;
	s5 =	sadd.s32 $0x18800, s6;
	s6 =	smax.u32 s7, $0x1;
	s7 =	sadd.s32 $0xEA00, s29  }
.LBB2_1:
0xd: {  	[tilespmem:$0x380] =	vst v0  }
0xe: {  	[tilespmem:$0x390] =	vst v0  }
0xf: {  	[tilespmem:$0x3A0] =	vst v0  }
0x10: {  	[tilespmem:$0x3B0] =	vst v0  }
0x11: {  	[tilespmem:$0x3C0] =	vst v0  }
0x12: {  	[tilespmem:$0x3D0] =	vst v0  }
0x13: {  	[tilespmem:$0x3E0] =	vst v0  }
0x14: {  	[tilespmem:$0x3F0] =	vst v0  }
0x15: {  	[tilespmem:$0x400] =	vst v0  }
0x16: {  	[tilespmem:$0x410] =	vst v0  }
0x17: {  	[tilespmem:$0x420] =	vst v0  }
0x18: {  	[tilespmem:$0x430] =	vst v0  }
0x19: {  	[tilespmem:$0x440] =	vst v0  }
0x1a: {  	[tilespmem:$0x450] =	vst v0  }
0x1b: {  	[tilespmem:$0x460] =	vst v0  }
0x1c: {  	[tilespmem:$0x470] =	vst v0  }
0x1d: {  	[tilespmem:$0x480] =	vst v0  }
0x1e: {  	[tilespmem:$0x490] =	vst v0  }
0x1f: {  	[tilespmem:$0x4A0] =	vst v0  }
0x20: {  	[tilespmem:$0x4B0] =	vst v0  }
0x21: {  	[tilespmem:$0x4C0] =	vst v0  }
0x22: {  	[tilespmem:$0x4D0] =	vst v0  }
0x23: {  	[tilespmem:$0x4E0] =	vst v0  }
0x24: {  	[tilespmem:$0x4F0] =	vst v0  }
0x25: {  	[tilespmem:$0x500] =	vst v0  }
0x26: {  	[tilespmem:$0x510] =	vst v0  }
0x27: {  	[tilespmem:$0x520] =	vst v0  }
0x28: {  	[tilespmem:$0x530] =	vst v0  }
0x29: {  	[tilespmem:$0x540] =	vst v0  }
0x2a: {  	[tilespmem:$0x550] =	vst v0  }
0x2b: {  	[tilespmem:$0x560] =	vst v0  }
0x2c: {  	[tilespmem:$0x570] =	vst v0  }
0x2d: {  	[tilespmem:$0x580] =	vst v0  }
0x2e: {  	[tilespmem:$0x590] =	vst v0  }
0x2f: {  	[tilespmem:$0x5A0] =	vst v0  }
0x30: {  	[tilespmem:$0x5B0] =	vst v0  }
0x31: {  	[tilespmem:$0x5C0] =	vst v0  }
0x32: {  	[tilespmem:$0x5D0] =	vst v0  }
0x33: {  	[tilespmem:$0x5E0] =	vst v0  }
0x34: {  	[tilespmem:$0x5F0] =	vst v0  }
0x35: {  	[tilespmem:$0x300] =	vst v1  }
0x36: {  	[tilespmem:$0x310] =	vst v1  }
0x37: {  	[tilespmem:$0x320] =	vst v1  }
0x38: {  	[tilespmem:$0x330] =	vst v1  }
0x39: {  	[tilespmem:$0x340] =	vst v1  }
0x3a: {  	[spmem:s4] =	stream.linear.scatter [tilespmem:s8], [sflag:$0x1], $0x280, $0x38;
	[tilespmem:$0x600] =	vst v63  }
0x3b: {  	_ =	swait.ge [sflag:s9], $0x280  }
0x3c: {  	[sflag:s9] =	ssyncset.done $0x0  }
0x3d: {  	[sflag:s9] =	ssyncadd.s32 $0xFFFFFD80  }
0x3e: {  	s14 =	sadd.s32 $0x0, s7;
	[bflag:$0x0] =	sbarrier.arrive $0xFFFF  }
0x3f: {  	[tilespmem:s10], [sflag:$0x1] =	stream.linear.gather [hbm4b:s14+s3], $0x50, $0x38;
	[tilespmem:$0x600] =	vst v63  }
0x40: {  	_ =	swait.ge [sflag:s9], $0x50  }
0x41: {  	[sflag:s9] =	ssyncset.done $0x0  }
0x42: {  	[sflag:s9] =	ssyncadd.s32 $0xFFFFFFB0  }
0x43: {  	[spmem:s2] =	stream.indirect.scatter.add.f32 [tilespmem:s12], [sflag:$0x1], $0x1, s10, s11, $0xb8;
	[tilespmem:$0x600] =	vst v63  }
0x44: {  	_ =	swait.ge [sflag:s9], $0x50  }
0x45: {  	s15 =	simm.s32 $0x14;
	s14 =	simm.s32 $0xA;
	[sflag:s9] =	ssyncset.done $0x0  }
.LBB2_2:
0x46: {  	s16 =	sadd.s32 s14, s7  }
0x47: {  	[sflag:s9] =	ssyncadd.s32 $0xFFFFFFB0;
	s14 =	smov.u32 s15;
	s17 =	sadd.s32 $0xA, s15  }
0x48: {  	[tilespmem:s10], [sflag:$0x1] =	stream.linear.gather [hbm4b:s16+s3], $0x50, $0x38;
	[tilespmem:$0x600] =	vst v63  }
0x49: {  	p0 =	sne.s32 s15, $0x4D8;
	_ =	swait.ge [sflag:s9], $0x50  }
.Ltmp0:
0x4a: {  	[sflag:s9] =	ssyncset.done $0x0;
	(pc) =	sbr.rel @p0 .LBB2_2-.Ltmp0, $4  }
0x4b: {  	[sflag:s9] =	ssyncadd.s32 $0xFFFFFFB0  }
0x4c: {  	[spmem:s2] =	stream.indirect.scatter.add.f32 [tilespmem:s12], [sflag:$0x1], $0x1, s10, s11, $0xb8;
	[tilespmem:$0x600] =	vst v63  }
0x4d: {  	_ =	swait.ge [sflag:s9], $0x50  }
0x4e: {  	s15 =	smov.u32 s17;
	[sflag:s9] =	ssyncset.done $0x0  }
0x4f: {  	s14 =	sadd.s32 s14, s7;
	[sflag:s9] =	ssyncadd.s32 $0xFFFFFFB0  }
0x50: {  	[tilespmem:s10], [sflag:$0x1] =	stream.linear.gather [hbm4b:s14+s3], $0x50, $0x38;
	[tilespmem:$0x600] =	vst v63  }
0x51: {  	_ =	swait.ge [sflag:s9], $0x50  }
0x52: {  	[sflag:s9] =	ssyncset.done $0x0  }
0x53: {  	[sflag:s9] =	ssyncadd.s32 $0xFFFFFFB0  }
0x54: {  	[spmem:s2] =	stream.indirect.scatter.add.f32 [tilespmem:s12], [sflag:$0x1], $0x1, s10, s11, $0xb8;
	[tilespmem:$0x600] =	vst v63  }
0x55: {  	_ =	swait.ge [sflag:s9], $0x50  }
0x56: {  	[sflag:s9] =	ssyncset.done $0x0  }
0x57: {  	[sflag:s9] =	ssyncadd.s32 $0xFFFFFFB0  }
0x58: {  	[bflag:$0x0] =	sbarrier.arrive $0xFFFF  }
0x59: {  	[tilespmem:s8], [sflag:$0x1] =	stream.linear.gather [spmem:s4], $0x280, $0x38;
	[tilespmem:$0x600] =	vst v63  }
0x5a: {  	s13 =	sadd.s32 $0x1, s13;
	_ =	swait.ge [sflag:s9], $0x280  }
0x5b: {  	p0 =	sne.s32 s13, s6;
	[sflag:s9] =	ssyncset.done $0x0  }
.Ltmp1:
0x5c: {  	[sflag:s9] =	ssyncadd.s32 $0xFFFFFD80;
	(pc) =	sbr.rel @p0 .LBB2_1-.Ltmp1, $4  }
0x5d: {  	[hbm4b:s5+s3] =	stream.linear.scatter [tilespmem:s8], [sflag:$0x1], $0x280, $0x38;
	[tilespmem:$0x600] =	vst v63  }
0x5e: {  	_ =	swait.ge [sflag:s9], $0x280  }
0x5f: {  	[sflag:s9] =	ssyncset.done $0x0  }
0x60: {  	[sflag:s9] =	ssyncadd.s32 $0xFFFFFD80  }
0x61: {  	_ =	sfence.sel $0x180000  }
0x62: {  	[bflag:$0x0] =	sbarrier.arrive $0xFFFF  }
0x63: {  	p0 =	sne.s32 s0, $0x0;
	_ =	strace $0x90000047  }
0x64: {  	s0 =	sadd.s32 @!p0 $0x100000, s1;
	[bflag:$0x2] =	sbarrier.arrive $0xFFFF  }
0x65: {  	[sflag:s0] =	ssyncadd.tile.s32 @!p0 $0x1;
	_ =	shalt  }
.Lfunc_end2:
_tile_overlayer_lowered:
.L_overlay_start_2:
0x66: {  	(tag) =	ssettag $0x2  }
0x67: {  	s0 =	rddreg [dreg:$0x0];
	s2 =	stileid.u32  }
0x68: {  	s1 =	rddreg [dreg:$0x1];
	p0 =	sne.s32 s2, $0x0  }
0x69: {  	s3 =	rddreg [dreg:$0x2];
	[bflag:$0x3] =	sbarrier.arrive $0xFFFF;
	s2 =	simm.s32 @!p0 $0x1C01  }
0x6a: {  	[timem:s3], [sflag:s2] =	dma.local @!p0 [hbm:s0], s1  }
0x6b: {  	s0 =	simm.s32 @!p0 $0x1  }
0x6c: {  	_ =	swait.ge @!p0 [sflag:s0], s1  }
0x6d: {  	s1 =	ssub.s32 @!p0 $0x0, s1;
	[sflag:s0] =	ssyncset.done @!p0 $0x0  }
0x6e: {  	[sflag:s0] =	ssyncadd.s32 @!p0 s1  }
0x6f: {  	[bflag:$0x3] =	sbarrier.arrive $0xFFFF  }
0x70: {  	_ =	shalt  }

// kernel: kernel.18.cloned.1.call-start
scs
__scs_entry_jumppad:
0x0: {  	(pc) =	sbr.rel $0x88, $3  }
0x1: {  	(tag) =	ssettag $0x0;
	lr =	simm.s32 $0x1  }
0x2: {  	[smem:$0x3F8D] =	sst lr;
	_ =	strace $0xD0000000  }
0x3: {  	_ = 	snop  }
0x4: {  	_ = 	snop  }
0x5: {  	_ = 	snop  }
0x6: {  	_ = 	snop  }
0x7: {  	_ = 	snop  }
__scs_overlays_trampoline_lowered:
0x8: {  	[smem:$0x3F9C] =	sst s0  }
0x9: {  	[smem:$0x3F9D] =	sst s1  }
0xa: {  	[smem:$0x3F9E] =	sst s2  }
0xb: {  	[smem:$0x3F9F] =	sst s3  }
0xc: {  	[smem:$0x3FA0] =	sst s4  }
0xd: {  	[smem:$0x3FA1] =	sst s5  }
0xe: {  	[smem:$0x3FA2] =	sst s6  }
0xf: {  	[smem:$0x3FA3] =	sst s7  }
0x10: {  	[smem:$0x3FA4] =	sst s8  }
0x11: {  	[smem:$0x3FA5] =	sst s9;
	s0 =	simm.s32 @!p0 $0x0  }
0x12: {  	s1 =	sld [smem:$0x3F8B];
	s0 =	simm.s32 @p0 $0x1  }
0x13: {  	[smem:$0x3FA6] =	sst s0;
	s0 =	simm.s32 @!p1 $0x0  }
0x14: {  	s2 =	sld [smem:$0x3F8A];
	s0 =	simm.s32 @p1 $0x1  }
0x15: {  	[smem:$0x3FA7] =	sst s0;
	s0 =	simm.s32 @!p2 $0x0  }
0x16: {  	s3 =	sld [smem:$0x3FDB];
	s0 =	simm.s32 @p2 $0x1  }
0x17: {  	s4 =	simm.s32 $0x1BF5;
	[smem:$0x3FA9] =	sst s0  }
0x18: {  	s0 =	sld [smem:$0x3F8C];
	_ =	swait.ge [sflag:s4], $0x0  }
0x19: {  	s7 =	sld [smem:$0x3F8D]  }
0x1a: {  	s8 =	sadd.s32 $0xFFFFE003, lr  }
0x1b: {  	s9 =	sadd.s32 $0xFFFFFEF7, lr;
	s5 =	simm.s32 $0xFFFFFFFF;
	p2 =	slt.u32 s8, $0xFFFFF086  }
0x1c: {  	p1 =	slt.u32 s9, $0xF7A;
	s5 =	simm.s32 @!p2 $0x0  }
0x1d: {  	s5 =	simm.s32 @p1 $0x1;
	p0 =	seq.s32 s7, s2  }
0x1e: {  	s7 =	smul.u32 @!p0 $0xF7A, s2;
	p2 =	seq.s32 @!p0 s5, $0x0  }
0x1f: {  	s9 =	smul.u32 $0xF7A, s1;
	s8 =	simm.s32 @!p0 $0x1BF5;
	p2 =	por !p2, p0  }
0x20: {  	[sflag:s8] =	ssyncset.s32 @!p0 $0xFFFFF086;
	s6 =	sadd.s32 @!p0 s3, s7;
	s7 =	simm.s32 @!p0 $0x108  }
0x21: {  	s3 =	sadd.s32 s3, s9;
	s6 =	sadd.s32 @!p0 $0x88, s6;
	s7 =	simm.s32 @p2 $0x1082  }
0x22: {  	[simem:s7], [sflag:s8] =	dma.local @!p0 [hbm:s6], $0xF7A  }
0x23: {  	s9 =	sor.u32 $0xD0000000, s2;
	s6 =	simm.s32 $0x108;
	_ =	swait.ge @!p0 [sflag:s8], $0x0  }
0x24: {  	s3 =	sadd.s32 $0x88, s3;
	s6 =	simm.s32 @!p1 $0x1082;
	[sflag:s4] =	ssyncset.s32 $0xFFFFF086  }
0x25: {  	[simem:s6], [sflag:s4] =	dma.local [hbm:s3], $0xF7A  }
0x26: {  	[smem:$0x3F8D] =	sst s1;
	(tag) =	ssettag s2;
	_ =	strace s9  }
0x27: {  	s1 =	sld [smem:$0x3F9D]  }
0x28: {  	s2 =	sld [smem:$0x3F9E]  }
0x29: {  	s4 =	sld [smem:$0x3FA0]  }
0x2a: {  	p0 =	seq.s32 s5, $0x0;
	s5 =	sld [smem:$0x3FA1]  }
0x2b: {  	s6 =	sld [smem:$0x3FA2]  }
0x2c: {  	s7 =	sld [smem:$0x3FA3]  }
0x2d: {  	s3 =	simm.s32 $0x108;
	s8 =	sld [smem:$0x3FA4]  }
0x2e: {  	s3 =	simm.s32 @!p0 $0x1082;
	s9 =	sld [smem:$0x3FA5]  }
0x2f: {  	lr =	sadd.s32 s0, s3;
	s0 =	sld [smem:$0x3F9C]  }
0x30: {  	s3 =	sld [smem:$0x3F9F]  }
0x31: {  	[smem:$0x3FA8] =	sst s10  }
0x32: {  	s10 =	sld [smem:$0x3FA6];
	_ =	sdelay $0x3  }
0x33: {  	p0 =	seq.s32 s10, $0x1;
	s10 =	sld [smem:$0x3FA8];
	_ =	sdelay $0x3  }
0x34: {  	[smem:$0x3FA8] =	sst s10  }
0x35: {  	s10 =	sld [smem:$0x3FA7];
	_ =	sdelay $0x3  }
0x36: {  	p1 =	seq.s32 s10, $0x1;
	s10 =	sld [smem:$0x3FA8];
	_ =	sdelay $0x3  }
0x37: {  	[smem:$0x3FA8] =	sst s10  }
0x38: {  	s10 =	sld [smem:$0x3FA9]  }
0x39: {  	_ = 	snop;
	(pc) =	sbr.ind lr, $3  }
0x3a: {  	_ = 	snop  }
0x3b: {  	_ = 	snop  }
0x3c: {  	p2 =	seq.s32 s10, $0x1;
	s10 =	sld [smem:$0x3FA8]  }
0x3d: {  	_ =	shalt  }
0x3e: {  	_ =	shalt  }
0x3f: {  	_ =	shalt  }
0x40: {  	_ =	shalt  }
0x41: {  	_ =	shalt  }
0x42: {  	_ =	shalt  }
0x43: {  	_ =	shalt  }
0x44: {  	_ =	shalt  }
0x45: {  	_ =	shalt  }
0x46: {  	_ =	shalt  }
0x47: {  	_ =	shalt  }
0x48: {  	_ =	shalt  }
0x49: {  	_ =	shalt  }
0x4a: {  	_ =	shalt  }
0x4b: {  	_ =	shalt  }
0x4c: {  	_ =	shalt  }
0x4d: {  	_ =	shalt  }
0x4e: {  	_ =	shalt  }
0x4f: {  	_ =	shalt  }
0x50: {  	_ =	shalt  }
0x51: {  	_ =	shalt  }
0x52: {  	_ =	shalt  }
0x53: {  	_ =	shalt  }
0x54: {  	_ =	shalt  }
0x55: {  	_ =	shalt  }
0x56: {  	_ =	shalt  }
0x57: {  	_ =	shalt  }
0x58: {  	_ =	shalt  }
0x59: {  	_ =	shalt  }
0x5a: {  	_ =	shalt  }
0x5b: {  	_ =	shalt  }
0x5c: {  	_ =	shalt  }
0x5d: {  	_ =	shalt  }
0x5e: {  	_ =	shalt  }
0x5f: {  	_ =	shalt  }
0x60: {  	_ =	shalt  }
0x61: {  	_ =	shalt  }
0x62: {  	_ =	shalt  }
0x63: {  	_ =	shalt  }
0x64: {  	_ =	shalt  }
0x65: {  	_ =	shalt  }
0x66: {  	_ =	shalt  }
0x67: {  	_ =	shalt  }
0x68: {  	_ =	shalt  }
0x69: {  	_ =	shalt  }
0x6a: {  	_ =	shalt  }
0x6b: {  	_ =	shalt  }
0x6c: {  	_ =	shalt  }
0x6d: {  	_ =	shalt  }
0x6e: {  	_ =	shalt  }
0x6f: {  	_ =	shalt  }
0x70: {  	_ =	shalt  }
0x71: {  	_ =	shalt  }
0x72: {  	_ =	shalt  }
0x73: {  	_ =	shalt  }
0x74: {  	_ =	shalt  }
0x75: {  	_ =	shalt  }
0x76: {  	_ =	shalt  }
0x77: {  	_ =	shalt  }
0x78: {  	_ =	shalt  }
0x79: {  	_ =	shalt  }
0x7a: {  	_ =	shalt  }
0x7b: {  	_ =	shalt  }
0x7c: {  	_ =	shalt  }
0x7d: {  	_ =	shalt  }
0x7e: {  	_ =	shalt  }
0x7f: {  	_ =	shalt  }
0x80: {  	_ =	shalt  }
0x81: {  	_ =	shalt  }
0x82: {  	_ =	shalt  }
0x83: {  	_ =	shalt  }
0x84: {  	_ =	shalt  }
0x85: {  	_ =	shalt  }
0x86: {  	_ =	shalt  }
0x87: {  	_ =	shalt  }
.Lfunc_end0:
.L_simem_size_0:
called_computation.1_lowered:
.L_overlay_start_0:
0x88: {  	s2 =	sld [smem:$0x3FD9]  }
0x89: {  	s3 =	sld [smem:$0x3FFE];
	_ =	sdelay $0x1  }
0x8a: {  	s1 =	srdreg.scid  }
0x8b: {  	s0 =	sand.u32 $0x1, s1  }
0x8c: {  	s16 =	sshll.u32 s0, $0xA;
	s2 =	sadd.s32 s3, s2  }
0x8d: {  	s2 =	sadd.s32 s2, s16  }
0x8e: {  	[smem:$0x3FB4] =	sst s2  }
0x8f: {  	_ = 	snop  }
0x90: {  	(tm) =	ssettm $0x1  }
0x91: {  	s17 =	sld [smem:$0x3FFB];
	_ =	sdelay $0x3  }
0x92: {  	_ =	strace s17  }
0x93: {  	s2 =	sld [smem:$0x3FFC];
	_ =	sdelay $0x3  }
0x94: {  	_ =	strace s2  }
0x95: {  	s2 =	sld [smem:$0x3FFD];
	_ =	sdelay $0x3  }
0x96: {  	_ =	strace s2  }
0x97: {  	_ =	strace $0x8FFFFFFF  }
0x98: {  	s18 =	sld [smem:$0x3FDB];
	_ =	sdelay $0x1  }
0x99: {  	s19 =	simm.s32 $_scs_section_size  }
0x9a: {  	s4 =	simm.s32 $_size__tile_overlayer_lowered;
	s5 =	simm.s32 $_tile_overlayer_lowered  }
0x9b: {  	s22 =	simm.s32 $0x1BFF;
	s21 =	sshll.u32 s5, $0x1;
	s2 =	sadd.s32 s19, s18  }
0x9c: {  	s6 =	simm.s32 $0x0;
	s20 =	sshll.u32 s4, $0x1;
	s4 =	sadd.s32 s21, s2  }
0x9d: {  	[timem:s6], [sflag:s22] =	dma.local [hbm:s4], s20  }
0x9e: {  	_ =	swait.ge [sflag:s22], s20  }
0x9f: {  	s3 =	ssub.s32 $0x0, s20;
	[sflag:s22] =	ssyncset.done $0x0  }
0xa0: {  	[sflag:s22] =	ssyncadd.s32 s3;
	_ =	sdelay $0x1  }
0xa1: {  	s23 =	simm.s32 $0x1B8B  }
0xa2: {  	_ =	swait.ge [sflag:s23], $0x1  }
0xa3: {  	[sflag:s23] =	ssyncset.done $0x0  }
0xa4: {  	s25 =	simm.s32 $0x1B8E;
	s24 =	sld [smem:$0x3FFE];
	[sflag:s23] =	ssyncadd.s32 $0xFFFFFFFF  }
0xa5: {  	s26 =	simm.s32 $execute0_lowered;
	[smem:$0x3FD2] =	sst s25  }
0xa6: {  	s4 =	sshll.u32 s26, $0x1;
	_ =	strace $0x80000049;
	[dreg:$0x1] =	wrdreg $0xFFFFFFFF  }
0xa7: {  	s28 =	simm.s32 $_size_execute0_lowered;
	s2 =	sadd.s32 s2, s4;
	[dreg:$0x0] =	wrdreg $0x0  }
0xa8: {  	s4 =	sshll.u32 s28, $0x1;
	[dreg:$0x2] =	wrdreg s2  }
0xa9: {  	[dreg:$0x3] =	wrdreg s4  }
0xaa: {  	[dreg:$0x4] =	wrdreg $0xC0  }
0xab: {  	_ =	task [dreg:s6], $0x5FFFF  }
0xac: {  	[dreg:$0x1] =	wrdreg $0xFFFFFFFF  }
0xad: {  	[dreg:$0x0] =	wrdreg $0x60  }
0xae: {  	[dreg:$0x2] =	wrdreg s24  }
0xaf: {  	[dreg:$0x3] =	wrdreg $0x0  }
0xb0: {  	[dreg:$0x4] =	wrdreg $0x9  }
0xb1: {  	_ =	task.clear_ibuf [dreg:s6], $0x5FFFF;
	_ =	strace $0x90000049  }
0xb2: {  	s29 =	simm.s32 $0x9;
	_ =	strace $0x8000004B  }
0xb3: {  	_ =	swait.ge [sflag:s29], $0x1  }
0xb4: {  	[sflag:s29] =	ssyncadd.s32 $0xFFFFFFFF  }
0xb5: {  	_ =	strace $0x9000004B  }
0xb6: {  	_ =	sfence  }
0xb7: {  	s30 =	sld [smem:$0x0];
	_ =	sdelay $0x2  }
0xb8: {  	s31 =	sshll.u32 s1, $0xD;
	s1 =	sshrl.u32 s1, $0x2  }
0xb9: {  	s3 =	sand.u32 $0x4000, s31;
	s1 =	sadd.s32 s1, s30  }
0xba: {  	s0 =	sor.u32 s3, s0;
	s1 =	sshll.u32 s1, $0x11  }
0xbb: {  	s0 =	sor.u32 s1, s0  }
0xbc: {  	s0 =	sadd.s32 $0x8F2B, s0  }
0xbd: {  	[sflag:s0] =	ssyncadd.remote.s32 $0x1  }
0xbe: {  	_ =	sfence.sel $0xFFFF  }
0xbf: {  	[dreg:$0x0] =	wrdreg $0xFFFFFFFF;
	(pc) =	sbr.abs _section_cstart, $3  }
0xc0: {  	[dreg:$0x1] =	wrdreg $0xFFFFFFFF  }
0xc1: {  	_ =	task.clear_ibuf [dreg:s6], $0x2FFFF;
	_ =	strace $0x9FFFFFFF  }
0xc2: {  	(tm) =	ssettm $0x7FFFFFFF  }
0xc3: {  	_ =	shalt  }
tec
execute0_lowered:
.L_overlay_start_1:
0x0: {  	(tag) =	ssettag $0x1  }
0x1: {  	s5 =	rddreg [dreg:$0x0]  }
0x2: {  	s2 =	rddreg [dreg:$0x1]  }
0x3: {  	s0 =	rddreg [dreg:$0x2]  }
0x4: {  	s3 =	simm.s32 $0x0;
	s1 =	stileid.u32;
	s7 =	srdreg.scid  }
0x5: {  	s20 =	simm.s32 $0x14000;
	s21 =	simm.s32 $0x50;
	s22 =	simm.s32 $0x14080  }
0x6: {  	s23 =	simm.s32 $0x14180;
	s25 =	simm.s32 $0x1;
	s6 =	smul.u32 $0x9C4, s1  }
0x7: {  	s26 =	simm.s32 $0x0;
	[smem:$0x7FF] =	sst s3;
	s29 =	smul.u32 $0x50000, s1  }
0x8: {  	s4 =	sadd.s32 $0x18800, s5;
	s10 =	sand.u32 $0x1, s7;
	s9 =	smul.u32 $0x14000, s1  }
0x9: {  	s14 =	sadd.s32 $0x68800, s5;
	_ =	strace $0x8000004A;
	s16 =	smul.u32 $0x140000, s10  }
0xa: {  	s30 =	ssub.s32 $0x2, s10;
	s24 =	smul.u32 $0x2800, s10;
	s17 =	sadd.s32 s6, s5  }
0xb: {  	s31 =	sshrl.u32 s30, $0x1;
	s7 =	sshrl.u32 s29, $0x2;
	s11 =	sadd.s32 $0x4000, s9  }
0xc: {  	s12 =	sadd.s32 $0x8000, s9;
	s13 =	sadd.s32 $0xC000, s9;
	s18 =	sadd.s32 $0x10000, s9  }
0xd: {  	s15 =	ssub.s32 s30, s31;
	s5 =	sadd.s32 s7, s2;
	s6 =	sadd.s32 s11, s2  }
0xe: {  	s7 =	sadd.s32 s12, s2;
	s8 =	sadd.s32 s13, s2;
	s19 =	sadd.s32 s9, s16  }
0xf: {  	s11 =	sadd.s32 s16, s11;
	s9 =	sadd.s32 s18, s2;
	s12 =	sadd.s32 s16, s12  }
0x10: {  	s13 =	sadd.s32 s16, s13;
	s16 =	sadd.s32 s16, s18;
	s18 =	simm.s32 $0x16980  }
0x11: {  	v0 =	vmov s24;
	s24 =	simm.s32 $0x14100;
	s19 =	sshrl.u32 s19, $0x3;
	s11 =	sshrl.u32 s11, $0x3  }
0x12: {  	s12 =	sshrl.u32 s12, $0x3;
	s13 =	sshrl.u32 s13, $0x3;
	s16 =	sshrl.u32 s16, $0x3  }
0x13: {  	s15 =	smax.u32 s15, $0x1;
	s10 =	sadd.s32 s14, s19;
	s11 =	sadd.s32 s14, s11  }
0x14: {  	s12 =	sadd.s32 s14, s12;
	s13 =	sadd.s32 s14, s13;
	s14 =	sadd.s32 s14, s16  }
0x15: {  	v1 =	vimm.f32 $0.0e+00;
	s16 =	sadd.s32 $0xEA00, s17;
	s17 =	sadd.s32 $0x4C00, s17;
	s19 =	simm.s32 $0x2  }
.LBB2_1:
0x16: {  	s28 =	simm.s32 $0x0;
	s29 =	simm.s32 $0x200  }
.LBB2_2:
0x17: {  	p0 =	sne.s32 s29, $0xFE00;
	[tilespmem:s28+$0x169F0] =	vst v1  }
0x18: {  	[tilespmem:s28+$0x16980] =	vst v1  }
0x19: {  	[tilespmem:s28+$0x16990] =	vst v1  }
.Ltmp0:
0x1a: {  	[tilespmem:s28+$0x169A0] =	vst v1;
	(pc) =	sbr.rel @p0 .LBB2_2-.Ltmp0, $4  }
0x1b: {  	[tilespmem:s28+$0x169B0] =	vst v1  }
0x1c: {  	[tilespmem:s28+$0x169C0] =	vst v1  }
0x1d: {  	[tilespmem:s28+$0x169D0] =	vst v1  }
0x1e: {  	[tilespmem:s28+$0x169E0] =	vst v1;
	s28 =	sshra.s32 s29, $0x2;
	s29 =	sadd.s32 $0x200, s29  }
0x1f: {  	[tilespmem:s28+$0x169F0] =	vst v1  }
0x20: {  	[tilespmem:s28+$0x16980] =	vst v1  }
0x21: {  	[tilespmem:s28+$0x16990] =	vst v1  }
0x22: {  	[tilespmem:s28+$0x169A0] =	vst v1  }
0x23: {  	[tilespmem:s28+$0x169B0] =	vst v1  }
0x24: {  	[tilespmem:s28+$0x169C0] =	vst v1  }
0x25: {  	[tilespmem:s28+$0x169D0] =	vst v1  }
0x26: {  	[tilespmem:s28+$0x169E0] =	vst v1  }
0x27: {  	[spmem:s5] =	stream.linear.scatter [tilespmem:s18], [sflag:$0x2], $0x4000, $0x38;
	[tilespmem:$0x1A980] =	vst v63  }
0x28: {  	_ =	swait.ge [sflag:s19], $0x4000  }
0x29: {  	[sflag:s19] =	ssyncset.done $0x0  }
0x2a: {  	[sflag:s19] =	ssyncadd.s32 $0xFFFFC000  }
0x2b: {  	[spmem:s6] =	stream.linear.scatter [tilespmem:s18], [sflag:$0x2], $0x4000, $0x38;
	[tilespmem:$0x1A980] =	vst v63  }
0x2c: {  	_ =	swait.ge [sflag:s19], $0x4000  }
0x2d: {  	[sflag:s19] =	ssyncset.done $0x0  }
0x2e: {  	[sflag:s19] =	ssyncadd.s32 $0xFFFFC000  }
0x2f: {  	[spmem:s7] =	stream.linear.scatter [tilespmem:s18], [sflag:$0x2], $0x4000, $0x38;
	[tilespmem:$0x1A980] =	vst v63  }
0x30: {  	_ =	swait.ge [sflag:s19], $0x4000  }
0x31: {  	[sflag:s19] =	ssyncset.done $0x0  }
0x32: {  	[sflag:s19] =	ssyncadd.s32 $0xFFFFC000  }
0x33: {  	[spmem:s8] =	stream.linear.scatter [tilespmem:s18], [sflag:$0x2], $0x4000, $0x38;
	[tilespmem:$0x1A980] =	vst v63  }
0x34: {  	_ =	swait.ge [sflag:s19], $0x4000  }
0x35: {  	[sflag:s19] =	ssyncset.done $0x0  }
0x36: {  	[sflag:s19] =	ssyncadd.s32 $0xFFFFC000  }
0x37: {  	[spmem:s9] =	stream.linear.scatter [tilespmem:s18], [sflag:$0x2], $0x4000, $0x38;
	[tilespmem:$0x1A980] =	vst v63  }
0x38: {  	_ =	swait.ge [sflag:s19], $0x4000  }
0x39: {  	[sflag:s19] =	ssyncset.done $0x0  }
0x3a: {  	[sflag:s19] =	ssyncadd.s32 $0xFFFFC000  }
0x3b: {  	s28 =	sadd.s32 $0x0, s17;
	[bflag:$0x0] =	sbarrier.arrive $0xFFFF  }
0x3c: {  	[tilespmem:s20], [sflag:$0x2] =	stream.linear.gather [hbm4b:s28+s3], $0x50, $0x38;
	[tilespmem:$0x1A980] =	vst v63  }
0x3d: {  	_ =	swait.ge [sflag:s19], $0x50  }
0x3e: {  	[sflag:s19] =	ssyncset.done $0x0  }
0x3f: {  	[sflag:s19] =	ssyncadd.s32 $0xFFFFFFB0  }
0x40: {  	v2 =	vld [tilespmem:$0x14040]  }
0x41: {  	v3 =	vld [tilespmem:$0x14020]  }
0x42: {  	v4 =	vld [tilespmem:$0x14030]  }
0x43: {  	v5 =	vld [tilespmem:$0x14010]  }
0x44: {  	v6 =	vld [tilespmem:$0x14000]  }
0x45: {  	v2 =	vadd.s32 v0, v2  }
0x46: {  	v3 =	vadd.s32 v0, v3;
	[tilespmem:$0x140C0] =	vst v2  }
0x47: {  	[tilespmem:$0x140A0] =	vst v3;
	v2 =	vadd.s32 v0, v4  }
0x48: {  	v3 =	vadd.s32 v0, v5;
	[tilespmem:$0x140B0] =	vst v2  }
0x49: {  	v2 =	vadd.s32 v0, v6;
	[tilespmem:$0x14090] =	vst v3  }
0x4a: {  	[tilespmem:$0x14080] =	vst v2  }
0x4b: {  	[tilespmem:s23], [sflag:$0x1] =	stream.indirect.gather [hbm4b:s4+s21], $0x80, s22, s21, $0xb8;
	[tilespmem:$0x1A980] =	vst v63  }
0x4c: {  	s28 =	sadd.s32 $0x0, s16  }
0x4d: {  	[tilespmem:s24], [sflag:$0x2] =	stream.linear.gather [hbm4b:s28+s3], $0x50, $0x38;
	[tilespmem:$0x1A980] =	vst v63  }
0x4e: {  	_ =	swait.ge [sflag:s19], $0x50  }
0x4f: {  	[sflag:s19] =	ssyncset.done $0x0  }
0x50: {  	[sflag:s19] =	ssyncadd.s32 $0xFFFFFFB0  }
0x51: {  	_ =	swait.ge [sflag:s25], $0x2800  }
0x52: {  	s28 =	simm.s32 $0xA;
	[sflag:s25] =	ssyncset.done $0x0  }
.LBB2_4:
0x53: {  	p0 =	sne.s32 s28, $0x9BA  }
0x54: {  	[sflag:s25] =	ssyncadd.s32 $0xFFFFD800;
	s29 =	smov.u32 s28;
	s28 =	sadd.s32 $0xA, s28  }
0x55: {  	[spmem:s2] =	stream.indirect.scatter.add.f32 [tilespmem:s23], [sflag:$0x2], $0x80, s24, s21, $0xb8;
	[tilespmem:$0x1A980] =	vst v63  }
0x56: {  	_ =	swait.ge [sflag:s19], $0x2800  }
0x57: {  	[sflag:s19] =	ssyncset.done $0x0  }
0x58: {  	s30 =	sadd.s32 s29, s17;
	[sflag:s19] =	ssyncadd.s32 $0xFFFFD800  }
0x59: {  	[tilespmem:s20], [sflag:$0x2] =	stream.linear.gather [hbm4b:s30+s3], $0x50, $0x38;
	[tilespmem:$0x1A980] =	vst v63  }
0x5a: {  	_ =	swait.ge [sflag:s19], $0x50  }
0x5b: {  	[sflag:s19] =	ssyncset.done $0x0  }
0x5c: {  	[sflag:s19] =	ssyncadd.s32 $0xFFFFFFB0  }
0x5d: {  	v2 =	vld [tilespmem:$0x14040]  }
0x5e: {  	v3 =	vld [tilespmem:$0x14020]  }
0x5f: {  	v4 =	vld [tilespmem:$0x14030]  }
0x60: {  	v5 =	vld [tilespmem:$0x14010]  }
0x61: {  	v6 =	vld [tilespmem:$0x14000]  }
0x62: {  	v2 =	vadd.s32 v0, v2  }
0x63: {  	v3 =	vadd.s32 v0, v3;
	[tilespmem:$0x140C0] =	vst v2  }
0x64: {  	[tilespmem:$0x140A0] =	vst v3;
	v2 =	vadd.s32 v0, v4  }
0x65: {  	v3 =	vadd.s32 v0, v5;
	[tilespmem:$0x140B0] =	vst v2  }
0x66: {  	v2 =	vadd.s32 v0, v6;
	[tilespmem:$0x14090] =	vst v3  }
0x67: {  	[tilespmem:$0x14080] =	vst v2  }
0x68: {  	[tilespmem:s23], [sflag:$0x1] =	stream.indirect.gather [hbm4b:s4+s21], $0x80, s22, s21, $0xb8;
	[tilespmem:$0x1A980] =	vst v63  }
0x69: {  	s29 =	sadd.s32 s29, s16  }
0x6a: {  	[tilespmem:s24], [sflag:$0x2] =	stream.linear.gather [hbm4b:s29+s3], $0x50, $0x38;
	[tilespmem:$0x1A980] =	vst v63  }
.Ltmp1:
0x6b: {  	_ =	swait.ge [sflag:s19], $0x50;
	(pc) =	sbr.rel @p0 .LBB2_4-.Ltmp1, $4  }
0x6c: {  	[sflag:s19] =	ssyncset.done $0x0  }
0x6d: {  	[sflag:s19] =	ssyncadd.s32 $0xFFFFFFB0  }
0x6e: {  	_ =	swait.ge [sflag:s25], $0x2800  }
0x6f: {  	[sflag:s25] =	ssyncset.done $0x0  }
0x70: {  	[sflag:s25] =	ssyncadd.s32 $0xFFFFD800  }
0x71: {  	[spmem:s2] =	stream.indirect.scatter.add.f32 [tilespmem:s23], [sflag:$0x2], $0x80, s24, s21, $0xb8;
	[tilespmem:$0x1A980] =	vst v63  }
0x72: {  	_ =	swait.ge [sflag:s19], $0x2800  }
0x73: {  	[sflag:s19] =	ssyncset.done $0x0  }
0x74: {  	[sflag:s19] =	ssyncadd.s32 $0xFFFFD800  }
0x75: {  	[bflag:$0x0] =	sbarrier.arrive $0xFFFF  }
0x76: {  	[tilespmem:s18], [sflag:$0x2] =	stream.linear.gather [spmem:s5], $0x4000, $0x38;
	[tilespmem:$0x1A980] =	vst v63  }
0x77: {  	_ =	swait.ge [sflag:s19], $0x4000  }
0x78: {  	[sflag:s19] =	ssyncset.done $0x0  }
0x79: {  	[sflag:s19] =	ssyncadd.s32 $0xFFFFC000  }
0x7a: {  	[hbm4b:s10+s3] =	stream.linear.scatter [tilespmem:s18], [sflag:$0x2], $0x4000, $0x38;
	[tilespmem:$0x1A980] =	vst v63  }
0x7b: {  	_ =	swait.ge [sflag:s19], $0x4000  }
0x7c: {  	[sflag:s19] =	ssyncset.done $0x0  }
0x7d: {  	[sflag:s19] =	ssyncadd.s32 $0xFFFFC000  }
0x7e: {  	[tilespmem:s18], [sflag:$0x2] =	stream.linear.gather [spmem:s6], $0x4000, $0x38;
	[tilespmem:$0x1A980] =	vst v63  }
0x7f: {  	_ =	swait.ge [sflag:s19], $0x4000  }
0x80: {  	[sflag:s19] =	ssyncset.done $0x0  }
0x81: {  	[sflag:s19] =	ssyncadd.s32 $0xFFFFC000  }
0x82: {  	[hbm4b:s11+s3] =	stream.linear.scatter [tilespmem:s18], [sflag:$0x2], $0x4000, $0x38;
	[tilespmem:$0x1A980] =	vst v63  }
0x83: {  	_ =	swait.ge [sflag:s19], $0x4000  }
0x84: {  	[sflag:s19] =	ssyncset.done $0x0  }
0x85: {  	[sflag:s19] =	ssyncadd.s32 $0xFFFFC000  }
0x86: {  	[tilespmem:s18], [sflag:$0x2] =	stream.linear.gather [spmem:s7], $0x4000, $0x38;
	[tilespmem:$0x1A980] =	vst v63  }
0x87: {  	_ =	swait.ge [sflag:s19], $0x4000  }
0x88: {  	[sflag:s19] =	ssyncset.done $0x0  }
0x89: {  	[sflag:s19] =	ssyncadd.s32 $0xFFFFC000  }
0x8a: {  	[hbm4b:s12+s3] =	stream.linear.scatter [tilespmem:s18], [sflag:$0x2], $0x4000, $0x38;
	[tilespmem:$0x1A980] =	vst v63  }
0x8b: {  	_ =	swait.ge [sflag:s19], $0x4000  }
0x8c: {  	[sflag:s19] =	ssyncset.done $0x0  }
0x8d: {  	[sflag:s19] =	ssyncadd.s32 $0xFFFFC000  }
0x8e: {  	[tilespmem:s18], [sflag:$0x2] =	stream.linear.gather [spmem:s8], $0x4000, $0x38;
	[tilespmem:$0x1A980] =	vst v63  }
0x8f: {  	_ =	swait.ge [sflag:s19], $0x4000  }
0x90: {  	[sflag:s19] =	ssyncset.done $0x0  }
0x91: {  	[sflag:s19] =	ssyncadd.s32 $0xFFFFC000  }
0x92: {  	[hbm4b:s13+s3] =	stream.linear.scatter [tilespmem:s18], [sflag:$0x2], $0x4000, $0x38;
	[tilespmem:$0x1A980] =	vst v63  }
0x93: {  	_ =	swait.ge [sflag:s19], $0x4000  }
0x94: {  	[sflag:s19] =	ssyncset.done $0x0  }
0x95: {  	[sflag:s19] =	ssyncadd.s32 $0xFFFFC000  }
0x96: {  	[tilespmem:s18], [sflag:$0x2] =	stream.linear.gather [spmem:s9], $0x4000, $0x38;
	[tilespmem:$0x1A980] =	vst v63  }
0x97: {  	s26 =	sadd.s32 $0x1, s26;
	_ =	swait.ge [sflag:s19], $0x4000  }
0x98: {  	p0 =	sne.s32 s26, s15;
	[sflag:s19] =	ssyncset.done $0x0  }
.Ltmp2:
0x99: {  	[sflag:s19] =	ssyncadd.s32 $0xFFFFC000;
	(pc) =	sbr.rel @p0 .LBB2_1-.Ltmp2, $4  }
0x9a: {  	[hbm4b:s14+s3] =	stream.linear.scatter [tilespmem:s18], [sflag:$0x2], $0x4000, $0x38;
	[tilespmem:$0x1A980] =	vst v63  }
0x9b: {  	_ =	swait.ge [sflag:s19], $0x4000  }
0x9c: {  	[sflag:s19] =	ssyncset.done $0x0  }
0x9d: {  	[sflag:s19] =	ssyncadd.s32 $0xFFFFC000  }
0x9e: {  	_ =	sfence.sel $0x180000  }
0x9f: {  	[bflag:$0x0] =	sbarrier.arrive $0xFFFF  }
0xa0: {  	p0 =	sne.s32 s1, $0x0;
	_ =	strace $0x9000004A  }
0xa1: {  	s0 =	sadd.s32 @!p0 $0x100000, s0;
	[bflag:$0x2] =	sbarrier.arrive $0xFFFF  }
0xa2: {  	[sflag:s0] =	ssyncadd.tile.s32 @!p0 $0x1;
	_ =	shalt  }
.Lfunc_end2:
_tile_overlayer_lowered:
.L_overlay_start_2:
0xa3: {  	(tag) =	ssettag $0x2  }
0xa4: {  	s0 =	rddreg [dreg:$0x0];
	s2 =	stileid.u32  }
0xa5: {  	s1 =	rddreg [dreg:$0x1];
	p0 =	sne.s32 s2, $0x0  }
0xa6: {  	s3 =	rddreg [dreg:$0x2];
	[bflag:$0x3] =	sbarrier.arrive $0xFFFF;
	s2 =	simm.s32 @!p0 $0x1C02  }
0xa7: {  	[timem:s3], [sflag:s2] =	dma.local @!p0 [hbm:s0], s1  }
0xa8: {  	s0 =	simm.s32 @!p0 $0x2  }
0xa9: {  	_ =	swait.ge @!p0 [sflag:s0], s1  }
0xaa: {  	s1 =	ssub.s32 @!p0 $0x0, s1;
	[sflag:s0] =	ssyncset.done @!p0 $0x0  }
0xab: {  	[sflag:s0] =	ssyncadd.s32 @!p0 s1  }
0xac: {  	[bflag:$0x3] =	sbarrier.arrive $0xFFFF  }
0xad: {  	_ =	shalt  }

// kernel: kernel.21.cloned.1.call-start
scs
__scs_entry_jumppad:
0x0: {  	(pc) =	sbr.rel $0x88, $3  }
0x1: {  	(tag) =	ssettag $0x0;
	lr =	simm.s32 $0x1  }
0x2: {  	[smem:$0x3F8D] =	sst lr;
	_ =	strace $0xD0000000  }
0x3: {  	_ = 	snop  }
0x4: {  	_ = 	snop  }
0x5: {  	_ = 	snop  }
0x6: {  	_ = 	snop  }
0x7: {  	_ = 	snop  }
__scs_overlays_trampoline_lowered:
0x8: {  	[smem:$0x3F9C] =	sst s0  }
0x9: {  	[smem:$0x3F9D] =	sst s1  }
0xa: {  	[smem:$0x3F9E] =	sst s2  }
0xb: {  	[smem:$0x3F9F] =	sst s3  }
0xc: {  	[smem:$0x3FA0] =	sst s4  }
0xd: {  	[smem:$0x3FA1] =	sst s5  }
0xe: {  	[smem:$0x3FA2] =	sst s6  }
0xf: {  	[smem:$0x3FA3] =	sst s7  }
0x10: {  	[smem:$0x3FA4] =	sst s8  }
0x11: {  	[smem:$0x3FA5] =	sst s9;
	s0 =	simm.s32 @!p0 $0x0  }
0x12: {  	s1 =	sld [smem:$0x3F8B];
	s0 =	simm.s32 @p0 $0x1  }
0x13: {  	[smem:$0x3FA6] =	sst s0;
	s0 =	simm.s32 @!p1 $0x0  }
0x14: {  	s2 =	sld [smem:$0x3F8A];
	s0 =	simm.s32 @p1 $0x1  }
0x15: {  	[smem:$0x3FA7] =	sst s0;
	s0 =	simm.s32 @!p2 $0x0  }
0x16: {  	s3 =	sld [smem:$0x3FDB];
	s0 =	simm.s32 @p2 $0x1  }
0x17: {  	s4 =	simm.s32 $0x1BF5;
	[smem:$0x3FA9] =	sst s0  }
0x18: {  	s0 =	sld [smem:$0x3F8C];
	_ =	swait.ge [sflag:s4], $0x0  }
0x19: {  	s7 =	sld [smem:$0x3F8D]  }
0x1a: {  	s8 =	sadd.s32 $0xFFFFE003, lr  }
0x1b: {  	s9 =	sadd.s32 $0xFFFFFEF7, lr;
	s5 =	simm.s32 $0xFFFFFFFF;
	p2 =	slt.u32 s8, $0xFFFFF086  }
0x1c: {  	p1 =	slt.u32 s9, $0xF7A;
	s5 =	simm.s32 @!p2 $0x0  }
0x1d: {  	s5 =	simm.s32 @p1 $0x1;
	p0 =	seq.s32 s7, s2  }
0x1e: {  	s7 =	smul.u32 @!p0 $0xF7A, s2;
	p2 =	seq.s32 @!p0 s5, $0x0  }
0x1f: {  	s9 =	smul.u32 $0xF7A, s1;
	s8 =	simm.s32 @!p0 $0x1BF5;
	p2 =	por !p2, p0  }
0x20: {  	[sflag:s8] =	ssyncset.s32 @!p0 $0xFFFFF086;
	s6 =	sadd.s32 @!p0 s3, s7;
	s7 =	simm.s32 @!p0 $0x108  }
0x21: {  	s3 =	sadd.s32 s3, s9;
	s6 =	sadd.s32 @!p0 $0x88, s6;
	s7 =	simm.s32 @p2 $0x1082  }
0x22: {  	[simem:s7], [sflag:s8] =	dma.local @!p0 [hbm:s6], $0xF7A  }
0x23: {  	s9 =	sor.u32 $0xD0000000, s2;
	s6 =	simm.s32 $0x108;
	_ =	swait.ge @!p0 [sflag:s8], $0x0  }
0x24: {  	s3 =	sadd.s32 $0x88, s3;
	s6 =	simm.s32 @!p1 $0x1082;
	[sflag:s4] =	ssyncset.s32 $0xFFFFF086  }
0x25: {  	[simem:s6], [sflag:s4] =	dma.local [hbm:s3], $0xF7A  }
0x26: {  	[smem:$0x3F8D] =	sst s1;
	(tag) =	ssettag s2;
	_ =	strace s9  }
0x27: {  	s1 =	sld [smem:$0x3F9D]  }
0x28: {  	s2 =	sld [smem:$0x3F9E]  }
0x29: {  	s4 =	sld [smem:$0x3FA0]  }
0x2a: {  	p0 =	seq.s32 s5, $0x0;
	s5 =	sld [smem:$0x3FA1]  }
0x2b: {  	s6 =	sld [smem:$0x3FA2]  }
0x2c: {  	s7 =	sld [smem:$0x3FA3]  }
0x2d: {  	s3 =	simm.s32 $0x108;
	s8 =	sld [smem:$0x3FA4]  }
0x2e: {  	s3 =	simm.s32 @!p0 $0x1082;
	s9 =	sld [smem:$0x3FA5]  }
0x2f: {  	lr =	sadd.s32 s0, s3;
	s0 =	sld [smem:$0x3F9C]  }
0x30: {  	s3 =	sld [smem:$0x3F9F]  }
0x31: {  	[smem:$0x3FA8] =	sst s10  }
0x32: {  	s10 =	sld [smem:$0x3FA6];
	_ =	sdelay $0x3  }
0x33: {  	p0 =	seq.s32 s10, $0x1;
	s10 =	sld [smem:$0x3FA8];
	_ =	sdelay $0x3  }
0x34: {  	[smem:$0x3FA8] =	sst s10  }
0x35: {  	s10 =	sld [smem:$0x3FA7];
	_ =	sdelay $0x3  }
0x36: {  	p1 =	seq.s32 s10, $0x1;
	s10 =	sld [smem:$0x3FA8];
	_ =	sdelay $0x3  }
0x37: {  	[smem:$0x3FA8] =	sst s10  }
0x38: {  	s10 =	sld [smem:$0x3FA9]  }
0x39: {  	_ = 	snop;
	(pc) =	sbr.ind lr, $3  }
0x3a: {  	_ = 	snop  }
0x3b: {  	_ = 	snop  }
0x3c: {  	p2 =	seq.s32 s10, $0x1;
	s10 =	sld [smem:$0x3FA8]  }
0x3d: {  	_ =	shalt  }
0x3e: {  	_ =	shalt  }
0x3f: {  	_ =	shalt  }
0x40: {  	_ =	shalt  }
0x41: {  	_ =	shalt  }
0x42: {  	_ =	shalt  }
0x43: {  	_ =	shalt  }
0x44: {  	_ =	shalt  }
0x45: {  	_ =	shalt  }
0x46: {  	_ =	shalt  }
0x47: {  	_ =	shalt  }
0x48: {  	_ =	shalt  }
0x49: {  	_ =	shalt  }
0x4a: {  	_ =	shalt  }
0x4b: {  	_ =	shalt  }
0x4c: {  	_ =	shalt  }
0x4d: {  	_ =	shalt  }
0x4e: {  	_ =	shalt  }
0x4f: {  	_ =	shalt  }
0x50: {  	_ =	shalt  }
0x51: {  	_ =	shalt  }
0x52: {  	_ =	shalt  }
0x53: {  	_ =	shalt  }
0x54: {  	_ =	shalt  }
0x55: {  	_ =	shalt  }
0x56: {  	_ =	shalt  }
0x57: {  	_ =	shalt  }
0x58: {  	_ =	shalt  }
0x59: {  	_ =	shalt  }
0x5a: {  	_ =	shalt  }
0x5b: {  	_ =	shalt  }
0x5c: {  	_ =	shalt  }
0x5d: {  	_ =	shalt  }
0x5e: {  	_ =	shalt  }
0x5f: {  	_ =	shalt  }
0x60: {  	_ =	shalt  }
0x61: {  	_ =	shalt  }
0x62: {  	_ =	shalt  }
0x63: {  	_ =	shalt  }
0x64: {  	_ =	shalt  }
0x65: {  	_ =	shalt  }
0x66: {  	_ =	shalt  }
0x67: {  	_ =	shalt  }
0x68: {  	_ =	shalt  }
0x69: {  	_ =	shalt  }
0x6a: {  	_ =	shalt  }
0x6b: {  	_ =	shalt  }
0x6c: {  	_ =	shalt  }
0x6d: {  	_ =	shalt  }
0x6e: {  	_ =	shalt  }
0x6f: {  	_ =	shalt  }
0x70: {  	_ =	shalt  }
0x71: {  	_ =	shalt  }
0x72: {  	_ =	shalt  }
0x73: {  	_ =	shalt  }
0x74: {  	_ =	shalt  }
0x75: {  	_ =	shalt  }
0x76: {  	_ =	shalt  }
0x77: {  	_ =	shalt  }
0x78: {  	_ =	shalt  }
0x79: {  	_ =	shalt  }
0x7a: {  	_ =	shalt  }
0x7b: {  	_ =	shalt  }
0x7c: {  	_ =	shalt  }
0x7d: {  	_ =	shalt  }
0x7e: {  	_ =	shalt  }
0x7f: {  	_ =	shalt  }
0x80: {  	_ =	shalt  }
0x81: {  	_ =	shalt  }
0x82: {  	_ =	shalt  }
0x83: {  	_ =	shalt  }
0x84: {  	_ =	shalt  }
0x85: {  	_ =	shalt  }
0x86: {  	_ =	shalt  }
0x87: {  	_ =	shalt  }
.Lfunc_end0:
.L_simem_size_0:
called_computation.2_lowered:
.L_overlay_start_0:
0x88: {  	s2 =	sld [smem:$0x3FD9]  }
0x89: {  	s3 =	sld [smem:$0x3FFE];
	_ =	sdelay $0x1  }
0x8a: {  	s1 =	srdreg.scid  }
0x8b: {  	s0 =	sand.u32 $0x1, s1  }
0x8c: {  	s16 =	sshll.u32 s0, $0xA;
	s2 =	sadd.s32 s3, s2  }
0x8d: {  	s2 =	sadd.s32 s2, s16  }
0x8e: {  	[smem:$0x3FB4] =	sst s2  }
0x8f: {  	_ = 	snop  }
0x90: {  	(tm) =	ssettm $0x1  }
0x91: {  	s17 =	sld [smem:$0x3FFB];
	_ =	sdelay $0x3  }
0x92: {  	_ =	strace s17  }
0x93: {  	s2 =	sld [smem:$0x3FFC];
	_ =	sdelay $0x3  }
0x94: {  	_ =	strace s2  }
0x95: {  	s2 =	sld [smem:$0x3FFD];
	_ =	sdelay $0x3  }
0x96: {  	_ =	strace s2  }
0x97: {  	_ =	strace $0x8FFFFFFF  }
0x98: {  	s18 =	sld [smem:$0x3FDB];
	_ =	sdelay $0x1  }
0x99: {  	s19 =	simm.s32 $_scs_section_size  }
0x9a: {  	s4 =	simm.s32 $_size__tile_overlayer_lowered;
	s5 =	simm.s32 $_tile_overlayer_lowered  }
0x9b: {  	s22 =	simm.s32 $0x1BFF;
	s21 =	sshll.u32 s5, $0x1;
	s2 =	sadd.s32 s19, s18  }
0x9c: {  	s6 =	simm.s32 $0x0;
	s20 =	sshll.u32 s4, $0x1;
	s4 =	sadd.s32 s21, s2  }
0x9d: {  	[timem:s6], [sflag:s22] =	dma.local [hbm:s4], s20  }
0x9e: {  	_ =	swait.ge [sflag:s22], s20  }
0x9f: {  	s3 =	ssub.s32 $0x0, s20;
	[sflag:s22] =	ssyncset.done $0x0  }
0xa0: {  	[sflag:s22] =	ssyncadd.s32 s3;
	_ =	sdelay $0x1  }
0xa1: {  	s23 =	simm.s32 $0x1B8B  }
0xa2: {  	_ =	swait.ge [sflag:s23], $0x1  }
0xa3: {  	[sflag:s23] =	ssyncset.done $0x0  }
0xa4: {  	s25 =	simm.s32 $0x1B8E;
	s24 =	sld [smem:$0x3FFE];
	[sflag:s23] =	ssyncadd.s32 $0xFFFFFFFF  }
0xa5: {  	s26 =	simm.s32 $execute0_lowered;
	[smem:$0x3FD2] =	sst s25  }
0xa6: {  	s4 =	sshll.u32 s26, $0x1;
	_ =	strace $0x8000004C;
	[dreg:$0x1] =	wrdreg $0xFFFFFFFF  }
0xa7: {  	s28 =	simm.s32 $_size_execute0_lowered;
	s2 =	sadd.s32 s2, s4;
	[dreg:$0x0] =	wrdreg $0x0  }
0xa8: {  	s4 =	sshll.u32 s28, $0x1;
	[dreg:$0x2] =	wrdreg s2  }
0xa9: {  	[dreg:$0x3] =	wrdreg s4  }
0xaa: {  	[dreg:$0x4] =	wrdreg $0xC0  }
0xab: {  	_ =	task [dreg:s6], $0x5FFFF  }
0xac: {  	[dreg:$0x1] =	wrdreg $0xFFFFFFFF  }
0xad: {  	[dreg:$0x0] =	wrdreg $0x60  }
0xae: {  	[dreg:$0x2] =	wrdreg s24  }
0xaf: {  	[dreg:$0x3] =	wrdreg $0x0  }
0xb0: {  	[dreg:$0x4] =	wrdreg $0x9  }
0xb1: {  	_ =	task.clear_ibuf [dreg:s6], $0x5FFFF;
	_ =	strace $0x9000004C  }
0xb2: {  	s29 =	simm.s32 $0x9;
	_ =	strace $0x8000004E  }
0xb3: {  	_ =	swait.ge [sflag:s29], $0x1  }
0xb4: {  	[sflag:s29] =	ssyncadd.s32 $0xFFFFFFFF  }
0xb5: {  	_ =	strace $0x9000004E  }
0xb6: {  	_ =	sfence  }
0xb7: {  	s30 =	sld [smem:$0x0];
	_ =	sdelay $0x2  }
0xb8: {  	s31 =	sshll.u32 s1, $0xD;
	s1 =	sshrl.u32 s1, $0x2  }
0xb9: {  	s3 =	sand.u32 $0x4000, s31;
	s1 =	sadd.s32 s1, s30  }
0xba: {  	s0 =	sor.u32 s3, s0;
	s1 =	sshll.u32 s1, $0x11  }
0xbb: {  	s0 =	sor.u32 s1, s0  }
0xbc: {  	s0 =	sadd.s32 $0x8F2B, s0  }
0xbd: {  	[sflag:s0] =	ssyncadd.remote.s32 $0x1  }
0xbe: {  	_ =	sfence.sel $0xFFFF  }
0xbf: {  	[dreg:$0x0] =	wrdreg $0xFFFFFFFF;
	(pc) =	sbr.abs _section_cstart, $3  }
0xc0: {  	[dreg:$0x1] =	wrdreg $0xFFFFFFFF  }
0xc1: {  	_ =	task.clear_ibuf [dreg:s6], $0x2FFFF;
	_ =	strace $0x9FFFFFFF  }
0xc2: {  	(tm) =	ssettm $0x7FFFFFFF  }
0xc3: {  	_ =	shalt  }
tec
execute0_lowered:
.L_overlay_start_1:
0x0: {  	(tag) =	ssettag $0x1  }
0x1: {  	s5 =	rddreg [dreg:$0x0]  }
0x2: {  	s2 =	rddreg [dreg:$0x1]  }
0x3: {  	s0 =	rddreg [dreg:$0x2]  }
0x4: {  	s3 =	simm.s32 $0x0;
	s1 =	stileid.u32;
	s7 =	srdreg.scid  }
0x5: {  	s20 =	simm.s32 $0x14000;
	s21 =	simm.s32 $0x50;
	s22 =	simm.s32 $0x14080  }
0x6: {  	s23 =	simm.s32 $0x14180;
	s25 =	simm.s32 $0x1;
	s6 =	smul.u32 $0x9C4, s1  }
0x7: {  	s26 =	simm.s32 $0x0;
	[smem:$0x7FF] =	sst s3;
	s29 =	smul.u32 $0x50000, s1  }
0x8: {  	s4 =	sadd.s32 $0x18800, s5;
	s10 =	sand.u32 $0x1, s7;
	s9 =	smul.u32 $0x14000, s1  }
0x9: {  	s14 =	sadd.s32 $0x68800, s5;
	_ =	strace $0x8000004D;
	s16 =	smul.u32 $0x140000, s10  }
0xa: {  	s30 =	ssub.s32 $0x2, s10;
	s24 =	smul.u32 $0x2800, s10;
	s17 =	sadd.s32 s6, s5  }
0xb: {  	s31 =	sshrl.u32 s30, $0x1;
	s7 =	sshrl.u32 s29, $0x2;
	s11 =	sadd.s32 $0x4000, s9  }
0xc: {  	s12 =	sadd.s32 $0x8000, s9;
	s13 =	sadd.s32 $0xC000, s9;
	s18 =	sadd.s32 $0x10000, s9  }
0xd: {  	s15 =	ssub.s32 s30, s31;
	s5 =	sadd.s32 s7, s2;
	s6 =	sadd.s32 s11, s2  }
0xe: {  	s7 =	sadd.s32 s12, s2;
	s8 =	sadd.s32 s13, s2;
	s19 =	sadd.s32 s9, s16  }
0xf: {  	s11 =	sadd.s32 s16, s11;
	s9 =	sadd.s32 s18, s2;
	s12 =	sadd.s32 s16, s12  }
0x10: {  	s13 =	sadd.s32 s16, s13;
	s16 =	sadd.s32 s16, s18;
	s18 =	simm.s32 $0x16980  }
0x11: {  	v0 =	vmov s24;
	s24 =	simm.s32 $0x14100;
	s19 =	sshrl.u32 s19, $0x3;
	s11 =	sshrl.u32 s11, $0x3  }
0x12: {  	s12 =	sshrl.u32 s12, $0x3;
	s13 =	sshrl.u32 s13, $0x3;
	s16 =	sshrl.u32 s16, $0x3  }
0x13: {  	s15 =	smax.u32 s15, $0x1;
	s10 =	sadd.s32 s14, s19;
	s11 =	sadd.s32 s14, s11  }
0x14: {  	s12 =	sadd.s32 s14, s12;
	s13 =	sadd.s32 s14, s13;
	s14 =	sadd.s32 s14, s16  }
0x15: {  	v1 =	vimm.f32 $0.0e+00;
	s16 =	sadd.s32 $0xEA00, s17;
	s17 =	sadd.s32 $0x4C00, s17;
	s19 =	simm.s32 $0x2  }
.LBB2_1:
0x16: {  	s28 =	simm.s32 $0x0;
	s29 =	simm.s32 $0x200  }
.LBB2_2:
0x17: {  	p0 =	sne.s32 s29, $0xFE00;
	[tilespmem:s28+$0x169F0] =	vst v1  }
0x18: {  	[tilespmem:s28+$0x16980] =	vst v1  }
0x19: {  	[tilespmem:s28+$0x16990] =	vst v1  }
.Ltmp0:
0x1a: {  	[tilespmem:s28+$0x169A0] =	vst v1;
	(pc) =	sbr.rel @p0 .LBB2_2-.Ltmp0, $4  }
0x1b: {  	[tilespmem:s28+$0x169B0] =	vst v1  }
0x1c: {  	[tilespmem:s28+$0x169C0] =	vst v1  }
0x1d: {  	[tilespmem:s28+$0x169D0] =	vst v1  }
0x1e: {  	[tilespmem:s28+$0x169E0] =	vst v1;
	s28 =	sshra.s32 s29, $0x2;
	s29 =	sadd.s32 $0x200, s29  }
0x1f: {  	[tilespmem:s28+$0x169F0] =	vst v1  }
0x20: {  	[tilespmem:s28+$0x16980] =	vst v1  }
0x21: {  	[tilespmem:s28+$0x16990] =	vst v1  }
0x22: {  	[tilespmem:s28+$0x169A0] =	vst v1  }
0x23: {  	[tilespmem:s28+$0x169B0] =	vst v1  }
0x24: {  	[tilespmem:s28+$0x169C0] =	vst v1  }
0x25: {  	[tilespmem:s28+$0x169D0] =	vst v1  }
0x26: {  	[tilespmem:s28+$0x169E0] =	vst v1  }
0x27: {  	[spmem:s5] =	stream.linear.scatter [tilespmem:s18], [sflag:$0x2], $0x4000, $0x38;
	[tilespmem:$0x1A980] =	vst v63  }
0x28: {  	_ =	swait.ge [sflag:s19], $0x4000  }
0x29: {  	[sflag:s19] =	ssyncset.done $0x0  }
0x2a: {  	[sflag:s19] =	ssyncadd.s32 $0xFFFFC000  }
0x2b: {  	[spmem:s6] =	stream.linear.scatter [tilespmem:s18], [sflag:$0x2], $0x4000, $0x38;
	[tilespmem:$0x1A980] =	vst v63  }
0x2c: {  	_ =	swait.ge [sflag:s19], $0x4000  }
0x2d: {  	[sflag:s19] =	ssyncset.done $0x0  }
0x2e: {  	[sflag:s19] =	ssyncadd.s32 $0xFFFFC000  }
0x2f: {  	[spmem:s7] =	stream.linear.scatter [tilespmem:s18], [sflag:$0x2], $0x4000, $0x38;
	[tilespmem:$0x1A980] =	vst v63  }
0x30: {  	_ =	swait.ge [sflag:s19], $0x4000  }
0x31: {  	[sflag:s19] =	ssyncset.done $0x0  }
0x32: {  	[sflag:s19] =	ssyncadd.s32 $0xFFFFC000  }
0x33: {  	[spmem:s8] =	stream.linear.scatter [tilespmem:s18], [sflag:$0x2], $0x4000, $0x38;
	[tilespmem:$0x1A980] =	vst v63  }
0x34: {  	_ =	swait.ge [sflag:s19], $0x4000  }
0x35: {  	[sflag:s19] =	ssyncset.done $0x0  }
0x36: {  	[sflag:s19] =	ssyncadd.s32 $0xFFFFC000  }
0x37: {  	[spmem:s9] =	stream.linear.scatter [tilespmem:s18], [sflag:$0x2], $0x4000, $0x38;
	[tilespmem:$0x1A980] =	vst v63  }
0x38: {  	_ =	swait.ge [sflag:s19], $0x4000  }
0x39: {  	[sflag:s19] =	ssyncset.done $0x0  }
0x3a: {  	[sflag:s19] =	ssyncadd.s32 $0xFFFFC000  }
0x3b: {  	s28 =	sadd.s32 $0x0, s17;
	[bflag:$0x0] =	sbarrier.arrive $0xFFFF  }
0x3c: {  	[tilespmem:s20], [sflag:$0x2] =	stream.linear.gather [hbm4b:s28+s3], $0x50, $0x38;
	[tilespmem:$0x1A980] =	vst v63  }
0x3d: {  	_ =	swait.ge [sflag:s19], $0x50  }
0x3e: {  	[sflag:s19] =	ssyncset.done $0x0  }
0x3f: {  	[sflag:s19] =	ssyncadd.s32 $0xFFFFFFB0  }
0x40: {  	v2 =	vld [tilespmem:$0x14040]  }
0x41: {  	v3 =	vld [tilespmem:$0x14020]  }
0x42: {  	v4 =	vld [tilespmem:$0x14030]  }
0x43: {  	v5 =	vld [tilespmem:$0x14010]  }
0x44: {  	v6 =	vld [tilespmem:$0x14000]  }
0x45: {  	v2 =	vadd.s32 v0, v2  }
0x46: {  	v3 =	vadd.s32 v0, v3;
	[tilespmem:$0x140C0] =	vst v2  }
0x47: {  	[tilespmem:$0x140A0] =	vst v3;
	v2 =	vadd.s32 v0, v4  }
0x48: {  	v3 =	vadd.s32 v0, v5;
	[tilespmem:$0x140B0] =	vst v2  }
0x49: {  	v2 =	vadd.s32 v0, v6;
	[tilespmem:$0x14090] =	vst v3  }
0x4a: {  	[tilespmem:$0x14080] =	vst v2  }
0x4b: {  	[tilespmem:s23], [sflag:$0x1] =	stream.indirect.gather [hbm4b:s4+s21], $0x80, s22, s21, $0xb8;
	[tilespmem:$0x1A980] =	vst v63  }
0x4c: {  	s28 =	sadd.s32 $0x0, s16  }
0x4d: {  	[tilespmem:s24], [sflag:$0x2] =	stream.linear.gather [hbm4b:s28+s3], $0x50, $0x38;
	[tilespmem:$0x1A980] =	vst v63  }
0x4e: {  	_ =	swait.ge [sflag:s19], $0x50  }
0x4f: {  	[sflag:s19] =	ssyncset.done $0x0  }
0x50: {  	[sflag:s19] =	ssyncadd.s32 $0xFFFFFFB0  }
0x51: {  	_ =	swait.ge [sflag:s25], $0x2800  }
0x52: {  	s28 =	simm.s32 $0xA;
	[sflag:s25] =	ssyncset.done $0x0  }
.LBB2_4:
0x53: {  	p0 =	sne.s32 s28, $0x9BA  }
0x54: {  	[sflag:s25] =	ssyncadd.s32 $0xFFFFD800;
	s29 =	smov.u32 s28;
	s28 =	sadd.s32 $0xA, s28  }
0x55: {  	[spmem:s2] =	stream.indirect.scatter.add.f32 [tilespmem:s23], [sflag:$0x2], $0x80, s24, s21, $0xb8;
	[tilespmem:$0x1A980] =	vst v63  }
0x56: {  	_ =	swait.ge [sflag:s19], $0x2800  }
0x57: {  	[sflag:s19] =	ssyncset.done $0x0  }
0x58: {  	s30 =	sadd.s32 s29, s17;
	[sflag:s19] =	ssyncadd.s32 $0xFFFFD800  }
0x59: {  	[tilespmem:s20], [sflag:$0x2] =	stream.linear.gather [hbm4b:s30+s3], $0x50, $0x38;
	[tilespmem:$0x1A980] =	vst v63  }
0x5a: {  	_ =	swait.ge [sflag:s19], $0x50  }
0x5b: {  	[sflag:s19] =	ssyncset.done $0x0  }
0x5c: {  	[sflag:s19] =	ssyncadd.s32 $0xFFFFFFB0  }
0x5d: {  	v2 =	vld [tilespmem:$0x14040]  }
0x5e: {  	v3 =	vld [tilespmem:$0x14020]  }
0x5f: {  	v4 =	vld [tilespmem:$0x14030]  }
0x60: {  	v5 =	vld [tilespmem:$0x14010]  }
0x61: {  	v6 =	vld [tilespmem:$0x14000]  }
0x62: {  	v2 =	vadd.s32 v0, v2  }
0x63: {  	v3 =	vadd.s32 v0, v3;
	[tilespmem:$0x140C0] =	vst v2  }
0x64: {  	[tilespmem:$0x140A0] =	vst v3;
	v2 =	vadd.s32 v0, v4  }
0x65: {  	v3 =	vadd.s32 v0, v5;
	[tilespmem:$0x140B0] =	vst v2  }
0x66: {  	v2 =	vadd.s32 v0, v6;
	[tilespmem:$0x14090] =	vst v3  }
0x67: {  	[tilespmem:$0x14080] =	vst v2  }
0x68: {  	[tilespmem:s23], [sflag:$0x1] =	stream.indirect.gather [hbm4b:s4+s21], $0x80, s22, s21, $0xb8;
	[tilespmem:$0x1A980] =	vst v63  }
0x69: {  	s29 =	sadd.s32 s29, s16  }
0x6a: {  	[tilespmem:s24], [sflag:$0x2] =	stream.linear.gather [hbm4b:s29+s3], $0x50, $0x38;
	[tilespmem:$0x1A980] =	vst v63  }
.Ltmp1:
0x6b: {  	_ =	swait.ge [sflag:s19], $0x50;
	(pc) =	sbr.rel @p0 .LBB2_4-.Ltmp1, $4  }
0x6c: {  	[sflag:s19] =	ssyncset.done $0x0  }
0x6d: {  	[sflag:s19] =	ssyncadd.s32 $0xFFFFFFB0  }
0x6e: {  	_ =	swait.ge [sflag:s25], $0x2800  }
0x6f: {  	[sflag:s25] =	ssyncset.done $0x0  }
0x70: {  	[sflag:s25] =	ssyncadd.s32 $0xFFFFD800  }
0x71: {  	[spmem:s2] =	stream.indirect.scatter.add.f32 [tilespmem:s23], [sflag:$0x2], $0x80, s24, s21, $0xb8;
	[tilespmem:$0x1A980] =	vst v63  }
0x72: {  	_ =	swait.ge [sflag:s19], $0x2800  }
0x73: {  	[sflag:s19] =	ssyncset.done $0x0  }
0x74: {  	[sflag:s19] =	ssyncadd.s32 $0xFFFFD800  }
0x75: {  	[bflag:$0x0] =	sbarrier.arrive $0xFFFF  }
0x76: {  	[tilespmem:s18], [sflag:$0x2] =	stream.linear.gather [spmem:s5], $0x4000, $0x38;
	[tilespmem:$0x1A980] =	vst v63  }
0x77: {  	_ =	swait.ge [sflag:s19], $0x4000  }
0x78: {  	[sflag:s19] =	ssyncset.done $0x0  }
0x79: {  	[sflag:s19] =	ssyncadd.s32 $0xFFFFC000  }
0x7a: {  	[hbm4b:s10+s3] =	stream.linear.scatter [tilespmem:s18], [sflag:$0x2], $0x4000, $0x38;
	[tilespmem:$0x1A980] =	vst v63  }
0x7b: {  	_ =	swait.ge [sflag:s19], $0x4000  }
0x7c: {  	[sflag:s19] =	ssyncset.done $0x0  }
0x7d: {  	[sflag:s19] =	ssyncadd.s32 $0xFFFFC000  }
0x7e: {  	[tilespmem:s18], [sflag:$0x2] =	stream.linear.gather [spmem:s6], $0x4000, $0x38;
	[tilespmem:$0x1A980] =	vst v63  }
0x7f: {  	_ =	swait.ge [sflag:s19], $0x4000  }
0x80: {  	[sflag:s19] =	ssyncset.done $0x0  }
0x81: {  	[sflag:s19] =	ssyncadd.s32 $0xFFFFC000  }
0x82: {  	[hbm4b:s11+s3] =	stream.linear.scatter [tilespmem:s18], [sflag:$0x2], $0x4000, $0x38;
	[tilespmem:$0x1A980] =	vst v63  }
0x83: {  	_ =	swait.ge [sflag:s19], $0x4000  }
0x84: {  	[sflag:s19] =	ssyncset.done $0x0  }
0x85: {  	[sflag:s19] =	ssyncadd.s32 $0xFFFFC000  }
0x86: {  	[tilespmem:s18], [sflag:$0x2] =	stream.linear.gather [spmem:s7], $0x4000, $0x38;
	[tilespmem:$0x1A980] =	vst v63  }
0x87: {  	_ =	swait.ge [sflag:s19], $0x4000  }
0x88: {  	[sflag:s19] =	ssyncset.done $0x0  }
0x89: {  	[sflag:s19] =	ssyncadd.s32 $0xFFFFC000  }
0x8a: {  	[hbm4b:s12+s3] =	stream.linear.scatter [tilespmem:s18], [sflag:$0x2], $0x4000, $0x38;
	[tilespmem:$0x1A980] =	vst v63  }
0x8b: {  	_ =	swait.ge [sflag:s19], $0x4000  }
0x8c: {  	[sflag:s19] =	ssyncset.done $0x0  }
0x8d: {  	[sflag:s19] =	ssyncadd.s32 $0xFFFFC000  }
0x8e: {  	[tilespmem:s18], [sflag:$0x2] =	stream.linear.gather [spmem:s8], $0x4000, $0x38;
	[tilespmem:$0x1A980] =	vst v63  }
0x8f: {  	_ =	swait.ge [sflag:s19], $0x4000  }
0x90: {  	[sflag:s19] =	ssyncset.done $0x0  }
0x91: {  	[sflag:s19] =	ssyncadd.s32 $0xFFFFC000  }
0x92: {  	[hbm4b:s13+s3] =	stream.linear.scatter [tilespmem:s18], [sflag:$0x2], $0x4000, $0x38;
	[tilespmem:$0x1A980] =	vst v63  }
0x93: {  	_ =	swait.ge [sflag:s19], $0x4000  }
0x94: {  	[sflag:s19] =	ssyncset.done $0x0  }
0x95: {  	[sflag:s19] =	ssyncadd.s32 $0xFFFFC000  }
0x96: {  	[tilespmem:s18], [sflag:$0x2] =	stream.linear.gather [spmem:s9], $0x4000, $0x38;
	[tilespmem:$0x1A980] =	vst v63  }
0x97: {  	s26 =	sadd.s32 $0x1, s26;
	_ =	swait.ge [sflag:s19], $0x4000  }
0x98: {  	p0 =	sne.s32 s26, s15;
	[sflag:s19] =	ssyncset.done $0x0  }
.Ltmp2:
0x99: {  	[sflag:s19] =	ssyncadd.s32 $0xFFFFC000;
	(pc) =	sbr.rel @p0 .LBB2_1-.Ltmp2, $4  }
0x9a: {  	[hbm4b:s14+s3] =	stream.linear.scatter [tilespmem:s18], [sflag:$0x2], $0x4000, $0x38;
	[tilespmem:$0x1A980] =	vst v63  }
0x9b: {  	_ =	swait.ge [sflag:s19], $0x4000  }
0x9c: {  	[sflag:s19] =	ssyncset.done $0x0  }
0x9d: {  	[sflag:s19] =	ssyncadd.s32 $0xFFFFC000  }
0x9e: {  	_ =	sfence.sel $0x180000  }
0x9f: {  	[bflag:$0x0] =	sbarrier.arrive $0xFFFF  }
0xa0: {  	p0 =	sne.s32 s1, $0x0;
	_ =	strace $0x9000004D  }
0xa1: {  	s0 =	sadd.s32 @!p0 $0x100000, s0;
	[bflag:$0x2] =	sbarrier.arrive $0xFFFF  }
0xa2: {  	[sflag:s0] =	ssyncadd.tile.s32 @!p0 $0x1;
	_ =	shalt  }
.Lfunc_end2:
_tile_overlayer_lowered:
.L_overlay_start_2:
0xa3: {  	(tag) =	ssettag $0x2  }
0xa4: {  	s0 =	rddreg [dreg:$0x0];
	s2 =	stileid.u32  }
0xa5: {  	s1 =	rddreg [dreg:$0x1];
	p0 =	sne.s32 s2, $0x0  }
0xa6: {  	s3 =	rddreg [dreg:$0x2];
	[bflag:$0x3] =	sbarrier.arrive $0xFFFF;
	s2 =	simm.s32 @!p0 $0x1C02  }
0xa7: {  	[timem:s3], [sflag:s2] =	dma.local @!p0 [hbm:s0], s1  }
0xa8: {  	s0 =	simm.s32 @!p0 $0x2  }
0xa9: {  	_ =	swait.ge @!p0 [sflag:s0], s1  }
0xaa: {  	s1 =	ssub.s32 @!p0 $0x0, s1;
	[sflag:s0] =	ssyncset.done @!p0 $0x0  }
0xab: {  	[sflag:s0] =	ssyncadd.s32 @!p0 s1  }
0xac: {  	[bflag:$0x3] =	sbarrier.arrive $0xFFFF  }
0xad: {  	_ =	shalt  }

// kernel: kernel.24.cloned.1.call-start
scs
__scs_entry_jumppad:
0x0: {  	(pc) =	sbr.rel $0x88, $3  }
0x1: {  	(tag) =	ssettag $0x0;
	lr =	simm.s32 $0x1  }
0x2: {  	[smem:$0x3F8D] =	sst lr;
	_ =	strace $0xD0000000  }
0x3: {  	_ = 	snop  }
0x4: {  	_ = 	snop  }
0x5: {  	_ = 	snop  }
0x6: {  	_ = 	snop  }
0x7: {  	_ = 	snop  }
__scs_overlays_trampoline_lowered:
0x8: {  	[smem:$0x3F9C] =	sst s0  }
0x9: {  	[smem:$0x3F9D] =	sst s1  }
0xa: {  	[smem:$0x3F9E] =	sst s2  }
0xb: {  	[smem:$0x3F9F] =	sst s3  }
0xc: {  	[smem:$0x3FA0] =	sst s4  }
0xd: {  	[smem:$0x3FA1] =	sst s5  }
0xe: {  	[smem:$0x3FA2] =	sst s6  }
0xf: {  	[smem:$0x3FA3] =	sst s7  }
0x10: {  	[smem:$0x3FA4] =	sst s8  }
0x11: {  	[smem:$0x3FA5] =	sst s9;
	s0 =	simm.s32 @!p0 $0x0  }
0x12: {  	s1 =	sld [smem:$0x3F8B];
	s0 =	simm.s32 @p0 $0x1  }
0x13: {  	[smem:$0x3FA6] =	sst s0;
	s0 =	simm.s32 @!p1 $0x0  }
0x14: {  	s2 =	sld [smem:$0x3F8A];
	s0 =	simm.s32 @p1 $0x1  }
0x15: {  	[smem:$0x3FA7] =	sst s0;
	s0 =	simm.s32 @!p2 $0x0  }
0x16: {  	s3 =	sld [smem:$0x3FDB];
	s0 =	simm.s32 @p2 $0x1  }
0x17: {  	s4 =	simm.s32 $0x1BF5;
	[smem:$0x3FA9] =	sst s0  }
0x18: {  	s0 =	sld [smem:$0x3F8C];
	_ =	swait.ge [sflag:s4], $0x0  }
0x19: {  	s7 =	sld [smem:$0x3F8D]  }
0x1a: {  	s8 =	sadd.s32 $0xFFFFE003, lr  }
0x1b: {  	s9 =	sadd.s32 $0xFFFFFEF7, lr;
	s5 =	simm.s32 $0xFFFFFFFF;
	p2 =	slt.u32 s8, $0xFFFFF086  }
0x1c: {  	p1 =	slt.u32 s9, $0xF7A;
	s5 =	simm.s32 @!p2 $0x0  }
0x1d: {  	s5 =	simm.s32 @p1 $0x1;
	p0 =	seq.s32 s7, s2  }
0x1e: {  	s7 =	smul.u32 @!p0 $0xF7A, s2;
	p2 =	seq.s32 @!p0 s5, $0x0  }
0x1f: {  	s9 =	smul.u32 $0xF7A, s1;
	s8 =	simm.s32 @!p0 $0x1BF5;
	p2 =	por !p2, p0  }
0x20: {  	[sflag:s8] =	ssyncset.s32 @!p0 $0xFFFFF086;
	s6 =	sadd.s32 @!p0 s3, s7;
	s7 =	simm.s32 @!p0 $0x108  }
0x21: {  	s3 =	sadd.s32 s3, s9;
	s6 =	sadd.s32 @!p0 $0x88, s6;
	s7 =	simm.s32 @p2 $0x1082  }
0x22: {  	[simem:s7], [sflag:s8] =	dma.local @!p0 [hbm:s6], $0xF7A  }
0x23: {  	s9 =	sor.u32 $0xD0000000, s2;
	s6 =	simm.s32 $0x108;
	_ =	swait.ge @!p0 [sflag:s8], $0x0  }
0x24: {  	s3 =	sadd.s32 $0x88, s3;
	s6 =	simm.s32 @!p1 $0x1082;
	[sflag:s4] =	ssyncset.s32 $0xFFFFF086  }
0x25: {  	[simem:s6], [sflag:s4] =	dma.local [hbm:s3], $0xF7A  }
0x26: {  	[smem:$0x3F8D] =	sst s1;
	(tag) =	ssettag s2;
	_ =	strace s9  }
0x27: {  	s1 =	sld [smem:$0x3F9D]  }
0x28: {  	s2 =	sld [smem:$0x3F9E]  }
0x29: {  	s4 =	sld [smem:$0x3FA0]  }
0x2a: {  	p0 =	seq.s32 s5, $0x0;
	s5 =	sld [smem:$0x3FA1]  }
0x2b: {  	s6 =	sld [smem:$0x3FA2]  }
0x2c: {  	s7 =	sld [smem:$0x3FA3]  }
0x2d: {  	s3 =	simm.s32 $0x108;
	s8 =	sld [smem:$0x3FA4]  }
0x2e: {  	s3 =	simm.s32 @!p0 $0x1082;
	s9 =	sld [smem:$0x3FA5]  }
0x2f: {  	lr =	sadd.s32 s0, s3;
	s0 =	sld [smem:$0x3F9C]  }
0x30: {  	s3 =	sld [smem:$0x3F9F]  }
0x31: {  	[smem:$0x3FA8] =	sst s10  }
0x32: {  	s10 =	sld [smem:$0x3FA6];
	_ =	sdelay $0x3  }
0x33: {  	p0 =	seq.s32 s10, $0x1;
	s10 =	sld [smem:$0x3FA8];
	_ =	sdelay $0x3  }
0x34: {  	[smem:$0x3FA8] =	sst s10  }
0x35: {  	s10 =	sld [smem:$0x3FA7];
	_ =	sdelay $0x3  }
0x36: {  	p1 =	seq.s32 s10, $0x1;
	s10 =	sld [smem:$0x3FA8];
	_ =	sdelay $0x3  }
0x37: {  	[smem:$0x3FA8] =	sst s10  }
0x38: {  	s10 =	sld [smem:$0x3FA9]  }
0x39: {  	_ = 	snop;
	(pc) =	sbr.ind lr, $3  }
0x3a: {  	_ = 	snop  }
0x3b: {  	_ = 	snop  }
0x3c: {  	p2 =	seq.s32 s10, $0x1;
	s10 =	sld [smem:$0x3FA8]  }
0x3d: {  	_ =	shalt  }
0x3e: {  	_ =	shalt  }
0x3f: {  	_ =	shalt  }
0x40: {  	_ =	shalt  }
0x41: {  	_ =	shalt  }
0x42: {  	_ =	shalt  }
0x43: {  	_ =	shalt  }
0x44: {  	_ =	shalt  }
0x45: {  	_ =	shalt  }
0x46: {  	_ =	shalt  }
0x47: {  	_ =	shalt  }
0x48: {  	_ =	shalt  }
0x49: {  	_ =	shalt  }
0x4a: {  	_ =	shalt  }
0x4b: {  	_ =	shalt  }
0x4c: {  	_ =	shalt  }
0x4d: {  	_ =	shalt  }
0x4e: {  	_ =	shalt  }
0x4f: {  	_ =	shalt  }
0x50: {  	_ =	shalt  }
0x51: {  	_ =	shalt  }
0x52: {  	_ =	shalt  }
0x53: {  	_ =	shalt  }
0x54: {  	_ =	shalt  }
0x55: {  	_ =	shalt  }
0x56: {  	_ =	shalt  }
0x57: {  	_ =	shalt  }
0x58: {  	_ =	shalt  }
0x59: {  	_ =	shalt  }
0x5a: {  	_ =	shalt  }
0x5b: {  	_ =	shalt  }
0x5c: {  	_ =	shalt  }
0x5d: {  	_ =	shalt  }
0x5e: {  	_ =	shalt  }
0x5f: {  	_ =	shalt  }
0x60: {  	_ =	shalt  }
0x61: {  	_ =	shalt  }
0x62: {  	_ =	shalt  }
0x63: {  	_ =	shalt  }
0x64: {  	_ =	shalt  }
0x65: {  	_ =	shalt  }
0x66: {  	_ =	shalt  }
0x67: {  	_ =	shalt  }
0x68: {  	_ =	shalt  }
0x69: {  	_ =	shalt  }
0x6a: {  	_ =	shalt  }
0x6b: {  	_ =	shalt  }
0x6c: {  	_ =	shalt  }
0x6d: {  	_ =	shalt  }
0x6e: {  	_ =	shalt  }
0x6f: {  	_ =	shalt  }
0x70: {  	_ =	shalt  }
0x71: {  	_ =	shalt  }
0x72: {  	_ =	shalt  }
0x73: {  	_ =	shalt  }
0x74: {  	_ =	shalt  }
0x75: {  	_ =	shalt  }
0x76: {  	_ =	shalt  }
0x77: {  	_ =	shalt  }
0x78: {  	_ =	shalt  }
0x79: {  	_ =	shalt  }
0x7a: {  	_ =	shalt  }
0x7b: {  	_ =	shalt  }
0x7c: {  	_ =	shalt  }
0x7d: {  	_ =	shalt  }
0x7e: {  	_ =	shalt  }
0x7f: {  	_ =	shalt  }
0x80: {  	_ =	shalt  }
0x81: {  	_ =	shalt  }
0x82: {  	_ =	shalt  }
0x83: {  	_ =	shalt  }
0x84: {  	_ =	shalt  }
0x85: {  	_ =	shalt  }
0x86: {  	_ =	shalt  }
0x87: {  	_ =	shalt  }
.Lfunc_end0:
.L_simem_size_0:
called_computation.3_lowered:
.L_overlay_start_0:
0x88: {  	s2 =	sld [smem:$0x3FD9]  }
0x89: {  	s3 =	sld [smem:$0x3FFE];
	_ =	sdelay $0x1  }
0x8a: {  	s1 =	srdreg.scid  }
0x8b: {  	s0 =	sand.u32 $0x1, s1  }
0x8c: {  	s16 =	sshll.u32 s0, $0xA;
	s2 =	sadd.s32 s3, s2  }
0x8d: {  	s2 =	sadd.s32 s2, s16  }
0x8e: {  	[smem:$0x3FB4] =	sst s2  }
0x8f: {  	_ = 	snop  }
0x90: {  	(tm) =	ssettm $0x1  }
0x91: {  	s17 =	sld [smem:$0x3FFB];
	_ =	sdelay $0x3  }
0x92: {  	_ =	strace s17  }
0x93: {  	s2 =	sld [smem:$0x3FFC];
	_ =	sdelay $0x3  }
0x94: {  	_ =	strace s2  }
0x95: {  	s2 =	sld [smem:$0x3FFD];
	_ =	sdelay $0x3  }
0x96: {  	_ =	strace s2  }
0x97: {  	_ =	strace $0x8FFFFFFF  }
0x98: {  	s18 =	sld [smem:$0x3FDB];
	_ =	sdelay $0x1  }
0x99: {  	s19 =	simm.s32 $_scs_section_size  }
0x9a: {  	s4 =	simm.s32 $_size__tile_overlayer_lowered;
	s5 =	simm.s32 $_tile_overlayer_lowered  }
0x9b: {  	s22 =	simm.s32 $0x1BFF;
	s21 =	sshll.u32 s5, $0x1;
	s2 =	sadd.s32 s19, s18  }
0x9c: {  	s6 =	simm.s32 $0x0;
	s20 =	sshll.u32 s4, $0x1;
	s4 =	sadd.s32 s21, s2  }
0x9d: {  	[timem:s6], [sflag:s22] =	dma.local [hbm:s4], s20  }
0x9e: {  	_ =	swait.ge [sflag:s22], s20  }
0x9f: {  	s3 =	ssub.s32 $0x0, s20;
	[sflag:s22] =	ssyncset.done $0x0  }
0xa0: {  	[sflag:s22] =	ssyncadd.s32 s3;
	_ =	sdelay $0x1  }
0xa1: {  	s23 =	simm.s32 $0x1B8B  }
0xa2: {  	_ =	swait.ge [sflag:s23], $0x1  }
0xa3: {  	[sflag:s23] =	ssyncset.done $0x0  }
0xa4: {  	s25 =	simm.s32 $0x1B8E;
	s24 =	sld [smem:$0x3FFE];
	[sflag:s23] =	ssyncadd.s32 $0xFFFFFFFF  }
0xa5: {  	s26 =	simm.s32 $execute0_lowered;
	[smem:$0x3FD2] =	sst s25  }
0xa6: {  	s4 =	sshll.u32 s26, $0x1;
	_ =	strace $0x8000004F;
	[dreg:$0x1] =	wrdreg $0xFFFFFFFF  }
0xa7: {  	s28 =	simm.s32 $_size_execute0_lowered;
	s2 =	sadd.s32 s2, s4;
	[dreg:$0x0] =	wrdreg $0x0  }
0xa8: {  	s4 =	sshll.u32 s28, $0x1;
	[dreg:$0x2] =	wrdreg s2  }
0xa9: {  	[dreg:$0x3] =	wrdreg s4  }
0xaa: {  	[dreg:$0x4] =	wrdreg $0xC0  }
0xab: {  	_ =	task [dreg:s6], $0x5FFFF  }
0xac: {  	[dreg:$0x1] =	wrdreg $0xFFFFFFFF  }
0xad: {  	[dreg:$0x0] =	wrdreg $0x60  }
0xae: {  	[dreg:$0x2] =	wrdreg s24  }
0xaf: {  	[dreg:$0x3] =	wrdreg $0x0  }
0xb0: {  	[dreg:$0x4] =	wrdreg $0x9  }
0xb1: {  	_ =	task.clear_ibuf [dreg:s6], $0x5FFFF;
	_ =	strace $0x9000004F  }
0xb2: {  	s29 =	simm.s32 $0x9;
	_ =	strace $0x80000051  }
0xb3: {  	_ =	swait.ge [sflag:s29], $0x1  }
0xb4: {  	[sflag:s29] =	ssyncadd.s32 $0xFFFFFFFF  }
0xb5: {  	_ =	strace $0x90000051  }
0xb6: {  	_ =	sfence  }
0xb7: {  	s30 =	sld [smem:$0x0];
	_ =	sdelay $0x2  }
0xb8: {  	s31 =	sshll.u32 s1, $0xD;
	s1 =	sshrl.u32 s1, $0x2  }
0xb9: {  	s3 =	sand.u32 $0x4000, s31;
	s1 =	sadd.s32 s1, s30  }
0xba: {  	s0 =	sor.u32 s3, s0;
	s1 =	sshll.u32 s1, $0x11  }
0xbb: {  	s0 =	sor.u32 s1, s0  }
0xbc: {  	s0 =	sadd.s32 $0x8F2B, s0  }
0xbd: {  	[sflag:s0] =	ssyncadd.remote.s32 $0x1  }
0xbe: {  	_ =	sfence.sel $0xFFFF  }
0xbf: {  	[dreg:$0x0] =	wrdreg $0xFFFFFFFF;
	(pc) =	sbr.abs _section_cstart, $3  }
0xc0: {  	[dreg:$0x1] =	wrdreg $0xFFFFFFFF  }
0xc1: {  	_ =	task.clear_ibuf [dreg:s6], $0x2FFFF;
	_ =	strace $0x9FFFFFFF  }
0xc2: {  	(tm) =	ssettm $0x7FFFFFFF  }
0xc3: {  	_ =	shalt  }
tec
execute0_lowered:
.L_overlay_start_1:
0x0: {  	(tag) =	ssettag $0x1  }
0x1: {  	s5 =	rddreg [dreg:$0x0]  }
0x2: {  	s2 =	rddreg [dreg:$0x1]  }
0x3: {  	s0 =	rddreg [dreg:$0x2]  }
0x4: {  	s3 =	simm.s32 $0x0;
	s1 =	stileid.u32;
	s7 =	srdreg.scid  }
0x5: {  	s20 =	simm.s32 $0x14000;
	s21 =	simm.s32 $0x50;
	s22 =	simm.s32 $0x14080  }
0x6: {  	s23 =	simm.s32 $0x14180;
	s25 =	simm.s32 $0x1;
	s6 =	smul.u32 $0x9C4, s1  }
0x7: {  	s26 =	simm.s32 $0x0;
	[smem:$0x7FF] =	sst s3;
	s29 =	smul.u32 $0x50000, s1  }
0x8: {  	s4 =	sadd.s32 $0x18800, s5;
	s10 =	sand.u32 $0x1, s7;
	s9 =	smul.u32 $0x14000, s1  }
0x9: {  	s14 =	sadd.s32 $0xB8800, s5;
	_ =	strace $0x80000050;
	s16 =	smul.u32 $0x140000, s10  }
0xa: {  	s30 =	ssub.s32 $0x2, s10;
	s24 =	smul.u32 $0x2800, s10;
	s17 =	sadd.s32 s6, s5  }
0xb: {  	s31 =	sshrl.u32 s30, $0x1;
	s7 =	sshrl.u32 s29, $0x2;
	s11 =	sadd.s32 $0x4000, s9  }
0xc: {  	s12 =	sadd.s32 $0x8000, s9;
	s13 =	sadd.s32 $0xC000, s9;
	s18 =	sadd.s32 $0x10000, s9  }
0xd: {  	s15 =	ssub.s32 s30, s31;
	s5 =	sadd.s32 s7, s2;
	s6 =	sadd.s32 s11, s2  }
0xe: {  	s7 =	sadd.s32 s12, s2;
	s8 =	sadd.s32 s13, s2;
	s19 =	sadd.s32 s9, s16  }
0xf: {  	s11 =	sadd.s32 s16, s11;
	s9 =	sadd.s32 s18, s2;
	s12 =	sadd.s32 s16, s12  }
0x10: {  	s13 =	sadd.s32 s16, s13;
	s16 =	sadd.s32 s16, s18;
	s18 =	simm.s32 $0x16980  }
0x11: {  	v0 =	vmov s24;
	s24 =	simm.s32 $0x14100;
	s19 =	sshrl.u32 s19, $0x3;
	s11 =	sshrl.u32 s11, $0x3  }
0x12: {  	s12 =	sshrl.u32 s12, $0x3;
	s13 =	sshrl.u32 s13, $0x3;
	s16 =	sshrl.u32 s16, $0x3  }
0x13: {  	s15 =	smax.u32 s15, $0x1;
	s10 =	sadd.s32 s14, s19;
	s11 =	sadd.s32 s14, s11  }
0x14: {  	s12 =	sadd.s32 s14, s12;
	s13 =	sadd.s32 s14, s13;
	s14 =	sadd.s32 s14, s16  }
0x15: {  	v1 =	vimm.f32 $0.0e+00;
	s16 =	sadd.s32 $0xEA00, s17;
	s17 =	sadd.s32 $0x4C00, s17;
	s19 =	simm.s32 $0x2  }
.LBB2_1:
0x16: {  	s28 =	simm.s32 $0x0;
	s29 =	simm.s32 $0x200  }
.LBB2_2:
0x17: {  	p0 =	sne.s32 s29, $0xFE00;
	[tilespmem:s28+$0x169F0] =	vst v1  }
0x18: {  	[tilespmem:s28+$0x16980] =	vst v1  }
0x19: {  	[tilespmem:s28+$0x16990] =	vst v1  }
.Ltmp0:
0x1a: {  	[tilespmem:s28+$0x169A0] =	vst v1;
	(pc) =	sbr.rel @p0 .LBB2_2-.Ltmp0, $4  }
0x1b: {  	[tilespmem:s28+$0x169B0] =	vst v1  }
0x1c: {  	[tilespmem:s28+$0x169C0] =	vst v1  }
0x1d: {  	[tilespmem:s28+$0x169D0] =	vst v1  }
0x1e: {  	[tilespmem:s28+$0x169E0] =	vst v1;
	s28 =	sshra.s32 s29, $0x2;
	s29 =	sadd.s32 $0x200, s29  }
0x1f: {  	[tilespmem:s28+$0x169F0] =	vst v1  }
0x20: {  	[tilespmem:s28+$0x16980] =	vst v1  }
0x21: {  	[tilespmem:s28+$0x16990] =	vst v1  }
0x22: {  	[tilespmem:s28+$0x169A0] =	vst v1  }
0x23: {  	[tilespmem:s28+$0x169B0] =	vst v1  }
0x24: {  	[tilespmem:s28+$0x169C0] =	vst v1  }
0x25: {  	[tilespmem:s28+$0x169D0] =	vst v1  }
0x26: {  	[tilespmem:s28+$0x169E0] =	vst v1  }
0x27: {  	[spmem:s5] =	stream.linear.scatter [tilespmem:s18], [sflag:$0x2], $0x4000, $0x38;
	[tilespmem:$0x1A980] =	vst v63  }
0x28: {  	_ =	swait.ge [sflag:s19], $0x4000  }
0x29: {  	[sflag:s19] =	ssyncset.done $0x0  }
0x2a: {  	[sflag:s19] =	ssyncadd.s32 $0xFFFFC000  }
0x2b: {  	[spmem:s6] =	stream.linear.scatter [tilespmem:s18], [sflag:$0x2], $0x4000, $0x38;
	[tilespmem:$0x1A980] =	vst v63  }
0x2c: {  	_ =	swait.ge [sflag:s19], $0x4000  }
0x2d: {  	[sflag:s19] =	ssyncset.done $0x0  }
0x2e: {  	[sflag:s19] =	ssyncadd.s32 $0xFFFFC000  }
0x2f: {  	[spmem:s7] =	stream.linear.scatter [tilespmem:s18], [sflag:$0x2], $0x4000, $0x38;
	[tilespmem:$0x1A980] =	vst v63  }
0x30: {  	_ =	swait.ge [sflag:s19], $0x4000  }
0x31: {  	[sflag:s19] =	ssyncset.done $0x0  }
0x32: {  	[sflag:s19] =	ssyncadd.s32 $0xFFFFC000  }
0x33: {  	[spmem:s8] =	stream.linear.scatter [tilespmem:s18], [sflag:$0x2], $0x4000, $0x38;
	[tilespmem:$0x1A980] =	vst v63  }
0x34: {  	_ =	swait.ge [sflag:s19], $0x4000  }
0x35: {  	[sflag:s19] =	ssyncset.done $0x0  }
0x36: {  	[sflag:s19] =	ssyncadd.s32 $0xFFFFC000  }
0x37: {  	[spmem:s9] =	stream.linear.scatter [tilespmem:s18], [sflag:$0x2], $0x4000, $0x38;
	[tilespmem:$0x1A980] =	vst v63  }
0x38: {  	_ =	swait.ge [sflag:s19], $0x4000  }
0x39: {  	[sflag:s19] =	ssyncset.done $0x0  }
0x3a: {  	[sflag:s19] =	ssyncadd.s32 $0xFFFFC000  }
0x3b: {  	s28 =	sadd.s32 $0x0, s17;
	[bflag:$0x0] =	sbarrier.arrive $0xFFFF  }
0x3c: {  	[tilespmem:s20], [sflag:$0x2] =	stream.linear.gather [hbm4b:s28+s3], $0x50, $0x38;
	[tilespmem:$0x1A980] =	vst v63  }
0x3d: {  	_ =	swait.ge [sflag:s19], $0x50  }
0x3e: {  	[sflag:s19] =	ssyncset.done $0x0  }
0x3f: {  	[sflag:s19] =	ssyncadd.s32 $0xFFFFFFB0  }
0x40: {  	v2 =	vld [tilespmem:$0x14040]  }
0x41: {  	v3 =	vld [tilespmem:$0x14020]  }
0x42: {  	v4 =	vld [tilespmem:$0x14030]  }
0x43: {  	v5 =	vld [tilespmem:$0x14010]  }
0x44: {  	v6 =	vld [tilespmem:$0x14000]  }
0x45: {  	v2 =	vadd.s32 v0, v2  }
0x46: {  	v3 =	vadd.s32 v0, v3;
	[tilespmem:$0x140C0] =	vst v2  }
0x47: {  	[tilespmem:$0x140A0] =	vst v3;
	v2 =	vadd.s32 v0, v4  }
0x48: {  	v3 =	vadd.s32 v0, v5;
	[tilespmem:$0x140B0] =	vst v2  }
0x49: {  	v2 =	vadd.s32 v0, v6;
	[tilespmem:$0x14090] =	vst v3  }
0x4a: {  	[tilespmem:$0x14080] =	vst v2  }
0x4b: {  	[tilespmem:s23], [sflag:$0x1] =	stream.indirect.gather [hbm4b:s4+s21], $0x80, s22, s21, $0xb8;
	[tilespmem:$0x1A980] =	vst v63  }
0x4c: {  	s28 =	sadd.s32 $0x0, s16  }
0x4d: {  	[tilespmem:s24], [sflag:$0x2] =	stream.linear.gather [hbm4b:s28+s3], $0x50, $0x38;
	[tilespmem:$0x1A980] =	vst v63  }
0x4e: {  	_ =	swait.ge [sflag:s19], $0x50  }
0x4f: {  	[sflag:s19] =	ssyncset.done $0x0  }
0x50: {  	[sflag:s19] =	ssyncadd.s32 $0xFFFFFFB0  }
0x51: {  	_ =	swait.ge [sflag:s25], $0x2800  }
0x52: {  	s28 =	simm.s32 $0xA;
	[sflag:s25] =	ssyncset.done $0x0  }
.LBB2_4:
0x53: {  	p0 =	sne.s32 s28, $0x9BA  }
0x54: {  	[sflag:s25] =	ssyncadd.s32 $0xFFFFD800;
	s29 =	smov.u32 s28;
	s28 =	sadd.s32 $0xA, s28  }
0x55: {  	[spmem:s2] =	stream.indirect.scatter.add.f32 [tilespmem:s23], [sflag:$0x2], $0x80, s24, s21, $0xb8;
	[tilespmem:$0x1A980] =	vst v63  }
0x56: {  	_ =	swait.ge [sflag:s19], $0x2800  }
0x57: {  	[sflag:s19] =	ssyncset.done $0x0  }
0x58: {  	s30 =	sadd.s32 s29, s17;
	[sflag:s19] =	ssyncadd.s32 $0xFFFFD800  }
0x59: {  	[tilespmem:s20], [sflag:$0x2] =	stream.linear.gather [hbm4b:s30+s3], $0x50, $0x38;
	[tilespmem:$0x1A980] =	vst v63  }
0x5a: {  	_ =	swait.ge [sflag:s19], $0x50  }
0x5b: {  	[sflag:s19] =	ssyncset.done $0x0  }
0x5c: {  	[sflag:s19] =	ssyncadd.s32 $0xFFFFFFB0  }
0x5d: {  	v2 =	vld [tilespmem:$0x14040]  }
0x5e: {  	v3 =	vld [tilespmem:$0x14020]  }
0x5f: {  	v4 =	vld [tilespmem:$0x14030]  }
0x60: {  	v5 =	vld [tilespmem:$0x14010]  }
0x61: {  	v6 =	vld [tilespmem:$0x14000]  }
0x62: {  	v2 =	vadd.s32 v0, v2  }
0x63: {  	v3 =	vadd.s32 v0, v3;
	[tilespmem:$0x140C0] =	vst v2  }
0x64: {  	[tilespmem:$0x140A0] =	vst v3;
	v2 =	vadd.s32 v0, v4  }
0x65: {  	v3 =	vadd.s32 v0, v5;
	[tilespmem:$0x140B0] =	vst v2  }
0x66: {  	v2 =	vadd.s32 v0, v6;
	[tilespmem:$0x14090] =	vst v3  }
0x67: {  	[tilespmem:$0x14080] =	vst v2  }
0x68: {  	[tilespmem:s23], [sflag:$0x1] =	stream.indirect.gather [hbm4b:s4+s21], $0x80, s22, s21, $0xb8;
	[tilespmem:$0x1A980] =	vst v63  }
0x69: {  	s29 =	sadd.s32 s29, s16  }
0x6a: {  	[tilespmem:s24], [sflag:$0x2] =	stream.linear.gather [hbm4b:s29+s3], $0x50, $0x38;
	[tilespmem:$0x1A980] =	vst v63  }
.Ltmp1:
0x6b: {  	_ =	swait.ge [sflag:s19], $0x50;
	(pc) =	sbr.rel @p0 .LBB2_4-.Ltmp1, $4  }
0x6c: {  	[sflag:s19] =	ssyncset.done $0x0  }
0x6d: {  	[sflag:s19] =	ssyncadd.s32 $0xFFFFFFB0  }
0x6e: {  	_ =	swait.ge [sflag:s25], $0x2800  }
0x6f: {  	[sflag:s25] =	ssyncset.done $0x0  }
0x70: {  	[sflag:s25] =	ssyncadd.s32 $0xFFFFD800  }
0x71: {  	[spmem:s2] =	stream.indirect.scatter.add.f32 [tilespmem:s23], [sflag:$0x2], $0x80, s24, s21, $0xb8;
	[tilespmem:$0x1A980] =	vst v63  }
0x72: {  	_ =	swait.ge [sflag:s19], $0x2800  }
0x73: {  	[sflag:s19] =	ssyncset.done $0x0  }
0x74: {  	[sflag:s19] =	ssyncadd.s32 $0xFFFFD800  }
0x75: {  	[bflag:$0x0] =	sbarrier.arrive $0xFFFF  }
0x76: {  	[tilespmem:s18], [sflag:$0x2] =	stream.linear.gather [spmem:s5], $0x4000, $0x38;
	[tilespmem:$0x1A980] =	vst v63  }
0x77: {  	_ =	swait.ge [sflag:s19], $0x4000  }
0x78: {  	[sflag:s19] =	ssyncset.done $0x0  }
0x79: {  	[sflag:s19] =	ssyncadd.s32 $0xFFFFC000  }
0x7a: {  	[hbm4b:s10+s3] =	stream.linear.scatter [tilespmem:s18], [sflag:$0x2], $0x4000, $0x38;
	[tilespmem:$0x1A980] =	vst v63  }
0x7b: {  	_ =	swait.ge [sflag:s19], $0x4000  }
0x7c: {  	[sflag:s19] =	ssyncset.done $0x0  }
0x7d: {  	[sflag:s19] =	ssyncadd.s32 $0xFFFFC000  }
0x7e: {  	[tilespmem:s18], [sflag:$0x2] =	stream.linear.gather [spmem:s6], $0x4000, $0x38;
	[tilespmem:$0x1A980] =	vst v63  }
0x7f: {  	_ =	swait.ge [sflag:s19], $0x4000  }
0x80: {  	[sflag:s19] =	ssyncset.done $0x0  }
0x81: {  	[sflag:s19] =	ssyncadd.s32 $0xFFFFC000  }
0x82: {  	[hbm4b:s11+s3] =	stream.linear.scatter [tilespmem:s18], [sflag:$0x2], $0x4000, $0x38;
	[tilespmem:$0x1A980] =	vst v63  }
0x83: {  	_ =	swait.ge [sflag:s19], $0x4000  }
0x84: {  	[sflag:s19] =	ssyncset.done $0x0  }
0x85: {  	[sflag:s19] =	ssyncadd.s32 $0xFFFFC000  }
0x86: {  	[tilespmem:s18], [sflag:$0x2] =	stream.linear.gather [spmem:s7], $0x4000, $0x38;
	[tilespmem:$0x1A980] =	vst v63  }
0x87: {  	_ =	swait.ge [sflag:s19], $0x4000  }
0x88: {  	[sflag:s19] =	ssyncset.done $0x0  }
0x89: {  	[sflag:s19] =	ssyncadd.s32 $0xFFFFC000  }
0x8a: {  	[hbm4b:s12+s3] =	stream.linear.scatter [tilespmem:s18], [sflag:$0x2], $0x4000, $0x38;
	[tilespmem:$0x1A980] =	vst v63  }
0x8b: {  	_ =	swait.ge [sflag:s19], $0x4000  }
0x8c: {  	[sflag:s19] =	ssyncset.done $0x0  }
0x8d: {  	[sflag:s19] =	ssyncadd.s32 $0xFFFFC000  }
0x8e: {  	[tilespmem:s18], [sflag:$0x2] =	stream.linear.gather [spmem:s8], $0x4000, $0x38;
	[tilespmem:$0x1A980] =	vst v63  }
0x8f: {  	_ =	swait.ge [sflag:s19], $0x4000  }
0x90: {  	[sflag:s19] =	ssyncset.done $0x0  }
0x91: {  	[sflag:s19] =	ssyncadd.s32 $0xFFFFC000  }
0x92: {  	[hbm4b:s13+s3] =	stream.linear.scatter [tilespmem:s18], [sflag:$0x2], $0x4000, $0x38;
	[tilespmem:$0x1A980] =	vst v63  }
0x93: {  	_ =	swait.ge [sflag:s19], $0x4000  }
0x94: {  	[sflag:s19] =	ssyncset.done $0x0  }
0x95: {  	[sflag:s19] =	ssyncadd.s32 $0xFFFFC000  }
0x96: {  	[tilespmem:s18], [sflag:$0x2] =	stream.linear.gather [spmem:s9], $0x4000, $0x38;
	[tilespmem:$0x1A980] =	vst v63  }
0x97: {  	s26 =	sadd.s32 $0x1, s26;
	_ =	swait.ge [sflag:s19], $0x4000  }
0x98: {  	p0 =	sne.s32 s26, s15;
	[sflag:s19] =	ssyncset.done $0x0  }
.Ltmp2:
0x99: {  	[sflag:s19] =	ssyncadd.s32 $0xFFFFC000;
	(pc) =	sbr.rel @p0 .LBB2_1-.Ltmp2, $4  }
0x9a: {  	[hbm4b:s14+s3] =	stream.linear.scatter [tilespmem:s18], [sflag:$0x2], $0x4000, $0x38;
	[tilespmem:$0x1A980] =	vst v63  }
0x9b: {  	_ =	swait.ge [sflag:s19], $0x4000  }
0x9c: {  	[sflag:s19] =	ssyncset.done $0x0  }
0x9d: {  	[sflag:s19] =	ssyncadd.s32 $0xFFFFC000  }
0x9e: {  	_ =	sfence.sel $0x180000  }
0x9f: {  	[bflag:$0x0] =	sbarrier.arrive $0xFFFF  }
0xa0: {  	p0 =	sne.s32 s1, $0x0;
	_ =	strace $0x90000050  }
0xa1: {  	s0 =	sadd.s32 @!p0 $0x100000, s0;
	[bflag:$0x2] =	sbarrier.arrive $0xFFFF  }
0xa2: {  	[sflag:s0] =	ssyncadd.tile.s32 @!p0 $0x1;
	_ =	shalt  }
.Lfunc_end2:
_tile_overlayer_lowered:
.L_overlay_start_2:
0xa3: {  	(tag) =	ssettag $0x2  }
0xa4: {  	s0 =	rddreg [dreg:$0x0];
	s2 =	stileid.u32  }
0xa5: {  	s1 =	rddreg [dreg:$0x1];
	p0 =	sne.s32 s2, $0x0  }
0xa6: {  	s3 =	rddreg [dreg:$0x2];
	[bflag:$0x3] =	sbarrier.arrive $0xFFFF;
	s2 =	simm.s32 @!p0 $0x1C02  }
0xa7: {  	[timem:s3], [sflag:s2] =	dma.local @!p0 [hbm:s0], s1  }
0xa8: {  	s0 =	simm.s32 @!p0 $0x2  }
0xa9: {  	_ =	swait.ge @!p0 [sflag:s0], s1  }
0xaa: {  	s1 =	ssub.s32 @!p0 $0x0, s1;
	[sflag:s0] =	ssyncset.done @!p0 $0x0  }
0xab: {  	[sflag:s0] =	ssyncadd.s32 @!p0 s1  }
0xac: {  	[bflag:$0x3] =	sbarrier.arrive $0xFFFF  }
0xad: {  	_ =	shalt  }

// kernel: kernel.27.cloned.1.call-start
scs
__scs_entry_jumppad:
0x0: {  	(pc) =	sbr.rel $0x88, $3  }
0x1: {  	(tag) =	ssettag $0x0;
	lr =	simm.s32 $0x1  }
0x2: {  	[smem:$0x3F8D] =	sst lr;
	_ =	strace $0xD0000000  }
0x3: {  	_ = 	snop  }
0x4: {  	_ = 	snop  }
0x5: {  	_ = 	snop  }
0x6: {  	_ = 	snop  }
0x7: {  	_ = 	snop  }
__scs_overlays_trampoline_lowered:
0x8: {  	[smem:$0x3F9C] =	sst s0  }
0x9: {  	[smem:$0x3F9D] =	sst s1  }
0xa: {  	[smem:$0x3F9E] =	sst s2  }
0xb: {  	[smem:$0x3F9F] =	sst s3  }
0xc: {  	[smem:$0x3FA0] =	sst s4  }
0xd: {  	[smem:$0x3FA1] =	sst s5  }
0xe: {  	[smem:$0x3FA2] =	sst s6  }
0xf: {  	[smem:$0x3FA3] =	sst s7  }
0x10: {  	[smem:$0x3FA4] =	sst s8  }
0x11: {  	[smem:$0x3FA5] =	sst s9;
	s0 =	simm.s32 @!p0 $0x0  }
0x12: {  	s1 =	sld [smem:$0x3F8B];
	s0 =	simm.s32 @p0 $0x1  }
0x13: {  	[smem:$0x3FA6] =	sst s0;
	s0 =	simm.s32 @!p1 $0x0  }
0x14: {  	s2 =	sld [smem:$0x3F8A];
	s0 =	simm.s32 @p1 $0x1  }
0x15: {  	[smem:$0x3FA7] =	sst s0;
	s0 =	simm.s32 @!p2 $0x0  }
0x16: {  	s3 =	sld [smem:$0x3FDB];
	s0 =	simm.s32 @p2 $0x1  }
0x17: {  	s4 =	simm.s32 $0x1BF5;
	[smem:$0x3FA9] =	sst s0  }
0x18: {  	s0 =	sld [smem:$0x3F8C];
	_ =	swait.ge [sflag:s4], $0x0  }
0x19: {  	s7 =	sld [smem:$0x3F8D]  }
0x1a: {  	s8 =	sadd.s32 $0xFFFFE003, lr  }
0x1b: {  	s9 =	sadd.s32 $0xFFFFFEF7, lr;
	s5 =	simm.s32 $0xFFFFFFFF;
	p2 =	slt.u32 s8, $0xFFFFF086  }
0x1c: {  	p1 =	slt.u32 s9, $0xF7A;
	s5 =	simm.s32 @!p2 $0x0  }
0x1d: {  	s5 =	simm.s32 @p1 $0x1;
	p0 =	seq.s32 s7, s2  }
0x1e: {  	s7 =	smul.u32 @!p0 $0xF7A, s2;
	p2 =	seq.s32 @!p0 s5, $0x0  }
0x1f: {  	s9 =	smul.u32 $0xF7A, s1;
	s8 =	simm.s32 @!p0 $0x1BF5;
	p2 =	por !p2, p0  }
0x20: {  	[sflag:s8] =	ssyncset.s32 @!p0 $0xFFFFF086;
	s6 =	sadd.s32 @!p0 s3, s7;
	s7 =	simm.s32 @!p0 $0x108  }
0x21: {  	s3 =	sadd.s32 s3, s9;
	s6 =	sadd.s32 @!p0 $0x88, s6;
	s7 =	simm.s32 @p2 $0x1082  }
0x22: {  	[simem:s7], [sflag:s8] =	dma.local @!p0 [hbm:s6], $0xF7A  }
0x23: {  	s9 =	sor.u32 $0xD0000000, s2;
	s6 =	simm.s32 $0x108;
	_ =	swait.ge @!p0 [sflag:s8], $0x0  }
0x24: {  	s3 =	sadd.s32 $0x88, s3;
	s6 =	simm.s32 @!p1 $0x1082;
	[sflag:s4] =	ssyncset.s32 $0xFFFFF086  }
0x25: {  	[simem:s6], [sflag:s4] =	dma.local [hbm:s3], $0xF7A  }
0x26: {  	[smem:$0x3F8D] =	sst s1;
	(tag) =	ssettag s2;
	_ =	strace s9  }
0x27: {  	s1 =	sld [smem:$0x3F9D]  }
0x28: {  	s2 =	sld [smem:$0x3F9E]  }
0x29: {  	s4 =	sld [smem:$0x3FA0]  }
0x2a: {  	p0 =	seq.s32 s5, $0x0;
	s5 =	sld [smem:$0x3FA1]  }
0x2b: {  	s6 =	sld [smem:$0x3FA2]  }
0x2c: {  	s7 =	sld [smem:$0x3FA3]  }
0x2d: {  	s3 =	simm.s32 $0x108;
	s8 =	sld [smem:$0x3FA4]  }
0x2e: {  	s3 =	simm.s32 @!p0 $0x1082;
	s9 =	sld [smem:$0x3FA5]  }
0x2f: {  	lr =	sadd.s32 s0, s3;
	s0 =	sld [smem:$0x3F9C]  }
0x30: {  	s3 =	sld [smem:$0x3F9F]  }
0x31: {  	[smem:$0x3FA8] =	sst s10  }
0x32: {  	s10 =	sld [smem:$0x3FA6];
	_ =	sdelay $0x3  }
0x33: {  	p0 =	seq.s32 s10, $0x1;
	s10 =	sld [smem:$0x3FA8];
	_ =	sdelay $0x3  }
0x34: {  	[smem:$0x3FA8] =	sst s10  }
0x35: {  	s10 =	sld [smem:$0x3FA7];
	_ =	sdelay $0x3  }
0x36: {  	p1 =	seq.s32 s10, $0x1;
	s10 =	sld [smem:$0x3FA8];
	_ =	sdelay $0x3  }
0x37: {  	[smem:$0x3FA8] =	sst s10  }
0x38: {  	s10 =	sld [smem:$0x3FA9]  }
0x39: {  	_ = 	snop;
	(pc) =	sbr.ind lr, $3  }
0x3a: {  	_ = 	snop  }
0x3b: {  	_ = 	snop  }
0x3c: {  	p2 =	seq.s32 s10, $0x1;
	s10 =	sld [smem:$0x3FA8]  }
0x3d: {  	_ =	shalt  }
0x3e: {  	_ =	shalt  }
0x3f: {  	_ =	shalt  }
0x40: {  	_ =	shalt  }
0x41: {  	_ =	shalt  }
0x42: {  	_ =	shalt  }
0x43: {  	_ =	shalt  }
0x44: {  	_ =	shalt  }
0x45: {  	_ =	shalt  }
0x46: {  	_ =	shalt  }
0x47: {  	_ =	shalt  }
0x48: {  	_ =	shalt  }
0x49: {  	_ =	shalt  }
0x4a: {  	_ =	shalt  }
0x4b: {  	_ =	shalt  }
0x4c: {  	_ =	shalt  }
0x4d: {  	_ =	shalt  }
0x4e: {  	_ =	shalt  }
0x4f: {  	_ =	shalt  }
0x50: {  	_ =	shalt  }
0x51: {  	_ =	shalt  }
0x52: {  	_ =	shalt  }
0x53: {  	_ =	shalt  }
0x54: {  	_ =	shalt  }
0x55: {  	_ =	shalt  }
0x56: {  	_ =	shalt  }
0x57: {  	_ =	shalt  }
0x58: {  	_ =	shalt  }
0x59: {  	_ =	shalt  }
0x5a: {  	_ =	shalt  }
0x5b: {  	_ =	shalt  }
0x5c: {  	_ =	shalt  }
0x5d: {  	_ =	shalt  }
0x5e: {  	_ =	shalt  }
0x5f: {  	_ =	shalt  }
0x60: {  	_ =	shalt  }
0x61: {  	_ =	shalt  }
0x62: {  	_ =	shalt  }
0x63: {  	_ =	shalt  }
0x64: {  	_ =	shalt  }
0x65: {  	_ =	shalt  }
0x66: {  	_ =	shalt  }
0x67: {  	_ =	shalt  }
0x68: {  	_ =	shalt  }
0x69: {  	_ =	shalt  }
0x6a: {  	_ =	shalt  }
0x6b: {  	_ =	shalt  }
0x6c: {  	_ =	shalt  }
0x6d: {  	_ =	shalt  }
0x6e: {  	_ =	shalt  }
0x6f: {  	_ =	shalt  }
0x70: {  	_ =	shalt  }
0x71: {  	_ =	shalt  }
0x72: {  	_ =	shalt  }
0x73: {  	_ =	shalt  }
0x74: {  	_ =	shalt  }
0x75: {  	_ =	shalt  }
0x76: {  	_ =	shalt  }
0x77: {  	_ =	shalt  }
0x78: {  	_ =	shalt  }
0x79: {  	_ =	shalt  }
0x7a: {  	_ =	shalt  }
0x7b: {  	_ =	shalt  }
0x7c: {  	_ =	shalt  }
0x7d: {  	_ =	shalt  }
0x7e: {  	_ =	shalt  }
0x7f: {  	_ =	shalt  }
0x80: {  	_ =	shalt  }
0x81: {  	_ =	shalt  }
0x82: {  	_ =	shalt  }
0x83: {  	_ =	shalt  }
0x84: {  	_ =	shalt  }
0x85: {  	_ =	shalt  }
0x86: {  	_ =	shalt  }
0x87: {  	_ =	shalt  }
.Lfunc_end0:
.L_simem_size_0:
called_computation.4_lowered:
.L_overlay_start_0:
0x88: {  	s2 =	sld [smem:$0x3FD9]  }
0x89: {  	s3 =	sld [smem:$0x3FFE];
	_ =	sdelay $0x1  }
0x8a: {  	s1 =	srdreg.scid  }
0x8b: {  	s0 =	sand.u32 $0x1, s1  }
0x8c: {  	s16 =	sshll.u32 s0, $0xA;
	s2 =	sadd.s32 s3, s2  }
0x8d: {  	s2 =	sadd.s32 s2, s16  }
0x8e: {  	[smem:$0x3FB4] =	sst s2  }
0x8f: {  	_ = 	snop  }
0x90: {  	(tm) =	ssettm $0x1  }
0x91: {  	s17 =	sld [smem:$0x3FFB];
	_ =	sdelay $0x3  }
0x92: {  	_ =	strace s17  }
0x93: {  	s2 =	sld [smem:$0x3FFC];
	_ =	sdelay $0x3  }
0x94: {  	_ =	strace s2  }
0x95: {  	s2 =	sld [smem:$0x3FFD];
	_ =	sdelay $0x3  }
0x96: {  	_ =	strace s2  }
0x97: {  	_ =	strace $0x8FFFFFFF  }
0x98: {  	s18 =	sld [smem:$0x3FDB];
	_ =	sdelay $0x1  }
0x99: {  	s19 =	simm.s32 $_scs_section_size  }
0x9a: {  	s4 =	simm.s32 $_size__tile_overlayer_lowered;
	s5 =	simm.s32 $_tile_overlayer_lowered  }
0x9b: {  	s22 =	simm.s32 $0x1BFF;
	s21 =	sshll.u32 s5, $0x1;
	s2 =	sadd.s32 s19, s18  }
0x9c: {  	s6 =	simm.s32 $0x0;
	s20 =	sshll.u32 s4, $0x1;
	s4 =	sadd.s32 s21, s2  }
0x9d: {  	[timem:s6], [sflag:s22] =	dma.local [hbm:s4], s20  }
0x9e: {  	_ =	swait.ge [sflag:s22], s20  }
0x9f: {  	s3 =	ssub.s32 $0x0, s20;
	[sflag:s22] =	ssyncset.done $0x0  }
0xa0: {  	[sflag:s22] =	ssyncadd.s32 s3;
	_ =	sdelay $0x1  }
0xa1: {  	s23 =	simm.s32 $0x1B8B  }
0xa2: {  	_ =	swait.ge [sflag:s23], $0x1  }
0xa3: {  	[sflag:s23] =	ssyncset.done $0x0  }
0xa4: {  	s25 =	simm.s32 $0x1B8E;
	s24 =	sld [smem:$0x3FFE];
	[sflag:s23] =	ssyncadd.s32 $0xFFFFFFFF  }
0xa5: {  	s26 =	simm.s32 $execute0_lowered;
	[smem:$0x3FD2] =	sst s25  }
0xa6: {  	s4 =	sshll.u32 s26, $0x1;
	_ =	strace $0x80000052;
	[dreg:$0x1] =	wrdreg $0xFFFFFFFF  }
0xa7: {  	s28 =	simm.s32 $_size_execute0_lowered;
	s2 =	sadd.s32 s2, s4;
	[dreg:$0x0] =	wrdreg $0x0  }
0xa8: {  	s4 =	sshll.u32 s28, $0x1;
	[dreg:$0x2] =	wrdreg s2  }
0xa9: {  	[dreg:$0x3] =	wrdreg s4  }
0xaa: {  	[dreg:$0x4] =	wrdreg $0xC0  }
0xab: {  	_ =	task [dreg:s6], $0x5FFFF  }
0xac: {  	[dreg:$0x1] =	wrdreg $0xFFFFFFFF  }
0xad: {  	[dreg:$0x0] =	wrdreg $0x60  }
0xae: {  	[dreg:$0x2] =	wrdreg s24  }
0xaf: {  	[dreg:$0x3] =	wrdreg $0x0  }
0xb0: {  	[dreg:$0x4] =	wrdreg $0x9  }
0xb1: {  	_ =	task.clear_ibuf [dreg:s6], $0x5FFFF;
	_ =	strace $0x90000052  }
0xb2: {  	s29 =	simm.s32 $0x9;
	_ =	strace $0x80000054  }
0xb3: {  	_ =	swait.ge [sflag:s29], $0x1  }
0xb4: {  	[sflag:s29] =	ssyncadd.s32 $0xFFFFFFFF  }
0xb5: {  	_ =	strace $0x90000054  }
0xb6: {  	_ =	sfence  }
0xb7: {  	s30 =	sld [smem:$0x0];
	_ =	sdelay $0x2  }
0xb8: {  	s31 =	sshll.u32 s1, $0xD;
	s1 =	sshrl.u32 s1, $0x2  }
0xb9: {  	s3 =	sand.u32 $0x4000, s31;
	s1 =	sadd.s32 s1, s30  }
0xba: {  	s0 =	sor.u32 s3, s0;
	s1 =	sshll.u32 s1, $0x11  }
0xbb: {  	s0 =	sor.u32 s1, s0  }
0xbc: {  	s0 =	sadd.s32 $0x8F2B, s0  }
0xbd: {  	[sflag:s0] =	ssyncadd.remote.s32 $0x1  }
0xbe: {  	_ =	sfence.sel $0xFFFF  }
0xbf: {  	[dreg:$0x0] =	wrdreg $0xFFFFFFFF;
	(pc) =	sbr.abs _section_cstart, $3  }
0xc0: {  	[dreg:$0x1] =	wrdreg $0xFFFFFFFF  }
0xc1: {  	_ =	task.clear_ibuf [dreg:s6], $0x2FFFF;
	_ =	strace $0x9FFFFFFF  }
0xc2: {  	(tm) =	ssettm $0x7FFFFFFF  }
0xc3: {  	_ =	shalt  }
tec
execute0_lowered:
.L_overlay_start_1:
0x0: {  	(tag) =	ssettag $0x1  }
0x1: {  	s5 =	rddreg [dreg:$0x0]  }
0x2: {  	s2 =	rddreg [dreg:$0x1]  }
0x3: {  	s0 =	srdreg.scid;
	s1 =	rddreg [dreg:$0x2];
	s3 =	simm.s32 $0x0  }
0x4: {  	s19 =	simm.s32 $0x2;
	s20 =	simm.s32 $0x14000;
	s21 =	simm.s32 $0x50  }
0x5: {  	s22 =	simm.s32 $0x14080;
	s23 =	simm.s32 $0x14180;
	s6 =	sand.u32 $0x1, s0  }
0x6: {  	s24 =	simm.s32 $0x14100;
	s0 =	stileid.u32;
	s4 =	smul.u32 $0x27100, s6  }
0x7: {  	s25 =	simm.s32 $0x1;
	s26 =	simm.s32 $0x0;
	s7 =	smul.u32 $0x2710, s0  }
0x8: {  	[smem:$0x7FF] =	sst s3;
	s14 =	sadd.s32 $0x40800, s5;
	s8 =	smul.u32 $0x50000, s0  }
0x9: {  	_ =	strace $0x80000053;
	s28 =	ssub.s32 $0x2, s6;
	s10 =	smul.u32 $0x14000, s0  }
0xa: {  	s13 =	smul.u32 $0x140000, s6;
	s9 =	sshrl.u32 s28, $0x1;
	s4 =	sadd.s32 s7, s4  }
0xb: {  	s8 =	sshrl.u32 s8, $0x2;
	s15 =	ssub.s32 s28, s9;
	s29 =	sadd.s32 $0x4000, s10  }
0xc: {  	s12 =	sadd.s32 $0x8000, s10;
	s16 =	sadd.s32 $0xC000, s10;
	s11 =	sadd.s32 s10, s13  }
0xd: {  	s18 =	sadd.s32 $0x10000, s10;
	s7 =	sshrl.u32 s4, $0x3;
	s4 =	sadd.s32 $0x18800, s5  }
0xe: {  	s6 =	sadd.s32 s29, s2;
	s9 =	sadd.s32 s13, s29;
	s30 =	sshrl.u32 s11, $0x3  }
0xf: {  	s15 =	smax.u32 s15, $0x1;
	s17 =	sadd.s32 s7, s5;
	s5 =	sadd.s32 s8, s2  }
0x10: {  	s7 =	sadd.s32 s12, s2;
	s8 =	sadd.s32 s16, s2;
	s31 =	sshrl.u32 s9, $0x3  }
0x11: {  	s9 =	sadd.s32 s18, s2;
	s10 =	sadd.s32 s14, s30;
	s12 =	sadd.s32 s13, s12  }
0x12: {  	s16 =	sadd.s32 s13, s16;
	s13 =	sadd.s32 s13, s18;
	s11 =	sadd.s32 s14, s31  }
0x13: {  	s12 =	sshrl.u32 s12, $0x3;
	s16 =	sshrl.u32 s16, $0x3;
	s18 =	sshrl.u32 s13, $0x3  }
0x14: {  	s12 =	sadd.s32 s14, s12;
	s13 =	sadd.s32 s14, s16;
	s14 =	sadd.s32 s14, s18  }
0x15: {  	v0 =	vimm.f32 $0.0e+00;
	s16 =	sadd.s32 $0xEA00, s17;
	s17 =	sadd.s32 $0x4C00, s17;
	s18 =	simm.s32 $0x16980  }
.LBB2_1:
0x16: {  	s28 =	simm.s32 $0x0;
	s29 =	simm.s32 $0x200  }
.LBB2_2:
0x17: {  	p0 =	sne.s32 s29, $0xFE00;
	[tilespmem:s28+$0x169F0] =	vst v0  }
0x18: {  	[tilespmem:s28+$0x16980] =	vst v0  }
0x19: {  	[tilespmem:s28+$0x16990] =	vst v0  }
.Ltmp0:
0x1a: {  	[tilespmem:s28+$0x169A0] =	vst v0;
	(pc) =	sbr.rel @p0 .LBB2_2-.Ltmp0, $4  }
0x1b: {  	[tilespmem:s28+$0x169B0] =	vst v0  }
0x1c: {  	[tilespmem:s28+$0x169C0] =	vst v0  }
0x1d: {  	[tilespmem:s28+$0x169D0] =	vst v0  }
0x1e: {  	[tilespmem:s28+$0x169E0] =	vst v0;
	s28 =	sshra.s32 s29, $0x2;
	s29 =	sadd.s32 $0x200, s29  }
0x1f: {  	[tilespmem:s28+$0x169F0] =	vst v0  }
0x20: {  	[tilespmem:s28+$0x16980] =	vst v0  }
0x21: {  	[tilespmem:s28+$0x16990] =	vst v0  }
0x22: {  	[tilespmem:s28+$0x169A0] =	vst v0  }
0x23: {  	[tilespmem:s28+$0x169B0] =	vst v0  }
0x24: {  	[tilespmem:s28+$0x169C0] =	vst v0  }
0x25: {  	[tilespmem:s28+$0x169D0] =	vst v0  }
0x26: {  	[tilespmem:s28+$0x169E0] =	vst v0  }
0x27: {  	[spmem:s5] =	stream.linear.scatter [tilespmem:s18], [sflag:$0x2], $0x4000, $0x38;
	[tilespmem:$0x1A980] =	vst v63  }
0x28: {  	_ =	swait.ge [sflag:s19], $0x4000  }
0x29: {  	[sflag:s19] =	ssyncset.done $0x0  }
0x2a: {  	[sflag:s19] =	ssyncadd.s32 $0xFFFFC000  }
0x2b: {  	[spmem:s6] =	stream.linear.scatter [tilespmem:s18], [sflag:$0x2], $0x4000, $0x38;
	[tilespmem:$0x1A980] =	vst v63  }
0x2c: {  	_ =	swait.ge [sflag:s19], $0x4000  }
0x2d: {  	[sflag:s19] =	ssyncset.done $0x0  }
0x2e: {  	[sflag:s19] =	ssyncadd.s32 $0xFFFFC000  }
0x2f: {  	[spmem:s7] =	stream.linear.scatter [tilespmem:s18], [sflag:$0x2], $0x4000, $0x38;
	[tilespmem:$0x1A980] =	vst v63  }
0x30: {  	_ =	swait.ge [sflag:s19], $0x4000  }
0x31: {  	[sflag:s19] =	ssyncset.done $0x0  }
0x32: {  	[sflag:s19] =	ssyncadd.s32 $0xFFFFC000  }
0x33: {  	[spmem:s8] =	stream.linear.scatter [tilespmem:s18], [sflag:$0x2], $0x4000, $0x38;
	[tilespmem:$0x1A980] =	vst v63  }
0x34: {  	_ =	swait.ge [sflag:s19], $0x4000  }
0x35: {  	[sflag:s19] =	ssyncset.done $0x0  }
0x36: {  	[sflag:s19] =	ssyncadd.s32 $0xFFFFC000  }
0x37: {  	[spmem:s9] =	stream.linear.scatter [tilespmem:s18], [sflag:$0x2], $0x4000, $0x38;
	[tilespmem:$0x1A980] =	vst v63  }
0x38: {  	_ =	swait.ge [sflag:s19], $0x4000  }
0x39: {  	[sflag:s19] =	ssyncset.done $0x0  }
0x3a: {  	[sflag:s19] =	ssyncadd.s32 $0xFFFFC000  }
0x3b: {  	s28 =	sadd.s32 $0x0, s17;
	[bflag:$0x0] =	sbarrier.arrive $0xFFFF  }
0x3c: {  	[tilespmem:s20], [sflag:$0x2] =	stream.linear.gather [hbm4b:s28+s3], $0x50, $0x38;
	[tilespmem:$0x1A980] =	vst v63  }
0x3d: {  	_ =	swait.ge [sflag:s19], $0x50  }
0x3e: {  	[sflag:s19] =	ssyncset.done $0x0  }
0x3f: {  	[sflag:s19] =	ssyncadd.s32 $0xFFFFFFB0  }
0x40: {  	v1 =	vld [tilespmem:$0x14040]  }
0x41: {  	v2 =	vld [tilespmem:$0x14030]  }
0x42: {  	v3 =	vld [tilespmem:$0x14000]  }
0x43: {  	v4 =	vld [tilespmem:$0x14020]  }
0x44: {  	v5 =	vld [tilespmem:$0x14010]  }
0x45: {  	[tilespmem:$0x140C0] =	vst v1  }
0x46: {  	[tilespmem:$0x140B0] =	vst v2  }
0x47: {  	[tilespmem:$0x14080] =	vst v3  }
0x48: {  	[tilespmem:$0x140A0] =	vst v4  }
0x49: {  	[tilespmem:$0x14090] =	vst v5  }
0x4a: {  	[tilespmem:s23], [sflag:$0x1] =	stream.indirect.gather [hbm4b:s4+s21], $0x80, s22, s21, $0xb8;
	[tilespmem:$0x1A980] =	vst v63  }
0x4b: {  	s28 =	sadd.s32 $0x0, s16  }
0x4c: {  	[tilespmem:s24], [sflag:$0x2] =	stream.linear.gather [hbm4b:s28+s3], $0x50, $0x38;
	[tilespmem:$0x1A980] =	vst v63  }
0x4d: {  	_ =	swait.ge [sflag:s19], $0x50  }
0x4e: {  	[sflag:s19] =	ssyncset.done $0x0  }
0x4f: {  	[sflag:s19] =	ssyncadd.s32 $0xFFFFFFB0  }
0x50: {  	_ =	swait.ge [sflag:s25], $0x2800  }
0x51: {  	s28 =	simm.s32 $0xA;
	[sflag:s25] =	ssyncset.done $0x0  }
.LBB2_4:
0x52: {  	p0 =	sne.s32 s28, $0x4D8  }
0x53: {  	[sflag:s25] =	ssyncadd.s32 $0xFFFFD800;
	s29 =	smov.u32 s28;
	s28 =	sadd.s32 $0xA, s28  }
0x54: {  	[spmem:s2] =	stream.indirect.scatter.add.f32 [tilespmem:s23], [sflag:$0x2], $0x80, s24, s21, $0xb8;
	[tilespmem:$0x1A980] =	vst v63  }
0x55: {  	_ =	swait.ge [sflag:s19], $0x2800  }
0x56: {  	[sflag:s19] =	ssyncset.done $0x0  }
0x57: {  	s30 =	sadd.s32 s29, s17;
	[sflag:s19] =	ssyncadd.s32 $0xFFFFD800  }
0x58: {  	[tilespmem:s20], [sflag:$0x2] =	stream.linear.gather [hbm4b:s30+s3], $0x50, $0x38;
	[tilespmem:$0x1A980] =	vst v63  }
0x59: {  	_ =	swait.ge [sflag:s19], $0x50  }
0x5a: {  	[sflag:s19] =	ssyncset.done $0x0  }
0x5b: {  	[sflag:s19] =	ssyncadd.s32 $0xFFFFFFB0  }
0x5c: {  	v1 =	vld [tilespmem:$0x14040]  }
0x5d: {  	v2 =	vld [tilespmem:$0x14030]  }
0x5e: {  	v3 =	vld [tilespmem:$0x14000]  }
0x5f: {  	v4 =	vld [tilespmem:$0x14020]  }
0x60: {  	v5 =	vld [tilespmem:$0x14010]  }
0x61: {  	[tilespmem:$0x140C0] =	vst v1  }
0x62: {  	[tilespmem:$0x140B0] =	vst v2  }
0x63: {  	[tilespmem:$0x14080] =	vst v3  }
0x64: {  	[tilespmem:$0x140A0] =	vst v4  }
0x65: {  	s29 =	sadd.s32 s29, s16;
	[tilespmem:$0x14090] =	vst v5  }
0x66: {  	[tilespmem:s23], [sflag:$0x1] =	stream.indirect.gather [hbm4b:s4+s21], $0x80, s22, s21, $0xb8;
	[tilespmem:$0x1A980] =	vst v63  }
0x67: {  	_ = 	snop  }
0x68: {  	[tilespmem:s24], [sflag:$0x2] =	stream.linear.gather [hbm4b:s29+s3], $0x50, $0x38;
	[tilespmem:$0x1A980] =	vst v63  }
.Ltmp1:
0x69: {  	_ =	swait.ge [sflag:s19], $0x50;
	(pc) =	sbr.rel @p0 .LBB2_4-.Ltmp1, $4  }
0x6a: {  	[sflag:s19] =	ssyncset.done $0x0  }
0x6b: {  	[sflag:s19] =	ssyncadd.s32 $0xFFFFFFB0  }
0x6c: {  	_ =	swait.ge [sflag:s25], $0x2800  }
0x6d: {  	[sflag:s25] =	ssyncset.done $0x0  }
0x6e: {  	[sflag:s25] =	ssyncadd.s32 $0xFFFFD800  }
0x6f: {  	[spmem:s2] =	stream.indirect.scatter.add.f32 [tilespmem:s23], [sflag:$0x2], $0x80, s24, s21, $0xb8;
	[tilespmem:$0x1A980] =	vst v63  }
0x70: {  	_ =	swait.ge [sflag:s19], $0x2800  }
0x71: {  	[sflag:s19] =	ssyncset.done $0x0  }
0x72: {  	[sflag:s19] =	ssyncadd.s32 $0xFFFFD800  }
0x73: {  	[bflag:$0x0] =	sbarrier.arrive $0xFFFF  }
0x74: {  	[tilespmem:s18], [sflag:$0x2] =	stream.linear.gather [spmem:s5], $0x4000, $0x38;
	[tilespmem:$0x1A980] =	vst v63  }
0x75: {  	_ =	swait.ge [sflag:s19], $0x4000  }
0x76: {  	[sflag:s19] =	ssyncset.done $0x0  }
0x77: {  	[sflag:s19] =	ssyncadd.s32 $0xFFFFC000  }
0x78: {  	[hbm4b:s10+s3] =	stream.linear.scatter [tilespmem:s18], [sflag:$0x2], $0x4000, $0x38;
	[tilespmem:$0x1A980] =	vst v63  }
0x79: {  	_ =	swait.ge [sflag:s19], $0x4000  }
0x7a: {  	[sflag:s19] =	ssyncset.done $0x0  }
0x7b: {  	[sflag:s19] =	ssyncadd.s32 $0xFFFFC000  }
0x7c: {  	[tilespmem:s18], [sflag:$0x2] =	stream.linear.gather [spmem:s6], $0x4000, $0x38;
	[tilespmem:$0x1A980] =	vst v63  }
0x7d: {  	_ =	swait.ge [sflag:s19], $0x4000  }
0x7e: {  	[sflag:s19] =	ssyncset.done $0x0  }
0x7f: {  	[sflag:s19] =	ssyncadd.s32 $0xFFFFC000  }
0x80: {  	[hbm4b:s11+s3] =	stream.linear.scatter [tilespmem:s18], [sflag:$0x2], $0x4000, $0x38;
	[tilespmem:$0x1A980] =	vst v63  }
0x81: {  	_ =	swait.ge [sflag:s19], $0x4000  }
0x82: {  	[sflag:s19] =	ssyncset.done $0x0  }
0x83: {  	[sflag:s19] =	ssyncadd.s32 $0xFFFFC000  }
0x84: {  	[tilespmem:s18], [sflag:$0x2] =	stream.linear.gather [spmem:s7], $0x4000, $0x38;
	[tilespmem:$0x1A980] =	vst v63  }
0x85: {  	_ =	swait.ge [sflag:s19], $0x4000  }
0x86: {  	[sflag:s19] =	ssyncset.done $0x0  }
0x87: {  	[sflag:s19] =	ssyncadd.s32 $0xFFFFC000  }
0x88: {  	[hbm4b:s12+s3] =	stream.linear.scatter [tilespmem:s18], [sflag:$0x2], $0x4000, $0x38;
	[tilespmem:$0x1A980] =	vst v63  }
0x89: {  	_ =	swait.ge [sflag:s19], $0x4000  }
0x8a: {  	[sflag:s19] =	ssyncset.done $0x0  }
0x8b: {  	[sflag:s19] =	ssyncadd.s32 $0xFFFFC000  }
0x8c: {  	[tilespmem:s18], [sflag:$0x2] =	stream.linear.gather [spmem:s8], $0x4000, $0x38;
	[tilespmem:$0x1A980] =	vst v63  }
0x8d: {  	_ =	swait.ge [sflag:s19], $0x4000  }
0x8e: {  	[sflag:s19] =	ssyncset.done $0x0  }
0x8f: {  	[sflag:s19] =	ssyncadd.s32 $0xFFFFC000  }
0x90: {  	[hbm4b:s13+s3] =	stream.linear.scatter [tilespmem:s18], [sflag:$0x2], $0x4000, $0x38;
	[tilespmem:$0x1A980] =	vst v63  }
0x91: {  	_ =	swait.ge [sflag:s19], $0x4000  }
0x92: {  	[sflag:s19] =	ssyncset.done $0x0  }
0x93: {  	[sflag:s19] =	ssyncadd.s32 $0xFFFFC000  }
0x94: {  	[tilespmem:s18], [sflag:$0x2] =	stream.linear.gather [spmem:s9], $0x4000, $0x38;
	[tilespmem:$0x1A980] =	vst v63  }
0x95: {  	s26 =	sadd.s32 $0x1, s26;
	_ =	swait.ge [sflag:s19], $0x4000  }
0x96: {  	p0 =	sne.s32 s26, s15;
	[sflag:s19] =	ssyncset.done $0x0  }
.Ltmp2:
0x97: {  	[sflag:s19] =	ssyncadd.s32 $0xFFFFC000;
	(pc) =	sbr.rel @p0 .LBB2_1-.Ltmp2, $4  }
0x98: {  	[hbm4b:s14+s3] =	stream.linear.scatter [tilespmem:s18], [sflag:$0x2], $0x4000, $0x38;
	[tilespmem:$0x1A980] =	vst v63  }
0x99: {  	_ =	swait.ge [sflag:s19], $0x4000  }
0x9a: {  	[sflag:s19] =	ssyncset.done $0x0  }
0x9b: {  	[sflag:s19] =	ssyncadd.s32 $0xFFFFC000  }
0x9c: {  	_ =	sfence.sel $0x180000  }
0x9d: {  	[bflag:$0x0] =	sbarrier.arrive $0xFFFF  }
0x9e: {  	p0 =	sne.s32 s0, $0x0;
	_ =	strace $0x90000053  }
0x9f: {  	s0 =	sadd.s32 @!p0 $0x100000, s1;
	[bflag:$0x2] =	sbarrier.arrive $0xFFFF  }
0xa0: {  	[sflag:s0] =	ssyncadd.tile.s32 @!p0 $0x1;
	_ =	shalt  }
.Lfunc_end2:
_tile_overlayer_lowered:
.L_overlay_start_2:
0xa1: {  	(tag) =	ssettag $0x2  }
0xa2: {  	s0 =	rddreg [dreg:$0x0];
	s2 =	stileid.u32  }
0xa3: {  	s1 =	rddreg [dreg:$0x1];
	p0 =	sne.s32 s2, $0x0  }
0xa4: {  	s3 =	rddreg [dreg:$0x2];
	[bflag:$0x3] =	sbarrier.arrive $0xFFFF;
	s2 =	simm.s32 @!p0 $0x1C02  }
0xa5: {  	[timem:s3], [sflag:s2] =	dma.local @!p0 [hbm:s0], s1  }
0xa6: {  	s0 =	simm.s32 @!p0 $0x2  }
0xa7: {  	_ =	swait.ge @!p0 [sflag:s0], s1  }
0xa8: {  	s1 =	ssub.s32 @!p0 $0x0, s1;
	[sflag:s0] =	ssyncset.done @!p0 $0x0  }
0xa9: {  	[sflag:s0] =	ssyncadd.s32 @!p0 s1  }
0xaa: {  	[bflag:$0x3] =	sbarrier.arrive $0xFFFF  }
0xab: {  	_ =	shalt  }

</sc_bundles>
